<compile_context>
chip_gen: v7x
topology: tpu7x:2x2x1
jax: 0.10.2.dev20260603
libtpu: 0.0.44.dev20260713+nightly
codegen_flags: <defaults>
</compile_context>

<pallas_src>
import functools

import jax
import jax.numpy as jnp
from jax import lax
from jax.experimental import pallas as pl
from jax.experimental.pallas import tpu as pltpu
from jax.experimental.pallas import tpu_sc as plsc

D = 256
K = 8192
KBLK = 512
NKB = K // KBLK
TBLK = 512
_CROSS_PREC = lax.Precision.DEFAULT


def _argmin_body(r_ref, q_ref, w_ref, idx_ref, rn_ref, rs_ref, mn_ref, mi_ref):
    kb = pl.program_id(1)

    @pl.when(kb == 0)
    def _():
        rs_ref[...] = r_ref[...] - q_ref[...]
        rn_ref[...] = rs_ref[...]

    rs2 = rs_ref[...] + rs_ref[...]
    wb = w_ref[pl.ds(kb * KBLK, KBLK), :]
    cross2 = lax.dot_general(
        wb, rs2, (((1,), (1,)), ((), ())),
        preferred_element_type=jnp.float32,
        precision=_CROSS_PREC,
    )
    wsq = wb * wb
    w2c = lax.dot_general(
        wsq, jnp.ones((1, D), jnp.float32), (((1,), (1,)), ((), ())),
        preferred_element_type=jnp.float32,
        precision=lax.Precision.HIGHEST,
    )
    d2 = w2c - cross2
    bm = jnp.min(d2, axis=0, keepdims=True)
    iot = lax.broadcasted_iota(jnp.int32, d2.shape, 0).astype(jnp.float32)
    bif = jnp.min(jnp.where(d2 == bm, iot, float(KBLK)), axis=0, keepdims=True)
    bi = bif.astype(jnp.int32) + kb * KBLK

    @pl.when(kb == 0)
    def _():
        mn_ref[...] = bm
        mi_ref[...] = bi

    @pl.when(kb > 0)
    def _():
        upd = bm < mn_ref[...]
        mi_ref[...] = jnp.where(upd, bi, mi_ref[...])
        mn_ref[...] = jnp.where(upd, bm, mn_ref[...])

    @pl.when(kb == NKB - 1)
    def _():
        idx_ref[...] = mi_ref[...].reshape(1, 1, TBLK)


def _argmin_level(r, qprev, Wl):
    n = r.shape[0]
    ntb = n // TBLK
    idx, rnew = pl.pallas_call(
        _argmin_body,
        grid=(ntb, NKB),
        in_specs=[
            pl.BlockSpec((TBLK, D), lambda tb, kb: (tb, 0)),
            pl.BlockSpec((TBLK, D), lambda tb, kb: (tb, 0)),
            pl.BlockSpec((K, D), lambda tb, kb: (0, 0)),
        ],
        out_specs=[
            pl.BlockSpec((1, 1, TBLK), lambda tb, kb: (tb, 0, 0)),
            pl.BlockSpec((TBLK, D), lambda tb, kb: (tb, 0)),
        ],
        out_shape=[
            jax.ShapeDtypeStruct((ntb, 1, TBLK), jnp.int32),
            jax.ShapeDtypeStruct((n, D), jnp.float32),
        ],
        scratch_shapes=[
            pltpu.VMEM((TBLK, D), jnp.float32),
            pltpu.VMEM((1, TBLK), jnp.float32),
            pltpu.VMEM((1, TBLK), jnp.int32),
        ],
        compiler_params=pltpu.CompilerParams(
            dimension_semantics=("parallel", "arbitrary"),
        ),
    )(r, qprev, Wl)
    return idx.reshape(n), rnew


@functools.cache
def _make_sc_gather(n):
    info = plsc.get_sparse_core_info()
    nw = info.num_cores * info.num_subcores
    b_per_w = n // nw
    nch = -(-b_per_w // 72)
    ch = b_per_w // nch
    assert ch * nch == b_per_w and ch % 8 == 0
    mesh = plsc.VectorSubcoreMesh(core_axis_name="c", subcore_axis_name="s")

    @functools.partial(
        pl.kernel, mesh=mesh,
        out_type=jax.ShapeDtypeStruct((n, D), jnp.float32),
        scratch_types=[
            pltpu.VMEM((nch, ch), jnp.int32),
            pltpu.VMEM((nch, ch, D), jnp.float32),
            pltpu.SemaphoreType.DMA,
        ],
    )
    def gather_k(table_hbm, idx_hbm, out_hbm, idx_v, rows_v, sem):
        wid = lax.axis_index("s") * info.num_cores + lax.axis_index("c")
        base = wid * b_per_w
        for j in range(nch):
            pltpu.sync_copy(idx_hbm.at[pl.ds(base + j * ch, ch)], idx_v.at[j])
        copies = [
            pltpu.async_copy(table_hbm.at[idx_v.at[j]], rows_v.at[j], sem)
            for j in range(nch)
        ]
        for c in copies:
            c.wait()
        for j in range(nch):
            pltpu.sync_copy(rows_v.at[j], out_hbm.at[pl.ds(base + j * ch, ch)])

    return gather_k


def kernel(x, W):
    b, t, d = x.shape
    n = b * t
    x2 = x.reshape(n, d)
    r = x2
    q = jnp.zeros_like(x2)
    gather = _make_sc_gather(n)
    idxs = []
    for l in range(W.shape[0]):
        idx, r = _argmin_level(r, q, W[l])
        q = gather(W[l], idx)
        idxs.append(idx)
    qsum = x2 - (r - q)
    quant = x2 + lax.stop_gradient(qsum - x2)
    return (quant.reshape(b, t, d),
            jnp.stack(idxs, axis=-1).reshape(b, t, len(idxs)))

# --- scband reference (transcript-rebuilt; emitter-appended) ---
"""Pipeline reference for scband-rvqrefiner-36575941493555 (READ-ONLY COPY).

The authoritative reference and input builder live on the scoring server;
editing this copy changes nothing except your own understanding.
"""

import jax, jax.numpy as jnp
import numpy as np

D_MODEL = 256
CODEBOOK_SIZE = 8192
NUM_LEVELS = 8
B, T = 8, 576


def setup_inputs(seed: int = 0) -> dict:
    key = jax.random.key(seed)
    kx, kw = jax.random.split(key)
    x = jax.random.normal(kx, (B, T, D_MODEL), dtype=jnp.float32)
    # nn.Embedding default init: N(0, 1)
    W = jax.random.normal(kw, (NUM_LEVELS, CODEBOOK_SIZE, D_MODEL), dtype=jnp.float32)
    return {"x": x, "W": W}


def reference(x, W):
    # Residual Vector Quantization with NUM_LEVELS codebooks.
    residual = x
    quantized_out = jnp.zeros_like(x)
    all_indices = []
    for l in range(W.shape[0]):
        cb = W[l]  # [K, d]
        # torch.cdist (p=2) via expanded form: ||r||^2 - 2 r.w + ||w||^2
        r2 = jnp.sum(residual * residual, axis=-1, keepdims=True)  # [B, T, 1]
        w2 = jnp.sum(cb * cb, axis=-1)  # [K]
        cross = jnp.einsum('btd,kd->btk', residual, cb)  # [B, T, K]
        dist2 = r2 - 2.0 * cross + w2[None, None, :]
        dist = jnp.sqrt(jnp.clip(dist2, 0.0, None))
        indices = jnp.argmin(dist, axis=-1)  # [B, T]
        all_indices.append(indices)
        q = jnp.take(cb, indices, axis=0)  # embedding gather -> [B, T, d]
        quantized_out = quantized_out + q
        residual = residual - q
    # straight-through estimator: x + stop_grad(q_out - x)
    quantized_out = x + jax.lax.stop_gradient(quantized_out - x)
    return quantized_out, jnp.stack(all_indices, axis=-1)

if __name__ == "__main__":
    import jax
    _d = setup_inputs()
    print(jax.jit(kernel)(*tuple(_d.values())))

</pallas_src>

<mosaic_0001>
#map = affine_map<(d0, d1) -> (0, 0)>
#map1 = affine_map<(d0, d1) -> (0)>
module attributes {stable_mosaic.version = 14 : i64} {
  func.func @gather_k(%arg0: i32, %arg1: i32, %arg2: memref<8192x256xf32, #tpu.memory_space<hbm>>, %arg3: memref<4608xi32, #tpu.memory_space<hbm>>, %arg4: memref<4608x256xf32, #tpu.memory_space<hbm>>, %arg5: memref<2x72xi32, #tpu.memory_space<vmem>>, %arg6: memref<2x72x256xf32, #tpu.memory_space<vmem>>, %arg7: memref<!tpu.dma_semaphore, #tpu.memory_space<semaphore_mem>>) attributes {dimension_semantics = [#tpu.dimension_semantics<core_parallel>, #tpu.dimension_semantics<subcore_parallel>], iteration_bounds = array<i64: 2, 16>, scalar_prefetch = 0 : i64, scratch_operands = 3 : i64, tpu.core_type = #tpu.core_type<sc_vector_subcore>, window_params = [{transform_indices = #map}, {transform_indices = #map1}, {transform_indices = #map}]} {
    %mul3A = arith.constant 2 : i32
    %mul3A_0 = arith.muli %arg1, %mul3A : i32
    %add3A = arith.addi %mul3A_0, %arg0 : i32
    %mul3A_1 = arith.constant 144 : i32
    %mul3A_2 = arith.muli %add3A, %mul3A_1 : i32
    %add3A_3 = arith.constant 0 : i32
    %add3A_4 = arith.addi %mul3A_2, %add3A_3 : i32
    %run_scoped3A = arith.constant 0 : i32
    "tpu.region"() ({
      %run_scoped3A_60 = tpu.sem_alloc : memref<!tpu.dma_semaphore, #tpu.memory_space<semaphore_mem>>
      %dma_start3A_61 = arith.constant 0 : i32
      %dma_start3A_62 = tpu.memref_slice %arg5[%run_scoped3A, %dma_start3A_61] : memref<2x72xi32, #tpu.memory_space<vmem>> -> memref<1x72xi32, #tpu.memory_space<vmem>>
      %dma_start3A_63 = tpu.memref_squeeze %dma_start3A_62 : memref<1x72xi32, #tpu.memory_space<vmem>> -> memref<72xi32, #tpu.memory_space<vmem>>
      %dma_start3A_64 = tpu.memref_slice %arg3[%add3A_4] : memref<4608xi32, #tpu.memory_space<hbm>> -> memref<72xi32, #tpu.memory_space<hbm>>
      %dma_start3A_65 = arith.constant 0 : i32
      %dma_start3A_66 = tpu.memref_slice %arg5[%run_scoped3A, %dma_start3A_65] : memref<2x72xi32, #tpu.memory_space<vmem>> -> memref<1x72xi32, #tpu.memory_space<vmem>>
      %dma_start3A_67 = tpu.memref_squeeze %dma_start3A_66 : memref<1x72xi32, #tpu.memory_space<vmem>> -> memref<72xi32, #tpu.memory_space<vmem>>
      %dma_start3A_68 = tpu.memref_slice %arg3[%add3A_4] : memref<4608xi32, #tpu.memory_space<hbm>> -> memref<72xi32, #tpu.memory_space<hbm>>
      tpu.enqueue_dma source(%dma_start3A_68 : memref<72xi32, #tpu.memory_space<hbm>>) target(%dma_start3A_67 : memref<72xi32, #tpu.memory_space<vmem>>) target_semaphore(%run_scoped3A_60 : memref<!tpu.dma_semaphore, #tpu.memory_space<semaphore_mem>>)
      %dma_wait3A_69 = arith.constant 0 : i32
      %dma_wait3A_70 = tpu.memref_slice %arg5[%run_scoped3A, %dma_wait3A_69] : memref<2x72xi32, #tpu.memory_space<vmem>> -> memref<1x72xi32, #tpu.memory_space<vmem>>
      %dma_wait3A_71 = tpu.memref_squeeze %dma_wait3A_70 : memref<1x72xi32, #tpu.memory_space<vmem>> -> memref<72xi32, #tpu.memory_space<vmem>>
      %dma_wait3A_72 = tpu.memref_slice %arg3[%add3A_4] : memref<4608xi32, #tpu.memory_space<hbm>> -> memref<72xi32, #tpu.memory_space<hbm>>
      %dma_wait3A_73 = arith.constant 0 : i32
      %dma_wait3A_74 = tpu.memref_slice %arg5[%run_scoped3A, %dma_wait3A_73] : memref<2x72xi32, #tpu.memory_space<vmem>> -> memref<1x72xi32, #tpu.memory_space<vmem>>
      %dma_wait3A_75 = tpu.memref_squeeze %dma_wait3A_74 : memref<1x72xi32, #tpu.memory_space<vmem>> -> memref<72xi32, #tpu.memory_space<vmem>>
      %dma_wait3A_76 = tpu.memref_slice %arg3[%add3A_4] : memref<4608xi32, #tpu.memory_space<hbm>> -> memref<72xi32, #tpu.memory_space<hbm>>
      tpu.wait_dma2 semaphore(%run_scoped3A_60 : memref<!tpu.dma_semaphore, #tpu.memory_space<semaphore_mem>>) src(%dma_wait3A_76 : memref<72xi32, #tpu.memory_space<hbm>>) dst(%dma_wait3A_75 : memref<72xi32, #tpu.memory_space<vmem>>)
      tpu.yield
    }) : () -> ()
    %add3A_5 = arith.constant 72 : i32
    %add3A_6 = arith.addi %mul3A_2, %add3A_5 : i32
    %run_scoped3A_7 = arith.constant 1 : i32
    "tpu.region"() ({
      %run_scoped3A_60 = tpu.sem_alloc : memref<!tpu.dma_semaphore, #tpu.memory_space<semaphore_mem>>
      %dma_start3A_61 = arith.constant 0 : i32
      %dma_start3A_62 = tpu.memref_slice %arg5[%run_scoped3A_7, %dma_start3A_61] : memref<2x72xi32, #tpu.memory_space<vmem>> -> memref<1x72xi32, #tpu.memory_space<vmem>>
      %dma_start3A_63 = tpu.memref_squeeze %dma_start3A_62 : memref<1x72xi32, #tpu.memory_space<vmem>> -> memref<72xi32, #tpu.memory_space<vmem>>
      %dma_start3A_64 = tpu.memref_slice %arg3[%add3A_6] : memref<4608xi32, #tpu.memory_space<hbm>> -> memref<72xi32, #tpu.memory_space<hbm>>
      %dma_start3A_65 = arith.constant 0 : i32
      %dma_start3A_66 = tpu.memref_slice %arg5[%run_scoped3A_7, %dma_start3A_65] : memref<2x72xi32, #tpu.memory_space<vmem>> -> memref<1x72xi32, #tpu.memory_space<vmem>>
      %dma_start3A_67 = tpu.memref_squeeze %dma_start3A_66 : memref<1x72xi32, #tpu.memory_space<vmem>> -> memref<72xi32, #tpu.memory_space<vmem>>
      %dma_start3A_68 = tpu.memref_slice %arg3[%add3A_6] : memref<4608xi32, #tpu.memory_space<hbm>> -> memref<72xi32, #tpu.memory_space<hbm>>
      tpu.enqueue_dma source(%dma_start3A_68 : memref<72xi32, #tpu.memory_space<hbm>>) target(%dma_start3A_67 : memref<72xi32, #tpu.memory_space<vmem>>) target_semaphore(%run_scoped3A_60 : memref<!tpu.dma_semaphore, #tpu.memory_space<semaphore_mem>>)
      %dma_wait3A_69 = arith.constant 0 : i32
      %dma_wait3A_70 = tpu.memref_slice %arg5[%run_scoped3A_7, %dma_wait3A_69] : memref<2x72xi32, #tpu.memory_space<vmem>> -> memref<1x72xi32, #tpu.memory_space<vmem>>
      %dma_wait3A_71 = tpu.memref_squeeze %dma_wait3A_70 : memref<1x72xi32, #tpu.memory_space<vmem>> -> memref<72xi32, #tpu.memory_space<vmem>>
      %dma_wait3A_72 = tpu.memref_slice %arg3[%add3A_6] : memref<4608xi32, #tpu.memory_space<hbm>> -> memref<72xi32, #tpu.memory_space<hbm>>
      %dma_wait3A_73 = arith.constant 0 : i32
      %dma_wait3A_74 = tpu.memref_slice %arg5[%run_scoped3A_7, %dma_wait3A_73] : memref<2x72xi32, #tpu.memory_space<vmem>> -> memref<1x72xi32, #tpu.memory_space<vmem>>
      %dma_wait3A_75 = tpu.memref_squeeze %dma_wait3A_74 : memref<1x72xi32, #tpu.memory_space<vmem>> -> memref<72xi32, #tpu.memory_space<vmem>>
      %dma_wait3A_76 = tpu.memref_slice %arg3[%add3A_6] : memref<4608xi32, #tpu.memory_space<hbm>> -> memref<72xi32, #tpu.memory_space<hbm>>
      tpu.wait_dma2 semaphore(%run_scoped3A_60 : memref<!tpu.dma_semaphore, #tpu.memory_space<semaphore_mem>>) src(%dma_wait3A_76 : memref<72xi32, #tpu.memory_space<hbm>>) dst(%dma_wait3A_75 : memref<72xi32, #tpu.memory_space<vmem>>)
      tpu.yield
    }) : () -> ()
    %dma_start3A = arith.constant 0 : i32
    %dma_start3A_8 = arith.constant 0 : i32
    %dma_start3A_9 = arith.constant 0 : i32
    %dma_start3A_10 = arith.constant 0 : i32
    %dma_start3A_11 = tpu.memref_slice %arg6[%dma_start3A_8, %dma_start3A_9, %dma_start3A_10] : memref<2x72x256xf32, #tpu.memory_space<vmem>> -> memref<1x72x256xf32, #tpu.memory_space<vmem>>
    %dma_start3A_12 = tpu.memref_squeeze %dma_start3A_11 : memref<1x72x256xf32, #tpu.memory_space<vmem>> -> memref<72x256xf32, #tpu.memory_space<vmem>>
    %dma_start3A_13 = arith.constant 0 : i32
    %dma_start3A_14 = tpu.memref_slice %arg5[%dma_start3A, %dma_start3A_13] : memref<2x72xi32, #tpu.memory_space<vmem>> -> memref<1x72xi32, #tpu.memory_space<vmem>>
    %dma_start3A_15 = tpu.memref_squeeze %dma_start3A_14 : memref<1x72xi32, #tpu.memory_space<vmem>> -> memref<72xi32, #tpu.memory_space<vmem>>
    %dma_start3A_16 = arith.constant 0 : i32
    %dma_start3A_17 = arith.constant 0 : i32
    %dma_start3A_18 = tpu.memref_slice %arg2[%dma_start3A_16, %dma_start3A_17] : memref<8192x256xf32, #tpu.memory_space<hbm>> -> memref<8192x256xf32, #tpu.memory_space<hbm>>
    tpu.enqueue_indirect_dma source(%dma_start3A_18 : memref<8192x256xf32, #tpu.memory_space<hbm>>) target(%dma_start3A_12 : memref<72x256xf32, #tpu.memory_space<vmem>>) offsets(%dma_start3A_15 : memref<72xi32, #tpu.memory_space<vmem>>) semaphore(%arg7 : memref<!tpu.dma_semaphore, #tpu.memory_space<semaphore_mem>>)
    %dma_start3A_19 = arith.constant 1 : i32
    %dma_start3A_20 = arith.constant 1 : i32
    %dma_start3A_21 = arith.constant 0 : i32
    %dma_start3A_22 = arith.constant 0 : i32
    %dma_start3A_23 = tpu.memref_slice %arg6[%dma_start3A_20, %dma_start3A_21, %dma_start3A_22] : memref<2x72x256xf32, #tpu.memory_space<vmem>> -> memref<1x72x256xf32, #tpu.memory_space<vmem>>
    %dma_start3A_24 = tpu.memref_squeeze %dma_start3A_23 : memref<1x72x256xf32, #tpu.memory_space<vmem>> -> memref<72x256xf32, #tpu.memory_space<vmem>>
    %dma_start3A_25 = arith.constant 0 : i32
    %dma_start3A_26 = tpu.memref_slice %arg5[%dma_start3A_19, %dma_start3A_25] : memref<2x72xi32, #tpu.memory_space<vmem>> -> memref<1x72xi32, #tpu.memory_space<vmem>>
    %dma_start3A_27 = tpu.memref_squeeze %dma_start3A_26 : memref<1x72xi32, #tpu.memory_space<vmem>> -> memref<72xi32, #tpu.memory_space<vmem>>
    %dma_start3A_28 = arith.constant 0 : i32
    %dma_start3A_29 = arith.constant 0 : i32
    %dma_start3A_30 = tpu.memref_slice %arg2[%dma_start3A_28, %dma_start3A_29] : memref<8192x256xf32, #tpu.memory_space<hbm>> -> memref<8192x256xf32, #tpu.memory_space<hbm>>
    tpu.enqueue_indirect_dma source(%dma_start3A_30 : memref<8192x256xf32, #tpu.memory_space<hbm>>) target(%dma_start3A_24 : memref<72x256xf32, #tpu.memory_space<vmem>>) offsets(%dma_start3A_27 : memref<72xi32, #tpu.memory_space<vmem>>) semaphore(%arg7 : memref<!tpu.dma_semaphore, #tpu.memory_space<semaphore_mem>>)
    %dma_wait3A = arith.constant 0 : i32
    %dma_wait3A_31 = arith.constant 0 : i32
    %dma_wait3A_32 = arith.constant 0 : i32
    %dma_wait3A_33 = arith.constant 0 : i32
    %dma_wait3A_34 = tpu.memref_slice %arg6[%dma_wait3A_31, %dma_wait3A_32, %dma_wait3A_33] : memref<2x72x256xf32, #tpu.memory_space<vmem>> -> memref<1x72x256xf32, #tpu.memory_space<vmem>>
    %dma_wait3A_35 = tpu.memref_squeeze %dma_wait3A_34 : memref<1x72x256xf32, #tpu.memory_space<vmem>> -> memref<72x256xf32, #tpu.memory_space<vmem>>
    %dma_wait3A_36 = arith.constant 0 : i32
    %dma_wait3A_37 = tpu.memref_slice %arg5[%dma_wait3A, %dma_wait3A_36] : memref<2x72xi32, #tpu.memory_space<vmem>> -> memref<1x72xi32, #tpu.memory_space<vmem>>
    %dma_wait3A_38 = tpu.memref_squeeze %dma_wait3A_37 : memref<1x72xi32, #tpu.memory_space<vmem>> -> memref<72xi32, #tpu.memory_space<vmem>>
    %dma_wait3A_39 = arith.constant 0 : i32
    %dma_wait3A_40 = arith.constant 0 : i32
    %dma_wait3A_41 = tpu.memref_slice %arg2[%dma_wait3A_39, %dma_wait3A_40] : memref<8192x256xf32, #tpu.memory_space<hbm>> -> memref<8192x256xf32, #tpu.memory_space<hbm>>
    tpu.wait_indirect_dma semaphore(%arg7 : memref<!tpu.dma_semaphore, #tpu.memory_space<semaphore_mem>>) src(%dma_wait3A_41 : memref<8192x256xf32, #tpu.memory_space<hbm>>) dst(%dma_wait3A_35 : memref<72x256xf32, #tpu.memory_space<vmem>>)
    %dma_wait3A_42 = arith.constant 1 : i32
    %dma_wait3A_43 = arith.constant 1 : i32
    %dma_wait3A_44 = arith.constant 0 : i32
    %dma_wait3A_45 = arith.constant 0 : i32
    %dma_wait3A_46 = tpu.memref_slice %arg6[%dma_wait3A_43, %dma_wait3A_44, %dma_wait3A_45] : memref<2x72x256xf32, #tpu.memory_space<vmem>> -> memref<1x72x256xf32, #tpu.memory_space<vmem>>
    %dma_wait3A_47 = tpu.memref_squeeze %dma_wait3A_46 : memref<1x72x256xf32, #tpu.memory_space<vmem>> -> memref<72x256xf32, #tpu.memory_space<vmem>>
    %dma_wait3A_48 = arith.constant 0 : i32
    %dma_wait3A_49 = tpu.memref_slice %arg5[%dma_wait3A_42, %dma_wait3A_48] : memref<2x72xi32, #tpu.memory_space<vmem>> -> memref<1x72xi32, #tpu.memory_space<vmem>>
    %dma_wait3A_50 = tpu.memref_squeeze %dma_wait3A_49 : memref<1x72xi32, #tpu.memory_space<vmem>> -> memref<72xi32, #tpu.memory_space<vmem>>
    %dma_wait3A_51 = arith.constant 0 : i32
    %dma_wait3A_52 = arith.constant 0 : i32
    %dma_wait3A_53 = tpu.memref_slice %arg2[%dma_wait3A_51, %dma_wait3A_52] : memref<8192x256xf32, #tpu.memory_space<hbm>> -> memref<8192x256xf32, #tpu.memory_space<hbm>>
    tpu.wait_indirect_dma semaphore(%arg7 : memref<!tpu.dma_semaphore, #tpu.memory_space<semaphore_mem>>) src(%dma_wait3A_53 : memref<8192x256xf32, #tpu.memory_space<hbm>>) dst(%dma_wait3A_47 : memref<72x256xf32, #tpu.memory_space<vmem>>)
    %add3A_54 = arith.constant 0 : i32
    %add3A_55 = arith.addi %mul3A_2, %add3A_54 : i32
    %run_scoped3A_56 = arith.constant 0 : i32
    "tpu.region"() ({
      %run_scoped3A_60 = tpu.sem_alloc : memref<!tpu.dma_semaphore, #tpu.memory_space<semaphore_mem>>
      %dma_start3A_61 = arith.constant 0 : i32
      %dma_start3A_62 = arith.constant 0 : i32
      %dma_start3A_63 = tpu.memref_slice %arg6[%run_scoped3A_56, %dma_start3A_61, %dma_start3A_62] : memref<2x72x256xf32, #tpu.memory_space<vmem>> -> memref<1x72x256xf32, #tpu.memory_space<vmem>>
      %dma_start3A_64 = tpu.memref_squeeze %dma_start3A_63 : memref<1x72x256xf32, #tpu.memory_space<vmem>> -> memref<72x256xf32, #tpu.memory_space<vmem>>
      %dma_start3A_65 = arith.constant 0 : i32
      %dma_start3A_66 = tpu.memref_slice %arg4[%add3A_55, %dma_start3A_65] : memref<4608x256xf32, #tpu.memory_space<hbm>> -> memref<72x256xf32, #tpu.memory_space<hbm>>
      %dma_start3A_67 = arith.constant 0 : i32
      %dma_start3A_68 = tpu.memref_slice %arg4[%add3A_55, %dma_start3A_67] : memref<4608x256xf32, #tpu.memory_space<hbm>> -> memref<72x256xf32, #tpu.memory_space<hbm>>
      %dma_start3A_69 = arith.constant 0 : i32
      %dma_start3A_70 = arith.constant 0 : i32
      %dma_start3A_71 = tpu.memref_slice %arg6[%run_scoped3A_56, %dma_start3A_69, %dma_start3A_70] : memref<2x72x256xf32, #tpu.memory_space<vmem>> -> memref<1x72x256xf32, #tpu.memory_space<vmem>>
      %dma_start3A_72 = tpu.memref_squeeze %dma_start3A_71 : memref<1x72x256xf32, #tpu.memory_space<vmem>> -> memref<72x256xf32, #tpu.memory_space<vmem>>
      tpu.enqueue_dma source(%dma_start3A_72 : memref<72x256xf32, #tpu.memory_space<vmem>>) target(%dma_start3A_68 : memref<72x256xf32, #tpu.memory_space<hbm>>) target_semaphore(%run_scoped3A_60 : memref<!tpu.dma_semaphore, #tpu.memory_space<semaphore_mem>>)
      %dma_wait3A_73 = arith.constant 0 : i32
      %dma_wait3A_74 = arith.constant 0 : i32
      %dma_wait3A_75 = tpu.memref_slice %arg6[%run_scoped3A_56, %dma_wait3A_73, %dma_wait3A_74] : memref<2x72x256xf32, #tpu.memory_space<vmem>> -> memref<1x72x256xf32, #tpu.memory_space<vmem>>
      %dma_wait3A_76 = tpu.memref_squeeze %dma_wait3A_75 : memref<1x72x256xf32, #tpu.memory_space<vmem>> -> memref<72x256xf32, #tpu.memory_space<vmem>>
      %dma_wait3A_77 = arith.constant 0 : i32
      %dma_wait3A_78 = tpu.memref_slice %arg4[%add3A_55, %dma_wait3A_77] : memref<4608x256xf32, #tpu.memory_space<hbm>> -> memref<72x256xf32, #tpu.memory_space<hbm>>
      %dma_wait3A_79 = arith.constant 0 : i32
      %dma_wait3A_80 = tpu.memref_slice %arg4[%add3A_55, %dma_wait3A_79] : memref<4608x256xf32, #tpu.memory_space<hbm>> -> memref<72x256xf32, #tpu.memory_space<hbm>>
      %dma_wait3A_81 = arith.constant 0 : i32
      %dma_wait3A_82 = arith.constant 0 : i32
      %dma_wait3A_83 = tpu.memref_slice %arg6[%run_scoped3A_56, %dma_wait3A_81, %dma_wait3A_82] : memref<2x72x256xf32, #tpu.memory_space<vmem>> -> memref<1x72x256xf32, #tpu.memory_space<vmem>>
      %dma_wait3A_84 = tpu.memref_squeeze %dma_wait3A_83 : memref<1x72x256xf32, #tpu.memory_space<vmem>> -> memref<72x256xf32, #tpu.memory_space<vmem>>
      tpu.wait_dma2 semaphore(%run_scoped3A_60 : memref<!tpu.dma_semaphore, #tpu.memory_space<semaphore_mem>>) src(%dma_wait3A_84 : memref<72x256xf32, #tpu.memory_space<vmem>>) dst(%dma_wait3A_80 : memref<72x256xf32, #tpu.memory_space<hbm>>)
      tpu.yield
    }) : () -> ()
    %add3A_57 = arith.constant 72 : i32
    %add3A_58 = arith.addi %mul3A_2, %add3A_57 : i32
    %run_scoped3A_59 = arith.constant 1 : i32
    "tpu.region"() ({
      %run_scoped3A_60 = tpu.sem_alloc : memref<!tpu.dma_semaphore, #tpu.memory_space<semaphore_mem>>
      %dma_start3A_61 = arith.constant 0 : i32
      %dma_start3A_62 = arith.constant 0 : i32
      %dma_start3A_63 = tpu.memref_slice %arg6[%run_scoped3A_59, %dma_start3A_61, %dma_start3A_62] : memref<2x72x256xf32, #tpu.memory_space<vmem>> -> memref<1x72x256xf32, #tpu.memory_space<vmem>>
      %dma_start3A_64 = tpu.memref_squeeze %dma_start3A_63 : memref<1x72x256xf32, #tpu.memory_space<vmem>> -> memref<72x256xf32, #tpu.memory_space<vmem>>
      %dma_start3A_65 = arith.constant 0 : i32
      %dma_start3A_66 = tpu.memref_slice %arg4[%add3A_58, %dma_start3A_65] : memref<4608x256xf32, #tpu.memory_space<hbm>> -> memref<72x256xf32, #tpu.memory_space<hbm>>
      %dma_start3A_67 = arith.constant 0 : i32
      %dma_start3A_68 = tpu.memref_slice %arg4[%add3A_58, %dma_start3A_67] : memref<4608x256xf32, #tpu.memory_space<hbm>> -> memref<72x256xf32, #tpu.memory_space<hbm>>
      %dma_start3A_69 = arith.constant 0 : i32
      %dma_start3A_70 = arith.constant 0 : i32
      %dma_start3A_71 = tpu.memref_slice %arg6[%run_scoped3A_59, %dma_start3A_69, %dma_start3A_70] : memref<2x72x256xf32, #tpu.memory_space<vmem>> -> memref<1x72x256xf32, #tpu.memory_space<vmem>>
      %dma_start3A_72 = tpu.memref_squeeze %dma_start3A_71 : memref<1x72x256xf32, #tpu.memory_space<vmem>> -> memref<72x256xf32, #tpu.memory_space<vmem>>
      tpu.enqueue_dma source(%dma_start3A_72 : memref<72x256xf32, #tpu.memory_space<vmem>>) target(%dma_start3A_68 : memref<72x256xf32, #tpu.memory_space<hbm>>) target_semaphore(%run_scoped3A_60 : memref<!tpu.dma_semaphore, #tpu.memory_space<semaphore_mem>>)
      %dma_wait3A_73 = arith.constant 0 : i32
      %dma_wait3A_74 = arith.constant 0 : i32
      %dma_wait3A_75 = tpu.memref_slice %arg6[%run_scoped3A_59, %dma_wait3A_73, %dma_wait3A_74] : memref<2x72x256xf32, #tpu.memory_space<vmem>> -> memref<1x72x256xf32, #tpu.memory_space<vmem>>
      %dma_wait3A_76 = tpu.memref_squeeze %dma_wait3A_75 : memref<1x72x256xf32, #tpu.memory_space<vmem>> -> memref<72x256xf32, #tpu.memory_space<vmem>>
      %dma_wait3A_77 = arith.constant 0 : i32
      %dma_wait3A_78 = tpu.memref_slice %arg4[%add3A_58, %dma_wait3A_77] : memref<4608x256xf32, #tpu.memory_space<hbm>> -> memref<72x256xf32, #tpu.memory_space<hbm>>
      %dma_wait3A_79 = arith.constant 0 : i32
      %dma_wait3A_80 = tpu.memref_slice %arg4[%add3A_58, %dma_wait3A_79] : memref<4608x256xf32, #tpu.memory_space<hbm>> -> memref<72x256xf32, #tpu.memory_space<hbm>>
      %dma_wait3A_81 = arith.constant 0 : i32
      %dma_wait3A_82 = arith.constant 0 : i32
      %dma_wait3A_83 = tpu.memref_slice %arg6[%run_scoped3A_59, %dma_wait3A_81, %dma_wait3A_82] : memref<2x72x256xf32, #tpu.memory_space<vmem>> -> memref<1x72x256xf32, #tpu.memory_space<vmem>>
      %dma_wait3A_84 = tpu.memref_squeeze %dma_wait3A_83 : memref<1x72x256xf32, #tpu.memory_space<vmem>> -> memref<72x256xf32, #tpu.memory_space<vmem>>
      tpu.wait_dma2 semaphore(%run_scoped3A_60 : memref<!tpu.dma_semaphore, #tpu.memory_space<semaphore_mem>>) src(%dma_wait3A_84 : memref<72x256xf32, #tpu.memory_space<vmem>>) dst(%dma_wait3A_80 : memref<72x256xf32, #tpu.memory_space<hbm>>)
      tpu.yield
    }) : () -> ()
    return
  }
}

#map = affine_map<(d0, d1) -> (0, 0)>
#map1 = affine_map<(d0, d1) -> (0)>
module attributes {stable_mosaic.version = 14 : i64} {
  func.func @gather_k(%arg0: i32, %arg1: i32, %arg2: memref<8192x256xf32, #tpu.memory_space<hbm>>, %arg3: memref<4608xi32, #tpu.memory_space<hbm>>, %arg4: memref<4608x256xf32, #tpu.memory_space<hbm>>, %arg5: memref<2x72xi32, #tpu.memory_space<vmem>>, %arg6: memref<2x72x256xf32, #tpu.memory_space<vmem>>, %arg7: memref<!tpu.dma_semaphore, #tpu.memory_space<semaphore_mem>>) attributes {dimension_semantics = [#tpu.dimension_semantics<core_parallel>, #tpu.dimension_semantics<subcore_parallel>], iteration_bounds = array<i64: 2, 16>, scalar_prefetch = 0 : i64, scratch_operands = 3 : i64, tpu.core_type = #tpu.core_type<sc_vector_subcore>, window_params = [{transform_indices = #map}, {transform_indices = #map1}, {transform_indices = #map}]} {
    %mul3A = arith.constant 2 : i32
    %mul3A_0 = arith.muli %arg1, %mul3A : i32
    %add3A = arith.addi %mul3A_0, %arg0 : i32
    %mul3A_1 = arith.constant 144 : i32
    %mul3A_2 = arith.muli %add3A, %mul3A_1 : i32
    %add3A_3 = arith.constant 0 : i32
    %add3A_4 = arith.addi %mul3A_2, %add3A_3 : i32
    %run_scoped3A = arith.constant 0 : i32
    "tpu.region"() ({
      %run_scoped3A_60 = tpu.sem_alloc : memref<!tpu.dma_semaphore, #tpu.memory_space<semaphore_mem>>
      %dma_start3A_61 = arith.constant 0 : i32
      %dma_start3A_62 = tpu.memref_slice %arg5[%run_scoped3A, %dma_start3A_61] : memref<2x72xi32, #tpu.memory_space<vmem>> -> memref<1x72xi32, #tpu.memory_space<vmem>>
      %dma_start3A_63 = tpu.memref_squeeze %dma_start3A_62 : memref<1x72xi32, #tpu.memory_space<vmem>> -> memref<72xi32, #tpu.memory_space<vmem>>
      %dma_start3A_64 = tpu.memref_slice %arg3[%add3A_4] : memref<4608xi32, #tpu.memory_space<hbm>> -> memref<72xi32, #tpu.memory_space<hbm>>
      %dma_start3A_65 = arith.constant 0 : i32
      %dma_start3A_66 = tpu.memref_slice %arg5[%run_scoped3A, %dma_start3A_65] : memref<2x72xi32, #tpu.memory_space<vmem>> -> memref<1x72xi32, #tpu.memory_space<vmem>>
      %dma_start3A_67 = tpu.memref_squeeze %dma_start3A_66 : memref<1x72xi32, #tpu.memory_space<vmem>> -> memref<72xi32, #tpu.memory_space<vmem>>
      %dma_start3A_68 = tpu.memref_slice %arg3[%add3A_4] : memref<4608xi32, #tpu.memory_space<hbm>> -> memref<72xi32, #tpu.memory_space<hbm>>
      tpu.enqueue_dma source(%dma_start3A_68 : memref<72xi32, #tpu.memory_space<hbm>>) target(%dma_start3A_67 : memref<72xi32, #tpu.memory_space<vmem>>) target_semaphore(%run_scoped3A_60 : memref<!tpu.dma_semaphore, #tpu.memory_space<semaphore_mem>>)
      %dma_wait3A_69 = arith.constant 0 : i32
      %dma_wait3A_70 = tpu.memref_slice %arg5[%run_scoped3A, %dma_wait3A_69] : memref<2x72xi32, #tpu.memory_space<vmem>> -> memref<1x72xi32, #tpu.memory_space<vmem>>
      %dma_wait3A_71 = tpu.memref_squeeze %dma_wait3A_70 : memref<1x72xi32, #tpu.memory_space<vmem>> -> memref<72xi32, #tpu.memory_space<vmem>>
      %dma_wait3A_72 = tpu.memref_slice %arg3[%add3A_4] : memref<4608xi32, #tpu.memory_space<hbm>> -> memref<72xi32, #tpu.memory_space<hbm>>
      %dma_wait3A_73 = arith.constant 0 : i32
      %dma_wait3A_74 = tpu.memref_slice %arg5[%run_scoped3A, %dma_wait3A_73] : memref<2x72xi32, #tpu.memory_space<vmem>> -> memref<1x72xi32, #tpu.memory_space<vmem>>
      %dma_wait3A_75 = tpu.memref_squeeze %dma_wait3A_74 : memref<1x72xi32, #tpu.memory_space<vmem>> -> memref<72xi32, #tpu.memory_space<vmem>>
      %dma_wait3A_76 = tpu.memref_slice %arg3[%add3A_4] : memref<4608xi32, #tpu.memory_space<hbm>> -> memref<72xi32, #tpu.memory_space<hbm>>
      tpu.wait_dma2 semaphore(%run_scoped3A_60 : memref<!tpu.dma_semaphore, #tpu.memory_space<semaphore_mem>>) src(%dma_wait3A_76 : memref<72xi32, #tpu.memory_space<hbm>>) dst(%dma_wait3A_75 : memref<72xi32, #tpu.memory_space<vmem>>)
      tpu.yield
    }) : () -> ()
    %add3A_5 = arith.constant 72 : i32
    %add3A_6 = arith.addi %mul3A_2, %add3A_5 : i32
    %run_scoped3A_7 = arith.constant 1 : i32
    "tpu.region"() ({
      %run_scoped3A_60 = tpu.sem_alloc : memref<!tpu.dma_semaphore, #tpu.memory_space<semaphore_mem>>
      %dma_start3A_61 = arith.constant 0 : i32
      %dma_start3A_62 = tpu.memref_slice %arg5[%run_scoped3A_7, %dma_start3A_61] : memref<2x72xi32, #tpu.memory_space<vmem>> -> memref<1x72xi32, #tpu.memory_space<vmem>>
      %dma_start3A_63 = tpu.memref_squeeze %dma_start3A_62 : memref<1x72xi32, #tpu.memory_space<vmem>> -> memref<72xi32, #tpu.memory_space<vmem>>
      %dma_start3A_64 = tpu.memref_slice %arg3[%add3A_6] : memref<4608xi32, #tpu.memory_space<hbm>> -> memref<72xi32, #tpu.memory_space<hbm>>
      %dma_start3A_65 = arith.constant 0 : i32
      %dma_start3A_66 = tpu.memref_slice %arg5[%run_scoped3A_7, %dma_start3A_65] : memref<2x72xi32, #tpu.memory_space<vmem>> -> memref<1x72xi32, #tpu.memory_space<vmem>>
      %dma_start3A_67 = tpu.memref_squeeze %dma_start3A_66 : memref<1x72xi32, #tpu.memory_space<vmem>> -> memref<72xi32, #tpu.memory_space<vmem>>
      %dma_start3A_68 = tpu.memref_slice %arg3[%add3A_6] : memref<4608xi32, #tpu.memory_space<hbm>> -> memref<72xi32, #tpu.memory_space<hbm>>
      tpu.enqueue_dma source(%dma_start3A_68 : memref<72xi32, #tpu.memory_space<hbm>>) target(%dma_start3A_67 : memref<72xi32, #tpu.memory_space<vmem>>) target_semaphore(%run_scoped3A_60 : memref<!tpu.dma_semaphore, #tpu.memory_space<semaphore_mem>>)
      %dma_wait3A_69 = arith.constant 0 : i32
      %dma_wait3A_70 = tpu.memref_slice %arg5[%run_scoped3A_7, %dma_wait3A_69] : memref<2x72xi32, #tpu.memory_space<vmem>> -> memref<1x72xi32, #tpu.memory_space<vmem>>
      %dma_wait3A_71 = tpu.memref_squeeze %dma_wait3A_70 : memref<1x72xi32, #tpu.memory_space<vmem>> -> memref<72xi32, #tpu.memory_space<vmem>>
      %dma_wait3A_72 = tpu.memref_slice %arg3[%add3A_6] : memref<4608xi32, #tpu.memory_space<hbm>> -> memref<72xi32, #tpu.memory_space<hbm>>
      %dma_wait3A_73 = arith.constant 0 : i32
      %dma_wait3A_74 = tpu.memref_slice %arg5[%run_scoped3A_7, %dma_wait3A_73] : memref<2x72xi32, #tpu.memory_space<vmem>> -> memref<1x72xi32, #tpu.memory_space<vmem>>
      %dma_wait3A_75 = tpu.memref_squeeze %dma_wait3A_74 : memref<1x72xi32, #tpu.memory_space<vmem>> -> memref<72xi32, #tpu.memory_space<vmem>>
      %dma_wait3A_76 = tpu.memref_slice %arg3[%add3A_6] : memref<4608xi32, #tpu.memory_space<hbm>> -> memref<72xi32, #tpu.memory_space<hbm>>
      tpu.wait_dma2 semaphore(%run_scoped3A_60 : memref<!tpu.dma_semaphore, #tpu.memory_space<semaphore_mem>>) src(%dma_wait3A_76 : memref<72xi32, #tpu.memory_space<hbm>>) dst(%dma_wait3A_75 : memref<72xi32, #tpu.memory_space<vmem>>)
      tpu.yield
    }) : () -> ()
    %dma_start3A = arith.constant 0 : i32
    %dma_start3A_8 = arith.constant 0 : i32
    %dma_start3A_9 = arith.constant 0 : i32
    %dma_start3A_10 = arith.constant 0 : i32
    %dma_start3A_11 = tpu.memref_slice %arg6[%dma_start3A_8, %dma_start3A_9, %dma_start3A_10] : memref<2x72x256xf32, #tpu.memory_space<vmem>> -> memref<1x72x256xf32, #tpu.memory_space<vmem>>
    %dma_start3A_12 = tpu.memref_squeeze %dma_start3A_11 : memref<1x72x256xf32, #tpu.memory_space<vmem>> -> memref<72x256xf32, #tpu.memory_space<vmem>>
    %dma_start3A_13 = arith.constant 0 : i32
    %dma_start3A_14 = tpu.memref_slice %arg5[%dma_start3A, %dma_start3A_13] : memref<2x72xi32, #tpu.memory_space<vmem>> -> memref<1x72xi32, #tpu.memory_space<vmem>>
    %dma_start3A_15 = tpu.memref_squeeze %dma_start3A_14 : memref<1x72xi32, #tpu.memory_space<vmem>> -> memref<72xi32, #tpu.memory_space<vmem>>
    %dma_start3A_16 = arith.constant 0 : i32
    %dma_start3A_17 = arith.constant 0 : i32
    %dma_start3A_18 = tpu.memref_slice %arg2[%dma_start3A_16, %dma_start3A_17] : memref<8192x256xf32, #tpu.memory_space<hbm>> -> memref<8192x256xf32, #tpu.memory_space<hbm>>
    tpu.enqueue_indirect_dma source(%dma_start3A_18 : memref<8192x256xf32, #tpu.memory_space<hbm>>) target(%dma_start3A_12 : memref<72x256xf32, #tpu.memory_space<vmem>>) offsets(%dma_start3A_15 : memref<72xi32, #tpu.memory_space<vmem>>) semaphore(%arg7 : memref<!tpu.dma_semaphore, #tpu.memory_space<semaphore_mem>>)
    %dma_start3A_19 = arith.constant 1 : i32
    %dma_start3A_20 = arith.constant 1 : i32
    %dma_start3A_21 = arith.constant 0 : i32
    %dma_start3A_22 = arith.constant 0 : i32
    %dma_start3A_23 = tpu.memref_slice %arg6[%dma_start3A_20, %dma_start3A_21, %dma_start3A_22] : memref<2x72x256xf32, #tpu.memory_space<vmem>> -> memref<1x72x256xf32, #tpu.memory_space<vmem>>
    %dma_start3A_24 = tpu.memref_squeeze %dma_start3A_23 : memref<1x72x256xf32, #tpu.memory_space<vmem>> -> memref<72x256xf32, #tpu.memory_space<vmem>>
    %dma_start3A_25 = arith.constant 0 : i32
    %dma_start3A_26 = tpu.memref_slice %arg5[%dma_start3A_19, %dma_start3A_25] : memref<2x72xi32, #tpu.memory_space<vmem>> -> memref<1x72xi32, #tpu.memory_space<vmem>>
    %dma_start3A_27 = tpu.memref_squeeze %dma_start3A_26 : memref<1x72xi32, #tpu.memory_space<vmem>> -> memref<72xi32, #tpu.memory_space<vmem>>
    %dma_start3A_28 = arith.constant 0 : i32
    %dma_start3A_29 = arith.constant 0 : i32
    %dma_start3A_30 = tpu.memref_slice %arg2[%dma_start3A_28, %dma_start3A_29] : memref<8192x256xf32, #tpu.memory_space<hbm>> -> memref<8192x256xf32, #tpu.memory_space<hbm>>
    tpu.enqueue_indirect_dma source(%dma_start3A_30 : memref<8192x256xf32, #tpu.memory_space<hbm>>) target(%dma_start3A_24 : memref<72x256xf32, #tpu.memory_space<vmem>>) offsets(%dma_start3A_27 : memref<72xi32, #tpu.memory_space<vmem>>) semaphore(%arg7 : memref<!tpu.dma_semaphore, #tpu.memory_space<semaphore_mem>>)
    %dma_wait3A = arith.constant 0 : i32
    %dma_wait3A_31 = arith.constant 0 : i32
    %dma_wait3A_32 = arith.constant 0 : i32
    %dma_wait3A_33 = arith.constant 0 : i32
    %dma_wait3A_34 = tpu.memref_slice %arg6[%dma_wait3A_31, %dma_wait3A_32, %dma_wait3A_33] : memref<2x72x256xf32, #tpu.memory_space<vmem>> -> memref<1x72x256xf32, #tpu.memory_space<vmem>>
    %dma_wait3A_35 = tpu.memref_squeeze %dma_wait3A_34 : memref<1x72x256xf32, #tpu.memory_space<vmem>> -> memref<72x256xf32, #tpu.memory_space<vmem>>
    %dma_wait3A_36 = arith.constant 0 : i32
    %dma_wait3A_37 = tpu.memref_slice %arg5[%dma_wait3A, %dma_wait3A_36] : memref<2x72xi32, #tpu.memory_space<vmem>> -> memref<1x72xi32, #tpu.memory_space<vmem>>
    %dma_wait3A_38 = tpu.memref_squeeze %dma_wait3A_37 : memref<1x72xi32, #tpu.memory_space<vmem>> -> memref<72xi32, #tpu.memory_space<vmem>>
    %dma_wait3A_39 = arith.constant 0 : i32
    %dma_wait3A_40 = arith.constant 0 : i32
    %dma_wait3A_41 = tpu.memref_slice %arg2[%dma_wait3A_39, %dma_wait3A_40] : memref<8192x256xf32, #tpu.memory_space<hbm>> -> memref<8192x256xf32, #tpu.memory_space<hbm>>
    tpu.wait_indirect_dma semaphore(%arg7 : memref<!tpu.dma_semaphore, #tpu.memory_space<semaphore_mem>>) src(%dma_wait3A_41 : memref<8192x256xf32, #tpu.memory_space<hbm>>) dst(%dma_wait3A_35 : memref<72x256xf32, #tpu.memory_space<vmem>>)
    %dma_wait3A_42 = arith.constant 1 : i32
    %dma_wait3A_43 = arith.constant 1 : i32
    %dma_wait3A_44 = arith.constant 0 : i32
    %dma_wait3A_45 = arith.constant 0 : i32
    %dma_wait3A_46 = tpu.memref_slice %arg6[%dma_wait3A_43, %dma_wait3A_44, %dma_wait3A_45] : memref<2x72x256xf32, #tpu.memory_space<vmem>> -> memref<1x72x256xf32, #tpu.memory_space<vmem>>
    %dma_wait3A_47 = tpu.memref_squeeze %dma_wait3A_46 : memref<1x72x256xf32, #tpu.memory_space<vmem>> -> memref<72x256xf32, #tpu.memory_space<vmem>>
    %dma_wait3A_48 = arith.constant 0 : i32
    %dma_wait3A_49 = tpu.memref_slice %arg5[%dma_wait3A_42, %dma_wait3A_48] : memref<2x72xi32, #tpu.memory_space<vmem>> -> memref<1x72xi32, #tpu.memory_space<vmem>>
    %dma_wait3A_50 = tpu.memref_squeeze %dma_wait3A_49 : memref<1x72xi32, #tpu.memory_space<vmem>> -> memref<72xi32, #tpu.memory_space<vmem>>
    %dma_wait3A_51 = arith.constant 0 : i32
    %dma_wait3A_52 = arith.constant 0 : i32
    %dma_wait3A_53 = tpu.memref_slice %arg2[%dma_wait3A_51, %dma_wait3A_52] : memref<8192x256xf32, #tpu.memory_space<hbm>> -> memref<8192x256xf32, #tpu.memory_space<hbm>>
    tpu.wait_indirect_dma semaphore(%arg7 : memref<!tpu.dma_semaphore, #tpu.memory_space<semaphore_mem>>) src(%dma_wait3A_53 : memref<8192x256xf32, #tpu.memory_space<hbm>>) dst(%dma_wait3A_47 : memref<72x256xf32, #tpu.memory_space<vmem>>)
    %add3A_54 = arith.constant 0 : i32
    %add3A_55 = arith.addi %mul3A_2, %add3A_54 : i32
    %run_scoped3A_56 = arith.constant 0 : i32
    "tpu.region"() ({
      %run_scoped3A_60 = tpu.sem_alloc : memref<!tpu.dma_semaphore, #tpu.memory_space<semaphore_mem>>
      %dma_start3A_61 = arith.constant 0 : i32
      %dma_start3A_62 = arith.constant 0 : i32
      %dma_start3A_63 = tpu.memref_slice %arg6[%run_scoped3A_56, %dma_start3A_61, %dma_start3A_62] : memref<2x72x256xf32, #tpu.memory_space<vmem>> -> memref<1x72x256xf32, #tpu.memory_space<vmem>>
      %dma_start3A_64 = tpu.memref_squeeze %dma_start3A_63 : memref<1x72x256xf32, #tpu.memory_space<vmem>> -> memref<72x256xf32, #tpu.memory_space<vmem>>
      %dma_start3A_65 = arith.constant 0 : i32
      %dma_start3A_66 = tpu.memref_slice %arg4[%add3A_55, %dma_start3A_65] : memref<4608x256xf32, #tpu.memory_space<hbm>> -> memref<72x256xf32, #tpu.memory_space<hbm>>
      %dma_start3A_67 = arith.constant 0 : i32
      %dma_start3A_68 = tpu.memref_slice %arg4[%add3A_55, %dma_start3A_67] : memref<4608x256xf32, #tpu.memory_space<hbm>> -> memref<72x256xf32, #tpu.memory_space<hbm>>
      %dma_start3A_69 = arith.constant 0 : i32
      %dma_start3A_70 = arith.constant 0 : i32
      %dma_start3A_71 = tpu.memref_slice %arg6[%run_scoped3A_56, %dma_start3A_69, %dma_start3A_70] : memref<2x72x256xf32, #tpu.memory_space<vmem>> -> memref<1x72x256xf32, #tpu.memory_space<vmem>>
      %dma_start3A_72 = tpu.memref_squeeze %dma_start3A_71 : memref<1x72x256xf32, #tpu.memory_space<vmem>> -> memref<72x256xf32, #tpu.memory_space<vmem>>
      tpu.enqueue_dma source(%dma_start3A_72 : memref<72x256xf32, #tpu.memory_space<vmem>>) target(%dma_start3A_68 : memref<72x256xf32, #tpu.memory_space<hbm>>) target_semaphore(%run_scoped3A_60 : memref<!tpu.dma_semaphore, #tpu.memory_space<semaphore_mem>>)
      %dma_wait3A_73 = arith.constant 0 : i32
      %dma_wait3A_74 = arith.constant 0 : i32
      %dma_wait3A_75 = tpu.memref_slice %arg6[%run_scoped3A_56, %dma_wait3A_73, %dma_wait3A_74] : memref<2x72x256xf32, #tpu.memory_space<vmem>> -> memref<1x72x256xf32, #tpu.memory_space<vmem>>
      %dma_wait3A_76 = tpu.memref_squeeze %dma_wait3A_75 : memref<1x72x256xf32, #tpu.memory_space<vmem>> -> memref<72x256xf32, #tpu.memory_space<vmem>>
      %dma_wait3A_77 = arith.constant 0 : i32
      %dma_wait3A_78 = tpu.memref_slice %arg4[%add3A_55, %dma_wait3A_77] : memref<4608x256xf32, #tpu.memory_space<hbm>> -> memref<72x256xf32, #tpu.memory_space<hbm>>
      %dma_wait3A_79 = arith.constant 0 : i32
      %dma_wait3A_80 = tpu.memref_slice %arg4[%add3A_55, %dma_wait3A_79] : memref<4608x256xf32, #tpu.memory_space<hbm>> -> memref<72x256xf32, #tpu.memory_space<hbm>>
      %dma_wait3A_81 = arith.constant 0 : i32
      %dma_wait3A_82 = arith.constant 0 : i32
      %dma_wait3A_83 = tpu.memref_slice %arg6[%run_scoped3A_56, %dma_wait3A_81, %dma_wait3A_82] : memref<2x72x256xf32, #tpu.memory_space<vmem>> -> memref<1x72x256xf32, #tpu.memory_space<vmem>>
      %dma_wait3A_84 = tpu.memref_squeeze %dma_wait3A_83 : memref<1x72x256xf32, #tpu.memory_space<vmem>> -> memref<72x256xf32, #tpu.memory_space<vmem>>
      tpu.wait_dma2 semaphore(%run_scoped3A_60 : memref<!tpu.dma_semaphore, #tpu.memory_space<semaphore_mem>>) src(%dma_wait3A_84 : memref<72x256xf32, #tpu.memory_space<vmem>>) dst(%dma_wait3A_80 : memref<72x256xf32, #tpu.memory_space<hbm>>)
      tpu.yield
    }) : () -> ()
    %add3A_57 = arith.constant 72 : i32
    %add3A_58 = arith.addi %mul3A_2, %add3A_57 : i32
    %run_scoped3A_59 = arith.constant 1 : i32
    "tpu.region"() ({
      %run_scoped3A_60 = tpu.sem_alloc : memref<!tpu.dma_semaphore, #tpu.memory_space<semaphore_mem>>
      %dma_start3A_61 = arith.constant 0 : i32
      %dma_start3A_62 = arith.constant 0 : i32
      %dma_start3A_63 = tpu.memref_slice %arg6[%run_scoped3A_59, %dma_start3A_61, %dma_start3A_62] : memref<2x72x256xf32, #tpu.memory_space<vmem>> -> memref<1x72x256xf32, #tpu.memory_space<vmem>>
      %dma_start3A_64 = tpu.memref_squeeze %dma_start3A_63 : memref<1x72x256xf32, #tpu.memory_space<vmem>> -> memref<72x256xf32, #tpu.memory_space<vmem>>
      %dma_start3A_65 = arith.constant 0 : i32
      %dma_start3A_66 = tpu.memref_slice %arg4[%add3A_58, %dma_start3A_65] : memref<4608x256xf32, #tpu.memory_space<hbm>> -> memref<72x256xf32, #tpu.memory_space<hbm>>
      %dma_start3A_67 = arith.constant 0 : i32
      %dma_start3A_68 = tpu.memref_slice %arg4[%add3A_58, %dma_start3A_67] : memref<4608x256xf32, #tpu.memory_space<hbm>> -> memref<72x256xf32, #tpu.memory_space<hbm>>
      %dma_start3A_69 = arith.constant 0 : i32
      %dma_start3A_70 = arith.constant 0 : i32
      %dma_start3A_71 = tpu.memref_slice %arg6[%run_scoped3A_59, %dma_start3A_69, %dma_start3A_70] : memref<2x72x256xf32, #tpu.memory_space<vmem>> -> memref<1x72x256xf32, #tpu.memory_space<vmem>>
      %dma_start3A_72 = tpu.memref_squeeze %dma_start3A_71 : memref<1x72x256xf32, #tpu.memory_space<vmem>> -> memref<72x256xf32, #tpu.memory_space<vmem>>
      tpu.enqueue_dma source(%dma_start3A_72 : memref<72x256xf32, #tpu.memory_space<vmem>>) target(%dma_start3A_68 : memref<72x256xf32, #tpu.memory_space<hbm>>) target_semaphore(%run_scoped3A_60 : memref<!tpu.dma_semaphore, #tpu.memory_space<semaphore_mem>>)
      %dma_wait3A_73 = arith.constant 0 : i32
      %dma_wait3A_74 = arith.constant 0 : i32
      %dma_wait3A_75 = tpu.memref_slice %arg6[%run_scoped3A_59, %dma_wait3A_73, %dma_wait3A_74] : memref<2x72x256xf32, #tpu.memory_space<vmem>> -> memref<1x72x256xf32, #tpu.memory_space<vmem>>
      %dma_wait3A_76 = tpu.memref_squeeze %dma_wait3A_75 : memref<1x72x256xf32, #tpu.memory_space<vmem>> -> memref<72x256xf32, #tpu.memory_space<vmem>>
      %dma_wait3A_77 = arith.constant 0 : i32
      %dma_wait3A_78 = tpu.memref_slice %arg4[%add3A_58, %dma_wait3A_77] : memref<4608x256xf32, #tpu.memory_space<hbm>> -> memref<72x256xf32, #tpu.memory_space<hbm>>
      %dma_wait3A_79 = arith.constant 0 : i32
      %dma_wait3A_80 = tpu.memref_slice %arg4[%add3A_58, %dma_wait3A_79] : memref<4608x256xf32, #tpu.memory_space<hbm>> -> memref<72x256xf32, #tpu.memory_space<hbm>>
      %dma_wait3A_81 = arith.constant 0 : i32
      %dma_wait3A_82 = arith.constant 0 : i32
      %dma_wait3A_83 = tpu.memref_slice %arg6[%run_scoped3A_59, %dma_wait3A_81, %dma_wait3A_82] : memref<2x72x256xf32, #tpu.memory_space<vmem>> -> memref<1x72x256xf32, #tpu.memory_space<vmem>>
      %dma_wait3A_84 = tpu.memref_squeeze %dma_wait3A_83 : memref<1x72x256xf32, #tpu.memory_space<vmem>> -> memref<72x256xf32, #tpu.memory_space<vmem>>
      tpu.wait_dma2 semaphore(%run_scoped3A_60 : memref<!tpu.dma_semaphore, #tpu.memory_space<semaphore_mem>>) src(%dma_wait3A_84 : memref<72x256xf32, #tpu.memory_space<vmem>>) dst(%dma_wait3A_80 : memref<72x256xf32, #tpu.memory_space<hbm>>)
      tpu.yield
    }) : () -> ()
    return
  }
}

#map = affine_map<(d0, d1) -> (0, 0)>
#map1 = affine_map<(d0, d1) -> (0)>
module attributes {stable_mosaic.version = 14 : i64} {
  func.func @gather_k(%arg0: i32, %arg1: i32, %arg2: memref<8192x256xf32, #tpu.memory_space<hbm>>, %arg3: memref<4608xi32, #tpu.memory_space<hbm>>, %arg4: memref<4608x256xf32, #tpu.memory_space<hbm>>, %arg5: memref<2x72xi32, #tpu.memory_space<vmem>>, %arg6: memref<2x72x256xf32, #tpu.memory_space<vmem>>, %arg7: memref<!tpu.dma_semaphore, #tpu.memory_space<semaphore_mem>>) attributes {dimension_semantics = [#tpu.dimension_semantics<core_parallel>, #tpu.dimension_semantics<subcore_parallel>], iteration_bounds = array<i64: 2, 16>, scalar_prefetch = 0 : i64, scratch_operands = 3 : i64, tpu.core_type = #tpu.core_type<sc_vector_subcore>, window_params = [{transform_indices = #map}, {transform_indices = #map1}, {transform_indices = #map}]} {
    %mul3A = arith.constant 2 : i32
    %mul3A_0 = arith.muli %arg1, %mul3A : i32
    %add3A = arith.addi %mul3A_0, %arg0 : i32
    %mul3A_1 = arith.constant 144 : i32
    %mul3A_2 = arith.muli %add3A, %mul3A_1 : i32
    %add3A_3 = arith.constant 0 : i32
    %add3A_4 = arith.addi %mul3A_2, %add3A_3 : i32
    %run_scoped3A = arith.constant 0 : i32
    "tpu.region"() ({
      %run_scoped3A_60 = tpu.sem_alloc : memref<!tpu.dma_semaphore, #tpu.memory_space<semaphore_mem>>
      %dma_start3A_61 = arith.constant 0 : i32
      %dma_start3A_62 = tpu.memref_slice %arg5[%run_scoped3A, %dma_start3A_61] : memref<2x72xi32, #tpu.memory_space<vmem>> -> memref<1x72xi32, #tpu.memory_space<vmem>>
      %dma_start3A_63 = tpu.memref_squeeze %dma_start3A_62 : memref<1x72xi32, #tpu.memory_space<vmem>> -> memref<72xi32, #tpu.memory_space<vmem>>
      %dma_start3A_64 = tpu.memref_slice %arg3[%add3A_4] : memref<4608xi32, #tpu.memory_space<hbm>> -> memref<72xi32, #tpu.memory_space<hbm>>
      %dma_start3A_65 = arith.constant 0 : i32
      %dma_start3A_66 = tpu.memref_slice %arg5[%run_scoped3A, %dma_start3A_65] : memref<2x72xi32, #tpu.memory_space<vmem>> -> memref<1x72xi32, #tpu.memory_space<vmem>>
      %dma_start3A_67 = tpu.memref_squeeze %dma_start3A_66 : memref<1x72xi32, #tpu.memory_space<vmem>> -> memref<72xi32, #tpu.memory_space<vmem>>
      %dma_start3A_68 = tpu.memref_slice %arg3[%add3A_4] : memref<4608xi32, #tpu.memory_space<hbm>> -> memref<72xi32, #tpu.memory_space<hbm>>
      tpu.enqueue_dma source(%dma_start3A_68 : memref<72xi32, #tpu.memory_space<hbm>>) target(%dma_start3A_67 : memref<72xi32, #tpu.memory_space<vmem>>) target_semaphore(%run_scoped3A_60 : memref<!tpu.dma_semaphore, #tpu.memory_space<semaphore_mem>>)
      %dma_wait3A_69 = arith.constant 0 : i32
      %dma_wait3A_70 = tpu.memref_slice %arg5[%run_scoped3A, %dma_wait3A_69] : memref<2x72xi32, #tpu.memory_space<vmem>> -> memref<1x72xi32, #tpu.memory_space<vmem>>
      %dma_wait3A_71 = tpu.memref_squeeze %dma_wait3A_70 : memref<1x72xi32, #tpu.memory_space<vmem>> -> memref<72xi32, #tpu.memory_space<vmem>>
      %dma_wait3A_72 = tpu.memref_slice %arg3[%add3A_4] : memref<4608xi32, #tpu.memory_space<hbm>> -> memref<72xi32, #tpu.memory_space<hbm>>
      %dma_wait3A_73 = arith.constant 0 : i32
      %dma_wait3A_74 = tpu.memref_slice %arg5[%run_scoped3A, %dma_wait3A_73] : memref<2x72xi32, #tpu.memory_space<vmem>> -> memref<1x72xi32, #tpu.memory_space<vmem>>
      %dma_wait3A_75 = tpu.memref_squeeze %dma_wait3A_74 : memref<1x72xi32, #tpu.memory_space<vmem>> -> memref<72xi32, #tpu.memory_space<vmem>>
      %dma_wait3A_76 = tpu.memref_slice %arg3[%add3A_4] : memref<4608xi32, #tpu.memory_space<hbm>> -> memref<72xi32, #tpu.memory_space<hbm>>
      tpu.wait_dma2 semaphore(%run_scoped3A_60 : memref<!tpu.dma_semaphore, #tpu.memory_space<semaphore_mem>>) src(%dma_wait3A_76 : memref<72xi32, #tpu.memory_space<hbm>>) dst(%dma_wait3A_75 : memref<72xi32, #tpu.memory_space<vmem>>)
      tpu.yield
    }) : () -> ()
    %add3A_5 = arith.constant 72 : i32
    %add3A_6 = arith.addi %mul3A_2, %add3A_5 : i32
    %run_scoped3A_7 = arith.constant 1 : i32
    "tpu.region"() ({
      %run_scoped3A_60 = tpu.sem_alloc : memref<!tpu.dma_semaphore, #tpu.memory_space<semaphore_mem>>
      %dma_start3A_61 = arith.constant 0 : i32
      %dma_start3A_62 = tpu.memref_slice %arg5[%run_scoped3A_7, %dma_start3A_61] : memref<2x72xi32, #tpu.memory_space<vmem>> -> memref<1x72xi32, #tpu.memory_space<vmem>>
      %dma_start3A_63 = tpu.memref_squeeze %dma_start3A_62 : memref<1x72xi32, #tpu.memory_space<vmem>> -> memref<72xi32, #tpu.memory_space<vmem>>
      %dma_start3A_64 = tpu.memref_slice %arg3[%add3A_6] : memref<4608xi32, #tpu.memory_space<hbm>> -> memref<72xi32, #tpu.memory_space<hbm>>
      %dma_start3A_65 = arith.constant 0 : i32
      %dma_start3A_66 = tpu.memref_slice %arg5[%run_scoped3A_7, %dma_start3A_65] : memref<2x72xi32, #tpu.memory_space<vmem>> -> memref<1x72xi32, #tpu.memory_space<vmem>>
      %dma_start3A_67 = tpu.memref_squeeze %dma_start3A_66 : memref<1x72xi32, #tpu.memory_space<vmem>> -> memref<72xi32, #tpu.memory_space<vmem>>
      %dma_start3A_68 = tpu.memref_slice %arg3[%add3A_6] : memref<4608xi32, #tpu.memory_space<hbm>> -> memref<72xi32, #tpu.memory_space<hbm>>
      tpu.enqueue_dma source(%dma_start3A_68 : memref<72xi32, #tpu.memory_space<hbm>>) target(%dma_start3A_67 : memref<72xi32, #tpu.memory_space<vmem>>) target_semaphore(%run_scoped3A_60 : memref<!tpu.dma_semaphore, #tpu.memory_space<semaphore_mem>>)
      %dma_wait3A_69 = arith.constant 0 : i32
      %dma_wait3A_70 = tpu.memref_slice %arg5[%run_scoped3A_7, %dma_wait3A_69] : memref<2x72xi32, #tpu.memory_space<vmem>> -> memref<1x72xi32, #tpu.memory_space<vmem>>
      %dma_wait3A_71 = tpu.memref_squeeze %dma_wait3A_70 : memref<1x72xi32, #tpu.memory_space<vmem>> -> memref<72xi32, #tpu.memory_space<vmem>>
      %dma_wait3A_72 = tpu.memref_slice %arg3[%add3A_6] : memref<4608xi32, #tpu.memory_space<hbm>> -> memref<72xi32, #tpu.memory_space<hbm>>
      %dma_wait3A_73 = arith.constant 0 : i32
      %dma_wait3A_74 = tpu.memref_slice %arg5[%run_scoped3A_7, %dma_wait3A_73] : memref<2x72xi32, #tpu.memory_space<vmem>> -> memref<1x72xi32, #tpu.memory_space<vmem>>
      %dma_wait3A_75 = tpu.memref_squeeze %dma_wait3A_74 : memref<1x72xi32, #tpu.memory_space<vmem>> -> memref<72xi32, #tpu.memory_space<vmem>>
      %dma_wait3A_76 = tpu.memref_slice %arg3[%add3A_6] : memref<4608xi32, #tpu.memory_space<hbm>> -> memref<72xi32, #tpu.memory_space<hbm>>
      tpu.wait_dma2 semaphore(%run_scoped3A_60 : memref<!tpu.dma_semaphore, #tpu.memory_space<semaphore_mem>>) src(%dma_wait3A_76 : memref<72xi32, #tpu.memory_space<hbm>>) dst(%dma_wait3A_75 : memref<72xi32, #tpu.memory_space<vmem>>)
      tpu.yield
    }) : () -> ()
    %dma_start3A = arith.constant 0 : i32
    %dma_start3A_8 = arith.constant 0 : i32
    %dma_start3A_9 = arith.constant 0 : i32
    %dma_start3A_10 = arith.constant 0 : i32
    %dma_start3A_11 = tpu.memref_slice %arg6[%dma_start3A_8, %dma_start3A_9, %dma_start3A_10] : memref<2x72x256xf32, #tpu.memory_space<vmem>> -> memref<1x72x256xf32, #tpu.memory_space<vmem>>
    %dma_start3A_12 = tpu.memref_squeeze %dma_start3A_11 : memref<1x72x256xf32, #tpu.memory_space<vmem>> -> memref<72x256xf32, #tpu.memory_space<vmem>>
    %dma_start3A_13 = arith.constant 0 : i32
    %dma_start3A_14 = tpu.memref_slice %arg5[%dma_start3A, %dma_start3A_13] : memref<2x72xi32, #tpu.memory_space<vmem>> -> memref<1x72xi32, #tpu.memory_space<vmem>>
    %dma_start3A_15 = tpu.memref_squeeze %dma_start3A_14 : memref<1x72xi32, #tpu.memory_space<vmem>> -> memref<72xi32, #tpu.memory_space<vmem>>
    %dma_start3A_16 = arith.constant 0 : i32
    %dma_start3A_17 = arith.constant 0 : i32
    %dma_start3A_18 = tpu.memref_slice %arg2[%dma_start3A_16, %dma_start3A_17] : memref<8192x256xf32, #tpu.memory_space<hbm>> -> memref<8192x256xf32, #tpu.memory_space<hbm>>
    tpu.enqueue_indirect_dma source(%dma_start3A_18 : memref<8192x256xf32, #tpu.memory_space<hbm>>) target(%dma_start3A_12 : memref<72x256xf32, #tpu.memory_space<vmem>>) offsets(%dma_start3A_15 : memref<72xi32, #tpu.memory_space<vmem>>) semaphore(%arg7 : memref<!tpu.dma_semaphore, #tpu.memory_space<semaphore_mem>>)
    %dma_start3A_19 = arith.constant 1 : i32
    %dma_start3A_20 = arith.constant 1 : i32
    %dma_start3A_21 = arith.constant 0 : i32
    %dma_start3A_22 = arith.constant 0 : i32
    %dma_start3A_23 = tpu.memref_slice %arg6[%dma_start3A_20, %dma_start3A_21, %dma_start3A_22] : memref<2x72x256xf32, #tpu.memory_space<vmem>> -> memref<1x72x256xf32, #tpu.memory_space<vmem>>
    %dma_start3A_24 = tpu.memref_squeeze %dma_start3A_23 : memref<1x72x256xf32, #tpu.memory_space<vmem>> -> memref<72x256xf32, #tpu.memory_space<vmem>>
    %dma_start3A_25 = arith.constant 0 : i32
    %dma_start3A_26 = tpu.memref_slice %arg5[%dma_start3A_19, %dma_start3A_25] : memref<2x72xi32, #tpu.memory_space<vmem>> -> memref<1x72xi32, #tpu.memory_space<vmem>>
    %dma_start3A_27 = tpu.memref_squeeze %dma_start3A_26 : memref<1x72xi32, #tpu.memory_space<vmem>> -> memref<72xi32, #tpu.memory_space<vmem>>
    %dma_start3A_28 = arith.constant 0 : i32
    %dma_start3A_29 = arith.constant 0 : i32
    %dma_start3A_30 = tpu.memref_slice %arg2[%dma_start3A_28, %dma_start3A_29] : memref<8192x256xf32, #tpu.memory_space<hbm>> -> memref<8192x256xf32, #tpu.memory_space<hbm>>
    tpu.enqueue_indirect_dma source(%dma_start3A_30 : memref<8192x256xf32, #tpu.memory_space<hbm>>) target(%dma_start3A_24 : memref<72x256xf32, #tpu.memory_space<vmem>>) offsets(%dma_start3A_27 : memref<72xi32, #tpu.memory_space<vmem>>) semaphore(%arg7 : memref<!tpu.dma_semaphore, #tpu.memory_space<semaphore_mem>>)
    %dma_wait3A = arith.constant 0 : i32
    %dma_wait3A_31 = arith.constant 0 : i32
    %dma_wait3A_32 = arith.constant 0 : i32
    %dma_wait3A_33 = arith.constant 0 : i32
    %dma_wait3A_34 = tpu.memref_slice %arg6[%dma_wait3A_31, %dma_wait3A_32, %dma_wait3A_33] : memref<2x72x256xf32, #tpu.memory_space<vmem>> -> memref<1x72x256xf32, #tpu.memory_space<vmem>>
    %dma_wait3A_35 = tpu.memref_squeeze %dma_wait3A_34 : memref<1x72x256xf32, #tpu.memory_space<vmem>> -> memref<72x256xf32, #tpu.memory_space<vmem>>
    %dma_wait3A_36 = arith.constant 0 : i32
    %dma_wait3A_37 = tpu.memref_slice %arg5[%dma_wait3A, %dma_wait3A_36] : memref<2x72xi32, #tpu.memory_space<vmem>> -> memref<1x72xi32, #tpu.memory_space<vmem>>
    %dma_wait3A_38 = tpu.memref_squeeze %dma_wait3A_37 : memref<1x72xi32, #tpu.memory_space<vmem>> -> memref<72xi32, #tpu.memory_space<vmem>>
    %dma_wait3A_39 = arith.constant 0 : i32
    %dma_wait3A_40 = arith.constant 0 : i32
    %dma_wait3A_41 = tpu.memref_slice %arg2[%dma_wait3A_39, %dma_wait3A_40] : memref<8192x256xf32, #tpu.memory_space<hbm>> -> memref<8192x256xf32, #tpu.memory_space<hbm>>
    tpu.wait_indirect_dma semaphore(%arg7 : memref<!tpu.dma_semaphore, #tpu.memory_space<semaphore_mem>>) src(%dma_wait3A_41 : memref<8192x256xf32, #tpu.memory_space<hbm>>) dst(%dma_wait3A_35 : memref<72x256xf32, #tpu.memory_space<vmem>>)
    %dma_wait3A_42 = arith.constant 1 : i32
    %dma_wait3A_43 = arith.constant 1 : i32
    %dma_wait3A_44 = arith.constant 0 : i32
    %dma_wait3A_45 = arith.constant 0 : i32
    %dma_wait3A_46 = tpu.memref_slice %arg6[%dma_wait3A_43, %dma_wait3A_44, %dma_wait3A_45] : memref<2x72x256xf32, #tpu.memory_space<vmem>> -> memref<1x72x256xf32, #tpu.memory_space<vmem>>
    %dma_wait3A_47 = tpu.memref_squeeze %dma_wait3A_46 : memref<1x72x256xf32, #tpu.memory_space<vmem>> -> memref<72x256xf32, #tpu.memory_space<vmem>>
    %dma_wait3A_48 = arith.constant 0 : i32
    %dma_wait3A_49 = tpu.memref_slice %arg5[%dma_wait3A_42, %dma_wait3A_48] : memref<2x72xi32, #tpu.memory_space<vmem>> -> memref<1x72xi32, #tpu.memory_space<vmem>>
    %dma_wait3A_50 = tpu.memref_squeeze %dma_wait3A_49 : memref<1x72xi32, #tpu.memory_space<vmem>> -> memref<72xi32, #tpu.memory_space<vmem>>
    %dma_wait3A_51 = arith.constant 0 : i32
    %dma_wait3A_52 = arith.constant 0 : i32
    %dma_wait3A_53 = tpu.memref_slice %arg2[%dma_wait3A_51, %dma_wait3A_52] : memref<8192x256xf32, #tpu.memory_space<hbm>> -> memref<8192x256xf32, #tpu.memory_space<hbm>>
    tpu.wait_indirect_dma semaphore(%arg7 : memref<!tpu.dma_semaphore, #tpu.memory_space<semaphore_mem>>) src(%dma_wait3A_53 : memref<8192x256xf32, #tpu.memory_space<hbm>>) dst(%dma_wait3A_47 : memref<72x256xf32, #tpu.memory_space<vmem>>)
    %add3A_54 = arith.constant 0 : i32
    %add3A_55 = arith.addi %mul3A_2, %add3A_54 : i32
    %run_scoped3A_56 = arith.constant 0 : i32
    "tpu.region"() ({
      %run_scoped3A_60 = tpu.sem_alloc : memref<!tpu.dma_semaphore, #tpu.memory_space<semaphore_mem>>
      %dma_start3A_61 = arith.constant 0 : i32
      %dma_start3A_62 = arith.constant 0 : i32
      %dma_start3A_63 = tpu.memref_slice %arg6[%run_scoped3A_56, %dma_start3A_61, %dma_start3A_62] : memref<2x72x256xf32, #tpu.memory_space<vmem>> -> memref<1x72x256xf32, #tpu.memory_space<vmem>>
      %dma_start3A_64 = tpu.memref_squeeze %dma_start3A_63 : memref<1x72x256xf32, #tpu.memory_space<vmem>> -> memref<72x256xf32, #tpu.memory_space<vmem>>
      %dma_start3A_65 = arith.constant 0 : i32
      %dma_start3A_66 = tpu.memref_slice %arg4[%add3A_55, %dma_start3A_65] : memref<4608x256xf32, #tpu.memory_space<hbm>> -> memref<72x256xf32, #tpu.memory_space<hbm>>
      %dma_start3A_67 = arith.constant 0 : i32
      %dma_start3A_68 = tpu.memref_slice %arg4[%add3A_55, %dma_start3A_67] : memref<4608x256xf32, #tpu.memory_space<hbm>> -> memref<72x256xf32, #tpu.memory_space<hbm>>
      %dma_start3A_69 = arith.constant 0 : i32
      %dma_start3A_70 = arith.constant 0 : i32
      %dma_start3A_71 = tpu.memref_slice %arg6[%run_scoped3A_56, %dma_start3A_69, %dma_start3A_70] : memref<2x72x256xf32, #tpu.memory_space<vmem>> -> memref<1x72x256xf32, #tpu.memory_space<vmem>>
      %dma_start3A_72 = tpu.memref_squeeze %dma_start3A_71 : memref<1x72x256xf32, #tpu.memory_space<vmem>> -> memref<72x256xf32, #tpu.memory_space<vmem>>
      tpu.enqueue_dma source(%dma_start3A_72 : memref<72x256xf32, #tpu.memory_space<vmem>>) target(%dma_start3A_68 : memref<72x256xf32, #tpu.memory_space<hbm>>) target_semaphore(%run_scoped3A_60 : memref<!tpu.dma_semaphore, #tpu.memory_space<semaphore_mem>>)
      %dma_wait3A_73 = arith.constant 0 : i32
      %dma_wait3A_74 = arith.constant 0 : i32
      %dma_wait3A_75 = tpu.memref_slice %arg6[%run_scoped3A_56, %dma_wait3A_73, %dma_wait3A_74] : memref<2x72x256xf32, #tpu.memory_space<vmem>> -> memref<1x72x256xf32, #tpu.memory_space<vmem>>
      %dma_wait3A_76 = tpu.memref_squeeze %dma_wait3A_75 : memref<1x72x256xf32, #tpu.memory_space<vmem>> -> memref<72x256xf32, #tpu.memory_space<vmem>>
      %dma_wait3A_77 = arith.constant 0 : i32
      %dma_wait3A_78 = tpu.memref_slice %arg4[%add3A_55, %dma_wait3A_77] : memref<4608x256xf32, #tpu.memory_space<hbm>> -> memref<72x256xf32, #tpu.memory_space<hbm>>
      %dma_wait3A_79 = arith.constant 0 : i32
      %dma_wait3A_80 = tpu.memref_slice %arg4[%add3A_55, %dma_wait3A_79] : memref<4608x256xf32, #tpu.memory_space<hbm>> -> memref<72x256xf32, #tpu.memory_space<hbm>>
      %dma_wait3A_81 = arith.constant 0 : i32
      %dma_wait3A_82 = arith.constant 0 : i32
      %dma_wait3A_83 = tpu.memref_slice %arg6[%run_scoped3A_56, %dma_wait3A_81, %dma_wait3A_82] : memref<2x72x256xf32, #tpu.memory_space<vmem>> -> memref<1x72x256xf32, #tpu.memory_space<vmem>>
      %dma_wait3A_84 = tpu.memref_squeeze %dma_wait3A_83 : memref<1x72x256xf32, #tpu.memory_space<vmem>> -> memref<72x256xf32, #tpu.memory_space<vmem>>
      tpu.wait_dma2 semaphore(%run_scoped3A_60 : memref<!tpu.dma_semaphore, #tpu.memory_space<semaphore_mem>>) src(%dma_wait3A_84 : memref<72x256xf32, #tpu.memory_space<vmem>>) dst(%dma_wait3A_80 : memref<72x256xf32, #tpu.memory_space<hbm>>)
      tpu.yield
    }) : () -> ()
    %add3A_57 = arith.constant 72 : i32
    %add3A_58 = arith.addi %mul3A_2, %add3A_57 : i32
    %run_scoped3A_59 = arith.constant 1 : i32
    "tpu.region"() ({
      %run_scoped3A_60 = tpu.sem_alloc : memref<!tpu.dma_semaphore, #tpu.memory_space<semaphore_mem>>
      %dma_start3A_61 = arith.constant 0 : i32
      %dma_start3A_62 = arith.constant 0 : i32
      %dma_start3A_63 = tpu.memref_slice %arg6[%run_scoped3A_59, %dma_start3A_61, %dma_start3A_62] : memref<2x72x256xf32, #tpu.memory_space<vmem>> -> memref<1x72x256xf32, #tpu.memory_space<vmem>>
      %dma_start3A_64 = tpu.memref_squeeze %dma_start3A_63 : memref<1x72x256xf32, #tpu.memory_space<vmem>> -> memref<72x256xf32, #tpu.memory_space<vmem>>
      %dma_start3A_65 = arith.constant 0 : i32
      %dma_start3A_66 = tpu.memref_slice %arg4[%add3A_58, %dma_start3A_65] : memref<4608x256xf32, #tpu.memory_space<hbm>> -> memref<72x256xf32, #tpu.memory_space<hbm>>
      %dma_start3A_67 = arith.constant 0 : i32
      %dma_start3A_68 = tpu.memref_slice %arg4[%add3A_58, %dma_start3A_67] : memref<4608x256xf32, #tpu.memory_space<hbm>> -> memref<72x256xf32, #tpu.memory_space<hbm>>
      %dma_start3A_69 = arith.constant 0 : i32
      %dma_start3A_70 = arith.constant 0 : i32
      %dma_start3A_71 = tpu.memref_slice %arg6[%run_scoped3A_59, %dma_start3A_69, %dma_start3A_70] : memref<2x72x256xf32, #tpu.memory_space<vmem>> -> memref<1x72x256xf32, #tpu.memory_space<vmem>>
      %dma_start3A_72 = tpu.memref_squeeze %dma_start3A_71 : memref<1x72x256xf32, #tpu.memory_space<vmem>> -> memref<72x256xf32, #tpu.memory_space<vmem>>
      tpu.enqueue_dma source(%dma_start3A_72 : memref<72x256xf32, #tpu.memory_space<vmem>>) target(%dma_start3A_68 : memref<72x256xf32, #tpu.memory_space<hbm>>) target_semaphore(%run_scoped3A_60 : memref<!tpu.dma_semaphore, #tpu.memory_space<semaphore_mem>>)
      %dma_wait3A_73 = arith.constant 0 : i32
      %dma_wait3A_74 = arith.constant 0 : i32
      %dma_wait3A_75 = tpu.memref_slice %arg6[%run_scoped3A_59, %dma_wait3A_73, %dma_wait3A_74] : memref<2x72x256xf32, #tpu.memory_space<vmem>> -> memref<1x72x256xf32, #tpu.memory_space<vmem>>
      %dma_wait3A_76 = tpu.memref_squeeze %dma_wait3A_75 : memref<1x72x256xf32, #tpu.memory_space<vmem>> -> memref<72x256xf32, #tpu.memory_space<vmem>>
      %dma_wait3A_77 = arith.constant 0 : i32
      %dma_wait3A_78 = tpu.memref_slice %arg4[%add3A_58, %dma_wait3A_77] : memref<4608x256xf32, #tpu.memory_space<hbm>> -> memref<72x256xf32, #tpu.memory_space<hbm>>
      %dma_wait3A_79 = arith.constant 0 : i32
      %dma_wait3A_80 = tpu.memref_slice %arg4[%add3A_58, %dma_wait3A_79] : memref<4608x256xf32, #tpu.memory_space<hbm>> -> memref<72x256xf32, #tpu.memory_space<hbm>>
      %dma_wait3A_81 = arith.constant 0 : i32
      %dma_wait3A_82 = arith.constant 0 : i32
      %dma_wait3A_83 = tpu.memref_slice %arg6[%run_scoped3A_59, %dma_wait3A_81, %dma_wait3A_82] : memref<2x72x256xf32, #tpu.memory_space<vmem>> -> memref<1x72x256xf32, #tpu.memory_space<vmem>>
      %dma_wait3A_84 = tpu.memref_squeeze %dma_wait3A_83 : memref<1x72x256xf32, #tpu.memory_space<vmem>> -> memref<72x256xf32, #tpu.memory_space<vmem>>
      tpu.wait_dma2 semaphore(%run_scoped3A_60 : memref<!tpu.dma_semaphore, #tpu.memory_space<semaphore_mem>>) src(%dma_wait3A_84 : memref<72x256xf32, #tpu.memory_space<vmem>>) dst(%dma_wait3A_80 : memref<72x256xf32, #tpu.memory_space<hbm>>)
      tpu.yield
    }) : () -> ()
    return
  }
}

#map = affine_map<(d0, d1) -> (0, 0)>
#map1 = affine_map<(d0, d1) -> (0)>
module attributes {stable_mosaic.version = 14 : i64} {
  func.func @gather_k(%arg0: i32, %arg1: i32, %arg2: memref<8192x256xf32, #tpu.memory_space<hbm>>, %arg3: memref<4608xi32, #tpu.memory_space<hbm>>, %arg4: memref<4608x256xf32, #tpu.memory_space<hbm>>, %arg5: memref<2x72xi32, #tpu.memory_space<vmem>>, %arg6: memref<2x72x256xf32, #tpu.memory_space<vmem>>, %arg7: memref<!tpu.dma_semaphore, #tpu.memory_space<semaphore_mem>>) attributes {dimension_semantics = [#tpu.dimension_semantics<core_parallel>, #tpu.dimension_semantics<subcore_parallel>], iteration_bounds = array<i64: 2, 16>, scalar_prefetch = 0 : i64, scratch_operands = 3 : i64, tpu.core_type = #tpu.core_type<sc_vector_subcore>, window_params = [{transform_indices = #map}, {transform_indices = #map1}, {transform_indices = #map}]} {
    %mul3A = arith.constant 2 : i32
    %mul3A_0 = arith.muli %arg1, %mul3A : i32
    %add3A = arith.addi %mul3A_0, %arg0 : i32
    %mul3A_1 = arith.constant 144 : i32
    %mul3A_2 = arith.muli %add3A, %mul3A_1 : i32
    %add3A_3 = arith.constant 0 : i32
    %add3A_4 = arith.addi %mul3A_2, %add3A_3 : i32
    %run_scoped3A = arith.constant 0 : i32
    "tpu.region"() ({
      %run_scoped3A_60 = tpu.sem_alloc : memref<!tpu.dma_semaphore, #tpu.memory_space<semaphore_mem>>
      %dma_start3A_61 = arith.constant 0 : i32
      %dma_start3A_62 = tpu.memref_slice %arg5[%run_scoped3A, %dma_start3A_61] : memref<2x72xi32, #tpu.memory_space<vmem>> -> memref<1x72xi32, #tpu.memory_space<vmem>>
      %dma_start3A_63 = tpu.memref_squeeze %dma_start3A_62 : memref<1x72xi32, #tpu.memory_space<vmem>> -> memref<72xi32, #tpu.memory_space<vmem>>
      %dma_start3A_64 = tpu.memref_slice %arg3[%add3A_4] : memref<4608xi32, #tpu.memory_space<hbm>> -> memref<72xi32, #tpu.memory_space<hbm>>
      %dma_start3A_65 = arith.constant 0 : i32
      %dma_start3A_66 = tpu.memref_slice %arg5[%run_scoped3A, %dma_start3A_65] : memref<2x72xi32, #tpu.memory_space<vmem>> -> memref<1x72xi32, #tpu.memory_space<vmem>>
      %dma_start3A_67 = tpu.memref_squeeze %dma_start3A_66 : memref<1x72xi32, #tpu.memory_space<vmem>> -> memref<72xi32, #tpu.memory_space<vmem>>
      %dma_start3A_68 = tpu.memref_slice %arg3[%add3A_4] : memref<4608xi32, #tpu.memory_space<hbm>> -> memref<72xi32, #tpu.memory_space<hbm>>
      tpu.enqueue_dma source(%dma_start3A_68 : memref<72xi32, #tpu.memory_space<hbm>>) target(%dma_start3A_67 : memref<72xi32, #tpu.memory_space<vmem>>) target_semaphore(%run_scoped3A_60 : memref<!tpu.dma_semaphore, #tpu.memory_space<semaphore_mem>>)
      %dma_wait3A_69 = arith.constant 0 : i32
      %dma_wait3A_70 = tpu.memref_slice %arg5[%run_scoped3A, %dma_wait3A_69] : memref<2x72xi32, #tpu.memory_space<vmem>> -> memref<1x72xi32, #tpu.memory_space<vmem>>
      %dma_wait3A_71 = tpu.memref_squeeze %dma_wait3A_70 : memref<1x72xi32, #tpu.memory_space<vmem>> -> memref<72xi32, #tpu.memory_space<vmem>>
      %dma_wait3A_72 = tpu.memref_slice %arg3[%add3A_4] : memref<4608xi32, #tpu.memory_space<hbm>> -> memref<72xi32, #tpu.memory_space<hbm>>
      %dma_wait3A_73 = arith.constant 0 : i32
      %dma_wait3A_74 = tpu.memref_slice %arg5[%run_scoped3A, %dma_wait3A_73] : memref<2x72xi32, #tpu.memory_space<vmem>> -> memref<1x72xi32, #tpu.memory_space<vmem>>
      %dma_wait3A_75 = tpu.memref_squeeze %dma_wait3A_74 : memref<1x72xi32, #tpu.memory_space<vmem>> -> memref<72xi32, #tpu.memory_space<vmem>>
      %dma_wait3A_76 = tpu.memref_slice %arg3[%add3A_4] : memref<4608xi32, #tpu.memory_space<hbm>> -> memref<72xi32, #tpu.memory_space<hbm>>
      tpu.wait_dma2 semaphore(%run_scoped3A_60 : memref<!tpu.dma_semaphore, #tpu.memory_space<semaphore_mem>>) src(%dma_wait3A_76 : memref<72xi32, #tpu.memory_space<hbm>>) dst(%dma_wait3A_75 : memref<72xi32, #tpu.memory_space<vmem>>)
      tpu.yield
    }) : () -> ()
    %add3A_5 = arith.constant 72 : i32
    %add3A_6 = arith.addi %mul3A_2, %add3A_5 : i32
    %run_scoped3A_7 = arith.constant 1 : i32
    "tpu.region"() ({
      %run_scoped3A_60 = tpu.sem_alloc : memref<!tpu.dma_semaphore, #tpu.memory_space<semaphore_mem>>
      %dma_start3A_61 = arith.constant 0 : i32
      %dma_start3A_62 = tpu.memref_slice %arg5[%run_scoped3A_7, %dma_start3A_61] : memref<2x72xi32, #tpu.memory_space<vmem>> -> memref<1x72xi32, #tpu.memory_space<vmem>>
      %dma_start3A_63 = tpu.memref_squeeze %dma_start3A_62 : memref<1x72xi32, #tpu.memory_space<vmem>> -> memref<72xi32, #tpu.memory_space<vmem>>
      %dma_start3A_64 = tpu.memref_slice %arg3[%add3A_6] : memref<4608xi32, #tpu.memory_space<hbm>> -> memref<72xi32, #tpu.memory_space<hbm>>
      %dma_start3A_65 = arith.constant 0 : i32
      %dma_start3A_66 = tpu.memref_slice %arg5[%run_scoped3A_7, %dma_start3A_65] : memref<2x72xi32, #tpu.memory_space<vmem>> -> memref<1x72xi32, #tpu.memory_space<vmem>>
      %dma_start3A_67 = tpu.memref_squeeze %dma_start3A_66 : memref<1x72xi32, #tpu.memory_space<vmem>> -> memref<72xi32, #tpu.memory_space<vmem>>
      %dma_start3A_68 = tpu.memref_slice %arg3[%add3A_6] : memref<4608xi32, #tpu.memory_space<hbm>> -> memref<72xi32, #tpu.memory_space<hbm>>
      tpu.enqueue_dma source(%dma_start3A_68 : memref<72xi32, #tpu.memory_space<hbm>>) target(%dma_start3A_67 : memref<72xi32, #tpu.memory_space<vmem>>) target_semaphore(%run_scoped3A_60 : memref<!tpu.dma_semaphore, #tpu.memory_space<semaphore_mem>>)
      %dma_wait3A_69 = arith.constant 0 : i32
      %dma_wait3A_70 = tpu.memref_slice %arg5[%run_scoped3A_7, %dma_wait3A_69] : memref<2x72xi32, #tpu.memory_space<vmem>> -> memref<1x72xi32, #tpu.memory_space<vmem>>
      %dma_wait3A_71 = tpu.memref_squeeze %dma_wait3A_70 : memref<1x72xi32, #tpu.memory_space<vmem>> -> memref<72xi32, #tpu.memory_space<vmem>>
      %dma_wait3A_72 = tpu.memref_slice %arg3[%add3A_6] : memref<4608xi32, #tpu.memory_space<hbm>> -> memref<72xi32, #tpu.memory_space<hbm>>
      %dma_wait3A_73 = arith.constant 0 : i32
      %dma_wait3A_74 = tpu.memref_slice %arg5[%run_scoped3A_7, %dma_wait3A_73] : memref<2x72xi32, #tpu.memory_space<vmem>> -> memref<1x72xi32, #tpu.memory_space<vmem>>
      %dma_wait3A_75 = tpu.memref_squeeze %dma_wait3A_74 : memref<1x72xi32, #tpu.memory_space<vmem>> -> memref<72xi32, #tpu.memory_space<vmem>>
      %dma_wait3A_76 = tpu.memref_slice %arg3[%add3A_6] : memref<4608xi32, #tpu.memory_space<hbm>> -> memref<72xi32, #tpu.memory_space<hbm>>
      tpu.wait_dma2 semaphore(%run_scoped3A_60 : memref<!tpu.dma_semaphore, #tpu.memory_space<semaphore_mem>>) src(%dma_wait3A_76 : memref<72xi32, #tpu.memory_space<hbm>>) dst(%dma_wait3A_75 : memref<72xi32, #tpu.memory_space<vmem>>)
      tpu.yield
    }) : () -> ()
    %dma_start3A = arith.constant 0 : i32
    %dma_start3A_8 = arith.constant 0 : i32
    %dma_start3A_9 = arith.constant 0 : i32
    %dma_start3A_10 = arith.constant 0 : i32
    %dma_start3A_11 = tpu.memref_slice %arg6[%dma_start3A_8, %dma_start3A_9, %dma_start3A_10] : memref<2x72x256xf32, #tpu.memory_space<vmem>> -> memref<1x72x256xf32, #tpu.memory_space<vmem>>
    %dma_start3A_12 = tpu.memref_squeeze %dma_start3A_11 : memref<1x72x256xf32, #tpu.memory_space<vmem>> -> memref<72x256xf32, #tpu.memory_space<vmem>>
    %dma_start3A_13 = arith.constant 0 : i32
    %dma_start3A_14 = tpu.memref_slice %arg5[%dma_start3A, %dma_start3A_13] : memref<2x72xi32, #tpu.memory_space<vmem>> -> memref<1x72xi32, #tpu.memory_space<vmem>>
    %dma_start3A_15 = tpu.memref_squeeze %dma_start3A_14 : memref<1x72xi32, #tpu.memory_space<vmem>> -> memref<72xi32, #tpu.memory_space<vmem>>
    %dma_start3A_16 = arith.constant 0 : i32
    %dma_start3A_17 = arith.constant 0 : i32
    %dma_start3A_18 = tpu.memref_slice %arg2[%dma_start3A_16, %dma_start3A_17] : memref<8192x256xf32, #tpu.memory_space<hbm>> -> memref<8192x256xf32, #tpu.memory_space<hbm>>
    tpu.enqueue_indirect_dma source(%dma_start3A_18 : memref<8192x256xf32, #tpu.memory_space<hbm>>) target(%dma_start3A_12 : memref<72x256xf32, #tpu.memory_space<vmem>>) offsets(%dma_start3A_15 : memref<72xi32, #tpu.memory_space<vmem>>) semaphore(%arg7 : memref<!tpu.dma_semaphore, #tpu.memory_space<semaphore_mem>>)
    %dma_start3A_19 = arith.constant 1 : i32
    %dma_start3A_20 = arith.constant 1 : i32
    %dma_start3A_21 = arith.constant 0 : i32
    %dma_start3A_22 = arith.constant 0 : i32
    %dma_start3A_23 = tpu.memref_slice %arg6[%dma_start3A_20, %dma_start3A_21, %dma_start3A_22] : memref<2x72x256xf32, #tpu.memory_space<vmem>> -> memref<1x72x256xf32, #tpu.memory_space<vmem>>
    %dma_start3A_24 = tpu.memref_squeeze %dma_start3A_23 : memref<1x72x256xf32, #tpu.memory_space<vmem>> -> memref<72x256xf32, #tpu.memory_space<vmem>>
    %dma_start3A_25 = arith.constant 0 : i32
    %dma_start3A_26 = tpu.memref_slice %arg5[%dma_start3A_19, %dma_start3A_25] : memref<2x72xi32, #tpu.memory_space<vmem>> -> memref<1x72xi32, #tpu.memory_space<vmem>>
    %dma_start3A_27 = tpu.memref_squeeze %dma_start3A_26 : memref<1x72xi32, #tpu.memory_space<vmem>> -> memref<72xi32, #tpu.memory_space<vmem>>
    %dma_start3A_28 = arith.constant 0 : i32
    %dma_start3A_29 = arith.constant 0 : i32
    %dma_start3A_30 = tpu.memref_slice %arg2[%dma_start3A_28, %dma_start3A_29] : memref<8192x256xf32, #tpu.memory_space<hbm>> -> memref<8192x256xf32, #tpu.memory_space<hbm>>
    tpu.enqueue_indirect_dma source(%dma_start3A_30 : memref<8192x256xf32, #tpu.memory_space<hbm>>) target(%dma_start3A_24 : memref<72x256xf32, #tpu.memory_space<vmem>>) offsets(%dma_start3A_27 : memref<72xi32, #tpu.memory_space<vmem>>) semaphore(%arg7 : memref<!tpu.dma_semaphore, #tpu.memory_space<semaphore_mem>>)
    %dma_wait3A = arith.constant 0 : i32
    %dma_wait3A_31 = arith.constant 0 : i32
    %dma_wait3A_32 = arith.constant 0 : i32
    %dma_wait3A_33 = arith.constant 0 : i32
    %dma_wait3A_34 = tpu.memref_slice %arg6[%dma_wait3A_31, %dma_wait3A_32, %dma_wait3A_33] : memref<2x72x256xf32, #tpu.memory_space<vmem>> -> memref<1x72x256xf32, #tpu.memory_space<vmem>>
    %dma_wait3A_35 = tpu.memref_squeeze %dma_wait3A_34 : memref<1x72x256xf32, #tpu.memory_space<vmem>> -> memref<72x256xf32, #tpu.memory_space<vmem>>
    %dma_wait3A_36 = arith.constant 0 : i32
    %dma_wait3A_37 = tpu.memref_slice %arg5[%dma_wait3A, %dma_wait3A_36] : memref<2x72xi32, #tpu.memory_space<vmem>> -> memref<1x72xi32, #tpu.memory_space<vmem>>
    %dma_wait3A_38 = tpu.memref_squeeze %dma_wait3A_37 : memref<1x72xi32, #tpu.memory_space<vmem>> -> memref<72xi32, #tpu.memory_space<vmem>>
    %dma_wait3A_39 = arith.constant 0 : i32
    %dma_wait3A_40 = arith.constant 0 : i32
    %dma_wait3A_41 = tpu.memref_slice %arg2[%dma_wait3A_39, %dma_wait3A_40] : memref<8192x256xf32, #tpu.memory_space<hbm>> -> memref<8192x256xf32, #tpu.memory_space<hbm>>
    tpu.wait_indirect_dma semaphore(%arg7 : memref<!tpu.dma_semaphore, #tpu.memory_space<semaphore_mem>>) src(%dma_wait3A_41 : memref<8192x256xf32, #tpu.memory_space<hbm>>) dst(%dma_wait3A_35 : memref<72x256xf32, #tpu.memory_space<vmem>>)
    %dma_wait3A_42 = arith.constant 1 : i32
    %dma_wait3A_43 = arith.constant 1 : i32
    %dma_wait3A_44 = arith.constant 0 : i32
    %dma_wait3A_45 = arith.constant 0 : i32
    %dma_wait3A_46 = tpu.memref_slice %arg6[%dma_wait3A_43, %dma_wait3A_44, %dma_wait3A_45] : memref<2x72x256xf32, #tpu.memory_space<vmem>> -> memref<1x72x256xf32, #tpu.memory_space<vmem>>
    %dma_wait3A_47 = tpu.memref_squeeze %dma_wait3A_46 : memref<1x72x256xf32, #tpu.memory_space<vmem>> -> memref<72x256xf32, #tpu.memory_space<vmem>>
    %dma_wait3A_48 = arith.constant 0 : i32
    %dma_wait3A_49 = tpu.memref_slice %arg5[%dma_wait3A_42, %dma_wait3A_48] : memref<2x72xi32, #tpu.memory_space<vmem>> -> memref<1x72xi32, #tpu.memory_space<vmem>>
    %dma_wait3A_50 = tpu.memref_squeeze %dma_wait3A_49 : memref<1x72xi32, #tpu.memory_space<vmem>> -> memref<72xi32, #tpu.memory_space<vmem>>
    %dma_wait3A_51 = arith.constant 0 : i32
    %dma_wait3A_52 = arith.constant 0 : i32
    %dma_wait3A_53 = tpu.memref_slice %arg2[%dma_wait3A_51, %dma_wait3A_52] : memref<8192x256xf32, #tpu.memory_space<hbm>> -> memref<8192x256xf32, #tpu.memory_space<hbm>>
    tpu.wait_indirect_dma semaphore(%arg7 : memref<!tpu.dma_semaphore, #tpu.memory_space<semaphore_mem>>) src(%dma_wait3A_53 : memref<8192x256xf32, #tpu.memory_space<hbm>>) dst(%dma_wait3A_47 : memref<72x256xf32, #tpu.memory_space<vmem>>)
    %add3A_54 = arith.constant 0 : i32
    %add3A_55 = arith.addi %mul3A_2, %add3A_54 : i32
    %run_scoped3A_56 = arith.constant 0 : i32
    "tpu.region"() ({
      %run_scoped3A_60 = tpu.sem_alloc : memref<!tpu.dma_semaphore, #tpu.memory_space<semaphore_mem>>
      %dma_start3A_61 = arith.constant 0 : i32
      %dma_start3A_62 = arith.constant 0 : i32
      %dma_start3A_63 = tpu.memref_slice %arg6[%run_scoped3A_56, %dma_start3A_61, %dma_start3A_62] : memref<2x72x256xf32, #tpu.memory_space<vmem>> -> memref<1x72x256xf32, #tpu.memory_space<vmem>>
      %dma_start3A_64 = tpu.memref_squeeze %dma_start3A_63 : memref<1x72x256xf32, #tpu.memory_space<vmem>> -> memref<72x256xf32, #tpu.memory_space<vmem>>
      %dma_start3A_65 = arith.constant 0 : i32
      %dma_start3A_66 = tpu.memref_slice %arg4[%add3A_55, %dma_start3A_65] : memref<4608x256xf32, #tpu.memory_space<hbm>> -> memref<72x256xf32, #tpu.memory_space<hbm>>
      %dma_start3A_67 = arith.constant 0 : i32
      %dma_start3A_68 = tpu.memref_slice %arg4[%add3A_55, %dma_start3A_67] : memref<4608x256xf32, #tpu.memory_space<hbm>> -> memref<72x256xf32, #tpu.memory_space<hbm>>
      %dma_start3A_69 = arith.constant 0 : i32
      %dma_start3A_70 = arith.constant 0 : i32
      %dma_start3A_71 = tpu.memref_slice %arg6[%run_scoped3A_56, %dma_start3A_69, %dma_start3A_70] : memref<2x72x256xf32, #tpu.memory_space<vmem>> -> memref<1x72x256xf32, #tpu.memory_space<vmem>>
      %dma_start3A_72 = tpu.memref_squeeze %dma_start3A_71 : memref<1x72x256xf32, #tpu.memory_space<vmem>> -> memref<72x256xf32, #tpu.memory_space<vmem>>
      tpu.enqueue_dma source(%dma_start3A_72 : memref<72x256xf32, #tpu.memory_space<vmem>>) target(%dma_start3A_68 : memref<72x256xf32, #tpu.memory_space<hbm>>) target_semaphore(%run_scoped3A_60 : memref<!tpu.dma_semaphore, #tpu.memory_space<semaphore_mem>>)
      %dma_wait3A_73 = arith.constant 0 : i32
      %dma_wait3A_74 = arith.constant 0 : i32
      %dma_wait3A_75 = tpu.memref_slice %arg6[%run_scoped3A_56, %dma_wait3A_73, %dma_wait3A_74] : memref<2x72x256xf32, #tpu.memory_space<vmem>> -> memref<1x72x256xf32, #tpu.memory_space<vmem>>
      %dma_wait3A_76 = tpu.memref_squeeze %dma_wait3A_75 : memref<1x72x256xf32, #tpu.memory_space<vmem>> -> memref<72x256xf32, #tpu.memory_space<vmem>>
      %dma_wait3A_77 = arith.constant 0 : i32
      %dma_wait3A_78 = tpu.memref_slice %arg4[%add3A_55, %dma_wait3A_77] : memref<4608x256xf32, #tpu.memory_space<hbm>> -> memref<72x256xf32, #tpu.memory_space<hbm>>
      %dma_wait3A_79 = arith.constant 0 : i32
      %dma_wait3A_80 = tpu.memref_slice %arg4[%add3A_55, %dma_wait3A_79] : memref<4608x256xf32, #tpu.memory_space<hbm>> -> memref<72x256xf32, #tpu.memory_space<hbm>>
      %dma_wait3A_81 = arith.constant 0 : i32
      %dma_wait3A_82 = arith.constant 0 : i32
      %dma_wait3A_83 = tpu.memref_slice %arg6[%run_scoped3A_56, %dma_wait3A_81, %dma_wait3A_82] : memref<2x72x256xf32, #tpu.memory_space<vmem>> -> memref<1x72x256xf32, #tpu.memory_space<vmem>>
      %dma_wait3A_84 = tpu.memref_squeeze %dma_wait3A_83 : memref<1x72x256xf32, #tpu.memory_space<vmem>> -> memref<72x256xf32, #tpu.memory_space<vmem>>
      tpu.wait_dma2 semaphore(%run_scoped3A_60 : memref<!tpu.dma_semaphore, #tpu.memory_space<semaphore_mem>>) src(%dma_wait3A_84 : memref<72x256xf32, #tpu.memory_space<vmem>>) dst(%dma_wait3A_80 : memref<72x256xf32, #tpu.memory_space<hbm>>)
      tpu.yield
    }) : () -> ()
    %add3A_57 = arith.constant 72 : i32
    %add3A_58 = arith.addi %mul3A_2, %add3A_57 : i32
    %run_scoped3A_59 = arith.constant 1 : i32
    "tpu.region"() ({
      %run_scoped3A_60 = tpu.sem_alloc : memref<!tpu.dma_semaphore, #tpu.memory_space<semaphore_mem>>
      %dma_start3A_61 = arith.constant 0 : i32
      %dma_start3A_62 = arith.constant 0 : i32
      %dma_start3A_63 = tpu.memref_slice %arg6[%run_scoped3A_59, %dma_start3A_61, %dma_start3A_62] : memref<2x72x256xf32, #tpu.memory_space<vmem>> -> memref<1x72x256xf32, #tpu.memory_space<vmem>>
      %dma_start3A_64 = tpu.memref_squeeze %dma_start3A_63 : memref<1x72x256xf32, #tpu.memory_space<vmem>> -> memref<72x256xf32, #tpu.memory_space<vmem>>
      %dma_start3A_65 = arith.constant 0 : i32
      %dma_start3A_66 = tpu.memref_slice %arg4[%add3A_58, %dma_start3A_65] : memref<4608x256xf32, #tpu.memory_space<hbm>> -> memref<72x256xf32, #tpu.memory_space<hbm>>
      %dma_start3A_67 = arith.constant 0 : i32
      %dma_start3A_68 = tpu.memref_slice %arg4[%add3A_58, %dma_start3A_67] : memref<4608x256xf32, #tpu.memory_space<hbm>> -> memref<72x256xf32, #tpu.memory_space<hbm>>
      %dma_start3A_69 = arith.constant 0 : i32
      %dma_start3A_70 = arith.constant 0 : i32
      %dma_start3A_71 = tpu.memref_slice %arg6[%run_scoped3A_59, %dma_start3A_69, %dma_start3A_70] : memref<2x72x256xf32, #tpu.memory_space<vmem>> -> memref<1x72x256xf32, #tpu.memory_space<vmem>>
      %dma_start3A_72 = tpu.memref_squeeze %dma_start3A_71 : memref<1x72x256xf32, #tpu.memory_space<vmem>> -> memref<72x256xf32, #tpu.memory_space<vmem>>
      tpu.enqueue_dma source(%dma_start3A_72 : memref<72x256xf32, #tpu.memory_space<vmem>>) target(%dma_start3A_68 : memref<72x256xf32, #tpu.memory_space<hbm>>) target_semaphore(%run_scoped3A_60 : memref<!tpu.dma_semaphore, #tpu.memory_space<semaphore_mem>>)
      %dma_wait3A_73 = arith.constant 0 : i32
      %dma_wait3A_74 = arith.constant 0 : i32
      %dma_wait3A_75 = tpu.memref_slice %arg6[%run_scoped3A_59, %dma_wait3A_73, %dma_wait3A_74] : memref<2x72x256xf32, #tpu.memory_space<vmem>> -> memref<1x72x256xf32, #tpu.memory_space<vmem>>
      %dma_wait3A_76 = tpu.memref_squeeze %dma_wait3A_75 : memref<1x72x256xf32, #tpu.memory_space<vmem>> -> memref<72x256xf32, #tpu.memory_space<vmem>>
      %dma_wait3A_77 = arith.constant 0 : i32
      %dma_wait3A_78 = tpu.memref_slice %arg4[%add3A_58, %dma_wait3A_77] : memref<4608x256xf32, #tpu.memory_space<hbm>> -> memref<72x256xf32, #tpu.memory_space<hbm>>
      %dma_wait3A_79 = arith.constant 0 : i32
      %dma_wait3A_80 = tpu.memref_slice %arg4[%add3A_58, %dma_wait3A_79] : memref<4608x256xf32, #tpu.memory_space<hbm>> -> memref<72x256xf32, #tpu.memory_space<hbm>>
      %dma_wait3A_81 = arith.constant 0 : i32
      %dma_wait3A_82 = arith.constant 0 : i32
      %dma_wait3A_83 = tpu.memref_slice %arg6[%run_scoped3A_59, %dma_wait3A_81, %dma_wait3A_82] : memref<2x72x256xf32, #tpu.memory_space<vmem>> -> memref<1x72x256xf32, #tpu.memory_space<vmem>>
      %dma_wait3A_84 = tpu.memref_squeeze %dma_wait3A_83 : memref<1x72x256xf32, #tpu.memory_space<vmem>> -> memref<72x256xf32, #tpu.memory_space<vmem>>
      tpu.wait_dma2 semaphore(%run_scoped3A_60 : memref<!tpu.dma_semaphore, #tpu.memory_space<semaphore_mem>>) src(%dma_wait3A_84 : memref<72x256xf32, #tpu.memory_space<vmem>>) dst(%dma_wait3A_80 : memref<72x256xf32, #tpu.memory_space<hbm>>)
      tpu.yield
    }) : () -> ()
    return
  }
}

#map = affine_map<(d0, d1) -> (0, 0)>
#map1 = affine_map<(d0, d1) -> (0)>
module attributes {stable_mosaic.version = 14 : i64} {
  func.func @gather_k(%arg0: i32, %arg1: i32, %arg2: memref<8192x256xf32, #tpu.memory_space<hbm>>, %arg3: memref<4608xi32, #tpu.memory_space<hbm>>, %arg4: memref<4608x256xf32, #tpu.memory_space<hbm>>, %arg5: memref<2x72xi32, #tpu.memory_space<vmem>>, %arg6: memref<2x72x256xf32, #tpu.memory_space<vmem>>, %arg7: memref<!tpu.dma_semaphore, #tpu.memory_space<semaphore_mem>>) attributes {dimension_semantics = [#tpu.dimension_semantics<core_parallel>, #tpu.dimension_semantics<subcore_parallel>], iteration_bounds = array<i64: 2, 16>, scalar_prefetch = 0 : i64, scratch_operands = 3 : i64, tpu.core_type = #tpu.core_type<sc_vector_subcore>, window_params = [{transform_indices = #map}, {transform_indices = #map1}, {transform_indices = #map}]} {
    %mul3A = arith.constant 2 : i32
    %mul3A_0 = arith.muli %arg1, %mul3A : i32
    %add3A = arith.addi %mul3A_0, %arg0 : i32
    %mul3A_1 = arith.constant 144 : i32
    %mul3A_2 = arith.muli %add3A, %mul3A_1 : i32
    %add3A_3 = arith.constant 0 : i32
    %add3A_4 = arith.addi %mul3A_2, %add3A_3 : i32
    %run_scoped3A = arith.constant 0 : i32
    "tpu.region"() ({
      %run_scoped3A_60 = tpu.sem_alloc : memref<!tpu.dma_semaphore, #tpu.memory_space<semaphore_mem>>
      %dma_start3A_61 = arith.constant 0 : i32
      %dma_start3A_62 = tpu.memref_slice %arg5[%run_scoped3A, %dma_start3A_61] : memref<2x72xi32, #tpu.memory_space<vmem>> -> memref<1x72xi32, #tpu.memory_space<vmem>>
      %dma_start3A_63 = tpu.memref_squeeze %dma_start3A_62 : memref<1x72xi32, #tpu.memory_space<vmem>> -> memref<72xi32, #tpu.memory_space<vmem>>
      %dma_start3A_64 = tpu.memref_slice %arg3[%add3A_4] : memref<4608xi32, #tpu.memory_space<hbm>> -> memref<72xi32, #tpu.memory_space<hbm>>
      %dma_start3A_65 = arith.constant 0 : i32
      %dma_start3A_66 = tpu.memref_slice %arg5[%run_scoped3A, %dma_start3A_65] : memref<2x72xi32, #tpu.memory_space<vmem>> -> memref<1x72xi32, #tpu.memory_space<vmem>>
      %dma_start3A_67 = tpu.memref_squeeze %dma_start3A_66 : memref<1x72xi32, #tpu.memory_space<vmem>> -> memref<72xi32, #tpu.memory_space<vmem>>
      %dma_start3A_68 = tpu.memref_slice %arg3[%add3A_4] : memref<4608xi32, #tpu.memory_space<hbm>> -> memref<72xi32, #tpu.memory_space<hbm>>
      tpu.enqueue_dma source(%dma_start3A_68 : memref<72xi32, #tpu.memory_space<hbm>>) target(%dma_start3A_67 : memref<72xi32, #tpu.memory_space<vmem>>) target_semaphore(%run_scoped3A_60 : memref<!tpu.dma_semaphore, #tpu.memory_space<semaphore_mem>>)
      %dma_wait3A_69 = arith.constant 0 : i32
      %dma_wait3A_70 = tpu.memref_slice %arg5[%run_scoped3A, %dma_wait3A_69] : memref<2x72xi32, #tpu.memory_space<vmem>> -> memref<1x72xi32, #tpu.memory_space<vmem>>
      %dma_wait3A_71 = tpu.memref_squeeze %dma_wait3A_70 : memref<1x72xi32, #tpu.memory_space<vmem>> -> memref<72xi32, #tpu.memory_space<vmem>>
      %dma_wait3A_72 = tpu.memref_slice %arg3[%add3A_4] : memref<4608xi32, #tpu.memory_space<hbm>> -> memref<72xi32, #tpu.memory_space<hbm>>
      %dma_wait3A_73 = arith.constant 0 : i32
      %dma_wait3A_74 = tpu.memref_slice %arg5[%run_scoped3A, %dma_wait3A_73] : memref<2x72xi32, #tpu.memory_space<vmem>> -> memref<1x72xi32, #tpu.memory_space<vmem>>
      %dma_wait3A_75 = tpu.memref_squeeze %dma_wait3A_74 : memref<1x72xi32, #tpu.memory_space<vmem>> -> memref<72xi32, #tpu.memory_space<vmem>>
      %dma_wait3A_76 = tpu.memref_slice %arg3[%add3A_4] : memref<4608xi32, #tpu.memory_space<hbm>> -> memref<72xi32, #tpu.memory_space<hbm>>
      tpu.wait_dma2 semaphore(%run_scoped3A_60 : memref<!tpu.dma_semaphore, #tpu.memory_space<semaphore_mem>>) src(%dma_wait3A_76 : memref<72xi32, #tpu.memory_space<hbm>>) dst(%dma_wait3A_75 : memref<72xi32, #tpu.memory_space<vmem>>)
      tpu.yield
    }) : () -> ()
    %add3A_5 = arith.constant 72 : i32
    %add3A_6 = arith.addi %mul3A_2, %add3A_5 : i32
    %run_scoped3A_7 = arith.constant 1 : i32
    "tpu.region"() ({
      %run_scoped3A_60 = tpu.sem_alloc : memref<!tpu.dma_semaphore, #tpu.memory_space<semaphore_mem>>
      %dma_start3A_61 = arith.constant 0 : i32
      %dma_start3A_62 = tpu.memref_slice %arg5[%run_scoped3A_7, %dma_start3A_61] : memref<2x72xi32, #tpu.memory_space<vmem>> -> memref<1x72xi32, #tpu.memory_space<vmem>>
      %dma_start3A_63 = tpu.memref_squeeze %dma_start3A_62 : memref<1x72xi32, #tpu.memory_space<vmem>> -> memref<72xi32, #tpu.memory_space<vmem>>
      %dma_start3A_64 = tpu.memref_slice %arg3[%add3A_6] : memref<4608xi32, #tpu.memory_space<hbm>> -> memref<72xi32, #tpu.memory_space<hbm>>
      %dma_start3A_65 = arith.constant 0 : i32
      %dma_start3A_66 = tpu.memref_slice %arg5[%run_scoped3A_7, %dma_start3A_65] : memref<2x72xi32, #tpu.memory_space<vmem>> -> memref<1x72xi32, #tpu.memory_space<vmem>>
      %dma_start3A_67 = tpu.memref_squeeze %dma_start3A_66 : memref<1x72xi32, #tpu.memory_space<vmem>> -> memref<72xi32, #tpu.memory_space<vmem>>
      %dma_start3A_68 = tpu.memref_slice %arg3[%add3A_6] : memref<4608xi32, #tpu.memory_space<hbm>> -> memref<72xi32, #tpu.memory_space<hbm>>
      tpu.enqueue_dma source(%dma_start3A_68 : memref<72xi32, #tpu.memory_space<hbm>>) target(%dma_start3A_67 : memref<72xi32, #tpu.memory_space<vmem>>) target_semaphore(%run_scoped3A_60 : memref<!tpu.dma_semaphore, #tpu.memory_space<semaphore_mem>>)
      %dma_wait3A_69 = arith.constant 0 : i32
      %dma_wait3A_70 = tpu.memref_slice %arg5[%run_scoped3A_7, %dma_wait3A_69] : memref<2x72xi32, #tpu.memory_space<vmem>> -> memref<1x72xi32, #tpu.memory_space<vmem>>
      %dma_wait3A_71 = tpu.memref_squeeze %dma_wait3A_70 : memref<1x72xi32, #tpu.memory_space<vmem>> -> memref<72xi32, #tpu.memory_space<vmem>>
      %dma_wait3A_72 = tpu.memref_slice %arg3[%add3A_6] : memref<4608xi32, #tpu.memory_space<hbm>> -> memref<72xi32, #tpu.memory_space<hbm>>
      %dma_wait3A_73 = arith.constant 0 : i32
      %dma_wait3A_74 = tpu.memref_slice %arg5[%run_scoped3A_7, %dma_wait3A_73] : memref<2x72xi32, #tpu.memory_space<vmem>> -> memref<1x72xi32, #tpu.memory_space<vmem>>
      %dma_wait3A_75 = tpu.memref_squeeze %dma_wait3A_74 : memref<1x72xi32, #tpu.memory_space<vmem>> -> memref<72xi32, #tpu.memory_space<vmem>>
      %dma_wait3A_76 = tpu.memref_slice %arg3[%add3A_6] : memref<4608xi32, #tpu.memory_space<hbm>> -> memref<72xi32, #tpu.memory_space<hbm>>
      tpu.wait_dma2 semaphore(%run_scoped3A_60 : memref<!tpu.dma_semaphore, #tpu.memory_space<semaphore_mem>>) src(%dma_wait3A_76 : memref<72xi32, #tpu.memory_space<hbm>>) dst(%dma_wait3A_75 : memref<72xi32, #tpu.memory_space<vmem>>)
      tpu.yield
    }) : () -> ()
    %dma_start3A = arith.constant 0 : i32
    %dma_start3A_8 = arith.constant 0 : i32
    %dma_start3A_9 = arith.constant 0 : i32
    %dma_start3A_10 = arith.constant 0 : i32
    %dma_start3A_11 = tpu.memref_slice %arg6[%dma_start3A_8, %dma_start3A_9, %dma_start3A_10] : memref<2x72x256xf32, #tpu.memory_space<vmem>> -> memref<1x72x256xf32, #tpu.memory_space<vmem>>
    %dma_start3A_12 = tpu.memref_squeeze %dma_start3A_11 : memref<1x72x256xf32, #tpu.memory_space<vmem>> -> memref<72x256xf32, #tpu.memory_space<vmem>>
    %dma_start3A_13 = arith.constant 0 : i32
    %dma_start3A_14 = tpu.memref_slice %arg5[%dma_start3A, %dma_start3A_13] : memref<2x72xi32, #tpu.memory_space<vmem>> -> memref<1x72xi32, #tpu.memory_space<vmem>>
    %dma_start3A_15 = tpu.memref_squeeze %dma_start3A_14 : memref<1x72xi32, #tpu.memory_space<vmem>> -> memref<72xi32, #tpu.memory_space<vmem>>
    %dma_start3A_16 = arith.constant 0 : i32
    %dma_start3A_17 = arith.constant 0 : i32
    %dma_start3A_18 = tpu.memref_slice %arg2[%dma_start3A_16, %dma_start3A_17] : memref<8192x256xf32, #tpu.memory_space<hbm>> -> memref<8192x256xf32, #tpu.memory_space<hbm>>
    tpu.enqueue_indirect_dma source(%dma_start3A_18 : memref<8192x256xf32, #tpu.memory_space<hbm>>) target(%dma_start3A_12 : memref<72x256xf32, #tpu.memory_space<vmem>>) offsets(%dma_start3A_15 : memref<72xi32, #tpu.memory_space<vmem>>) semaphore(%arg7 : memref<!tpu.dma_semaphore, #tpu.memory_space<semaphore_mem>>)
    %dma_start3A_19 = arith.constant 1 : i32
    %dma_start3A_20 = arith.constant 1 : i32
    %dma_start3A_21 = arith.constant 0 : i32
    %dma_start3A_22 = arith.constant 0 : i32
    %dma_start3A_23 = tpu.memref_slice %arg6[%dma_start3A_20, %dma_start3A_21, %dma_start3A_22] : memref<2x72x256xf32, #tpu.memory_space<vmem>> -> memref<1x72x256xf32, #tpu.memory_space<vmem>>
    %dma_start3A_24 = tpu.memref_squeeze %dma_start3A_23 : memref<1x72x256xf32, #tpu.memory_space<vmem>> -> memref<72x256xf32, #tpu.memory_space<vmem>>
    %dma_start3A_25 = arith.constant 0 : i32
    %dma_start3A_26 = tpu.memref_slice %arg5[%dma_start3A_19, %dma_start3A_25] : memref<2x72xi32, #tpu.memory_space<vmem>> -> memref<1x72xi32, #tpu.memory_space<vmem>>
    %dma_start3A_27 = tpu.memref_squeeze %dma_start3A_26 : memref<1x72xi32, #tpu.memory_space<vmem>> -> memref<72xi32, #tpu.memory_space<vmem>>
    %dma_start3A_28 = arith.constant 0 : i32
    %dma_start3A_29 = arith.constant 0 : i32
    %dma_start3A_30 = tpu.memref_slice %arg2[%dma_start3A_28, %dma_start3A_29] : memref<8192x256xf32, #tpu.memory_space<hbm>> -> memref<8192x256xf32, #tpu.memory_space<hbm>>
    tpu.enqueue_indirect_dma source(%dma_start3A_30 : memref<8192x256xf32, #tpu.memory_space<hbm>>) target(%dma_start3A_24 : memref<72x256xf32, #tpu.memory_space<vmem>>) offsets(%dma_start3A_27 : memref<72xi32, #tpu.memory_space<vmem>>) semaphore(%arg7 : memref<!tpu.dma_semaphore, #tpu.memory_space<semaphore_mem>>)
    %dma_wait3A = arith.constant 0 : i32
    %dma_wait3A_31 = arith.constant 0 : i32
    %dma_wait3A_32 = arith.constant 0 : i32
    %dma_wait3A_33 = arith.constant 0 : i32
    %dma_wait3A_34 = tpu.memref_slice %arg6[%dma_wait3A_31, %dma_wait3A_32, %dma_wait3A_33] : memref<2x72x256xf32, #tpu.memory_space<vmem>> -> memref<1x72x256xf32, #tpu.memory_space<vmem>>
    %dma_wait3A_35 = tpu.memref_squeeze %dma_wait3A_34 : memref<1x72x256xf32, #tpu.memory_space<vmem>> -> memref<72x256xf32, #tpu.memory_space<vmem>>
    %dma_wait3A_36 = arith.constant 0 : i32
    %dma_wait3A_37 = tpu.memref_slice %arg5[%dma_wait3A, %dma_wait3A_36] : memref<2x72xi32, #tpu.memory_space<vmem>> -> memref<1x72xi32, #tpu.memory_space<vmem>>
    %dma_wait3A_38 = tpu.memref_squeeze %dma_wait3A_37 : memref<1x72xi32, #tpu.memory_space<vmem>> -> memref<72xi32, #tpu.memory_space<vmem>>
    %dma_wait3A_39 = arith.constant 0 : i32
    %dma_wait3A_40 = arith.constant 0 : i32
    %dma_wait3A_41 = tpu.memref_slice %arg2[%dma_wait3A_39, %dma_wait3A_40] : memref<8192x256xf32, #tpu.memory_space<hbm>> -> memref<8192x256xf32, #tpu.memory_space<hbm>>
    tpu.wait_indirect_dma semaphore(%arg7 : memref<!tpu.dma_semaphore, #tpu.memory_space<semaphore_mem>>) src(%dma_wait3A_41 : memref<8192x256xf32, #tpu.memory_space<hbm>>) dst(%dma_wait3A_35 : memref<72x256xf32, #tpu.memory_space<vmem>>)
    %dma_wait3A_42 = arith.constant 1 : i32
    %dma_wait3A_43 = arith.constant 1 : i32
    %dma_wait3A_44 = arith.constant 0 : i32
    %dma_wait3A_45 = arith.constant 0 : i32
    %dma_wait3A_46 = tpu.memref_slice %arg6[%dma_wait3A_43, %dma_wait3A_44, %dma_wait3A_45] : memref<2x72x256xf32, #tpu.memory_space<vmem>> -> memref<1x72x256xf32, #tpu.memory_space<vmem>>
    %dma_wait3A_47 = tpu.memref_squeeze %dma_wait3A_46 : memref<1x72x256xf32, #tpu.memory_space<vmem>> -> memref<72x256xf32, #tpu.memory_space<vmem>>
    %dma_wait3A_48 = arith.constant 0 : i32
    %dma_wait3A_49 = tpu.memref_slice %arg5[%dma_wait3A_42, %dma_wait3A_48] : memref<2x72xi32, #tpu.memory_space<vmem>> -> memref<1x72xi32, #tpu.memory_space<vmem>>
    %dma_wait3A_50 = tpu.memref_squeeze %dma_wait3A_49 : memref<1x72xi32, #tpu.memory_space<vmem>> -> memref<72xi32, #tpu.memory_space<vmem>>
    %dma_wait3A_51 = arith.constant 0 : i32
    %dma_wait3A_52 = arith.constant 0 : i32
    %dma_wait3A_53 = tpu.memref_slice %arg2[%dma_wait3A_51, %dma_wait3A_52] : memref<8192x256xf32, #tpu.memory_space<hbm>> -> memref<8192x256xf32, #tpu.memory_space<hbm>>
    tpu.wait_indirect_dma semaphore(%arg7 : memref<!tpu.dma_semaphore, #tpu.memory_space<semaphore_mem>>) src(%dma_wait3A_53 : memref<8192x256xf32, #tpu.memory_space<hbm>>) dst(%dma_wait3A_47 : memref<72x256xf32, #tpu.memory_space<vmem>>)
    %add3A_54 = arith.constant 0 : i32
    %add3A_55 = arith.addi %mul3A_2, %add3A_54 : i32
    %run_scoped3A_56 = arith.constant 0 : i32
    "tpu.region"() ({
      %run_scoped3A_60 = tpu.sem_alloc : memref<!tpu.dma_semaphore, #tpu.memory_space<semaphore_mem>>
      %dma_start3A_61 = arith.constant 0 : i32
      %dma_start3A_62 = arith.constant 0 : i32
      %dma_start3A_63 = tpu.memref_slice %arg6[%run_scoped3A_56, %dma_start3A_61, %dma_start3A_62] : memref<2x72x256xf32, #tpu.memory_space<vmem>> -> memref<1x72x256xf32, #tpu.memory_space<vmem>>
      %dma_start3A_64 = tpu.memref_squeeze %dma_start3A_63 : memref<1x72x256xf32, #tpu.memory_space<vmem>> -> memref<72x256xf32, #tpu.memory_space<vmem>>
      %dma_start3A_65 = arith.constant 0 : i32
      %dma_start3A_66 = tpu.memref_slice %arg4[%add3A_55, %dma_start3A_65] : memref<4608x256xf32, #tpu.memory_space<hbm>> -> memref<72x256xf32, #tpu.memory_space<hbm>>
      %dma_start3A_67 = arith.constant 0 : i32
      %dma_start3A_68 = tpu.memref_slice %arg4[%add3A_55, %dma_start3A_67] : memref<4608x256xf32, #tpu.memory_space<hbm>> -> memref<72x256xf32, #tpu.memory_space<hbm>>
      %dma_start3A_69 = arith.constant 0 : i32
      %dma_start3A_70 = arith.constant 0 : i32
      %dma_start3A_71 = tpu.memref_slice %arg6[%run_scoped3A_56, %dma_start3A_69, %dma_start3A_70] : memref<2x72x256xf32, #tpu.memory_space<vmem>> -> memref<1x72x256xf32, #tpu.memory_space<vmem>>
      %dma_start3A_72 = tpu.memref_squeeze %dma_start3A_71 : memref<1x72x256xf32, #tpu.memory_space<vmem>> -> memref<72x256xf32, #tpu.memory_space<vmem>>
      tpu.enqueue_dma source(%dma_start3A_72 : memref<72x256xf32, #tpu.memory_space<vmem>>) target(%dma_start3A_68 : memref<72x256xf32, #tpu.memory_space<hbm>>) target_semaphore(%run_scoped3A_60 : memref<!tpu.dma_semaphore, #tpu.memory_space<semaphore_mem>>)
      %dma_wait3A_73 = arith.constant 0 : i32
      %dma_wait3A_74 = arith.constant 0 : i32
      %dma_wait3A_75 = tpu.memref_slice %arg6[%run_scoped3A_56, %dma_wait3A_73, %dma_wait3A_74] : memref<2x72x256xf32, #tpu.memory_space<vmem>> -> memref<1x72x256xf32, #tpu.memory_space<vmem>>
      %dma_wait3A_76 = tpu.memref_squeeze %dma_wait3A_75 : memref<1x72x256xf32, #tpu.memory_space<vmem>> -> memref<72x256xf32, #tpu.memory_space<vmem>>
      %dma_wait3A_77 = arith.constant 0 : i32
      %dma_wait3A_78 = tpu.memref_slice %arg4[%add3A_55, %dma_wait3A_77] : memref<4608x256xf32, #tpu.memory_space<hbm>> -> memref<72x256xf32, #tpu.memory_space<hbm>>
      %dma_wait3A_79 = arith.constant 0 : i32
      %dma_wait3A_80 = tpu.memref_slice %arg4[%add3A_55, %dma_wait3A_79] : memref<4608x256xf32, #tpu.memory_space<hbm>> -> memref<72x256xf32, #tpu.memory_space<hbm>>
      %dma_wait3A_81 = arith.constant 0 : i32
      %dma_wait3A_82 = arith.constant 0 : i32
      %dma_wait3A_83 = tpu.memref_slice %arg6[%run_scoped3A_56, %dma_wait3A_81, %dma_wait3A_82] : memref<2x72x256xf32, #tpu.memory_space<vmem>> -> memref<1x72x256xf32, #tpu.memory_space<vmem>>
      %dma_wait3A_84 = tpu.memref_squeeze %dma_wait3A_83 : memref<1x72x256xf32, #tpu.memory_space<vmem>> -> memref<72x256xf32, #tpu.memory_space<vmem>>
      tpu.wait_dma2 semaphore(%run_scoped3A_60 : memref<!tpu.dma_semaphore, #tpu.memory_space<semaphore_mem>>) src(%dma_wait3A_84 : memref<72x256xf32, #tpu.memory_space<vmem>>) dst(%dma_wait3A_80 : memref<72x256xf32, #tpu.memory_space<hbm>>)
      tpu.yield
    }) : () -> ()
    %add3A_57 = arith.constant 72 : i32
    %add3A_58 = arith.addi %mul3A_2, %add3A_57 : i32
    %run_scoped3A_59 = arith.constant 1 : i32
    "tpu.region"() ({
      %run_scoped3A_60 = tpu.sem_alloc : memref<!tpu.dma_semaphore, #tpu.memory_space<semaphore_mem>>
      %dma_start3A_61 = arith.constant 0 : i32
      %dma_start3A_62 = arith.constant 0 : i32
      %dma_start3A_63 = tpu.memref_slice %arg6[%run_scoped3A_59, %dma_start3A_61, %dma_start3A_62] : memref<2x72x256xf32, #tpu.memory_space<vmem>> -> memref<1x72x256xf32, #tpu.memory_space<vmem>>
      %dma_start3A_64 = tpu.memref_squeeze %dma_start3A_63 : memref<1x72x256xf32, #tpu.memory_space<vmem>> -> memref<72x256xf32, #tpu.memory_space<vmem>>
      %dma_start3A_65 = arith.constant 0 : i32
      %dma_start3A_66 = tpu.memref_slice %arg4[%add3A_58, %dma_start3A_65] : memref<4608x256xf32, #tpu.memory_space<hbm>> -> memref<72x256xf32, #tpu.memory_space<hbm>>
      %dma_start3A_67 = arith.constant 0 : i32
      %dma_start3A_68 = tpu.memref_slice %arg4[%add3A_58, %dma_start3A_67] : memref<4608x256xf32, #tpu.memory_space<hbm>> -> memref<72x256xf32, #tpu.memory_space<hbm>>
      %dma_start3A_69 = arith.constant 0 : i32
      %dma_start3A_70 = arith.constant 0 : i32
      %dma_start3A_71 = tpu.memref_slice %arg6[%run_scoped3A_59, %dma_start3A_69, %dma_start3A_70] : memref<2x72x256xf32, #tpu.memory_space<vmem>> -> memref<1x72x256xf32, #tpu.memory_space<vmem>>
      %dma_start3A_72 = tpu.memref_squeeze %dma_start3A_71 : memref<1x72x256xf32, #tpu.memory_space<vmem>> -> memref<72x256xf32, #tpu.memory_space<vmem>>
      tpu.enqueue_dma source(%dma_start3A_72 : memref<72x256xf32, #tpu.memory_space<vmem>>) target(%dma_start3A_68 : memref<72x256xf32, #tpu.memory_space<hbm>>) target_semaphore(%run_scoped3A_60 : memref<!tpu.dma_semaphore, #tpu.memory_space<semaphore_mem>>)
      %dma_wait3A_73 = arith.constant 0 : i32
      %dma_wait3A_74 = arith.constant 0 : i32
      %dma_wait3A_75 = tpu.memref_slice %arg6[%run_scoped3A_59, %dma_wait3A_73, %dma_wait3A_74] : memref<2x72x256xf32, #tpu.memory_space<vmem>> -> memref<1x72x256xf32, #tpu.memory_space<vmem>>
      %dma_wait3A_76 = tpu.memref_squeeze %dma_wait3A_75 : memref<1x72x256xf32, #tpu.memory_space<vmem>> -> memref<72x256xf32, #tpu.memory_space<vmem>>
      %dma_wait3A_77 = arith.constant 0 : i32
      %dma_wait3A_78 = tpu.memref_slice %arg4[%add3A_58, %dma_wait3A_77] : memref<4608x256xf32, #tpu.memory_space<hbm>> -> memref<72x256xf32, #tpu.memory_space<hbm>>
      %dma_wait3A_79 = arith.constant 0 : i32
      %dma_wait3A_80 = tpu.memref_slice %arg4[%add3A_58, %dma_wait3A_79] : memref<4608x256xf32, #tpu.memory_space<hbm>> -> memref<72x256xf32, #tpu.memory_space<hbm>>
      %dma_wait3A_81 = arith.constant 0 : i32
      %dma_wait3A_82 = arith.constant 0 : i32
      %dma_wait3A_83 = tpu.memref_slice %arg6[%run_scoped3A_59, %dma_wait3A_81, %dma_wait3A_82] : memref<2x72x256xf32, #tpu.memory_space<vmem>> -> memref<1x72x256xf32, #tpu.memory_space<vmem>>
      %dma_wait3A_84 = tpu.memref_squeeze %dma_wait3A_83 : memref<1x72x256xf32, #tpu.memory_space<vmem>> -> memref<72x256xf32, #tpu.memory_space<vmem>>
      tpu.wait_dma2 semaphore(%run_scoped3A_60 : memref<!tpu.dma_semaphore, #tpu.memory_space<semaphore_mem>>) src(%dma_wait3A_84 : memref<72x256xf32, #tpu.memory_space<vmem>>) dst(%dma_wait3A_80 : memref<72x256xf32, #tpu.memory_space<hbm>>)
      tpu.yield
    }) : () -> ()
    return
  }
}

#map = affine_map<(d0, d1) -> (0, 0)>
#map1 = affine_map<(d0, d1) -> (0)>
module attributes {stable_mosaic.version = 14 : i64} {
  func.func @gather_k(%arg0: i32, %arg1: i32, %arg2: memref<8192x256xf32, #tpu.memory_space<hbm>>, %arg3: memref<4608xi32, #tpu.memory_space<hbm>>, %arg4: memref<4608x256xf32, #tpu.memory_space<hbm>>, %arg5: memref<2x72xi32, #tpu.memory_space<vmem>>, %arg6: memref<2x72x256xf32, #tpu.memory_space<vmem>>, %arg7: memref<!tpu.dma_semaphore, #tpu.memory_space<semaphore_mem>>) attributes {dimension_semantics = [#tpu.dimension_semantics<core_parallel>, #tpu.dimension_semantics<subcore_parallel>], iteration_bounds = array<i64: 2, 16>, scalar_prefetch = 0 : i64, scratch_operands = 3 : i64, tpu.core_type = #tpu.core_type<sc_vector_subcore>, window_params = [{transform_indices = #map}, {transform_indices = #map1}, {transform_indices = #map}]} {
    %mul3A = arith.constant 2 : i32
    %mul3A_0 = arith.muli %arg1, %mul3A : i32
    %add3A = arith.addi %mul3A_0, %arg0 : i32
    %mul3A_1 = arith.constant 144 : i32
    %mul3A_2 = arith.muli %add3A, %mul3A_1 : i32
    %add3A_3 = arith.constant 0 : i32
    %add3A_4 = arith.addi %mul3A_2, %add3A_3 : i32
    %run_scoped3A = arith.constant 0 : i32
    "tpu.region"() ({
      %run_scoped3A_60 = tpu.sem_alloc : memref<!tpu.dma_semaphore, #tpu.memory_space<semaphore_mem>>
      %dma_start3A_61 = arith.constant 0 : i32
      %dma_start3A_62 = tpu.memref_slice %arg5[%run_scoped3A, %dma_start3A_61] : memref<2x72xi32, #tpu.memory_space<vmem>> -> memref<1x72xi32, #tpu.memory_space<vmem>>
      %dma_start3A_63 = tpu.memref_squeeze %dma_start3A_62 : memref<1x72xi32, #tpu.memory_space<vmem>> -> memref<72xi32, #tpu.memory_space<vmem>>
      %dma_start3A_64 = tpu.memref_slice %arg3[%add3A_4] : memref<4608xi32, #tpu.memory_space<hbm>> -> memref<72xi32, #tpu.memory_space<hbm>>
      %dma_start3A_65 = arith.constant 0 : i32
      %dma_start3A_66 = tpu.memref_slice %arg5[%run_scoped3A, %dma_start3A_65] : memref<2x72xi32, #tpu.memory_space<vmem>> -> memref<1x72xi32, #tpu.memory_space<vmem>>
      %dma_start3A_67 = tpu.memref_squeeze %dma_start3A_66 : memref<1x72xi32, #tpu.memory_space<vmem>> -> memref<72xi32, #tpu.memory_space<vmem>>
      %dma_start3A_68 = tpu.memref_slice %arg3[%add3A_4] : memref<4608xi32, #tpu.memory_space<hbm>> -> memref<72xi32, #tpu.memory_space<hbm>>
      tpu.enqueue_dma source(%dma_start3A_68 : memref<72xi32, #tpu.memory_space<hbm>>) target(%dma_start3A_67 : memref<72xi32, #tpu.memory_space<vmem>>) target_semaphore(%run_scoped3A_60 : memref<!tpu.dma_semaphore, #tpu.memory_space<semaphore_mem>>)
      %dma_wait3A_69 = arith.constant 0 : i32
      %dma_wait3A_70 = tpu.memref_slice %arg5[%run_scoped3A, %dma_wait3A_69] : memref<2x72xi32, #tpu.memory_space<vmem>> -> memref<1x72xi32, #tpu.memory_space<vmem>>
      %dma_wait3A_71 = tpu.memref_squeeze %dma_wait3A_70 : memref<1x72xi32, #tpu.memory_space<vmem>> -> memref<72xi32, #tpu.memory_space<vmem>>
      %dma_wait3A_72 = tpu.memref_slice %arg3[%add3A_4] : memref<4608xi32, #tpu.memory_space<hbm>> -> memref<72xi32, #tpu.memory_space<hbm>>
      %dma_wait3A_73 = arith.constant 0 : i32
      %dma_wait3A_74 = tpu.memref_slice %arg5[%run_scoped3A, %dma_wait3A_73] : memref<2x72xi32, #tpu.memory_space<vmem>> -> memref<1x72xi32, #tpu.memory_space<vmem>>
      %dma_wait3A_75 = tpu.memref_squeeze %dma_wait3A_74 : memref<1x72xi32, #tpu.memory_space<vmem>> -> memref<72xi32, #tpu.memory_space<vmem>>
      %dma_wait3A_76 = tpu.memref_slice %arg3[%add3A_4] : memref<4608xi32, #tpu.memory_space<hbm>> -> memref<72xi32, #tpu.memory_space<hbm>>
      tpu.wait_dma2 semaphore(%run_scoped3A_60 : memref<!tpu.dma_semaphore, #tpu.memory_space<semaphore_mem>>) src(%dma_wait3A_76 : memref<72xi32, #tpu.memory_space<hbm>>) dst(%dma_wait3A_75 : memref<72xi32, #tpu.memory_space<vmem>>)
      tpu.yield
    }) : () -> ()
    %add3A_5 = arith.constant 72 : i32
    %add3A_6 = arith.addi %mul3A_2, %add3A_5 : i32
    %run_scoped3A_7 = arith.constant 1 : i32
    "tpu.region"() ({
      %run_scoped3A_60 = tpu.sem_alloc : memref<!tpu.dma_semaphore, #tpu.memory_space<semaphore_mem>>
      %dma_start3A_61 = arith.constant 0 : i32
      %dma_start3A_62 = tpu.memref_slice %arg5[%run_scoped3A_7, %dma_start3A_61] : memref<2x72xi32, #tpu.memory_space<vmem>> -> memref<1x72xi32, #tpu.memory_space<vmem>>
      %dma_start3A_63 = tpu.memref_squeeze %dma_start3A_62 : memref<1x72xi32, #tpu.memory_space<vmem>> -> memref<72xi32, #tpu.memory_space<vmem>>
      %dma_start3A_64 = tpu.memref_slice %arg3[%add3A_6] : memref<4608xi32, #tpu.memory_space<hbm>> -> memref<72xi32, #tpu.memory_space<hbm>>
      %dma_start3A_65 = arith.constant 0 : i32
      %dma_start3A_66 = tpu.memref_slice %arg5[%run_scoped3A_7, %dma_start3A_65] : memref<2x72xi32, #tpu.memory_space<vmem>> -> memref<1x72xi32, #tpu.memory_space<vmem>>
      %dma_start3A_67 = tpu.memref_squeeze %dma_start3A_66 : memref<1x72xi32, #tpu.memory_space<vmem>> -> memref<72xi32, #tpu.memory_space<vmem>>
      %dma_start3A_68 = tpu.memref_slice %arg3[%add3A_6] : memref<4608xi32, #tpu.memory_space<hbm>> -> memref<72xi32, #tpu.memory_space<hbm>>
      tpu.enqueue_dma source(%dma_start3A_68 : memref<72xi32, #tpu.memory_space<hbm>>) target(%dma_start3A_67 : memref<72xi32, #tpu.memory_space<vmem>>) target_semaphore(%run_scoped3A_60 : memref<!tpu.dma_semaphore, #tpu.memory_space<semaphore_mem>>)
      %dma_wait3A_69 = arith.constant 0 : i32
      %dma_wait3A_70 = tpu.memref_slice %arg5[%run_scoped3A_7, %dma_wait3A_69] : memref<2x72xi32, #tpu.memory_space<vmem>> -> memref<1x72xi32, #tpu.memory_space<vmem>>
      %dma_wait3A_71 = tpu.memref_squeeze %dma_wait3A_70 : memref<1x72xi32, #tpu.memory_space<vmem>> -> memref<72xi32, #tpu.memory_space<vmem>>
      %dma_wait3A_72 = tpu.memref_slice %arg3[%add3A_6] : memref<4608xi32, #tpu.memory_space<hbm>> -> memref<72xi32, #tpu.memory_space<hbm>>
      %dma_wait3A_73 = arith.constant 0 : i32
      %dma_wait3A_74 = tpu.memref_slice %arg5[%run_scoped3A_7, %dma_wait3A_73] : memref<2x72xi32, #tpu.memory_space<vmem>> -> memref<1x72xi32, #tpu.memory_space<vmem>>
      %dma_wait3A_75 = tpu.memref_squeeze %dma_wait3A_74 : memref<1x72xi32, #tpu.memory_space<vmem>> -> memref<72xi32, #tpu.memory_space<vmem>>
      %dma_wait3A_76 = tpu.memref_slice %arg3[%add3A_6] : memref<4608xi32, #tpu.memory_space<hbm>> -> memref<72xi32, #tpu.memory_space<hbm>>
      tpu.wait_dma2 semaphore(%run_scoped3A_60 : memref<!tpu.dma_semaphore, #tpu.memory_space<semaphore_mem>>) src(%dma_wait3A_76 : memref<72xi32, #tpu.memory_space<hbm>>) dst(%dma_wait3A_75 : memref<72xi32, #tpu.memory_space<vmem>>)
      tpu.yield
    }) : () -> ()
    %dma_start3A = arith.constant 0 : i32
    %dma_start3A_8 = arith.constant 0 : i32
    %dma_start3A_9 = arith.constant 0 : i32
    %dma_start3A_10 = arith.constant 0 : i32
    %dma_start3A_11 = tpu.memref_slice %arg6[%dma_start3A_8, %dma_start3A_9, %dma_start3A_10] : memref<2x72x256xf32, #tpu.memory_space<vmem>> -> memref<1x72x256xf32, #tpu.memory_space<vmem>>
    %dma_start3A_12 = tpu.memref_squeeze %dma_start3A_11 : memref<1x72x256xf32, #tpu.memory_space<vmem>> -> memref<72x256xf32, #tpu.memory_space<vmem>>
    %dma_start3A_13 = arith.constant 0 : i32
    %dma_start3A_14 = tpu.memref_slice %arg5[%dma_start3A, %dma_start3A_13] : memref<2x72xi32, #tpu.memory_space<vmem>> -> memref<1x72xi32, #tpu.memory_space<vmem>>
    %dma_start3A_15 = tpu.memref_squeeze %dma_start3A_14 : memref<1x72xi32, #tpu.memory_space<vmem>> -> memref<72xi32, #tpu.memory_space<vmem>>
    %dma_start3A_16 = arith.constant 0 : i32
    %dma_start3A_17 = arith.constant 0 : i32
    %dma_start3A_18 = tpu.memref_slice %arg2[%dma_start3A_16, %dma_start3A_17] : memref<8192x256xf32, #tpu.memory_space<hbm>> -> memref<8192x256xf32, #tpu.memory_space<hbm>>
    tpu.enqueue_indirect_dma source(%dma_start3A_18 : memref<8192x256xf32, #tpu.memory_space<hbm>>) target(%dma_start3A_12 : memref<72x256xf32, #tpu.memory_space<vmem>>) offsets(%dma_start3A_15 : memref<72xi32, #tpu.memory_space<vmem>>) semaphore(%arg7 : memref<!tpu.dma_semaphore, #tpu.memory_space<semaphore_mem>>)
    %dma_start3A_19 = arith.constant 1 : i32
    %dma_start3A_20 = arith.constant 1 : i32
    %dma_start3A_21 = arith.constant 0 : i32
    %dma_start3A_22 = arith.constant 0 : i32
    %dma_start3A_23 = tpu.memref_slice %arg6[%dma_start3A_20, %dma_start3A_21, %dma_start3A_22] : memref<2x72x256xf32, #tpu.memory_space<vmem>> -> memref<1x72x256xf32, #tpu.memory_space<vmem>>
    %dma_start3A_24 = tpu.memref_squeeze %dma_start3A_23 : memref<1x72x256xf32, #tpu.memory_space<vmem>> -> memref<72x256xf32, #tpu.memory_space<vmem>>
    %dma_start3A_25 = arith.constant 0 : i32
    %dma_start3A_26 = tpu.memref_slice %arg5[%dma_start3A_19, %dma_start3A_25] : memref<2x72xi32, #tpu.memory_space<vmem>> -> memref<1x72xi32, #tpu.memory_space<vmem>>
    %dma_start3A_27 = tpu.memref_squeeze %dma_start3A_26 : memref<1x72xi32, #tpu.memory_space<vmem>> -> memref<72xi32, #tpu.memory_space<vmem>>
    %dma_start3A_28 = arith.constant 0 : i32
    %dma_start3A_29 = arith.constant 0 : i32
    %dma_start3A_30 = tpu.memref_slice %arg2[%dma_start3A_28, %dma_start3A_29] : memref<8192x256xf32, #tpu.memory_space<hbm>> -> memref<8192x256xf32, #tpu.memory_space<hbm>>
    tpu.enqueue_indirect_dma source(%dma_start3A_30 : memref<8192x256xf32, #tpu.memory_space<hbm>>) target(%dma_start3A_24 : memref<72x256xf32, #tpu.memory_space<vmem>>) offsets(%dma_start3A_27 : memref<72xi32, #tpu.memory_space<vmem>>) semaphore(%arg7 : memref<!tpu.dma_semaphore, #tpu.memory_space<semaphore_mem>>)
    %dma_wait3A = arith.constant 0 : i32
    %dma_wait3A_31 = arith.constant 0 : i32
    %dma_wait3A_32 = arith.constant 0 : i32
    %dma_wait3A_33 = arith.constant 0 : i32
    %dma_wait3A_34 = tpu.memref_slice %arg6[%dma_wait3A_31, %dma_wait3A_32, %dma_wait3A_33] : memref<2x72x256xf32, #tpu.memory_space<vmem>> -> memref<1x72x256xf32, #tpu.memory_space<vmem>>
    %dma_wait3A_35 = tpu.memref_squeeze %dma_wait3A_34 : memref<1x72x256xf32, #tpu.memory_space<vmem>> -> memref<72x256xf32, #tpu.memory_space<vmem>>
    %dma_wait3A_36 = arith.constant 0 : i32
    %dma_wait3A_37 = tpu.memref_slice %arg5[%dma_wait3A, %dma_wait3A_36] : memref<2x72xi32, #tpu.memory_space<vmem>> -> memref<1x72xi32, #tpu.memory_space<vmem>>
    %dma_wait3A_38 = tpu.memref_squeeze %dma_wait3A_37 : memref<1x72xi32, #tpu.memory_space<vmem>> -> memref<72xi32, #tpu.memory_space<vmem>>
    %dma_wait3A_39 = arith.constant 0 : i32
    %dma_wait3A_40 = arith.constant 0 : i32
    %dma_wait3A_41 = tpu.memref_slice %arg2[%dma_wait3A_39, %dma_wait3A_40] : memref<8192x256xf32, #tpu.memory_space<hbm>> -> memref<8192x256xf32, #tpu.memory_space<hbm>>
    tpu.wait_indirect_dma semaphore(%arg7 : memref<!tpu.dma_semaphore, #tpu.memory_space<semaphore_mem>>) src(%dma_wait3A_41 : memref<8192x256xf32, #tpu.memory_space<hbm>>) dst(%dma_wait3A_35 : memref<72x256xf32, #tpu.memory_space<vmem>>)
    %dma_wait3A_42 = arith.constant 1 : i32
    %dma_wait3A_43 = arith.constant 1 : i32
    %dma_wait3A_44 = arith.constant 0 : i32
    %dma_wait3A_45 = arith.constant 0 : i32
    %dma_wait3A_46 = tpu.memref_slice %arg6[%dma_wait3A_43, %dma_wait3A_44, %dma_wait3A_45] : memref<2x72x256xf32, #tpu.memory_space<vmem>> -> memref<1x72x256xf32, #tpu.memory_space<vmem>>
    %dma_wait3A_47 = tpu.memref_squeeze %dma_wait3A_46 : memref<1x72x256xf32, #tpu.memory_space<vmem>> -> memref<72x256xf32, #tpu.memory_space<vmem>>
    %dma_wait3A_48 = arith.constant 0 : i32
    %dma_wait3A_49 = tpu.memref_slice %arg5[%dma_wait3A_42, %dma_wait3A_48] : memref<2x72xi32, #tpu.memory_space<vmem>> -> memref<1x72xi32, #tpu.memory_space<vmem>>
    %dma_wait3A_50 = tpu.memref_squeeze %dma_wait3A_49 : memref<1x72xi32, #tpu.memory_space<vmem>> -> memref<72xi32, #tpu.memory_space<vmem>>
    %dma_wait3A_51 = arith.constant 0 : i32
    %dma_wait3A_52 = arith.constant 0 : i32
    %dma_wait3A_53 = tpu.memref_slice %arg2[%dma_wait3A_51, %dma_wait3A_52] : memref<8192x256xf32, #tpu.memory_space<hbm>> -> memref<8192x256xf32, #tpu.memory_space<hbm>>
    tpu.wait_indirect_dma semaphore(%arg7 : memref<!tpu.dma_semaphore, #tpu.memory_space<semaphore_mem>>) src(%dma_wait3A_53 : memref<8192x256xf32, #tpu.memory_space<hbm>>) dst(%dma_wait3A_47 : memref<72x256xf32, #tpu.memory_space<vmem>>)
    %add3A_54 = arith.constant 0 : i32
    %add3A_55 = arith.addi %mul3A_2, %add3A_54 : i32
    %run_scoped3A_56 = arith.constant 0 : i32
    "tpu.region"() ({
      %run_scoped3A_60 = tpu.sem_alloc : memref<!tpu.dma_semaphore, #tpu.memory_space<semaphore_mem>>
      %dma_start3A_61 = arith.constant 0 : i32
      %dma_start3A_62 = arith.constant 0 : i32
      %dma_start3A_63 = tpu.memref_slice %arg6[%run_scoped3A_56, %dma_start3A_61, %dma_start3A_62] : memref<2x72x256xf32, #tpu.memory_space<vmem>> -> memref<1x72x256xf32, #tpu.memory_space<vmem>>
      %dma_start3A_64 = tpu.memref_squeeze %dma_start3A_63 : memref<1x72x256xf32, #tpu.memory_space<vmem>> -> memref<72x256xf32, #tpu.memory_space<vmem>>
      %dma_start3A_65 = arith.constant 0 : i32
      %dma_start3A_66 = tpu.memref_slice %arg4[%add3A_55, %dma_start3A_65] : memref<4608x256xf32, #tpu.memory_space<hbm>> -> memref<72x256xf32, #tpu.memory_space<hbm>>
      %dma_start3A_67 = arith.constant 0 : i32
      %dma_start3A_68 = tpu.memref_slice %arg4[%add3A_55, %dma_start3A_67] : memref<4608x256xf32, #tpu.memory_space<hbm>> -> memref<72x256xf32, #tpu.memory_space<hbm>>
      %dma_start3A_69 = arith.constant 0 : i32
      %dma_start3A_70 = arith.constant 0 : i32
      %dma_start3A_71 = tpu.memref_slice %arg6[%run_scoped3A_56, %dma_start3A_69, %dma_start3A_70] : memref<2x72x256xf32, #tpu.memory_space<vmem>> -> memref<1x72x256xf32, #tpu.memory_space<vmem>>
      %dma_start3A_72 = tpu.memref_squeeze %dma_start3A_71 : memref<1x72x256xf32, #tpu.memory_space<vmem>> -> memref<72x256xf32, #tpu.memory_space<vmem>>
      tpu.enqueue_dma source(%dma_start3A_72 : memref<72x256xf32, #tpu.memory_space<vmem>>) target(%dma_start3A_68 : memref<72x256xf32, #tpu.memory_space<hbm>>) target_semaphore(%run_scoped3A_60 : memref<!tpu.dma_semaphore, #tpu.memory_space<semaphore_mem>>)
      %dma_wait3A_73 = arith.constant 0 : i32
      %dma_wait3A_74 = arith.constant 0 : i32
      %dma_wait3A_75 = tpu.memref_slice %arg6[%run_scoped3A_56, %dma_wait3A_73, %dma_wait3A_74] : memref<2x72x256xf32, #tpu.memory_space<vmem>> -> memref<1x72x256xf32, #tpu.memory_space<vmem>>
      %dma_wait3A_76 = tpu.memref_squeeze %dma_wait3A_75 : memref<1x72x256xf32, #tpu.memory_space<vmem>> -> memref<72x256xf32, #tpu.memory_space<vmem>>
      %dma_wait3A_77 = arith.constant 0 : i32
      %dma_wait3A_78 = tpu.memref_slice %arg4[%add3A_55, %dma_wait3A_77] : memref<4608x256xf32, #tpu.memory_space<hbm>> -> memref<72x256xf32, #tpu.memory_space<hbm>>
      %dma_wait3A_79 = arith.constant 0 : i32
      %dma_wait3A_80 = tpu.memref_slice %arg4[%add3A_55, %dma_wait3A_79] : memref<4608x256xf32, #tpu.memory_space<hbm>> -> memref<72x256xf32, #tpu.memory_space<hbm>>
      %dma_wait3A_81 = arith.constant 0 : i32
      %dma_wait3A_82 = arith.constant 0 : i32
      %dma_wait3A_83 = tpu.memref_slice %arg6[%run_scoped3A_56, %dma_wait3A_81, %dma_wait3A_82] : memref<2x72x256xf32, #tpu.memory_space<vmem>> -> memref<1x72x256xf32, #tpu.memory_space<vmem>>
      %dma_wait3A_84 = tpu.memref_squeeze %dma_wait3A_83 : memref<1x72x256xf32, #tpu.memory_space<vmem>> -> memref<72x256xf32, #tpu.memory_space<vmem>>
      tpu.wait_dma2 semaphore(%run_scoped3A_60 : memref<!tpu.dma_semaphore, #tpu.memory_space<semaphore_mem>>) src(%dma_wait3A_84 : memref<72x256xf32, #tpu.memory_space<vmem>>) dst(%dma_wait3A_80 : memref<72x256xf32, #tpu.memory_space<hbm>>)
      tpu.yield
    }) : () -> ()
    %add3A_57 = arith.constant 72 : i32
    %add3A_58 = arith.addi %mul3A_2, %add3A_57 : i32
    %run_scoped3A_59 = arith.constant 1 : i32
    "tpu.region"() ({
      %run_scoped3A_60 = tpu.sem_alloc : memref<!tpu.dma_semaphore, #tpu.memory_space<semaphore_mem>>
      %dma_start3A_61 = arith.constant 0 : i32
      %dma_start3A_62 = arith.constant 0 : i32
      %dma_start3A_63 = tpu.memref_slice %arg6[%run_scoped3A_59, %dma_start3A_61, %dma_start3A_62] : memref<2x72x256xf32, #tpu.memory_space<vmem>> -> memref<1x72x256xf32, #tpu.memory_space<vmem>>
      %dma_start3A_64 = tpu.memref_squeeze %dma_start3A_63 : memref<1x72x256xf32, #tpu.memory_space<vmem>> -> memref<72x256xf32, #tpu.memory_space<vmem>>
      %dma_start3A_65 = arith.constant 0 : i32
      %dma_start3A_66 = tpu.memref_slice %arg4[%add3A_58, %dma_start3A_65] : memref<4608x256xf32, #tpu.memory_space<hbm>> -> memref<72x256xf32, #tpu.memory_space<hbm>>
      %dma_start3A_67 = arith.constant 0 : i32
      %dma_start3A_68 = tpu.memref_slice %arg4[%add3A_58, %dma_start3A_67] : memref<4608x256xf32, #tpu.memory_space<hbm>> -> memref<72x256xf32, #tpu.memory_space<hbm>>
      %dma_start3A_69 = arith.constant 0 : i32
      %dma_start3A_70 = arith.constant 0 : i32
      %dma_start3A_71 = tpu.memref_slice %arg6[%run_scoped3A_59, %dma_start3A_69, %dma_start3A_70] : memref<2x72x256xf32, #tpu.memory_space<vmem>> -> memref<1x72x256xf32, #tpu.memory_space<vmem>>
      %dma_start3A_72 = tpu.memref_squeeze %dma_start3A_71 : memref<1x72x256xf32, #tpu.memory_space<vmem>> -> memref<72x256xf32, #tpu.memory_space<vmem>>
      tpu.enqueue_dma source(%dma_start3A_72 : memref<72x256xf32, #tpu.memory_space<vmem>>) target(%dma_start3A_68 : memref<72x256xf32, #tpu.memory_space<hbm>>) target_semaphore(%run_scoped3A_60 : memref<!tpu.dma_semaphore, #tpu.memory_space<semaphore_mem>>)
      %dma_wait3A_73 = arith.constant 0 : i32
      %dma_wait3A_74 = arith.constant 0 : i32
      %dma_wait3A_75 = tpu.memref_slice %arg6[%run_scoped3A_59, %dma_wait3A_73, %dma_wait3A_74] : memref<2x72x256xf32, #tpu.memory_space<vmem>> -> memref<1x72x256xf32, #tpu.memory_space<vmem>>
      %dma_wait3A_76 = tpu.memref_squeeze %dma_wait3A_75 : memref<1x72x256xf32, #tpu.memory_space<vmem>> -> memref<72x256xf32, #tpu.memory_space<vmem>>
      %dma_wait3A_77 = arith.constant 0 : i32
      %dma_wait3A_78 = tpu.memref_slice %arg4[%add3A_58, %dma_wait3A_77] : memref<4608x256xf32, #tpu.memory_space<hbm>> -> memref<72x256xf32, #tpu.memory_space<hbm>>
      %dma_wait3A_79 = arith.constant 0 : i32
      %dma_wait3A_80 = tpu.memref_slice %arg4[%add3A_58, %dma_wait3A_79] : memref<4608x256xf32, #tpu.memory_space<hbm>> -> memref<72x256xf32, #tpu.memory_space<hbm>>
      %dma_wait3A_81 = arith.constant 0 : i32
      %dma_wait3A_82 = arith.constant 0 : i32
      %dma_wait3A_83 = tpu.memref_slice %arg6[%run_scoped3A_59, %dma_wait3A_81, %dma_wait3A_82] : memref<2x72x256xf32, #tpu.memory_space<vmem>> -> memref<1x72x256xf32, #tpu.memory_space<vmem>>
      %dma_wait3A_84 = tpu.memref_squeeze %dma_wait3A_83 : memref<1x72x256xf32, #tpu.memory_space<vmem>> -> memref<72x256xf32, #tpu.memory_space<vmem>>
      tpu.wait_dma2 semaphore(%run_scoped3A_60 : memref<!tpu.dma_semaphore, #tpu.memory_space<semaphore_mem>>) src(%dma_wait3A_84 : memref<72x256xf32, #tpu.memory_space<vmem>>) dst(%dma_wait3A_80 : memref<72x256xf32, #tpu.memory_space<hbm>>)
      tpu.yield
    }) : () -> ()
    return
  }
}

#map = affine_map<(d0, d1) -> (0, 0)>
#map1 = affine_map<(d0, d1) -> (0)>
module attributes {stable_mosaic.version = 14 : i64} {
  func.func @gather_k(%arg0: i32, %arg1: i32, %arg2: memref<8192x256xf32, #tpu.memory_space<hbm>>, %arg3: memref<4608xi32, #tpu.memory_space<hbm>>, %arg4: memref<4608x256xf32, #tpu.memory_space<hbm>>, %arg5: memref<2x72xi32, #tpu.memory_space<vmem>>, %arg6: memref<2x72x256xf32, #tpu.memory_space<vmem>>, %arg7: memref<!tpu.dma_semaphore, #tpu.memory_space<semaphore_mem>>) attributes {dimension_semantics = [#tpu.dimension_semantics<core_parallel>, #tpu.dimension_semantics<subcore_parallel>], iteration_bounds = array<i64: 2, 16>, scalar_prefetch = 0 : i64, scratch_operands = 3 : i64, tpu.core_type = #tpu.core_type<sc_vector_subcore>, window_params = [{transform_indices = #map}, {transform_indices = #map1}, {transform_indices = #map}]} {
    %mul3A = arith.constant 2 : i32
    %mul3A_0 = arith.muli %arg1, %mul3A : i32
    %add3A = arith.addi %mul3A_0, %arg0 : i32
    %mul3A_1 = arith.constant 144 : i32
    %mul3A_2 = arith.muli %add3A, %mul3A_1 : i32
    %add3A_3 = arith.constant 0 : i32
    %add3A_4 = arith.addi %mul3A_2, %add3A_3 : i32
    %run_scoped3A = arith.constant 0 : i32
    "tpu.region"() ({
      %run_scoped3A_60 = tpu.sem_alloc : memref<!tpu.dma_semaphore, #tpu.memory_space<semaphore_mem>>
      %dma_start3A_61 = arith.constant 0 : i32
      %dma_start3A_62 = tpu.memref_slice %arg5[%run_scoped3A, %dma_start3A_61] : memref<2x72xi32, #tpu.memory_space<vmem>> -> memref<1x72xi32, #tpu.memory_space<vmem>>
      %dma_start3A_63 = tpu.memref_squeeze %dma_start3A_62 : memref<1x72xi32, #tpu.memory_space<vmem>> -> memref<72xi32, #tpu.memory_space<vmem>>
      %dma_start3A_64 = tpu.memref_slice %arg3[%add3A_4] : memref<4608xi32, #tpu.memory_space<hbm>> -> memref<72xi32, #tpu.memory_space<hbm>>
      %dma_start3A_65 = arith.constant 0 : i32
      %dma_start3A_66 = tpu.memref_slice %arg5[%run_scoped3A, %dma_start3A_65] : memref<2x72xi32, #tpu.memory_space<vmem>> -> memref<1x72xi32, #tpu.memory_space<vmem>>
      %dma_start3A_67 = tpu.memref_squeeze %dma_start3A_66 : memref<1x72xi32, #tpu.memory_space<vmem>> -> memref<72xi32, #tpu.memory_space<vmem>>
      %dma_start3A_68 = tpu.memref_slice %arg3[%add3A_4] : memref<4608xi32, #tpu.memory_space<hbm>> -> memref<72xi32, #tpu.memory_space<hbm>>
      tpu.enqueue_dma source(%dma_start3A_68 : memref<72xi32, #tpu.memory_space<hbm>>) target(%dma_start3A_67 : memref<72xi32, #tpu.memory_space<vmem>>) target_semaphore(%run_scoped3A_60 : memref<!tpu.dma_semaphore, #tpu.memory_space<semaphore_mem>>)
      %dma_wait3A_69 = arith.constant 0 : i32
      %dma_wait3A_70 = tpu.memref_slice %arg5[%run_scoped3A, %dma_wait3A_69] : memref<2x72xi32, #tpu.memory_space<vmem>> -> memref<1x72xi32, #tpu.memory_space<vmem>>
      %dma_wait3A_71 = tpu.memref_squeeze %dma_wait3A_70 : memref<1x72xi32, #tpu.memory_space<vmem>> -> memref<72xi32, #tpu.memory_space<vmem>>
      %dma_wait3A_72 = tpu.memref_slice %arg3[%add3A_4] : memref<4608xi32, #tpu.memory_space<hbm>> -> memref<72xi32, #tpu.memory_space<hbm>>
      %dma_wait3A_73 = arith.constant 0 : i32
      %dma_wait3A_74 = tpu.memref_slice %arg5[%run_scoped3A, %dma_wait3A_73] : memref<2x72xi32, #tpu.memory_space<vmem>> -> memref<1x72xi32, #tpu.memory_space<vmem>>
      %dma_wait3A_75 = tpu.memref_squeeze %dma_wait3A_74 : memref<1x72xi32, #tpu.memory_space<vmem>> -> memref<72xi32, #tpu.memory_space<vmem>>
      %dma_wait3A_76 = tpu.memref_slice %arg3[%add3A_4] : memref<4608xi32, #tpu.memory_space<hbm>> -> memref<72xi32, #tpu.memory_space<hbm>>
      tpu.wait_dma2 semaphore(%run_scoped3A_60 : memref<!tpu.dma_semaphore, #tpu.memory_space<semaphore_mem>>) src(%dma_wait3A_76 : memref<72xi32, #tpu.memory_space<hbm>>) dst(%dma_wait3A_75 : memref<72xi32, #tpu.memory_space<vmem>>)
      tpu.yield
    }) : () -> ()
    %add3A_5 = arith.constant 72 : i32
    %add3A_6 = arith.addi %mul3A_2, %add3A_5 : i32
    %run_scoped3A_7 = arith.constant 1 : i32
    "tpu.region"() ({
      %run_scoped3A_60 = tpu.sem_alloc : memref<!tpu.dma_semaphore, #tpu.memory_space<semaphore_mem>>
      %dma_start3A_61 = arith.constant 0 : i32
      %dma_start3A_62 = tpu.memref_slice %arg5[%run_scoped3A_7, %dma_start3A_61] : memref<2x72xi32, #tpu.memory_space<vmem>> -> memref<1x72xi32, #tpu.memory_space<vmem>>
      %dma_start3A_63 = tpu.memref_squeeze %dma_start3A_62 : memref<1x72xi32, #tpu.memory_space<vmem>> -> memref<72xi32, #tpu.memory_space<vmem>>
      %dma_start3A_64 = tpu.memref_slice %arg3[%add3A_6] : memref<4608xi32, #tpu.memory_space<hbm>> -> memref<72xi32, #tpu.memory_space<hbm>>
      %dma_start3A_65 = arith.constant 0 : i32
      %dma_start3A_66 = tpu.memref_slice %arg5[%run_scoped3A_7, %dma_start3A_65] : memref<2x72xi32, #tpu.memory_space<vmem>> -> memref<1x72xi32, #tpu.memory_space<vmem>>
      %dma_start3A_67 = tpu.memref_squeeze %dma_start3A_66 : memref<1x72xi32, #tpu.memory_space<vmem>> -> memref<72xi32, #tpu.memory_space<vmem>>
      %dma_start3A_68 = tpu.memref_slice %arg3[%add3A_6] : memref<4608xi32, #tpu.memory_space<hbm>> -> memref<72xi32, #tpu.memory_space<hbm>>
      tpu.enqueue_dma source(%dma_start3A_68 : memref<72xi32, #tpu.memory_space<hbm>>) target(%dma_start3A_67 : memref<72xi32, #tpu.memory_space<vmem>>) target_semaphore(%run_scoped3A_60 : memref<!tpu.dma_semaphore, #tpu.memory_space<semaphore_mem>>)
      %dma_wait3A_69 = arith.constant 0 : i32
      %dma_wait3A_70 = tpu.memref_slice %arg5[%run_scoped3A_7, %dma_wait3A_69] : memref<2x72xi32, #tpu.memory_space<vmem>> -> memref<1x72xi32, #tpu.memory_space<vmem>>
      %dma_wait3A_71 = tpu.memref_squeeze %dma_wait3A_70 : memref<1x72xi32, #tpu.memory_space<vmem>> -> memref<72xi32, #tpu.memory_space<vmem>>
      %dma_wait3A_72 = tpu.memref_slice %arg3[%add3A_6] : memref<4608xi32, #tpu.memory_space<hbm>> -> memref<72xi32, #tpu.memory_space<hbm>>
      %dma_wait3A_73 = arith.constant 0 : i32
      %dma_wait3A_74 = tpu.memref_slice %arg5[%run_scoped3A_7, %dma_wait3A_73] : memref<2x72xi32, #tpu.memory_space<vmem>> -> memref<1x72xi32, #tpu.memory_space<vmem>>
      %dma_wait3A_75 = tpu.memref_squeeze %dma_wait3A_74 : memref<1x72xi32, #tpu.memory_space<vmem>> -> memref<72xi32, #tpu.memory_space<vmem>>
      %dma_wait3A_76 = tpu.memref_slice %arg3[%add3A_6] : memref<4608xi32, #tpu.memory_space<hbm>> -> memref<72xi32, #tpu.memory_space<hbm>>
      tpu.wait_dma2 semaphore(%run_scoped3A_60 : memref<!tpu.dma_semaphore, #tpu.memory_space<semaphore_mem>>) src(%dma_wait3A_76 : memref<72xi32, #tpu.memory_space<hbm>>) dst(%dma_wait3A_75 : memref<72xi32, #tpu.memory_space<vmem>>)
      tpu.yield
    }) : () -> ()
    %dma_start3A = arith.constant 0 : i32
    %dma_start3A_8 = arith.constant 0 : i32
    %dma_start3A_9 = arith.constant 0 : i32
    %dma_start3A_10 = arith.constant 0 : i32
    %dma_start3A_11 = tpu.memref_slice %arg6[%dma_start3A_8, %dma_start3A_9, %dma_start3A_10] : memref<2x72x256xf32, #tpu.memory_space<vmem>> -> memref<1x72x256xf32, #tpu.memory_space<vmem>>
    %dma_start3A_12 = tpu.memref_squeeze %dma_start3A_11 : memref<1x72x256xf32, #tpu.memory_space<vmem>> -> memref<72x256xf32, #tpu.memory_space<vmem>>
    %dma_start3A_13 = arith.constant 0 : i32
    %dma_start3A_14 = tpu.memref_slice %arg5[%dma_start3A, %dma_start3A_13] : memref<2x72xi32, #tpu.memory_space<vmem>> -> memref<1x72xi32, #tpu.memory_space<vmem>>
    %dma_start3A_15 = tpu.memref_squeeze %dma_start3A_14 : memref<1x72xi32, #tpu.memory_space<vmem>> -> memref<72xi32, #tpu.memory_space<vmem>>
    %dma_start3A_16 = arith.constant 0 : i32
    %dma_start3A_17 = arith.constant 0 : i32
    %dma_start3A_18 = tpu.memref_slice %arg2[%dma_start3A_16, %dma_start3A_17] : memref<8192x256xf32, #tpu.memory_space<hbm>> -> memref<8192x256xf32, #tpu.memory_space<hbm>>
    tpu.enqueue_indirect_dma source(%dma_start3A_18 : memref<8192x256xf32, #tpu.memory_space<hbm>>) target(%dma_start3A_12 : memref<72x256xf32, #tpu.memory_space<vmem>>) offsets(%dma_start3A_15 : memref<72xi32, #tpu.memory_space<vmem>>) semaphore(%arg7 : memref<!tpu.dma_semaphore, #tpu.memory_space<semaphore_mem>>)
    %dma_start3A_19 = arith.constant 1 : i32
    %dma_start3A_20 = arith.constant 1 : i32
    %dma_start3A_21 = arith.constant 0 : i32
    %dma_start3A_22 = arith.constant 0 : i32
    %dma_start3A_23 = tpu.memref_slice %arg6[%dma_start3A_20, %dma_start3A_21, %dma_start3A_22] : memref<2x72x256xf32, #tpu.memory_space<vmem>> -> memref<1x72x256xf32, #tpu.memory_space<vmem>>
    %dma_start3A_24 = tpu.memref_squeeze %dma_start3A_23 : memref<1x72x256xf32, #tpu.memory_space<vmem>> -> memref<72x256xf32, #tpu.memory_space<vmem>>
    %dma_start3A_25 = arith.constant 0 : i32
    %dma_start3A_26 = tpu.memref_slice %arg5[%dma_start3A_19, %dma_start3A_25] : memref<2x72xi32, #tpu.memory_space<vmem>> -> memref<1x72xi32, #tpu.memory_space<vmem>>
    %dma_start3A_27 = tpu.memref_squeeze %dma_start3A_26 : memref<1x72xi32, #tpu.memory_space<vmem>> -> memref<72xi32, #tpu.memory_space<vmem>>
    %dma_start3A_28 = arith.constant 0 : i32
    %dma_start3A_29 = arith.constant 0 : i32
    %dma_start3A_30 = tpu.memref_slice %arg2[%dma_start3A_28, %dma_start3A_29] : memref<8192x256xf32, #tpu.memory_space<hbm>> -> memref<8192x256xf32, #tpu.memory_space<hbm>>
    tpu.enqueue_indirect_dma source(%dma_start3A_30 : memref<8192x256xf32, #tpu.memory_space<hbm>>) target(%dma_start3A_24 : memref<72x256xf32, #tpu.memory_space<vmem>>) offsets(%dma_start3A_27 : memref<72xi32, #tpu.memory_space<vmem>>) semaphore(%arg7 : memref<!tpu.dma_semaphore, #tpu.memory_space<semaphore_mem>>)
    %dma_wait3A = arith.constant 0 : i32
    %dma_wait3A_31 = arith.constant 0 : i32
    %dma_wait3A_32 = arith.constant 0 : i32
    %dma_wait3A_33 = arith.constant 0 : i32
    %dma_wait3A_34 = tpu.memref_slice %arg6[%dma_wait3A_31, %dma_wait3A_32, %dma_wait3A_33] : memref<2x72x256xf32, #tpu.memory_space<vmem>> -> memref<1x72x256xf32, #tpu.memory_space<vmem>>
    %dma_wait3A_35 = tpu.memref_squeeze %dma_wait3A_34 : memref<1x72x256xf32, #tpu.memory_space<vmem>> -> memref<72x256xf32, #tpu.memory_space<vmem>>
    %dma_wait3A_36 = arith.constant 0 : i32
    %dma_wait3A_37 = tpu.memref_slice %arg5[%dma_wait3A, %dma_wait3A_36] : memref<2x72xi32, #tpu.memory_space<vmem>> -> memref<1x72xi32, #tpu.memory_space<vmem>>
    %dma_wait3A_38 = tpu.memref_squeeze %dma_wait3A_37 : memref<1x72xi32, #tpu.memory_space<vmem>> -> memref<72xi32, #tpu.memory_space<vmem>>
    %dma_wait3A_39 = arith.constant 0 : i32
    %dma_wait3A_40 = arith.constant 0 : i32
    %dma_wait3A_41 = tpu.memref_slice %arg2[%dma_wait3A_39, %dma_wait3A_40] : memref<8192x256xf32, #tpu.memory_space<hbm>> -> memref<8192x256xf32, #tpu.memory_space<hbm>>
    tpu.wait_indirect_dma semaphore(%arg7 : memref<!tpu.dma_semaphore, #tpu.memory_space<semaphore_mem>>) src(%dma_wait3A_41 : memref<8192x256xf32, #tpu.memory_space<hbm>>) dst(%dma_wait3A_35 : memref<72x256xf32, #tpu.memory_space<vmem>>)
    %dma_wait3A_42 = arith.constant 1 : i32
    %dma_wait3A_43 = arith.constant 1 : i32
    %dma_wait3A_44 = arith.constant 0 : i32
    %dma_wait3A_45 = arith.constant 0 : i32
    %dma_wait3A_46 = tpu.memref_slice %arg6[%dma_wait3A_43, %dma_wait3A_44, %dma_wait3A_45] : memref<2x72x256xf32, #tpu.memory_space<vmem>> -> memref<1x72x256xf32, #tpu.memory_space<vmem>>
    %dma_wait3A_47 = tpu.memref_squeeze %dma_wait3A_46 : memref<1x72x256xf32, #tpu.memory_space<vmem>> -> memref<72x256xf32, #tpu.memory_space<vmem>>
    %dma_wait3A_48 = arith.constant 0 : i32
    %dma_wait3A_49 = tpu.memref_slice %arg5[%dma_wait3A_42, %dma_wait3A_48] : memref<2x72xi32, #tpu.memory_space<vmem>> -> memref<1x72xi32, #tpu.memory_space<vmem>>
    %dma_wait3A_50 = tpu.memref_squeeze %dma_wait3A_49 : memref<1x72xi32, #tpu.memory_space<vmem>> -> memref<72xi32, #tpu.memory_space<vmem>>
    %dma_wait3A_51 = arith.constant 0 : i32
    %dma_wait3A_52 = arith.constant 0 : i32
    %dma_wait3A_53 = tpu.memref_slice %arg2[%dma_wait3A_51, %dma_wait3A_52] : memref<8192x256xf32, #tpu.memory_space<hbm>> -> memref<8192x256xf32, #tpu.memory_space<hbm>>
    tpu.wait_indirect_dma semaphore(%arg7 : memref<!tpu.dma_semaphore, #tpu.memory_space<semaphore_mem>>) src(%dma_wait3A_53 : memref<8192x256xf32, #tpu.memory_space<hbm>>) dst(%dma_wait3A_47 : memref<72x256xf32, #tpu.memory_space<vmem>>)
    %add3A_54 = arith.constant 0 : i32
    %add3A_55 = arith.addi %mul3A_2, %add3A_54 : i32
    %run_scoped3A_56 = arith.constant 0 : i32
    "tpu.region"() ({
      %run_scoped3A_60 = tpu.sem_alloc : memref<!tpu.dma_semaphore, #tpu.memory_space<semaphore_mem>>
      %dma_start3A_61 = arith.constant 0 : i32
      %dma_start3A_62 = arith.constant 0 : i32
      %dma_start3A_63 = tpu.memref_slice %arg6[%run_scoped3A_56, %dma_start3A_61, %dma_start3A_62] : memref<2x72x256xf32, #tpu.memory_space<vmem>> -> memref<1x72x256xf32, #tpu.memory_space<vmem>>
      %dma_start3A_64 = tpu.memref_squeeze %dma_start3A_63 : memref<1x72x256xf32, #tpu.memory_space<vmem>> -> memref<72x256xf32, #tpu.memory_space<vmem>>
      %dma_start3A_65 = arith.constant 0 : i32
      %dma_start3A_66 = tpu.memref_slice %arg4[%add3A_55, %dma_start3A_65] : memref<4608x256xf32, #tpu.memory_space<hbm>> -> memref<72x256xf32, #tpu.memory_space<hbm>>
      %dma_start3A_67 = arith.constant 0 : i32
      %dma_start3A_68 = tpu.memref_slice %arg4[%add3A_55, %dma_start3A_67] : memref<4608x256xf32, #tpu.memory_space<hbm>> -> memref<72x256xf32, #tpu.memory_space<hbm>>
      %dma_start3A_69 = arith.constant 0 : i32
      %dma_start3A_70 = arith.constant 0 : i32
      %dma_start3A_71 = tpu.memref_slice %arg6[%run_scoped3A_56, %dma_start3A_69, %dma_start3A_70] : memref<2x72x256xf32, #tpu.memory_space<vmem>> -> memref<1x72x256xf32, #tpu.memory_space<vmem>>
      %dma_start3A_72 = tpu.memref_squeeze %dma_start3A_71 : memref<1x72x256xf32, #tpu.memory_space<vmem>> -> memref<72x256xf32, #tpu.memory_space<vmem>>
      tpu.enqueue_dma source(%dma_start3A_72 : memref<72x256xf32, #tpu.memory_space<vmem>>) target(%dma_start3A_68 : memref<72x256xf32, #tpu.memory_space<hbm>>) target_semaphore(%run_scoped3A_60 : memref<!tpu.dma_semaphore, #tpu.memory_space<semaphore_mem>>)
      %dma_wait3A_73 = arith.constant 0 : i32
      %dma_wait3A_74 = arith.constant 0 : i32
      %dma_wait3A_75 = tpu.memref_slice %arg6[%run_scoped3A_56, %dma_wait3A_73, %dma_wait3A_74] : memref<2x72x256xf32, #tpu.memory_space<vmem>> -> memref<1x72x256xf32, #tpu.memory_space<vmem>>
      %dma_wait3A_76 = tpu.memref_squeeze %dma_wait3A_75 : memref<1x72x256xf32, #tpu.memory_space<vmem>> -> memref<72x256xf32, #tpu.memory_space<vmem>>
      %dma_wait3A_77 = arith.constant 0 : i32
      %dma_wait3A_78 = tpu.memref_slice %arg4[%add3A_55, %dma_wait3A_77] : memref<4608x256xf32, #tpu.memory_space<hbm>> -> memref<72x256xf32, #tpu.memory_space<hbm>>
      %dma_wait3A_79 = arith.constant 0 : i32
      %dma_wait3A_80 = tpu.memref_slice %arg4[%add3A_55, %dma_wait3A_79] : memref<4608x256xf32, #tpu.memory_space<hbm>> -> memref<72x256xf32, #tpu.memory_space<hbm>>
      %dma_wait3A_81 = arith.constant 0 : i32
      %dma_wait3A_82 = arith.constant 0 : i32
      %dma_wait3A_83 = tpu.memref_slice %arg6[%run_scoped3A_56, %dma_wait3A_81, %dma_wait3A_82] : memref<2x72x256xf32, #tpu.memory_space<vmem>> -> memref<1x72x256xf32, #tpu.memory_space<vmem>>
      %dma_wait3A_84 = tpu.memref_squeeze %dma_wait3A_83 : memref<1x72x256xf32, #tpu.memory_space<vmem>> -> memref<72x256xf32, #tpu.memory_space<vmem>>
      tpu.wait_dma2 semaphore(%run_scoped3A_60 : memref<!tpu.dma_semaphore, #tpu.memory_space<semaphore_mem>>) src(%dma_wait3A_84 : memref<72x256xf32, #tpu.memory_space<vmem>>) dst(%dma_wait3A_80 : memref<72x256xf32, #tpu.memory_space<hbm>>)
      tpu.yield
    }) : () -> ()
    %add3A_57 = arith.constant 72 : i32
    %add3A_58 = arith.addi %mul3A_2, %add3A_57 : i32
    %run_scoped3A_59 = arith.constant 1 : i32
    "tpu.region"() ({
      %run_scoped3A_60 = tpu.sem_alloc : memref<!tpu.dma_semaphore, #tpu.memory_space<semaphore_mem>>
      %dma_start3A_61 = arith.constant 0 : i32
      %dma_start3A_62 = arith.constant 0 : i32
      %dma_start3A_63 = tpu.memref_slice %arg6[%run_scoped3A_59, %dma_start3A_61, %dma_start3A_62] : memref<2x72x256xf32, #tpu.memory_space<vmem>> -> memref<1x72x256xf32, #tpu.memory_space<vmem>>
      %dma_start3A_64 = tpu.memref_squeeze %dma_start3A_63 : memref<1x72x256xf32, #tpu.memory_space<vmem>> -> memref<72x256xf32, #tpu.memory_space<vmem>>
      %dma_start3A_65 = arith.constant 0 : i32
      %dma_start3A_66 = tpu.memref_slice %arg4[%add3A_58, %dma_start3A_65] : memref<4608x256xf32, #tpu.memory_space<hbm>> -> memref<72x256xf32, #tpu.memory_space<hbm>>
      %dma_start3A_67 = arith.constant 0 : i32
      %dma_start3A_68 = tpu.memref_slice %arg4[%add3A_58, %dma_start3A_67] : memref<4608x256xf32, #tpu.memory_space<hbm>> -> memref<72x256xf32, #tpu.memory_space<hbm>>
      %dma_start3A_69 = arith.constant 0 : i32
      %dma_start3A_70 = arith.constant 0 : i32
      %dma_start3A_71 = tpu.memref_slice %arg6[%run_scoped3A_59, %dma_start3A_69, %dma_start3A_70] : memref<2x72x256xf32, #tpu.memory_space<vmem>> -> memref<1x72x256xf32, #tpu.memory_space<vmem>>
      %dma_start3A_72 = tpu.memref_squeeze %dma_start3A_71 : memref<1x72x256xf32, #tpu.memory_space<vmem>> -> memref<72x256xf32, #tpu.memory_space<vmem>>
      tpu.enqueue_dma source(%dma_start3A_72 : memref<72x256xf32, #tpu.memory_space<vmem>>) target(%dma_start3A_68 : memref<72x256xf32, #tpu.memory_space<hbm>>) target_semaphore(%run_scoped3A_60 : memref<!tpu.dma_semaphore, #tpu.memory_space<semaphore_mem>>)
      %dma_wait3A_73 = arith.constant 0 : i32
      %dma_wait3A_74 = arith.constant 0 : i32
      %dma_wait3A_75 = tpu.memref_slice %arg6[%run_scoped3A_59, %dma_wait3A_73, %dma_wait3A_74] : memref<2x72x256xf32, #tpu.memory_space<vmem>> -> memref<1x72x256xf32, #tpu.memory_space<vmem>>
      %dma_wait3A_76 = tpu.memref_squeeze %dma_wait3A_75 : memref<1x72x256xf32, #tpu.memory_space<vmem>> -> memref<72x256xf32, #tpu.memory_space<vmem>>
      %dma_wait3A_77 = arith.constant 0 : i32
      %dma_wait3A_78 = tpu.memref_slice %arg4[%add3A_58, %dma_wait3A_77] : memref<4608x256xf32, #tpu.memory_space<hbm>> -> memref<72x256xf32, #tpu.memory_space<hbm>>
      %dma_wait3A_79 = arith.constant 0 : i32
      %dma_wait3A_80 = tpu.memref_slice %arg4[%add3A_58, %dma_wait3A_79] : memref<4608x256xf32, #tpu.memory_space<hbm>> -> memref<72x256xf32, #tpu.memory_space<hbm>>
      %dma_wait3A_81 = arith.constant 0 : i32
      %dma_wait3A_82 = arith.constant 0 : i32
      %dma_wait3A_83 = tpu.memref_slice %arg6[%run_scoped3A_59, %dma_wait3A_81, %dma_wait3A_82] : memref<2x72x256xf32, #tpu.memory_space<vmem>> -> memref<1x72x256xf32, #tpu.memory_space<vmem>>
      %dma_wait3A_84 = tpu.memref_squeeze %dma_wait3A_83 : memref<1x72x256xf32, #tpu.memory_space<vmem>> -> memref<72x256xf32, #tpu.memory_space<vmem>>
      tpu.wait_dma2 semaphore(%run_scoped3A_60 : memref<!tpu.dma_semaphore, #tpu.memory_space<semaphore_mem>>) src(%dma_wait3A_84 : memref<72x256xf32, #tpu.memory_space<vmem>>) dst(%dma_wait3A_80 : memref<72x256xf32, #tpu.memory_space<hbm>>)
      tpu.yield
    }) : () -> ()
    return
  }
}

#map = affine_map<(d0, d1) -> (0, 0)>
#map1 = affine_map<(d0, d1) -> (0)>
module attributes {stable_mosaic.version = 14 : i64} {
  func.func @gather_k(%arg0: i32, %arg1: i32, %arg2: memref<8192x256xf32, #tpu.memory_space<hbm>>, %arg3: memref<4608xi32, #tpu.memory_space<hbm>>, %arg4: memref<4608x256xf32, #tpu.memory_space<hbm>>, %arg5: memref<2x72xi32, #tpu.memory_space<vmem>>, %arg6: memref<2x72x256xf32, #tpu.memory_space<vmem>>, %arg7: memref<!tpu.dma_semaphore, #tpu.memory_space<semaphore_mem>>) attributes {dimension_semantics = [#tpu.dimension_semantics<core_parallel>, #tpu.dimension_semantics<subcore_parallel>], iteration_bounds = array<i64: 2, 16>, scalar_prefetch = 0 : i64, scratch_operands = 3 : i64, tpu.core_type = #tpu.core_type<sc_vector_subcore>, window_params = [{transform_indices = #map}, {transform_indices = #map1}, {transform_indices = #map}]} {
    %mul3A = arith.constant 2 : i32
    %mul3A_0 = arith.muli %arg1, %mul3A : i32
    %add3A = arith.addi %mul3A_0, %arg0 : i32
    %mul3A_1 = arith.constant 144 : i32
    %mul3A_2 = arith.muli %add3A, %mul3A_1 : i32
    %add3A_3 = arith.constant 0 : i32
    %add3A_4 = arith.addi %mul3A_2, %add3A_3 : i32
    %run_scoped3A = arith.constant 0 : i32
    "tpu.region"() ({
      %run_scoped3A_60 = tpu.sem_alloc : memref<!tpu.dma_semaphore, #tpu.memory_space<semaphore_mem>>
      %dma_start3A_61 = arith.constant 0 : i32
      %dma_start3A_62 = tpu.memref_slice %arg5[%run_scoped3A, %dma_start3A_61] : memref<2x72xi32, #tpu.memory_space<vmem>> -> memref<1x72xi32, #tpu.memory_space<vmem>>
      %dma_start3A_63 = tpu.memref_squeeze %dma_start3A_62 : memref<1x72xi32, #tpu.memory_space<vmem>> -> memref<72xi32, #tpu.memory_space<vmem>>
      %dma_start3A_64 = tpu.memref_slice %arg3[%add3A_4] : memref<4608xi32, #tpu.memory_space<hbm>> -> memref<72xi32, #tpu.memory_space<hbm>>
      %dma_start3A_65 = arith.constant 0 : i32
      %dma_start3A_66 = tpu.memref_slice %arg5[%run_scoped3A, %dma_start3A_65] : memref<2x72xi32, #tpu.memory_space<vmem>> -> memref<1x72xi32, #tpu.memory_space<vmem>>
      %dma_start3A_67 = tpu.memref_squeeze %dma_start3A_66 : memref<1x72xi32, #tpu.memory_space<vmem>> -> memref<72xi32, #tpu.memory_space<vmem>>
      %dma_start3A_68 = tpu.memref_slice %arg3[%add3A_4] : memref<4608xi32, #tpu.memory_space<hbm>> -> memref<72xi32, #tpu.memory_space<hbm>>
      tpu.enqueue_dma source(%dma_start3A_68 : memref<72xi32, #tpu.memory_space<hbm>>) target(%dma_start3A_67 : memref<72xi32, #tpu.memory_space<vmem>>) target_semaphore(%run_scoped3A_60 : memref<!tpu.dma_semaphore, #tpu.memory_space<semaphore_mem>>)
      %dma_wait3A_69 = arith.constant 0 : i32
      %dma_wait3A_70 = tpu.memref_slice %arg5[%run_scoped3A, %dma_wait3A_69] : memref<2x72xi32, #tpu.memory_space<vmem>> -> memref<1x72xi32, #tpu.memory_space<vmem>>
      %dma_wait3A_71 = tpu.memref_squeeze %dma_wait3A_70 : memref<1x72xi32, #tpu.memory_space<vmem>> -> memref<72xi32, #tpu.memory_space<vmem>>
      %dma_wait3A_72 = tpu.memref_slice %arg3[%add3A_4] : memref<4608xi32, #tpu.memory_space<hbm>> -> memref<72xi32, #tpu.memory_space<hbm>>
      %dma_wait3A_73 = arith.constant 0 : i32
      %dma_wait3A_74 = tpu.memref_slice %arg5[%run_scoped3A, %dma_wait3A_73] : memref<2x72xi32, #tpu.memory_space<vmem>> -> memref<1x72xi32, #tpu.memory_space<vmem>>
      %dma_wait3A_75 = tpu.memref_squeeze %dma_wait3A_74 : memref<1x72xi32, #tpu.memory_space<vmem>> -> memref<72xi32, #tpu.memory_space<vmem>>
      %dma_wait3A_76 = tpu.memref_slice %arg3[%add3A_4] : memref<4608xi32, #tpu.memory_space<hbm>> -> memref<72xi32, #tpu.memory_space<hbm>>
      tpu.wait_dma2 semaphore(%run_scoped3A_60 : memref<!tpu.dma_semaphore, #tpu.memory_space<semaphore_mem>>) src(%dma_wait3A_76 : memref<72xi32, #tpu.memory_space<hbm>>) dst(%dma_wait3A_75 : memref<72xi32, #tpu.memory_space<vmem>>)
      tpu.yield
    }) : () -> ()
    %add3A_5 = arith.constant 72 : i32
    %add3A_6 = arith.addi %mul3A_2, %add3A_5 : i32
    %run_scoped3A_7 = arith.constant 1 : i32
    "tpu.region"() ({
      %run_scoped3A_60 = tpu.sem_alloc : memref<!tpu.dma_semaphore, #tpu.memory_space<semaphore_mem>>
      %dma_start3A_61 = arith.constant 0 : i32
      %dma_start3A_62 = tpu.memref_slice %arg5[%run_scoped3A_7, %dma_start3A_61] : memref<2x72xi32, #tpu.memory_space<vmem>> -> memref<1x72xi32, #tpu.memory_space<vmem>>
      %dma_start3A_63 = tpu.memref_squeeze %dma_start3A_62 : memref<1x72xi32, #tpu.memory_space<vmem>> -> memref<72xi32, #tpu.memory_space<vmem>>
      %dma_start3A_64 = tpu.memref_slice %arg3[%add3A_6] : memref<4608xi32, #tpu.memory_space<hbm>> -> memref<72xi32, #tpu.memory_space<hbm>>
      %dma_start3A_65 = arith.constant 0 : i32
      %dma_start3A_66 = tpu.memref_slice %arg5[%run_scoped3A_7, %dma_start3A_65] : memref<2x72xi32, #tpu.memory_space<vmem>> -> memref<1x72xi32, #tpu.memory_space<vmem>>
      %dma_start3A_67 = tpu.memref_squeeze %dma_start3A_66 : memref<1x72xi32, #tpu.memory_space<vmem>> -> memref<72xi32, #tpu.memory_space<vmem>>
      %dma_start3A_68 = tpu.memref_slice %arg3[%add3A_6] : memref<4608xi32, #tpu.memory_space<hbm>> -> memref<72xi32, #tpu.memory_space<hbm>>
      tpu.enqueue_dma source(%dma_start3A_68 : memref<72xi32, #tpu.memory_space<hbm>>) target(%dma_start3A_67 : memref<72xi32, #tpu.memory_space<vmem>>) target_semaphore(%run_scoped3A_60 : memref<!tpu.dma_semaphore, #tpu.memory_space<semaphore_mem>>)
      %dma_wait3A_69 = arith.constant 0 : i32
      %dma_wait3A_70 = tpu.memref_slice %arg5[%run_scoped3A_7, %dma_wait3A_69] : memref<2x72xi32, #tpu.memory_space<vmem>> -> memref<1x72xi32, #tpu.memory_space<vmem>>
      %dma_wait3A_71 = tpu.memref_squeeze %dma_wait3A_70 : memref<1x72xi32, #tpu.memory_space<vmem>> -> memref<72xi32, #tpu.memory_space<vmem>>
      %dma_wait3A_72 = tpu.memref_slice %arg3[%add3A_6] : memref<4608xi32, #tpu.memory_space<hbm>> -> memref<72xi32, #tpu.memory_space<hbm>>
      %dma_wait3A_73 = arith.constant 0 : i32
      %dma_wait3A_74 = tpu.memref_slice %arg5[%run_scoped3A_7, %dma_wait3A_73] : memref<2x72xi32, #tpu.memory_space<vmem>> -> memref<1x72xi32, #tpu.memory_space<vmem>>
      %dma_wait3A_75 = tpu.memref_squeeze %dma_wait3A_74 : memref<1x72xi32, #tpu.memory_space<vmem>> -> memref<72xi32, #tpu.memory_space<vmem>>
      %dma_wait3A_76 = tpu.memref_slice %arg3[%add3A_6] : memref<4608xi32, #tpu.memory_space<hbm>> -> memref<72xi32, #tpu.memory_space<hbm>>
      tpu.wait_dma2 semaphore(%run_scoped3A_60 : memref<!tpu.dma_semaphore, #tpu.memory_space<semaphore_mem>>) src(%dma_wait3A_76 : memref<72xi32, #tpu.memory_space<hbm>>) dst(%dma_wait3A_75 : memref<72xi32, #tpu.memory_space<vmem>>)
      tpu.yield
    }) : () -> ()
    %dma_start3A = arith.constant 0 : i32
    %dma_start3A_8 = arith.constant 0 : i32
    %dma_start3A_9 = arith.constant 0 : i32
    %dma_start3A_10 = arith.constant 0 : i32
    %dma_start3A_11 = tpu.memref_slice %arg6[%dma_start3A_8, %dma_start3A_9, %dma_start3A_10] : memref<2x72x256xf32, #tpu.memory_space<vmem>> -> memref<1x72x256xf32, #tpu.memory_space<vmem>>
    %dma_start3A_12 = tpu.memref_squeeze %dma_start3A_11 : memref<1x72x256xf32, #tpu.memory_space<vmem>> -> memref<72x256xf32, #tpu.memory_space<vmem>>
    %dma_start3A_13 = arith.constant 0 : i32
    %dma_start3A_14 = tpu.memref_slice %arg5[%dma_start3A, %dma_start3A_13] : memref<2x72xi32, #tpu.memory_space<vmem>> -> memref<1x72xi32, #tpu.memory_space<vmem>>
    %dma_start3A_15 = tpu.memref_squeeze %dma_start3A_14 : memref<1x72xi32, #tpu.memory_space<vmem>> -> memref<72xi32, #tpu.memory_space<vmem>>
    %dma_start3A_16 = arith.constant 0 : i32
    %dma_start3A_17 = arith.constant 0 : i32
    %dma_start3A_18 = tpu.memref_slice %arg2[%dma_start3A_16, %dma_start3A_17] : memref<8192x256xf32, #tpu.memory_space<hbm>> -> memref<8192x256xf32, #tpu.memory_space<hbm>>
    tpu.enqueue_indirect_dma source(%dma_start3A_18 : memref<8192x256xf32, #tpu.memory_space<hbm>>) target(%dma_start3A_12 : memref<72x256xf32, #tpu.memory_space<vmem>>) offsets(%dma_start3A_15 : memref<72xi32, #tpu.memory_space<vmem>>) semaphore(%arg7 : memref<!tpu.dma_semaphore, #tpu.memory_space<semaphore_mem>>)
    %dma_start3A_19 = arith.constant 1 : i32
    %dma_start3A_20 = arith.constant 1 : i32
    %dma_start3A_21 = arith.constant 0 : i32
    %dma_start3A_22 = arith.constant 0 : i32
    %dma_start3A_23 = tpu.memref_slice %arg6[%dma_start3A_20, %dma_start3A_21, %dma_start3A_22] : memref<2x72x256xf32, #tpu.memory_space<vmem>> -> memref<1x72x256xf32, #tpu.memory_space<vmem>>
    %dma_start3A_24 = tpu.memref_squeeze %dma_start3A_23 : memref<1x72x256xf32, #tpu.memory_space<vmem>> -> memref<72x256xf32, #tpu.memory_space<vmem>>
    %dma_start3A_25 = arith.constant 0 : i32
    %dma_start3A_26 = tpu.memref_slice %arg5[%dma_start3A_19, %dma_start3A_25] : memref<2x72xi32, #tpu.memory_space<vmem>> -> memref<1x72xi32, #tpu.memory_space<vmem>>
    %dma_start3A_27 = tpu.memref_squeeze %dma_start3A_26 : memref<1x72xi32, #tpu.memory_space<vmem>> -> memref<72xi32, #tpu.memory_space<vmem>>
    %dma_start3A_28 = arith.constant 0 : i32
    %dma_start3A_29 = arith.constant 0 : i32
    %dma_start3A_30 = tpu.memref_slice %arg2[%dma_start3A_28, %dma_start3A_29] : memref<8192x256xf32, #tpu.memory_space<hbm>> -> memref<8192x256xf32, #tpu.memory_space<hbm>>
    tpu.enqueue_indirect_dma source(%dma_start3A_30 : memref<8192x256xf32, #tpu.memory_space<hbm>>) target(%dma_start3A_24 : memref<72x256xf32, #tpu.memory_space<vmem>>) offsets(%dma_start3A_27 : memref<72xi32, #tpu.memory_space<vmem>>) semaphore(%arg7 : memref<!tpu.dma_semaphore, #tpu.memory_space<semaphore_mem>>)
    %dma_wait3A = arith.constant 0 : i32
    %dma_wait3A_31 = arith.constant 0 : i32
    %dma_wait3A_32 = arith.constant 0 : i32
    %dma_wait3A_33 = arith.constant 0 : i32
    %dma_wait3A_34 = tpu.memref_slice %arg6[%dma_wait3A_31, %dma_wait3A_32, %dma_wait3A_33] : memref<2x72x256xf32, #tpu.memory_space<vmem>> -> memref<1x72x256xf32, #tpu.memory_space<vmem>>
    %dma_wait3A_35 = tpu.memref_squeeze %dma_wait3A_34 : memref<1x72x256xf32, #tpu.memory_space<vmem>> -> memref<72x256xf32, #tpu.memory_space<vmem>>
    %dma_wait3A_36 = arith.constant 0 : i32
    %dma_wait3A_37 = tpu.memref_slice %arg5[%dma_wait3A, %dma_wait3A_36] : memref<2x72xi32, #tpu.memory_space<vmem>> -> memref<1x72xi32, #tpu.memory_space<vmem>>
    %dma_wait3A_38 = tpu.memref_squeeze %dma_wait3A_37 : memref<1x72xi32, #tpu.memory_space<vmem>> -> memref<72xi32, #tpu.memory_space<vmem>>
    %dma_wait3A_39 = arith.constant 0 : i32
    %dma_wait3A_40 = arith.constant 0 : i32
    %dma_wait3A_41 = tpu.memref_slice %arg2[%dma_wait3A_39, %dma_wait3A_40] : memref<8192x256xf32, #tpu.memory_space<hbm>> -> memref<8192x256xf32, #tpu.memory_space<hbm>>
    tpu.wait_indirect_dma semaphore(%arg7 : memref<!tpu.dma_semaphore, #tpu.memory_space<semaphore_mem>>) src(%dma_wait3A_41 : memref<8192x256xf32, #tpu.memory_space<hbm>>) dst(%dma_wait3A_35 : memref<72x256xf32, #tpu.memory_space<vmem>>)
    %dma_wait3A_42 = arith.constant 1 : i32
    %dma_wait3A_43 = arith.constant 1 : i32
    %dma_wait3A_44 = arith.constant 0 : i32
    %dma_wait3A_45 = arith.constant 0 : i32
    %dma_wait3A_46 = tpu.memref_slice %arg6[%dma_wait3A_43, %dma_wait3A_44, %dma_wait3A_45] : memref<2x72x256xf32, #tpu.memory_space<vmem>> -> memref<1x72x256xf32, #tpu.memory_space<vmem>>
    %dma_wait3A_47 = tpu.memref_squeeze %dma_wait3A_46 : memref<1x72x256xf32, #tpu.memory_space<vmem>> -> memref<72x256xf32, #tpu.memory_space<vmem>>
    %dma_wait3A_48 = arith.constant 0 : i32
    %dma_wait3A_49 = tpu.memref_slice %arg5[%dma_wait3A_42, %dma_wait3A_48] : memref<2x72xi32, #tpu.memory_space<vmem>> -> memref<1x72xi32, #tpu.memory_space<vmem>>
    %dma_wait3A_50 = tpu.memref_squeeze %dma_wait3A_49 : memref<1x72xi32, #tpu.memory_space<vmem>> -> memref<72xi32, #tpu.memory_space<vmem>>
    %dma_wait3A_51 = arith.constant 0 : i32
    %dma_wait3A_52 = arith.constant 0 : i32
    %dma_wait3A_53 = tpu.memref_slice %arg2[%dma_wait3A_51, %dma_wait3A_52] : memref<8192x256xf32, #tpu.memory_space<hbm>> -> memref<8192x256xf32, #tpu.memory_space<hbm>>
    tpu.wait_indirect_dma semaphore(%arg7 : memref<!tpu.dma_semaphore, #tpu.memory_space<semaphore_mem>>) src(%dma_wait3A_53 : memref<8192x256xf32, #tpu.memory_space<hbm>>) dst(%dma_wait3A_47 : memref<72x256xf32, #tpu.memory_space<vmem>>)
    %add3A_54 = arith.constant 0 : i32
    %add3A_55 = arith.addi %mul3A_2, %add3A_54 : i32
    %run_scoped3A_56 = arith.constant 0 : i32
    "tpu.region"() ({
      %run_scoped3A_60 = tpu.sem_alloc : memref<!tpu.dma_semaphore, #tpu.memory_space<semaphore_mem>>
      %dma_start3A_61 = arith.constant 0 : i32
      %dma_start3A_62 = arith.constant 0 : i32
      %dma_start3A_63 = tpu.memref_slice %arg6[%run_scoped3A_56, %dma_start3A_61, %dma_start3A_62] : memref<2x72x256xf32, #tpu.memory_space<vmem>> -> memref<1x72x256xf32, #tpu.memory_space<vmem>>
      %dma_start3A_64 = tpu.memref_squeeze %dma_start3A_63 : memref<1x72x256xf32, #tpu.memory_space<vmem>> -> memref<72x256xf32, #tpu.memory_space<vmem>>
      %dma_start3A_65 = arith.constant 0 : i32
      %dma_start3A_66 = tpu.memref_slice %arg4[%add3A_55, %dma_start3A_65] : memref<4608x256xf32, #tpu.memory_space<hbm>> -> memref<72x256xf32, #tpu.memory_space<hbm>>
      %dma_start3A_67 = arith.constant 0 : i32
      %dma_start3A_68 = tpu.memref_slice %arg4[%add3A_55, %dma_start3A_67] : memref<4608x256xf32, #tpu.memory_space<hbm>> -> memref<72x256xf32, #tpu.memory_space<hbm>>
      %dma_start3A_69 = arith.constant 0 : i32
      %dma_start3A_70 = arith.constant 0 : i32
      %dma_start3A_71 = tpu.memref_slice %arg6[%run_scoped3A_56, %dma_start3A_69, %dma_start3A_70] : memref<2x72x256xf32, #tpu.memory_space<vmem>> -> memref<1x72x256xf32, #tpu.memory_space<vmem>>
      %dma_start3A_72 = tpu.memref_squeeze %dma_start3A_71 : memref<1x72x256xf32, #tpu.memory_space<vmem>> -> memref<72x256xf32, #tpu.memory_space<vmem>>
      tpu.enqueue_dma source(%dma_start3A_72 : memref<72x256xf32, #tpu.memory_space<vmem>>) target(%dma_start3A_68 : memref<72x256xf32, #tpu.memory_space<hbm>>) target_semaphore(%run_scoped3A_60 : memref<!tpu.dma_semaphore, #tpu.memory_space<semaphore_mem>>)
      %dma_wait3A_73 = arith.constant 0 : i32
      %dma_wait3A_74 = arith.constant 0 : i32
      %dma_wait3A_75 = tpu.memref_slice %arg6[%run_scoped3A_56, %dma_wait3A_73, %dma_wait3A_74] : memref<2x72x256xf32, #tpu.memory_space<vmem>> -> memref<1x72x256xf32, #tpu.memory_space<vmem>>
      %dma_wait3A_76 = tpu.memref_squeeze %dma_wait3A_75 : memref<1x72x256xf32, #tpu.memory_space<vmem>> -> memref<72x256xf32, #tpu.memory_space<vmem>>
      %dma_wait3A_77 = arith.constant 0 : i32
      %dma_wait3A_78 = tpu.memref_slice %arg4[%add3A_55, %dma_wait3A_77] : memref<4608x256xf32, #tpu.memory_space<hbm>> -> memref<72x256xf32, #tpu.memory_space<hbm>>
      %dma_wait3A_79 = arith.constant 0 : i32
      %dma_wait3A_80 = tpu.memref_slice %arg4[%add3A_55, %dma_wait3A_79] : memref<4608x256xf32, #tpu.memory_space<hbm>> -> memref<72x256xf32, #tpu.memory_space<hbm>>
      %dma_wait3A_81 = arith.constant 0 : i32
      %dma_wait3A_82 = arith.constant 0 : i32
      %dma_wait3A_83 = tpu.memref_slice %arg6[%run_scoped3A_56, %dma_wait3A_81, %dma_wait3A_82] : memref<2x72x256xf32, #tpu.memory_space<vmem>> -> memref<1x72x256xf32, #tpu.memory_space<vmem>>
      %dma_wait3A_84 = tpu.memref_squeeze %dma_wait3A_83 : memref<1x72x256xf32, #tpu.memory_space<vmem>> -> memref<72x256xf32, #tpu.memory_space<vmem>>
      tpu.wait_dma2 semaphore(%run_scoped3A_60 : memref<!tpu.dma_semaphore, #tpu.memory_space<semaphore_mem>>) src(%dma_wait3A_84 : memref<72x256xf32, #tpu.memory_space<vmem>>) dst(%dma_wait3A_80 : memref<72x256xf32, #tpu.memory_space<hbm>>)
      tpu.yield
    }) : () -> ()
    %add3A_57 = arith.constant 72 : i32
    %add3A_58 = arith.addi %mul3A_2, %add3A_57 : i32
    %run_scoped3A_59 = arith.constant 1 : i32
    "tpu.region"() ({
      %run_scoped3A_60 = tpu.sem_alloc : memref<!tpu.dma_semaphore, #tpu.memory_space<semaphore_mem>>
      %dma_start3A_61 = arith.constant 0 : i32
      %dma_start3A_62 = arith.constant 0 : i32
      %dma_start3A_63 = tpu.memref_slice %arg6[%run_scoped3A_59, %dma_start3A_61, %dma_start3A_62] : memref<2x72x256xf32, #tpu.memory_space<vmem>> -> memref<1x72x256xf32, #tpu.memory_space<vmem>>
      %dma_start3A_64 = tpu.memref_squeeze %dma_start3A_63 : memref<1x72x256xf32, #tpu.memory_space<vmem>> -> memref<72x256xf32, #tpu.memory_space<vmem>>
      %dma_start3A_65 = arith.constant 0 : i32
      %dma_start3A_66 = tpu.memref_slice %arg4[%add3A_58, %dma_start3A_65] : memref<4608x256xf32, #tpu.memory_space<hbm>> -> memref<72x256xf32, #tpu.memory_space<hbm>>
      %dma_start3A_67 = arith.constant 0 : i32
      %dma_start3A_68 = tpu.memref_slice %arg4[%add3A_58, %dma_start3A_67] : memref<4608x256xf32, #tpu.memory_space<hbm>> -> memref<72x256xf32, #tpu.memory_space<hbm>>
      %dma_start3A_69 = arith.constant 0 : i32
      %dma_start3A_70 = arith.constant 0 : i32
      %dma_start3A_71 = tpu.memref_slice %arg6[%run_scoped3A_59, %dma_start3A_69, %dma_start3A_70] : memref<2x72x256xf32, #tpu.memory_space<vmem>> -> memref<1x72x256xf32, #tpu.memory_space<vmem>>
      %dma_start3A_72 = tpu.memref_squeeze %dma_start3A_71 : memref<1x72x256xf32, #tpu.memory_space<vmem>> -> memref<72x256xf32, #tpu.memory_space<vmem>>
      tpu.enqueue_dma source(%dma_start3A_72 : memref<72x256xf32, #tpu.memory_space<vmem>>) target(%dma_start3A_68 : memref<72x256xf32, #tpu.memory_space<hbm>>) target_semaphore(%run_scoped3A_60 : memref<!tpu.dma_semaphore, #tpu.memory_space<semaphore_mem>>)
      %dma_wait3A_73 = arith.constant 0 : i32
      %dma_wait3A_74 = arith.constant 0 : i32
      %dma_wait3A_75 = tpu.memref_slice %arg6[%run_scoped3A_59, %dma_wait3A_73, %dma_wait3A_74] : memref<2x72x256xf32, #tpu.memory_space<vmem>> -> memref<1x72x256xf32, #tpu.memory_space<vmem>>
      %dma_wait3A_76 = tpu.memref_squeeze %dma_wait3A_75 : memref<1x72x256xf32, #tpu.memory_space<vmem>> -> memref<72x256xf32, #tpu.memory_space<vmem>>
      %dma_wait3A_77 = arith.constant 0 : i32
      %dma_wait3A_78 = tpu.memref_slice %arg4[%add3A_58, %dma_wait3A_77] : memref<4608x256xf32, #tpu.memory_space<hbm>> -> memref<72x256xf32, #tpu.memory_space<hbm>>
      %dma_wait3A_79 = arith.constant 0 : i32
      %dma_wait3A_80 = tpu.memref_slice %arg4[%add3A_58, %dma_wait3A_79] : memref<4608x256xf32, #tpu.memory_space<hbm>> -> memref<72x256xf32, #tpu.memory_space<hbm>>
      %dma_wait3A_81 = arith.constant 0 : i32
      %dma_wait3A_82 = arith.constant 0 : i32
      %dma_wait3A_83 = tpu.memref_slice %arg6[%run_scoped3A_59, %dma_wait3A_81, %dma_wait3A_82] : memref<2x72x256xf32, #tpu.memory_space<vmem>> -> memref<1x72x256xf32, #tpu.memory_space<vmem>>
      %dma_wait3A_84 = tpu.memref_squeeze %dma_wait3A_83 : memref<1x72x256xf32, #tpu.memory_space<vmem>> -> memref<72x256xf32, #tpu.memory_space<vmem>>
      tpu.wait_dma2 semaphore(%run_scoped3A_60 : memref<!tpu.dma_semaphore, #tpu.memory_space<semaphore_mem>>) src(%dma_wait3A_84 : memref<72x256xf32, #tpu.memory_space<vmem>>) dst(%dma_wait3A_80 : memref<72x256xf32, #tpu.memory_space<hbm>>)
      tpu.yield
    }) : () -> ()
    return
  }
}

module attributes {stable_mosaic.version = 14 : i64} {
  func.func @_argmin_body(%arg0: i32, %arg1: i32, %arg2: memref<512x256xf32, #tpu.memory_space<vmem>>, %arg3: memref<512x256xf32, #tpu.memory_space<vmem>>, %arg4: memref<8192x256xf32, #tpu.memory_space<vmem>>, %arg5: memref<1x1x512xi32, #tpu.memory_space<vmem>>, %arg6: memref<512x256xf32, #tpu.memory_space<vmem>>, %arg7: memref<512x256xf32, #tpu.memory_space<vmem>>, %arg8: memref<1x512xf32, #tpu.memory_space<vmem>>, %arg9: memref<1x512xi32, #tpu.memory_space<vmem>>) attributes {dimension_semantics = [#tpu.dimension_semantics<parallel>, #tpu.dimension_semantics<arbitrary>], iteration_bounds = array<i64: 9, 16>, scalar_prefetch = 0 : i64, scratch_operands = 3 : i64, tpu.core_type = #tpu.core_type<tc>, window_params = [{transform_indices = @transform_0, window_bounds = array<i64: 512, 256>}, {transform_indices = @transform_1, window_bounds = array<i64: 512, 256>}, {pipeline_mode = #tpu.pipeline_mode<synchronous>, transform_indices = @transform_2, window_bounds = array<i64: 8192, 256>}, {transform_indices = @transform_3, window_bounds = array<i64: 1, 1, 512>}, {transform_indices = @transform_4, window_bounds = array<i64: 512, 256>}]} {
    %eq3A = arith.constant 0 : i32
    %eq3A_0 = arith.cmpi eq, %arg1, %eq3A : i32
    %convert_element_type3A = arith.extui %eq3A_0 : i1 to i32
    %cond3A = arith.constant 0 : i32
    %cond3A_1 = arith.cmpi ne, %convert_element_type3A, %cond3A : i32
    scf.if %cond3A_1 {
      %get3A_45 = arith.constant 0 : index
      %get3A_46 = arith.constant 0 : index
      %get3A_47 = vector.load %arg2[%get3A_45, %get3A_46] : memref<512x256xf32, #tpu.memory_space<vmem>>, vector<512x256xf32>
      %get3A_48 = arith.constant 0 : index
      %get3A_49 = arith.constant 0 : index
      %get3A_50 = vector.load %arg3[%get3A_48, %get3A_49] : memref<512x256xf32, #tpu.memory_space<vmem>>, vector<512x256xf32>
      %sub3A_51 = arith.subf %get3A_47, %get3A_50 : vector<512x256xf32>
      %swap3A = arith.constant 0 : index
      %swap3A_52 = arith.constant 0 : index
      %swap3A_53 = vector.load %arg7[%swap3A, %swap3A_52] : memref<512x256xf32, #tpu.memory_space<vmem>>, vector<512x256xf32>
      tpu.vector_store %arg7[%swap3A, %swap3A_52], %sub3A_51 {strides = array<i32>} : memref<512x256xf32, #tpu.memory_space<vmem>>, vector<512x256xf32>,
      %get3A_54 = arith.constant 0 : index
      %get3A_55 = arith.constant 0 : index
      %get3A_56 = vector.load %arg7[%get3A_54, %get3A_55] : memref<512x256xf32, #tpu.memory_space<vmem>>, vector<512x256xf32>
      %swap3A_57 = arith.constant 0 : index
      %swap3A_58 = arith.constant 0 : index
      %swap3A_59 = vector.load %arg6[%swap3A_57, %swap3A_58] : memref<512x256xf32, #tpu.memory_space<vmem>>, vector<512x256xf32>
      tpu.vector_store %arg6[%swap3A_57, %swap3A_58], %get3A_56 {strides = array<i32>} : memref<512x256xf32, #tpu.memory_space<vmem>>, vector<512x256xf32>,
    } else {
    }
    %get3A = arith.constant 0 : index
    %get3A_2 = arith.constant 0 : index
    %get3A_3 = vector.load %arg7[%get3A, %get3A_2] : memref<512x256xf32, #tpu.memory_space<vmem>>, vector<512x256xf32>
    %get3A_4 = arith.constant 0 : index
    %get3A_5 = arith.constant 0 : index
    %get3A_6 = vector.load %arg7[%get3A_4, %get3A_5] : memref<512x256xf32, #tpu.memory_space<vmem>>, vector<512x256xf32>
    %add3A = arith.addf %get3A_3, %get3A_6 : vector<512x256xf32>
    %mul3A = arith.constant 512 : i32
    %mul3A_7 = arith.muli %arg1, %mul3A : i32
    %get3A_8 = arith.index_cast %mul3A_7 : i32 to index
    %get3A_9 = arith.constant 0 : index
    %get3A_10 = vector.load %arg4[%get3A_8, %get3A_9] : memref<8192x256xf32, #tpu.memory_space<vmem>>, vector<512x256xf32>
    %dot_general3A = arith.constant dense<0.000000e+00> : vector<512x512xf32>
    %dot_general3A_11 = tpu.matmul %get3A_10, %add3A, %dot_general3A {dimension_numbers = #tpu.dot_dimension_numbers<[1], [1], [0], [0], [0, 0, 1, 0], [], []>, transpose_lhs_hint = false} : vector<512x256xf32>, vector<512x256xf32>, vector<512x512xf32> -> vector<512x512xf32>
    %mul3A_12 = arith.mulf %get3A_10, %get3A_10 : vector<512x256xf32>
    %broadcast_in_dim3A = arith.constant 1.000000e+00 : f32
    %broadcast_in_dim3A_13 = vector.broadcast %broadcast_in_dim3A : f32 to vector<1x256xf32>
    %dot_general3A_14 = arith.constant dense<0.000000e+00> : vector<512x1xf32>
    %dot_general3A_15 = tpu.matmul %mul3A_12, %broadcast_in_dim3A_13, %dot_general3A_14 {dimension_numbers = #tpu.dot_dimension_numbers<[1], [1], [0], [0], [0, 0, 1, 0], [], []>, precision = #tpu.contract_precision<fp32>, transpose_lhs_hint = false} : vector<512x256xf32>, vector<1x256xf32>, vector<512x1xf32> -> vector<512x1xf32>
    %sub3A = vector.broadcast %dot_general3A_15 : vector<512x1xf32> to vector<512x512xf32>
    %sub3A_16 = arith.subf %sub3A, %dot_general3A_11 : vector<512x512xf32>
    %reduce_min3A = arith.constant dense<0x7F800000> : vector<512xf32>
    %reduce_min3A_17 = vector.multi_reduction <minimumf>, %sub3A_16, %reduce_min3A [0] : vector<512x512xf32> to vector<512xf32>
    %broadcast_in_dim3A_18 = vector.shape_cast %reduce_min3A_17 : vector<512xf32> to vector<1x512xf32>
    %iota3A = tpu.iota {dimensions = array<i32: 0>} : vector<512x512xi32>
    %convert_element_type3A_19 = arith.sitofp %iota3A : vector<512x512xi32> to vector<512x512xf32>
    %eq3A_20 = vector.broadcast %broadcast_in_dim3A_18 : vector<1x512xf32> to vector<512x512xf32>
    %eq3A_21 = arith.cmpf oeq, %sub3A_16, %eq3A_20 : vector<512x512xf32>
    %jit3A = arith.constant 5.120000e+02 : f32
    %broadcast_in_dim3A_22 = vector.broadcast %jit3A : f32 to vector<512x512xf32>
    %select_n3A = arith.select %eq3A_21, %convert_element_type3A_19, %broadcast_in_dim3A_22 : vector<512x512xi1>, vector<512x512xf32>
    %reduce_min3A_23 = arith.constant dense<0x7F800000> : vector<512xf32>
    %reduce_min3A_24 = vector.multi_reduction <minimumf>, %select_n3A, %reduce_min3A_23 [0] : vector<512x512xf32> to vector<512xf32>
    %broadcast_in_dim3A_25 = vector.shape_cast %reduce_min3A_24 : vector<512xf32> to vector<1x512xf32>
    %convert_element_type3A_26 = arith.fptosi %broadcast_in_dim3A_25 : vector<1x512xf32> to vector<1x512xi32>
    %mul3A_27 = arith.constant 512 : i32
    %mul3A_28 = arith.muli %arg1, %mul3A_27 : i32
    %add3A_29 = vector.broadcast %mul3A_28 : i32 to vector<1x512xi32>
    %add3A_30 = arith.addi %convert_element_type3A_26, %add3A_29 : vector<1x512xi32>
    %eq3A_31 = arith.constant 0 : i32
    %eq3A_32 = arith.cmpi eq, %arg1, %eq3A_31 : i32
    %convert_element_type3A_33 = arith.extui %eq3A_32 : i1 to i32
    %cond3A_34 = arith.constant 0 : i32
    %cond3A_35 = arith.cmpi ne, %convert_element_type3A_33, %cond3A_34 : i32
    scf.if %cond3A_35 {
      %swap3A = arith.constant 0 : index
      %swap3A_45 = arith.constant 0 : index
      %swap3A_46 = vector.load %arg8[%swap3A, %swap3A_45] : memref<1x512xf32, #tpu.memory_space<vmem>>, vector<1x512xf32>
      tpu.vector_store %arg8[%swap3A, %swap3A_45], %broadcast_in_dim3A_18 {strides = array<i32>} : memref<1x512xf32, #tpu.memory_space<vmem>>, vector<1x512xf32>,
      %swap3A_47 = arith.constant 0 : index
      %swap3A_48 = arith.constant 0 : index
      %swap3A_49 = vector.load %arg9[%swap3A_47, %swap3A_48] : memref<1x512xi32, #tpu.memory_space<vmem>>, vector<1x512xi32>
      tpu.vector_store %arg9[%swap3A_47, %swap3A_48], %add3A_30 {strides = array<i32>} : memref<1x512xi32, #tpu.memory_space<vmem>>, vector<1x512xi32>,
    } else {
    }
    %gt3A = arith.constant 0 : i32
    %gt3A_36 = arith.cmpi sgt, %arg1, %gt3A : i32
    %convert_element_type3A_37 = arith.extui %gt3A_36 : i1 to i32
    %cond3A_38 = arith.constant 0 : i32
    %cond3A_39 = arith.cmpi ne, %convert_element_type3A_37, %cond3A_38 : i32
    scf.if %cond3A_39 {
      %get3A_45 = arith.constant 0 : index
      %get3A_46 = arith.constant 0 : index
      %get3A_47 = vector.load %arg8[%get3A_45, %get3A_46] : memref<1x512xf32, #tpu.memory_space<vmem>>, vector<1x512xf32>
      %lt3A = arith.cmpf olt, %broadcast_in_dim3A_18, %get3A_47 : vector<1x512xf32>
      %get3A_48 = arith.constant 0 : index
      %get3A_49 = arith.constant 0 : index
      %get3A_50 = vector.load %arg9[%get3A_48, %get3A_49] : memref<1x512xi32, #tpu.memory_space<vmem>>, vector<1x512xi32>
      %select_n3A_51 = arith.select %lt3A, %add3A_30, %get3A_50 : vector<1x512xi1>, vector<1x512xi32>
      %swap3A = arith.constant 0 : index
      %swap3A_52 = arith.constant 0 : index
      %swap3A_53 = vector.load %arg9[%swap3A, %swap3A_52] : memref<1x512xi32, #tpu.memory_space<vmem>>, vector<1x512xi32>
      tpu.vector_store %arg9[%swap3A, %swap3A_52], %select_n3A_51 {strides = array<i32>} : memref<1x512xi32, #tpu.memory_space<vmem>>, vector<1x512xi32>,
      %get3A_54 = arith.constant 0 : index
      %get3A_55 = arith.constant 0 : index
      %get3A_56 = vector.load %arg8[%get3A_54, %get3A_55] : memref<1x512xf32, #tpu.memory_space<vmem>>, vector<1x512xf32>
      %select_n3A_57 = arith.select %lt3A, %broadcast_in_dim3A_18, %get3A_56 : vector<1x512xi1>, vector<1x512xf32>
      %swap3A_58 = arith.constant 0 : index
      %swap3A_59 = arith.constant 0 : index
      %swap3A_60 = vector.load %arg8[%swap3A_58, %swap3A_59] : memref<1x512xf32, #tpu.memory_space<vmem>>, vector<1x512xf32>
      tpu.vector_store %arg8[%swap3A_58, %swap3A_59], %select_n3A_57 {strides = array<i32>} : memref<1x512xf32, #tpu.memory_space<vmem>>, vector<1x512xf32>,
    } else {
    }
    %eq3A_40 = arith.constant 15 : i32
    %eq3A_41 = arith.cmpi eq, %arg1, %eq3A_40 : i32
    %convert_element_type3A_42 = arith.extui %eq3A_41 : i1 to i32
    %cond3A_43 = arith.constant 0 : i32
    %cond3A_44 = arith.cmpi ne, %convert_element_type3A_42, %cond3A_43 : i32
    scf.if %cond3A_44 {
      %get3A_45 = arith.constant 0 : index
      %get3A_46 = arith.constant 0 : index
      %get3A_47 = vector.load %arg9[%get3A_45, %get3A_46] : memref<1x512xi32, #tpu.memory_space<vmem>>, vector<1x512xi32>
      %reshape3A = vector.shape_cast %get3A_47 : vector<1x512xi32> to vector<1x1x512xi32>
      %swap3A = arith.constant 0 : index
      %swap3A_48 = arith.constant 0 : index
      %swap3A_49 = arith.constant 0 : index
      %swap3A_50 = vector.load %arg5[%swap3A, %swap3A_48, %swap3A_49] : memref<1x1x512xi32, #tpu.memory_space<vmem>>, vector<1x1x512xi32>
      tpu.vector_store %arg5[%swap3A, %swap3A_48, %swap3A_49], %reshape3A {strides = array<i32>} : memref<1x1x512xi32, #tpu.memory_space<vmem>>, vector<1x1x512xi32>,
    } else {
    }
    return
  }
  func.func @transform_0(%arg0: i32, %arg1: i32) -> (i32, i32) {
    %c0_i32 = arith.constant 0 : i32
    %c0_i32_0 = arith.constant 0 : i32
    return %arg0, %c0_i32 : i32, i32
  }
  func.func @transform_1(%arg0: i32, %arg1: i32) -> (i32, i32) {
    %c0_i32 = arith.constant 0 : i32
    %c0_i32_0 = arith.constant 0 : i32
    return %arg0, %c0_i32 : i32, i32
  }
  func.func @transform_2(%arg0: i32, %arg1: i32) -> (i32, i32) {
    %c0_i32 = arith.constant 0 : i32
    %c0_i32_0 = arith.constant 0 : i32
    %c0_i32_1 = arith.constant 0 : i32
    return %c0_i32, %c0_i32_0 : i32, i32
  }
  func.func @transform_3(%arg0: i32, %arg1: i32) -> (i32, i32, i32) {
    %c0_i32 = arith.constant 0 : i32
    %c0_i32_0 = arith.constant 0 : i32
    %c0_i32_1 = arith.constant 0 : i32
    return %arg0, %c0_i32, %c0_i32_0 : i32, i32, i32
  }
  func.func @transform_4(%arg0: i32, %arg1: i32) -> (i32, i32) {
    %c0_i32 = arith.constant 0 : i32
    %c0_i32_0 = arith.constant 0 : i32
    return %arg0, %c0_i32 : i32, i32
  }
}

</mosaic_0001>

<sc_bundles>
// kernel: kernel.18.cloned.1.call-start
scs
__scs_entry_jumppad:
0x0: {  	(pc) =	sbr.rel $0x88, $3  }
0x1: {  	(tag) =	ssettag $0x0;
	lr =	simm.s32 $0x1  }
0x2: {  	[smem:$0x3F9F] =	sst lr;
	_ =	strace $0xD0000000  }
0x3: {  	_ = 	snop  }
0x4: {  	_ = 	snop  }
0x5: {  	_ = 	snop  }
0x6: {  	_ = 	snop  }
0x7: {  	_ = 	snop  }
__scs_overlays_trampoline_lowered:
0x8: {  	[smem:$0x3FAE] =	sst s0  }
0x9: {  	[smem:$0x3FAF] =	sst s1  }
0xa: {  	[smem:$0x3FB0] =	sst s2  }
0xb: {  	[smem:$0x3FB1] =	sst s3  }
0xc: {  	[smem:$0x3FB2] =	sst s4  }
0xd: {  	[smem:$0x3FB3] =	sst s5  }
0xe: {  	[smem:$0x3FB4] =	sst s6  }
0xf: {  	[smem:$0x3FB5] =	sst s7  }
0x10: {  	[smem:$0x3FB6] =	sst s8  }
0x11: {  	[smem:$0x3FB7] =	sst s9;
	s0 =	simm.s32 @!p0 $0x0  }
0x12: {  	s1 =	sld [smem:$0x3F9D];
	s0 =	simm.s32 @p0 $0x1  }
0x13: {  	[smem:$0x3FB8] =	sst s0;
	s0 =	simm.s32 @!p1 $0x0  }
0x14: {  	s2 =	sld [smem:$0x3F9C];
	s0 =	simm.s32 @p1 $0x1  }
0x15: {  	[smem:$0x3FB9] =	sst s0;
	s0 =	simm.s32 @!p2 $0x0  }
0x16: {  	s3 =	sld [smem:$0x3FDB];
	s0 =	simm.s32 @p2 $0x1  }
0x17: {  	s4 =	simm.s32 $0x1BF5;
	[smem:$0x3FBB] =	sst s0  }
0x18: {  	s0 =	sld [smem:$0x3F9E];
	_ =	swait.ge [sflag:s4], $0x0  }
0x19: {  	s7 =	sld [smem:$0x3F9F]  }
0x1a: {  	s8 =	sadd.s32 $0xFFFFE003, lr  }
0x1b: {  	s9 =	sadd.s32 $0xFFFFFEF7, lr;
	s5 =	simm.s32 $0xFFFFFFFF;
	p2 =	slt.u32 s8, $0xFFFFF086  }
0x1c: {  	p1 =	slt.u32 s9, $0xF7A;
	s5 =	simm.s32 @!p2 $0x0  }
0x1d: {  	s5 =	simm.s32 @p1 $0x1;
	p0 =	seq.s32 s7, s2  }
0x1e: {  	s7 =	smul.u32 @!p0 $0xF7A, s2;
	p2 =	seq.s32 @!p0 s5, $0x0  }
0x1f: {  	s9 =	smul.u32 $0xF7A, s1;
	s8 =	simm.s32 @!p0 $0x1BF5;
	p2 =	por !p2, p0  }
0x20: {  	[sflag:s8] =	ssyncset.s32 @!p0 $0xFFFFF086;
	s6 =	sadd.s32 @!p0 s3, s7;
	s7 =	simm.s32 @!p0 $0x108  }
0x21: {  	s3 =	sadd.s32 s3, s9;
	s6 =	sadd.s32 @!p0 $0x88, s6;
	s7 =	simm.s32 @p2 $0x1082  }
0x22: {  	[simem:s7], [sflag:s8] =	dma.local @!p0 [hbm:s6], $0xF7A  }
0x23: {  	s9 =	sor.u32 $0xD0000000, s2;
	s6 =	simm.s32 $0x108;
	_ =	swait.ge @!p0 [sflag:s8], $0x0  }
0x24: {  	s3 =	sadd.s32 $0x88, s3;
	s6 =	simm.s32 @!p1 $0x1082;
	[sflag:s4] =	ssyncset.s32 $0xFFFFF086  }
0x25: {  	[simem:s6], [sflag:s4] =	dma.local [hbm:s3], $0xF7A  }
0x26: {  	[smem:$0x3F9F] =	sst s1;
	(tag) =	ssettag s2;
	_ =	strace s9  }
0x27: {  	s1 =	sld [smem:$0x3FAF]  }
0x28: {  	s2 =	sld [smem:$0x3FB0]  }
0x29: {  	s4 =	sld [smem:$0x3FB2]  }
0x2a: {  	p0 =	seq.s32 s5, $0x0;
	s5 =	sld [smem:$0x3FB3]  }
0x2b: {  	s6 =	sld [smem:$0x3FB4]  }
0x2c: {  	s7 =	sld [smem:$0x3FB5]  }
0x2d: {  	s3 =	simm.s32 $0x108;
	s8 =	sld [smem:$0x3FB6]  }
0x2e: {  	s3 =	simm.s32 @!p0 $0x1082;
	s9 =	sld [smem:$0x3FB7]  }
0x2f: {  	lr =	sadd.s32 s0, s3;
	s0 =	sld [smem:$0x3FAE]  }
0x30: {  	s3 =	sld [smem:$0x3FB1]  }
0x31: {  	[smem:$0x3FBA] =	sst s10  }
0x32: {  	s10 =	sld [smem:$0x3FB8];
	_ =	sdelay $0x3  }
0x33: {  	p0 =	seq.s32 s10, $0x1;
	s10 =	sld [smem:$0x3FBA];
	_ =	sdelay $0x3  }
0x34: {  	[smem:$0x3FBA] =	sst s10  }
0x35: {  	s10 =	sld [smem:$0x3FB9];
	_ =	sdelay $0x3  }
0x36: {  	p1 =	seq.s32 s10, $0x1;
	s10 =	sld [smem:$0x3FBA];
	_ =	sdelay $0x3  }
0x37: {  	[smem:$0x3FBA] =	sst s10  }
0x38: {  	s10 =	sld [smem:$0x3FBB]  }
0x39: {  	_ = 	snop;
	(pc) =	sbr.ind lr, $3  }
0x3a: {  	_ = 	snop  }
0x3b: {  	_ = 	snop  }
0x3c: {  	p2 =	seq.s32 s10, $0x1;
	s10 =	sld [smem:$0x3FBA]  }
0x3d: {  	_ =	shalt  }
0x3e: {  	_ =	shalt  }
0x3f: {  	_ =	shalt  }
0x40: {  	_ =	shalt  }
0x41: {  	_ =	shalt  }
0x42: {  	_ =	shalt  }
0x43: {  	_ =	shalt  }
0x44: {  	_ =	shalt  }
0x45: {  	_ =	shalt  }
0x46: {  	_ =	shalt  }
0x47: {  	_ =	shalt  }
0x48: {  	_ =	shalt  }
0x49: {  	_ =	shalt  }
0x4a: {  	_ =	shalt  }
0x4b: {  	_ =	shalt  }
0x4c: {  	_ =	shalt  }
0x4d: {  	_ =	shalt  }
0x4e: {  	_ =	shalt  }
0x4f: {  	_ =	shalt  }
0x50: {  	_ =	shalt  }
0x51: {  	_ =	shalt  }
0x52: {  	_ =	shalt  }
0x53: {  	_ =	shalt  }
0x54: {  	_ =	shalt  }
0x55: {  	_ =	shalt  }
0x56: {  	_ =	shalt  }
0x57: {  	_ =	shalt  }
0x58: {  	_ =	shalt  }
0x59: {  	_ =	shalt  }
0x5a: {  	_ =	shalt  }
0x5b: {  	_ =	shalt  }
0x5c: {  	_ =	shalt  }
0x5d: {  	_ =	shalt  }
0x5e: {  	_ =	shalt  }
0x5f: {  	_ =	shalt  }
0x60: {  	_ =	shalt  }
0x61: {  	_ =	shalt  }
0x62: {  	_ =	shalt  }
0x63: {  	_ =	shalt  }
0x64: {  	_ =	shalt  }
0x65: {  	_ =	shalt  }
0x66: {  	_ =	shalt  }
0x67: {  	_ =	shalt  }
0x68: {  	_ =	shalt  }
0x69: {  	_ =	shalt  }
0x6a: {  	_ =	shalt  }
0x6b: {  	_ =	shalt  }
0x6c: {  	_ =	shalt  }
0x6d: {  	_ =	shalt  }
0x6e: {  	_ =	shalt  }
0x6f: {  	_ =	shalt  }
0x70: {  	_ =	shalt  }
0x71: {  	_ =	shalt  }
0x72: {  	_ =	shalt  }
0x73: {  	_ =	shalt  }
0x74: {  	_ =	shalt  }
0x75: {  	_ =	shalt  }
0x76: {  	_ =	shalt  }
0x77: {  	_ =	shalt  }
0x78: {  	_ =	shalt  }
0x79: {  	_ =	shalt  }
0x7a: {  	_ =	shalt  }
0x7b: {  	_ =	shalt  }
0x7c: {  	_ =	shalt  }
0x7d: {  	_ =	shalt  }
0x7e: {  	_ =	shalt  }
0x7f: {  	_ =	shalt  }
0x80: {  	_ =	shalt  }
0x81: {  	_ =	shalt  }
0x82: {  	_ =	shalt  }
0x83: {  	_ =	shalt  }
0x84: {  	_ =	shalt  }
0x85: {  	_ =	shalt  }
0x86: {  	_ =	shalt  }
0x87: {  	_ =	shalt  }
.Lfunc_end0:
.L_simem_size_0:
called_computation_lowered:
.L_overlay_start_0:
0x88: {  	s2 =	sld [smem:$0x3FD9]  }
0x89: {  	s3 =	sld [smem:$0x3FFE];
	_ =	sdelay $0x1  }
0x8a: {  	s1 =	srdreg.scid  }
0x8b: {  	s0 =	sand.u32 $0x1, s1  }
0x8c: {  	s14 =	sshll.u32 s0, $0xA;
	s2 =	sadd.s32 s3, s2  }
0x8d: {  	s2 =	sadd.s32 s2, s14  }
0x8e: {  	[smem:$0x3FC6] =	sst s2  }
0x8f: {  	_ = 	snop  }
0x90: {  	s2 =	sld [smem:$0x3FD0];
	_ =	sdelay $0x2  }
0x91: {  	s15 =	simm.s32 $0xA;
	s4 =	simm.s32 $0x10  }
0x92: {  	[smem:s4], [sflag:s15] =	dma.local [hbm:s2], $0x1  }
0x93: {  	_ =	swait.eq [sflag:s15], $0x1  }
0x94: {  	[sflag:s15] =	ssyncset.done $0x0  }
0x95: {  	[sflag:s15] =	ssyncadd.s32 $0xFFFFFFFF  }
0x96: {  	s16 =	sld [smem:$0x11];
	(tm) =	ssettm $0x1  }
0x97: {  	s17 =	sld [smem:$0x3FFB];
	_ =	sdelay $0x3  }
0x98: {  	_ =	strace s17  }
0x99: {  	s3 =	sld [smem:$0x3FFC];
	_ =	sdelay $0x3  }
0x9a: {  	_ =	strace s3  }
0x9b: {  	s3 =	sld [smem:$0x3FFD];
	_ =	sdelay $0x3  }
0x9c: {  	_ =	strace s3  }
0x9d: {  	_ =	strace $0x8FFFFFFF  }
0x9e: {  	s18 =	sld [smem:$0x3FDB];
	_ =	sdelay $0x1  }
0x9f: {  	s19 =	simm.s32 $_scs_section_size  }
0xa0: {  	s5 =	simm.s32 $_size__tile_overlayer_lowered;
	s6 =	simm.s32 $_tile_overlayer_lowered  }
0xa1: {  	s22 =	simm.s32 $0x1BFF;
	s21 =	sshll.u32 s6, $0x1;
	s3 =	sadd.s32 s19, s18  }
0xa2: {  	s7 =	simm.s32 $0x0;
	s20 =	sshll.u32 s5, $0x1;
	s5 =	sadd.s32 s21, s3  }
0xa3: {  	[timem:s7], [sflag:s22] =	dma.local [hbm:s5], s20  }
0xa4: {  	_ =	swait.ge [sflag:s22], s20  }
0xa5: {  	s4 =	ssub.s32 $0x0, s20;
	[sflag:s22] =	ssyncset.done $0x0  }
0xa6: {  	[sflag:s22] =	ssyncadd.s32 s4;
	_ =	sdelay $0x1  }
0xa7: {  	s23 =	simm.s32 $0x1B8B  }
0xa8: {  	_ =	swait.ge [sflag:s23], $0x1  }
0xa9: {  	[sflag:s23] =	ssyncset.done $0x0  }
0xaa: {  	s25 =	simm.s32 $0x1B8E;
	s24 =	sld [smem:$0x3FFE];
	[sflag:s23] =	ssyncadd.s32 $0xFFFFFFFF  }
0xab: {  	s26 =	simm.s32 $execute0_lowered;
	[smem:$0x3FD2] =	sst s25  }
0xac: {  	s5 =	sshll.u32 s26, $0x1;
	_ =	strace $0x80000046;
	[dreg:$0x1] =	wrdreg $0xFFFFFFFF  }
0xad: {  	s28 =	simm.s32 $_size_execute0_lowered;
	s3 =	sadd.s32 s3, s5;
	[dreg:$0x0] =	wrdreg $0x0  }
0xae: {  	s5 =	sshll.u32 s28, $0x1;
	[dreg:$0x2] =	wrdreg s3  }
0xaf: {  	[dreg:$0x3] =	wrdreg s5  }
0xb0: {  	[dreg:$0x4] =	wrdreg $0xC0  }
0xb1: {  	_ =	task [dreg:s7], $0x5FFFF  }
0xb2: {  	[dreg:$0x1] =	wrdreg $0xFFFFFFFF  }
0xb3: {  	[dreg:$0x0] =	wrdreg $0x60  }
0xb4: {  	[dreg:$0x2] =	wrdreg s24  }
0xb5: {  	[dreg:$0x3] =	wrdreg s16  }
0xb6: {  	[dreg:$0x4] =	wrdreg $0x9  }
0xb7: {  	_ =	task.clear_ibuf [dreg:s7], $0x5FFFF;
	_ =	strace $0x90000046  }
0xb8: {  	s29 =	simm.s32 $0x9;
	_ =	strace $0x80000048  }
0xb9: {  	_ =	swait.ge [sflag:s29], $0x1  }
0xba: {  	[sflag:s29] =	ssyncadd.s32 $0xFFFFFFFF  }
0xbb: {  	_ =	strace $0x90000048  }
0xbc: {  	_ =	sfence  }
0xbd: {  	s30 =	sld [smem:$0x0];
	_ =	sdelay $0x2  }
0xbe: {  	s31 =	sshll.u32 s1, $0xD;
	s1 =	sshrl.u32 s1, $0x2  }
0xbf: {  	s3 =	sand.u32 $0x4000, s31;
	s1 =	sadd.s32 s1, s30  }
0xc0: {  	s0 =	sor.u32 s3, s0;
	s1 =	sshll.u32 s1, $0x11  }
0xc1: {  	s0 =	sor.u32 s1, s0  }
0xc2: {  	s0 =	sadd.s32 $0x8F2B, s0  }
0xc3: {  	[sflag:s0] =	ssyncadd.remote.s32 $0x1  }
0xc4: {  	_ =	sfence.sel $0xFFFF  }
0xc5: {  	[dreg:$0x0] =	wrdreg $0xFFFFFFFF;
	(pc) =	sbr.abs _section_cstart, $3  }
0xc6: {  	[dreg:$0x1] =	wrdreg $0xFFFFFFFF  }
0xc7: {  	_ =	task.clear_ibuf [dreg:s7], $0x2FFFF;
	_ =	strace $0x9FFFFFFF  }
0xc8: {  	(tm) =	ssettm $0x7FFFFFFF  }
0xc9: {  	_ =	shalt  }
tec
execute0_lowered:
.L_overlay_start_1:
0x0: {  	(tag) =	ssettag $0x1  }
0x1: {  	s4 =	rddreg [dreg:$0x0]  }
0x2: {  	s1 =	srdreg.scid;
	s0 =	stileid.u32  }
0x3: {  	s5 =	rddreg [dreg:$0x1];
	s2 =	simm.s32 $0x0;
	s11 =	simm.s32 $0x100  }
0x4: {  	s12 =	simm.s32 $0x900;
	s13 =	simm.s32 $0x1100;
	s14 =	simm.s32 $0x1900  }
0x5: {  	s15 =	simm.s32 $0x2100;
	s16 =	simm.s32 $0x2900;
	s17 =	simm.s32 $0x3100  }
0x6: {  	s18 =	simm.s32 $0x3900;
	s19 =	simm.s32 $0x4100;
	s20 =	simm.s32 $0x4900  }
0x7: {  	s21 =	simm.s32 $0x5100;
	s22 =	simm.s32 $0x5900;
	s23 =	simm.s32 $0x6100  }
0x8: {  	s24 =	simm.s32 $0x6900;
	s28 =	simm.s32 $0x8100;
	s29 =	simm.s32 $0x8900  }
0x9: {  	s3 =	sand.u32 $0x1, s1;
	s6 =	sshll.u32 s0, $0x1;
	s1 =	rddreg [dreg:$0x2]  }
0xa: {  	s30 =	simm.s32 $0x1;
	[smem:$0x7FF] =	sst s2;
	s6 =	sor.u32 s3, s6  }
0xb: {  	s10 =	sadd.s32 $0x207200, s4;
	s7 =	ssub.s32 $0x2, s3;
	s8 =	smul.u32 $0x90, s6  }
0xc: {  	_ =	strace $0x80000047;
	s9 =	sshrl.u32 s7, $0x1;
	s6 =	smul.u32 $0x1200, s6  }
0xd: {  	s3 =	sadd.s32 $0x187200, s4;
	s9 =	ssub.s32 s7, s9;
	s25 =	sadd.s32 $0x48, s8  }
0xe: {  	s26 =	sshrl.u32 s8, $0x3;
	s6 =	sadd.s32 s10, s6;
	s8 =	smax.u32 s9, $0x1  }
0xf: {  	v2 =	vlaneseq.u32;
	s9 =	simm.s32 $0x2;
	s31 =	sshrl.u32 s25, $0x3;
	s4 =	sadd.s32 s5, s26  }
0x10: {  	vm0 =	vmmov $0xffff;
	v1 =	vshrl.u32 v2, $0x3;
	s7 =	sshll.u32 s25, $0x5;
	s25 =	simm.s32 $0x7100;
	s26 =	simm.s32 $0x7900  }
0x11: {  	v0 =	vand.u32 $0x7, v2;
	v2 =	vor.u32 $0x8, v2;
	v1 =	vmul.u32 $0x8, v1;
	s5 =	sadd.s32 s5, s31;
	s7 =	sadd.s32 s10, s7;
	s10 =	simm.s32 $0x80  }
.LBB2_1:
0x12: {  	[tilespmem:s2], [sflag:$0x2] =	stream.linear.gather [hbm4b:s4+s2], $0x48, $0x38;
	[tilespmem:$0x9100] =	vst v63  }
0x13: {  	_ =	swait.ge [sflag:s9], $0x48  }
0x14: {  	[sflag:s9] =	ssyncset.done $0x0  }
0x15: {  	[sflag:s9] =	ssyncadd.s32 $0xFFFFFFB8  }
0x16: {  	[tilespmem:s10], [sflag:$0x2] =	stream.linear.gather [hbm4b:s5+s2], $0x48, $0x38;
	[tilespmem:$0x9100] =	vst v63  }
0x17: {  	_ =	swait.ge [sflag:s9], $0x48  }
0x18: {  	[sflag:s9] =	ssyncset.done $0x0  }
0x19: {  	[sflag:s9] =	ssyncadd.s32 $0xFFFFFFB8  }
0x1a: {  	v3 =	vld [tilespmem:$0x0];
	_ =	sdelay $0x4  }
0x1b: {  	v4 =	vshll.u32 v3, $0x1  }
0x1c: {  	v3 =	vand.u32 $0x7, v3;
	v4 =	vand.u32 $0xFFFFFFF0, v4  }
0x1d: {  	v3 =	vor.u32 v3, v4  }
0x1e: {  	v4 =	vperm.xlane v3, v0;
	_ =	sdelay $0x1  }
0x1f: {  	v3 =	vperm.xlane v3, v2;
	v4 =	vadd.s32 v1, v4;
	_ =	sdelay $0x1  }
0x20: {  	v3 =	vadd.s32 v1, v3;
	_ =	sdelay $0x2  }
0x21: {  	[tilespmem:s11], [sflag:$0x1] =	stream.indirect_vreg.gather [hbm4b:s3+s2], $0x80, v4, vm0, $0xb8;
	[tilespmem:$0x9100] =	vst v63  }
0x22: {  	_ = 	snop  }
0x23: {  	[tilespmem:s12], [sflag:$0x1] =	stream.indirect_vreg.gather [hbm4b:s3+s2], $0x80, v3, vm0, $0xb8;
	[tilespmem:$0x9100] =	vst v63  }
0x24: {  	v3 =	vld [tilespmem:$0x10];
	_ =	sdelay $0x4  }
0x25: {  	v55 =	vshll.u32 v3, $0x1  }
0x26: {  	v3 =	vand.u32 $0x7, v3;
	v4 =	vand.u32 $0xFFFFFFF0, v55  }
0x27: {  	v3 =	vor.u32 v3, v4  }
0x28: {  	v4 =	vperm.xlane v3, v0;
	_ =	sdelay $0x1  }
0x29: {  	v3 =	vperm.xlane v3, v2;
	v4 =	vadd.s32 v1, v4;
	_ =	sdelay $0x1  }
0x2a: {  	v3 =	vadd.s32 v1, v3;
	_ =	sdelay $0x2  }
0x2b: {  	[tilespmem:s13], [sflag:$0x1] =	stream.indirect_vreg.gather [hbm4b:s3+s2], $0x80, v4, vm0, $0xb8;
	[tilespmem:$0x9100] =	vst v63  }
0x2c: {  	_ = 	snop  }
0x2d: {  	[tilespmem:s14], [sflag:$0x1] =	stream.indirect_vreg.gather [hbm4b:s3+s2], $0x80, v3, vm0, $0xb8;
	[tilespmem:$0x9100] =	vst v63  }
0x2e: {  	v3 =	vld [tilespmem:$0x20];
	_ =	sdelay $0x4  }
0x2f: {  	v56 =	vshll.u32 v3, $0x1  }
0x30: {  	v3 =	vand.u32 $0x7, v3;
	v4 =	vand.u32 $0xFFFFFFF0, v56  }
0x31: {  	v3 =	vor.u32 v3, v4  }
0x32: {  	v4 =	vperm.xlane v3, v0;
	_ =	sdelay $0x1  }
0x33: {  	v3 =	vperm.xlane v3, v2;
	v4 =	vadd.s32 v1, v4;
	_ =	sdelay $0x1  }
0x34: {  	v3 =	vadd.s32 v1, v3;
	_ =	sdelay $0x2  }
0x35: {  	[tilespmem:s15], [sflag:$0x1] =	stream.indirect_vreg.gather [hbm4b:s3+s2], $0x80, v4, vm0, $0xb8;
	[tilespmem:$0x9100] =	vst v63  }
0x36: {  	_ = 	snop  }
0x37: {  	[tilespmem:s16], [sflag:$0x1] =	stream.indirect_vreg.gather [hbm4b:s3+s2], $0x80, v3, vm0, $0xb8;
	[tilespmem:$0x9100] =	vst v63  }
0x38: {  	v3 =	vld [tilespmem:$0x30];
	_ =	sdelay $0x4  }
0x39: {  	v57 =	vshll.u32 v3, $0x1  }
0x3a: {  	v3 =	vand.u32 $0x7, v3;
	v4 =	vand.u32 $0xFFFFFFF0, v57  }
0x3b: {  	v3 =	vor.u32 v3, v4  }
0x3c: {  	v4 =	vperm.xlane v3, v0;
	_ =	sdelay $0x1  }
0x3d: {  	v3 =	vperm.xlane v3, v2;
	v4 =	vadd.s32 v1, v4;
	_ =	sdelay $0x1  }
0x3e: {  	v3 =	vadd.s32 v1, v3;
	_ =	sdelay $0x2  }
0x3f: {  	[tilespmem:s17], [sflag:$0x1] =	stream.indirect_vreg.gather [hbm4b:s3+s2], $0x80, v4, vm0, $0xb8;
	[tilespmem:$0x9100] =	vst v63  }
0x40: {  	_ = 	snop  }
0x41: {  	[tilespmem:s18], [sflag:$0x1] =	stream.indirect_vreg.gather [hbm4b:s3+s2], $0x80, v3, vm0, $0xb8;
	[tilespmem:$0x9100] =	vst v63  }
0x42: {  	v3 =	vld.msk [tilespmem:$0x40], $0xff;
	_ =	sdelay $0x4  }
0x43: {  	v58 =	vshll.u32 v3, $0x1  }
0x44: {  	v3 =	vand.u32 $0x7, v3;
	v4 =	vand.u32 $0xFFFFFFF0, v58  }
0x45: {  	v3 =	vor.u32 v3, v4  }
0x46: {  	v3 =	vperm.xlane v3, v0;
	_ =	sdelay $0x1  }
0x47: {  	v3 =	vadd.s32 v1, v3;
	_ =	sdelay $0x4  }
0x48: {  	[tilespmem:s19], [sflag:$0x1] =	stream.indirect_vreg.gather [hbm4b:s3+s2], $0x80, v3, vm0, $0xb8;
	[tilespmem:$0x9100] =	vst v63  }
0x49: {  	v3 =	vld [tilespmem:$0x80];
	_ =	sdelay $0x4  }
0x4a: {  	v59 =	vshll.u32 v3, $0x1  }
0x4b: {  	v3 =	vand.u32 $0x7, v3;
	v4 =	vand.u32 $0xFFFFFFF0, v59  }
0x4c: {  	v3 =	vor.u32 v3, v4  }
0x4d: {  	v4 =	vperm.xlane v3, v0;
	_ =	sdelay $0x1  }
0x4e: {  	v3 =	vperm.xlane v3, v2;
	v4 =	vadd.s32 v1, v4;
	_ =	sdelay $0x1  }
0x4f: {  	v3 =	vadd.s32 v1, v3;
	_ =	sdelay $0x2  }
0x50: {  	[tilespmem:s20], [sflag:$0x1] =	stream.indirect_vreg.gather [hbm4b:s3+s2], $0x80, v4, vm0, $0xb8;
	[tilespmem:$0x9100] =	vst v63  }
0x51: {  	_ = 	snop  }
0x52: {  	[tilespmem:s21], [sflag:$0x1] =	stream.indirect_vreg.gather [hbm4b:s3+s2], $0x80, v3, vm0, $0xb8;
	[tilespmem:$0x9100] =	vst v63  }
0x53: {  	v3 =	vld [tilespmem:$0x90];
	_ =	sdelay $0x4  }
0x54: {  	v60 =	vshll.u32 v3, $0x1  }
0x55: {  	v3 =	vand.u32 $0x7, v3;
	v4 =	vand.u32 $0xFFFFFFF0, v60  }
0x56: {  	v3 =	vor.u32 v3, v4  }
0x57: {  	v4 =	vperm.xlane v3, v0;
	_ =	sdelay $0x1  }
0x58: {  	v3 =	vperm.xlane v3, v2;
	v4 =	vadd.s32 v1, v4;
	_ =	sdelay $0x1  }
0x59: {  	v3 =	vadd.s32 v1, v3;
	_ =	sdelay $0x2  }
0x5a: {  	[tilespmem:s22], [sflag:$0x1] =	stream.indirect_vreg.gather [hbm4b:s3+s2], $0x80, v4, vm0, $0xb8;
	[tilespmem:$0x9100] =	vst v63  }
0x5b: {  	_ = 	snop  }
0x5c: {  	[tilespmem:s23], [sflag:$0x1] =	stream.indirect_vreg.gather [hbm4b:s3+s2], $0x80, v3, vm0, $0xb8;
	[tilespmem:$0x9100] =	vst v63  }
0x5d: {  	v3 =	vld [tilespmem:$0xA0];
	_ =	sdelay $0x4  }
0x5e: {  	v61 =	vshll.u32 v3, $0x1  }
0x5f: {  	v3 =	vand.u32 $0x7, v3;
	v4 =	vand.u32 $0xFFFFFFF0, v61  }
0x60: {  	v3 =	vor.u32 v3, v4  }
0x61: {  	v4 =	vperm.xlane v3, v0;
	_ =	sdelay $0x1  }
0x62: {  	v3 =	vperm.xlane v3, v2;
	v4 =	vadd.s32 v1, v4;
	_ =	sdelay $0x1  }
0x63: {  	v3 =	vadd.s32 v1, v3;
	_ =	sdelay $0x2  }
0x64: {  	[tilespmem:s24], [sflag:$0x1] =	stream.indirect_vreg.gather [hbm4b:s3+s2], $0x80, v4, vm0, $0xb8;
	[tilespmem:$0x9100] =	vst v63  }
0x65: {  	_ = 	snop  }
0x66: {  	[tilespmem:s25], [sflag:$0x1] =	stream.indirect_vreg.gather [hbm4b:s3+s2], $0x80, v3, vm0, $0xb8;
	[tilespmem:$0x9100] =	vst v63  }
0x67: {  	v3 =	vld [tilespmem:$0xB0];
	_ =	sdelay $0x4  }
0x68: {  	v62 =	vshll.u32 v3, $0x1  }
0x69: {  	v3 =	vand.u32 $0x7, v3;
	v4 =	vand.u32 $0xFFFFFFF0, v62  }
0x6a: {  	v3 =	vor.u32 v3, v4  }
0x6b: {  	v4 =	vperm.xlane v3, v0;
	_ =	sdelay $0x1  }
0x6c: {  	v3 =	vperm.xlane v3, v2;
	v4 =	vadd.s32 v1, v4;
	_ =	sdelay $0x1  }
0x6d: {  	v3 =	vadd.s32 v1, v3;
	_ =	sdelay $0x2  }
0x6e: {  	[tilespmem:s26], [sflag:$0x1] =	stream.indirect_vreg.gather [hbm4b:s3+s2], $0x80, v4, vm0, $0xb8;
	[tilespmem:$0x9100] =	vst v63  }
0x6f: {  	_ = 	snop  }
0x70: {  	[tilespmem:s28], [sflag:$0x1] =	stream.indirect_vreg.gather [hbm4b:s3+s2], $0x80, v3, vm0, $0xb8;
	[tilespmem:$0x9100] =	vst v63  }
0x71: {  	v3 =	vld.msk [tilespmem:$0xC0], $0xff;
	_ =	sdelay $0x4  }
0x72: {  	v63 =	vshll.u32 v3, $0x1  }
0x73: {  	v3 =	vand.u32 $0x7, v3;
	v4 =	vand.u32 $0xFFFFFFF0, v63  }
0x74: {  	v3 =	vor.u32 v3, v4  }
0x75: {  	v3 =	vperm.xlane v3, v0;
	_ =	sdelay $0x1  }
0x76: {  	v3 =	vadd.s32 v1, v3;
	_ =	sdelay $0x4  }
0x77: {  	[tilespmem:s29], [sflag:$0x1] =	stream.indirect_vreg.gather [hbm4b:s3+s2], $0x80, v3, vm0, $0xb8;
	[tilespmem:$0x9100] =	vst v63  }
0x78: {  	_ =	swait.ge [sflag:s30], $0x4800  }
0x79: {  	[sflag:s30] =	ssyncset.done $0x0  }
0x7a: {  	[sflag:s30] =	ssyncadd.s32 $0xFFFFB800  }
0x7b: {  	_ =	swait.ge [sflag:s30], $0x4800  }
0x7c: {  	[sflag:s30] =	ssyncset.done $0x0  }
0x7d: {  	[sflag:s30] =	ssyncadd.s32 $0xFFFFB800  }
0x7e: {  	[hbm4b:s6+s2] =	stream.linear.scatter [tilespmem:s11], [sflag:$0x2], $0x4800, $0x38;
	[tilespmem:$0x9100] =	vst v63  }
0x7f: {  	_ =	swait.ge [sflag:s9], $0x4800  }
0x80: {  	p0 =	sne.s32 s8, $0x1;
	[sflag:s9] =	ssyncset.done $0x0  }
.Ltmp0:
0x81: {  	[sflag:s9] =	ssyncadd.s32 $0xFFFFB800;
	(pc) =	sbr.rel @p0 .LBB2_1-.Ltmp0, $4  }
0x82: {  	[hbm4b:s7+s2] =	stream.linear.scatter [tilespmem:s20], [sflag:$0x2], $0x4800, $0x38;
	[tilespmem:$0x9100] =	vst v63  }
0x83: {  	_ =	swait.ge [sflag:s9], $0x4800  }
0x84: {  	[sflag:s9] =	ssyncset.done $0x0  }
0x85: {  	s8 =	sadd.s32 $0xFFFFFFFF, s8;
	[sflag:s9] =	ssyncadd.s32 $0xFFFFB800  }
0x86: {  	_ =	sfence.sel $0x180000  }
0x87: {  	[bflag:$0x0] =	sbarrier.arrive $0xFFFF  }
0x88: {  	p0 =	sne.s32 s0, $0x0;
	_ =	strace $0x90000047  }
0x89: {  	s0 =	sadd.s32 @!p0 $0x100000, s1;
	[bflag:$0x2] =	sbarrier.arrive $0xFFFF  }
0x8a: {  	[sflag:s0] =	ssyncadd.tile.s32 @!p0 $0x1;
	_ =	shalt  }
.Lfunc_end2:
_tile_overlayer_lowered:
.L_overlay_start_2:
0x8b: {  	(tag) =	ssettag $0x2  }
0x8c: {  	s0 =	rddreg [dreg:$0x0];
	s2 =	stileid.u32  }
0x8d: {  	s1 =	rddreg [dreg:$0x1];
	p0 =	sne.s32 s2, $0x0  }
0x8e: {  	s3 =	rddreg [dreg:$0x2];
	[bflag:$0x3] =	sbarrier.arrive $0xFFFF;
	s2 =	simm.s32 @!p0 $0x1C02  }
0x8f: {  	[timem:s3], [sflag:s2] =	dma.local @!p0 [hbm:s0], s1  }
0x90: {  	s0 =	simm.s32 @!p0 $0x2  }
0x91: {  	_ =	swait.ge @!p0 [sflag:s0], s1  }
0x92: {  	s1 =	ssub.s32 @!p0 $0x0, s1;
	[sflag:s0] =	ssyncset.done @!p0 $0x0  }
0x93: {  	[sflag:s0] =	ssyncadd.s32 @!p0 s1  }
0x94: {  	[bflag:$0x3] =	sbarrier.arrive $0xFFFF  }
0x95: {  	_ =	shalt  }

// kernel: kernel.21.cloned.1.call-start
scs
__scs_entry_jumppad:
0x0: {  	(pc) =	sbr.rel $0x88, $3  }
0x1: {  	(tag) =	ssettag $0x0;
	lr =	simm.s32 $0x1  }
0x2: {  	[smem:$0x3F9F] =	sst lr;
	_ =	strace $0xD0000000  }
0x3: {  	_ = 	snop  }
0x4: {  	_ = 	snop  }
0x5: {  	_ = 	snop  }
0x6: {  	_ = 	snop  }
0x7: {  	_ = 	snop  }
__scs_overlays_trampoline_lowered:
0x8: {  	[smem:$0x3FAE] =	sst s0  }
0x9: {  	[smem:$0x3FAF] =	sst s1  }
0xa: {  	[smem:$0x3FB0] =	sst s2  }
0xb: {  	[smem:$0x3FB1] =	sst s3  }
0xc: {  	[smem:$0x3FB2] =	sst s4  }
0xd: {  	[smem:$0x3FB3] =	sst s5  }
0xe: {  	[smem:$0x3FB4] =	sst s6  }
0xf: {  	[smem:$0x3FB5] =	sst s7  }
0x10: {  	[smem:$0x3FB6] =	sst s8  }
0x11: {  	[smem:$0x3FB7] =	sst s9;
	s0 =	simm.s32 @!p0 $0x0  }
0x12: {  	s1 =	sld [smem:$0x3F9D];
	s0 =	simm.s32 @p0 $0x1  }
0x13: {  	[smem:$0x3FB8] =	sst s0;
	s0 =	simm.s32 @!p1 $0x0  }
0x14: {  	s2 =	sld [smem:$0x3F9C];
	s0 =	simm.s32 @p1 $0x1  }
0x15: {  	[smem:$0x3FB9] =	sst s0;
	s0 =	simm.s32 @!p2 $0x0  }
0x16: {  	s3 =	sld [smem:$0x3FDB];
	s0 =	simm.s32 @p2 $0x1  }
0x17: {  	s4 =	simm.s32 $0x1BF5;
	[smem:$0x3FBB] =	sst s0  }
0x18: {  	s0 =	sld [smem:$0x3F9E];
	_ =	swait.ge [sflag:s4], $0x0  }
0x19: {  	s7 =	sld [smem:$0x3F9F]  }
0x1a: {  	s8 =	sadd.s32 $0xFFFFE003, lr  }
0x1b: {  	s9 =	sadd.s32 $0xFFFFFEF7, lr;
	s5 =	simm.s32 $0xFFFFFFFF;
	p2 =	slt.u32 s8, $0xFFFFF086  }
0x1c: {  	p1 =	slt.u32 s9, $0xF7A;
	s5 =	simm.s32 @!p2 $0x0  }
0x1d: {  	s5 =	simm.s32 @p1 $0x1;
	p0 =	seq.s32 s7, s2  }
0x1e: {  	s7 =	smul.u32 @!p0 $0xF7A, s2;
	p2 =	seq.s32 @!p0 s5, $0x0  }
0x1f: {  	s9 =	smul.u32 $0xF7A, s1;
	s8 =	simm.s32 @!p0 $0x1BF5;
	p2 =	por !p2, p0  }
0x20: {  	[sflag:s8] =	ssyncset.s32 @!p0 $0xFFFFF086;
	s6 =	sadd.s32 @!p0 s3, s7;
	s7 =	simm.s32 @!p0 $0x108  }
0x21: {  	s3 =	sadd.s32 s3, s9;
	s6 =	sadd.s32 @!p0 $0x88, s6;
	s7 =	simm.s32 @p2 $0x1082  }
0x22: {  	[simem:s7], [sflag:s8] =	dma.local @!p0 [hbm:s6], $0xF7A  }
0x23: {  	s9 =	sor.u32 $0xD0000000, s2;
	s6 =	simm.s32 $0x108;
	_ =	swait.ge @!p0 [sflag:s8], $0x0  }
0x24: {  	s3 =	sadd.s32 $0x88, s3;
	s6 =	simm.s32 @!p1 $0x1082;
	[sflag:s4] =	ssyncset.s32 $0xFFFFF086  }
0x25: {  	[simem:s6], [sflag:s4] =	dma.local [hbm:s3], $0xF7A  }
0x26: {  	[smem:$0x3F9F] =	sst s1;
	(tag) =	ssettag s2;
	_ =	strace s9  }
0x27: {  	s1 =	sld [smem:$0x3FAF]  }
0x28: {  	s2 =	sld [smem:$0x3FB0]  }
0x29: {  	s4 =	sld [smem:$0x3FB2]  }
0x2a: {  	p0 =	seq.s32 s5, $0x0;
	s5 =	sld [smem:$0x3FB3]  }
0x2b: {  	s6 =	sld [smem:$0x3FB4]  }
0x2c: {  	s7 =	sld [smem:$0x3FB5]  }
0x2d: {  	s3 =	simm.s32 $0x108;
	s8 =	sld [smem:$0x3FB6]  }
0x2e: {  	s3 =	simm.s32 @!p0 $0x1082;
	s9 =	sld [smem:$0x3FB7]  }
0x2f: {  	lr =	sadd.s32 s0, s3;
	s0 =	sld [smem:$0x3FAE]  }
0x30: {  	s3 =	sld [smem:$0x3FB1]  }
0x31: {  	[smem:$0x3FBA] =	sst s10  }
0x32: {  	s10 =	sld [smem:$0x3FB8];
	_ =	sdelay $0x3  }
0x33: {  	p0 =	seq.s32 s10, $0x1;
	s10 =	sld [smem:$0x3FBA];
	_ =	sdelay $0x3  }
0x34: {  	[smem:$0x3FBA] =	sst s10  }
0x35: {  	s10 =	sld [smem:$0x3FB9];
	_ =	sdelay $0x3  }
0x36: {  	p1 =	seq.s32 s10, $0x1;
	s10 =	sld [smem:$0x3FBA];
	_ =	sdelay $0x3  }
0x37: {  	[smem:$0x3FBA] =	sst s10  }
0x38: {  	s10 =	sld [smem:$0x3FBB]  }
0x39: {  	_ = 	snop;
	(pc) =	sbr.ind lr, $3  }
0x3a: {  	_ = 	snop  }
0x3b: {  	_ = 	snop  }
0x3c: {  	p2 =	seq.s32 s10, $0x1;
	s10 =	sld [smem:$0x3FBA]  }
0x3d: {  	_ =	shalt  }
0x3e: {  	_ =	shalt  }
0x3f: {  	_ =	shalt  }
0x40: {  	_ =	shalt  }
0x41: {  	_ =	shalt  }
0x42: {  	_ =	shalt  }
0x43: {  	_ =	shalt  }
0x44: {  	_ =	shalt  }
0x45: {  	_ =	shalt  }
0x46: {  	_ =	shalt  }
0x47: {  	_ =	shalt  }
0x48: {  	_ =	shalt  }
0x49: {  	_ =	shalt  }
0x4a: {  	_ =	shalt  }
0x4b: {  	_ =	shalt  }
0x4c: {  	_ =	shalt  }
0x4d: {  	_ =	shalt  }
0x4e: {  	_ =	shalt  }
0x4f: {  	_ =	shalt  }
0x50: {  	_ =	shalt  }
0x51: {  	_ =	shalt  }
0x52: {  	_ =	shalt  }
0x53: {  	_ =	shalt  }
0x54: {  	_ =	shalt  }
0x55: {  	_ =	shalt  }
0x56: {  	_ =	shalt  }
0x57: {  	_ =	shalt  }
0x58: {  	_ =	shalt  }
0x59: {  	_ =	shalt  }
0x5a: {  	_ =	shalt  }
0x5b: {  	_ =	shalt  }
0x5c: {  	_ =	shalt  }
0x5d: {  	_ =	shalt  }
0x5e: {  	_ =	shalt  }
0x5f: {  	_ =	shalt  }
0x60: {  	_ =	shalt  }
0x61: {  	_ =	shalt  }
0x62: {  	_ =	shalt  }
0x63: {  	_ =	shalt  }
0x64: {  	_ =	shalt  }
0x65: {  	_ =	shalt  }
0x66: {  	_ =	shalt  }
0x67: {  	_ =	shalt  }
0x68: {  	_ =	shalt  }
0x69: {  	_ =	shalt  }
0x6a: {  	_ =	shalt  }
0x6b: {  	_ =	shalt  }
0x6c: {  	_ =	shalt  }
0x6d: {  	_ =	shalt  }
0x6e: {  	_ =	shalt  }
0x6f: {  	_ =	shalt  }
0x70: {  	_ =	shalt  }
0x71: {  	_ =	shalt  }
0x72: {  	_ =	shalt  }
0x73: {  	_ =	shalt  }
0x74: {  	_ =	shalt  }
0x75: {  	_ =	shalt  }
0x76: {  	_ =	shalt  }
0x77: {  	_ =	shalt  }
0x78: {  	_ =	shalt  }
0x79: {  	_ =	shalt  }
0x7a: {  	_ =	shalt  }
0x7b: {  	_ =	shalt  }
0x7c: {  	_ =	shalt  }
0x7d: {  	_ =	shalt  }
0x7e: {  	_ =	shalt  }
0x7f: {  	_ =	shalt  }
0x80: {  	_ =	shalt  }
0x81: {  	_ =	shalt  }
0x82: {  	_ =	shalt  }
0x83: {  	_ =	shalt  }
0x84: {  	_ =	shalt  }
0x85: {  	_ =	shalt  }
0x86: {  	_ =	shalt  }
0x87: {  	_ =	shalt  }
.Lfunc_end0:
.L_simem_size_0:
called_computation.1_lowered:
.L_overlay_start_0:
0x88: {  	s2 =	sld [smem:$0x3FD9]  }
0x89: {  	s3 =	sld [smem:$0x3FFE];
	_ =	sdelay $0x1  }
0x8a: {  	s1 =	srdreg.scid  }
0x8b: {  	s0 =	sand.u32 $0x1, s1  }
0x8c: {  	s14 =	sshll.u32 s0, $0xA;
	s2 =	sadd.s32 s3, s2  }
0x8d: {  	s2 =	sadd.s32 s2, s14  }
0x8e: {  	[smem:$0x3FC6] =	sst s2  }
0x8f: {  	_ = 	snop  }
0x90: {  	s2 =	sld [smem:$0x3FD0];
	_ =	sdelay $0x2  }
0x91: {  	s15 =	simm.s32 $0xA;
	s4 =	simm.s32 $0x10  }
0x92: {  	[smem:s4], [sflag:s15] =	dma.local [hbm:s2], $0x1  }
0x93: {  	_ =	swait.eq [sflag:s15], $0x1  }
0x94: {  	[sflag:s15] =	ssyncset.done $0x0  }
0x95: {  	[sflag:s15] =	ssyncadd.s32 $0xFFFFFFFF  }
0x96: {  	s16 =	sld [smem:$0x11];
	(tm) =	ssettm $0x1  }
0x97: {  	s17 =	sld [smem:$0x3FFB];
	_ =	sdelay $0x3  }
0x98: {  	_ =	strace s17  }
0x99: {  	s3 =	sld [smem:$0x3FFC];
	_ =	sdelay $0x3  }
0x9a: {  	_ =	strace s3  }
0x9b: {  	s3 =	sld [smem:$0x3FFD];
	_ =	sdelay $0x3  }
0x9c: {  	_ =	strace s3  }
0x9d: {  	_ =	strace $0x8FFFFFFF  }
0x9e: {  	s18 =	sld [smem:$0x3FDB];
	_ =	sdelay $0x1  }
0x9f: {  	s19 =	simm.s32 $_scs_section_size  }
0xa0: {  	s5 =	simm.s32 $_size__tile_overlayer_lowered;
	s6 =	simm.s32 $_tile_overlayer_lowered  }
0xa1: {  	s22 =	simm.s32 $0x1BFF;
	s21 =	sshll.u32 s6, $0x1;
	s3 =	sadd.s32 s19, s18  }
0xa2: {  	s7 =	simm.s32 $0x0;
	s20 =	sshll.u32 s5, $0x1;
	s5 =	sadd.s32 s21, s3  }
0xa3: {  	[timem:s7], [sflag:s22] =	dma.local [hbm:s5], s20  }
0xa4: {  	_ =	swait.ge [sflag:s22], s20  }
0xa5: {  	s4 =	ssub.s32 $0x0, s20;
	[sflag:s22] =	ssyncset.done $0x0  }
0xa6: {  	[sflag:s22] =	ssyncadd.s32 s4;
	_ =	sdelay $0x1  }
0xa7: {  	s23 =	simm.s32 $0x1B8B  }
0xa8: {  	_ =	swait.ge [sflag:s23], $0x1  }
0xa9: {  	[sflag:s23] =	ssyncset.done $0x0  }
0xaa: {  	s25 =	simm.s32 $0x1B8E;
	s24 =	sld [smem:$0x3FFE];
	[sflag:s23] =	ssyncadd.s32 $0xFFFFFFFF  }
0xab: {  	s26 =	simm.s32 $execute0_lowered;
	[smem:$0x3FD2] =	sst s25  }
0xac: {  	s5 =	sshll.u32 s26, $0x1;
	_ =	strace $0x80000049;
	[dreg:$0x1] =	wrdreg $0xFFFFFFFF  }
0xad: {  	s28 =	simm.s32 $_size_execute0_lowered;
	s3 =	sadd.s32 s3, s5;
	[dreg:$0x0] =	wrdreg $0x0  }
0xae: {  	s5 =	sshll.u32 s28, $0x1;
	[dreg:$0x2] =	wrdreg s3  }
0xaf: {  	[dreg:$0x3] =	wrdreg s5  }
0xb0: {  	[dreg:$0x4] =	wrdreg $0xC0  }
0xb1: {  	_ =	task [dreg:s7], $0x5FFFF  }
0xb2: {  	[dreg:$0x1] =	wrdreg $0xFFFFFFFF  }
0xb3: {  	[dreg:$0x0] =	wrdreg $0x60  }
0xb4: {  	[dreg:$0x2] =	wrdreg s24  }
0xb5: {  	[dreg:$0x3] =	wrdreg s16  }
0xb6: {  	[dreg:$0x4] =	wrdreg $0x9  }
0xb7: {  	_ =	task.clear_ibuf [dreg:s7], $0x5FFFF;
	_ =	strace $0x90000049  }
0xb8: {  	s29 =	simm.s32 $0x9;
	_ =	strace $0x8000004B  }
0xb9: {  	_ =	swait.ge [sflag:s29], $0x1  }
0xba: {  	[sflag:s29] =	ssyncadd.s32 $0xFFFFFFFF  }
0xbb: {  	_ =	strace $0x9000004B  }
0xbc: {  	_ =	sfence  }
0xbd: {  	s30 =	sld [smem:$0x0];
	_ =	sdelay $0x2  }
0xbe: {  	s31 =	sshll.u32 s1, $0xD;
	s1 =	sshrl.u32 s1, $0x2  }
0xbf: {  	s3 =	sand.u32 $0x4000, s31;
	s1 =	sadd.s32 s1, s30  }
0xc0: {  	s0 =	sor.u32 s3, s0;
	s1 =	sshll.u32 s1, $0x11  }
0xc1: {  	s0 =	sor.u32 s1, s0  }
0xc2: {  	s0 =	sadd.s32 $0x8F2B, s0  }
0xc3: {  	[sflag:s0] =	ssyncadd.remote.s32 $0x1  }
0xc4: {  	_ =	sfence.sel $0xFFFF  }
0xc5: {  	[dreg:$0x0] =	wrdreg $0xFFFFFFFF;
	(pc) =	sbr.abs _section_cstart, $3  }
0xc6: {  	[dreg:$0x1] =	wrdreg $0xFFFFFFFF  }
0xc7: {  	_ =	task.clear_ibuf [dreg:s7], $0x2FFFF;
	_ =	strace $0x9FFFFFFF  }
0xc8: {  	(tm) =	ssettm $0x7FFFFFFF  }
0xc9: {  	_ =	shalt  }
tec
execute0_lowered:
.L_overlay_start_1:
0x0: {  	(tag) =	ssettag $0x1  }
0x1: {  	s4 =	rddreg [dreg:$0x0]  }
0x2: {  	s1 =	srdreg.scid;
	s0 =	stileid.u32  }
0x3: {  	s5 =	rddreg [dreg:$0x1];
	s2 =	simm.s32 $0x0;
	s11 =	simm.s32 $0x100  }
0x4: {  	s12 =	simm.s32 $0x900;
	s13 =	simm.s32 $0x1100;
	s14 =	simm.s32 $0x1900  }
0x5: {  	s15 =	simm.s32 $0x2100;
	s16 =	simm.s32 $0x2900;
	s17 =	simm.s32 $0x3100  }
0x6: {  	s18 =	simm.s32 $0x3900;
	s19 =	simm.s32 $0x4100;
	s20 =	simm.s32 $0x4900  }
0x7: {  	s21 =	simm.s32 $0x5100;
	s22 =	simm.s32 $0x5900;
	s23 =	simm.s32 $0x6100  }
0x8: {  	s24 =	simm.s32 $0x6900;
	s28 =	simm.s32 $0x8100;
	s29 =	simm.s32 $0x8900  }
0x9: {  	s3 =	sand.u32 $0x1, s1;
	s6 =	sshll.u32 s0, $0x1;
	s1 =	rddreg [dreg:$0x2]  }
0xa: {  	s30 =	simm.s32 $0x1;
	[smem:$0x7FF] =	sst s2;
	s6 =	sor.u32 s3, s6  }
0xb: {  	s10 =	sadd.s32 $0x187200, s4;
	s7 =	ssub.s32 $0x2, s3;
	s8 =	smul.u32 $0x90, s6  }
0xc: {  	_ =	strace $0x8000004A;
	s9 =	sshrl.u32 s7, $0x1;
	s6 =	smul.u32 $0x1200, s6  }
0xd: {  	s3 =	sadd.s32 $0x7200, s4;
	s9 =	ssub.s32 s7, s9;
	s25 =	sadd.s32 $0x48, s8  }
0xe: {  	s26 =	sshrl.u32 s8, $0x3;
	s6 =	sadd.s32 s10, s6;
	s8 =	smax.u32 s9, $0x1  }
0xf: {  	v2 =	vlaneseq.u32;
	s9 =	simm.s32 $0x2;
	s31 =	sshrl.u32 s25, $0x3;
	s4 =	sadd.s32 s5, s26  }
0x10: {  	vm0 =	vmmov $0xffff;
	v1 =	vshrl.u32 v2, $0x3;
	s7 =	sshll.u32 s25, $0x5;
	s25 =	simm.s32 $0x7100;
	s26 =	simm.s32 $0x7900  }
0x11: {  	v0 =	vand.u32 $0x7, v2;
	v2 =	vor.u32 $0x8, v2;
	v1 =	vmul.u32 $0x8, v1;
	s5 =	sadd.s32 s5, s31;
	s7 =	sadd.s32 s10, s7;
	s10 =	simm.s32 $0x80  }
.LBB2_1:
0x12: {  	[tilespmem:s2], [sflag:$0x2] =	stream.linear.gather [hbm4b:s4+s2], $0x48, $0x38;
	[tilespmem:$0x9100] =	vst v63  }
0x13: {  	_ =	swait.ge [sflag:s9], $0x48  }
0x14: {  	[sflag:s9] =	ssyncset.done $0x0  }
0x15: {  	[sflag:s9] =	ssyncadd.s32 $0xFFFFFFB8  }
0x16: {  	[tilespmem:s10], [sflag:$0x2] =	stream.linear.gather [hbm4b:s5+s2], $0x48, $0x38;
	[tilespmem:$0x9100] =	vst v63  }
0x17: {  	_ =	swait.ge [sflag:s9], $0x48  }
0x18: {  	[sflag:s9] =	ssyncset.done $0x0  }
0x19: {  	[sflag:s9] =	ssyncadd.s32 $0xFFFFFFB8  }
0x1a: {  	v3 =	vld [tilespmem:$0x0];
	_ =	sdelay $0x4  }
0x1b: {  	v4 =	vshll.u32 v3, $0x1  }
0x1c: {  	v3 =	vand.u32 $0x7, v3;
	v4 =	vand.u32 $0xFFFFFFF0, v4  }
0x1d: {  	v3 =	vor.u32 v3, v4  }
0x1e: {  	v4 =	vperm.xlane v3, v0;
	_ =	sdelay $0x1  }
0x1f: {  	v3 =	vperm.xlane v3, v2;
	v4 =	vadd.s32 v1, v4;
	_ =	sdelay $0x1  }
0x20: {  	v3 =	vadd.s32 v1, v3;
	_ =	sdelay $0x2  }
0x21: {  	[tilespmem:s11], [sflag:$0x1] =	stream.indirect_vreg.gather [hbm4b:s3+s2], $0x80, v4, vm0, $0xb8;
	[tilespmem:$0x9100] =	vst v63  }
0x22: {  	_ = 	snop  }
0x23: {  	[tilespmem:s12], [sflag:$0x1] =	stream.indirect_vreg.gather [hbm4b:s3+s2], $0x80, v3, vm0, $0xb8;
	[tilespmem:$0x9100] =	vst v63  }
0x24: {  	v3 =	vld [tilespmem:$0x10];
	_ =	sdelay $0x4  }
0x25: {  	v55 =	vshll.u32 v3, $0x1  }
0x26: {  	v3 =	vand.u32 $0x7, v3;
	v4 =	vand.u32 $0xFFFFFFF0, v55  }
0x27: {  	v3 =	vor.u32 v3, v4  }
0x28: {  	v4 =	vperm.xlane v3, v0;
	_ =	sdelay $0x1  }
0x29: {  	v3 =	vperm.xlane v3, v2;
	v4 =	vadd.s32 v1, v4;
	_ =	sdelay $0x1  }
0x2a: {  	v3 =	vadd.s32 v1, v3;
	_ =	sdelay $0x2  }
0x2b: {  	[tilespmem:s13], [sflag:$0x1] =	stream.indirect_vreg.gather [hbm4b:s3+s2], $0x80, v4, vm0, $0xb8;
	[tilespmem:$0x9100] =	vst v63  }
0x2c: {  	_ = 	snop  }
0x2d: {  	[tilespmem:s14], [sflag:$0x1] =	stream.indirect_vreg.gather [hbm4b:s3+s2], $0x80, v3, vm0, $0xb8;
	[tilespmem:$0x9100] =	vst v63  }
0x2e: {  	v3 =	vld [tilespmem:$0x20];
	_ =	sdelay $0x4  }
0x2f: {  	v56 =	vshll.u32 v3, $0x1  }
0x30: {  	v3 =	vand.u32 $0x7, v3;
	v4 =	vand.u32 $0xFFFFFFF0, v56  }
0x31: {  	v3 =	vor.u32 v3, v4  }
0x32: {  	v4 =	vperm.xlane v3, v0;
	_ =	sdelay $0x1  }
0x33: {  	v3 =	vperm.xlane v3, v2;
	v4 =	vadd.s32 v1, v4;
	_ =	sdelay $0x1  }
0x34: {  	v3 =	vadd.s32 v1, v3;
	_ =	sdelay $0x2  }
0x35: {  	[tilespmem:s15], [sflag:$0x1] =	stream.indirect_vreg.gather [hbm4b:s3+s2], $0x80, v4, vm0, $0xb8;
	[tilespmem:$0x9100] =	vst v63  }
0x36: {  	_ = 	snop  }
0x37: {  	[tilespmem:s16], [sflag:$0x1] =	stream.indirect_vreg.gather [hbm4b:s3+s2], $0x80, v3, vm0, $0xb8;
	[tilespmem:$0x9100] =	vst v63  }
0x38: {  	v3 =	vld [tilespmem:$0x30];
	_ =	sdelay $0x4  }
0x39: {  	v57 =	vshll.u32 v3, $0x1  }
0x3a: {  	v3 =	vand.u32 $0x7, v3;
	v4 =	vand.u32 $0xFFFFFFF0, v57  }
0x3b: {  	v3 =	vor.u32 v3, v4  }
0x3c: {  	v4 =	vperm.xlane v3, v0;
	_ =	sdelay $0x1  }
0x3d: {  	v3 =	vperm.xlane v3, v2;
	v4 =	vadd.s32 v1, v4;
	_ =	sdelay $0x1  }
0x3e: {  	v3 =	vadd.s32 v1, v3;
	_ =	sdelay $0x2  }
0x3f: {  	[tilespmem:s17], [sflag:$0x1] =	stream.indirect_vreg.gather [hbm4b:s3+s2], $0x80, v4, vm0, $0xb8;
	[tilespmem:$0x9100] =	vst v63  }
0x40: {  	_ = 	snop  }
0x41: {  	[tilespmem:s18], [sflag:$0x1] =	stream.indirect_vreg.gather [hbm4b:s3+s2], $0x80, v3, vm0, $0xb8;
	[tilespmem:$0x9100] =	vst v63  }
0x42: {  	v3 =	vld.msk [tilespmem:$0x40], $0xff;
	_ =	sdelay $0x4  }
0x43: {  	v58 =	vshll.u32 v3, $0x1  }
0x44: {  	v3 =	vand.u32 $0x7, v3;
	v4 =	vand.u32 $0xFFFFFFF0, v58  }
0x45: {  	v3 =	vor.u32 v3, v4  }
0x46: {  	v3 =	vperm.xlane v3, v0;
	_ =	sdelay $0x1  }
0x47: {  	v3 =	vadd.s32 v1, v3;
	_ =	sdelay $0x4  }
0x48: {  	[tilespmem:s19], [sflag:$0x1] =	stream.indirect_vreg.gather [hbm4b:s3+s2], $0x80, v3, vm0, $0xb8;
	[tilespmem:$0x9100] =	vst v63  }
0x49: {  	v3 =	vld [tilespmem:$0x80];
	_ =	sdelay $0x4  }
0x4a: {  	v59 =	vshll.u32 v3, $0x1  }
0x4b: {  	v3 =	vand.u32 $0x7, v3;
	v4 =	vand.u32 $0xFFFFFFF0, v59  }
0x4c: {  	v3 =	vor.u32 v3, v4  }
0x4d: {  	v4 =	vperm.xlane v3, v0;
	_ =	sdelay $0x1  }
0x4e: {  	v3 =	vperm.xlane v3, v2;
	v4 =	vadd.s32 v1, v4;
	_ =	sdelay $0x1  }
0x4f: {  	v3 =	vadd.s32 v1, v3;
	_ =	sdelay $0x2  }
0x50: {  	[tilespmem:s20], [sflag:$0x1] =	stream.indirect_vreg.gather [hbm4b:s3+s2], $0x80, v4, vm0, $0xb8;
	[tilespmem:$0x9100] =	vst v63  }
0x51: {  	_ = 	snop  }
0x52: {  	[tilespmem:s21], [sflag:$0x1] =	stream.indirect_vreg.gather [hbm4b:s3+s2], $0x80, v3, vm0, $0xb8;
	[tilespmem:$0x9100] =	vst v63  }
0x53: {  	v3 =	vld [tilespmem:$0x90];
	_ =	sdelay $0x4  }
0x54: {  	v60 =	vshll.u32 v3, $0x1  }
0x55: {  	v3 =	vand.u32 $0x7, v3;
	v4 =	vand.u32 $0xFFFFFFF0, v60  }
0x56: {  	v3 =	vor.u32 v3, v4  }
0x57: {  	v4 =	vperm.xlane v3, v0;
	_ =	sdelay $0x1  }
0x58: {  	v3 =	vperm.xlane v3, v2;
	v4 =	vadd.s32 v1, v4;
	_ =	sdelay $0x1  }
0x59: {  	v3 =	vadd.s32 v1, v3;
	_ =	sdelay $0x2  }
0x5a: {  	[tilespmem:s22], [sflag:$0x1] =	stream.indirect_vreg.gather [hbm4b:s3+s2], $0x80, v4, vm0, $0xb8;
	[tilespmem:$0x9100] =	vst v63  }
0x5b: {  	_ = 	snop  }
0x5c: {  	[tilespmem:s23], [sflag:$0x1] =	stream.indirect_vreg.gather [hbm4b:s3+s2], $0x80, v3, vm0, $0xb8;
	[tilespmem:$0x9100] =	vst v63  }
0x5d: {  	v3 =	vld [tilespmem:$0xA0];
	_ =	sdelay $0x4  }
0x5e: {  	v61 =	vshll.u32 v3, $0x1  }
0x5f: {  	v3 =	vand.u32 $0x7, v3;
	v4 =	vand.u32 $0xFFFFFFF0, v61  }
0x60: {  	v3 =	vor.u32 v3, v4  }
0x61: {  	v4 =	vperm.xlane v3, v0;
	_ =	sdelay $0x1  }
0x62: {  	v3 =	vperm.xlane v3, v2;
	v4 =	vadd.s32 v1, v4;
	_ =	sdelay $0x1  }
0x63: {  	v3 =	vadd.s32 v1, v3;
	_ =	sdelay $0x2  }
0x64: {  	[tilespmem:s24], [sflag:$0x1] =	stream.indirect_vreg.gather [hbm4b:s3+s2], $0x80, v4, vm0, $0xb8;
	[tilespmem:$0x9100] =	vst v63  }
0x65: {  	_ = 	snop  }
0x66: {  	[tilespmem:s25], [sflag:$0x1] =	stream.indirect_vreg.gather [hbm4b:s3+s2], $0x80, v3, vm0, $0xb8;
	[tilespmem:$0x9100] =	vst v63  }
0x67: {  	v3 =	vld [tilespmem:$0xB0];
	_ =	sdelay $0x4  }
0x68: {  	v62 =	vshll.u32 v3, $0x1  }
0x69: {  	v3 =	vand.u32 $0x7, v3;
	v4 =	vand.u32 $0xFFFFFFF0, v62  }
0x6a: {  	v3 =	vor.u32 v3, v4  }
0x6b: {  	v4 =	vperm.xlane v3, v0;
	_ =	sdelay $0x1  }
0x6c: {  	v3 =	vperm.xlane v3, v2;
	v4 =	vadd.s32 v1, v4;
	_ =	sdelay $0x1  }
0x6d: {  	v3 =	vadd.s32 v1, v3;
	_ =	sdelay $0x2  }
0x6e: {  	[tilespmem:s26], [sflag:$0x1] =	stream.indirect_vreg.gather [hbm4b:s3+s2], $0x80, v4, vm0, $0xb8;
	[tilespmem:$0x9100] =	vst v63  }
0x6f: {  	_ = 	snop  }
0x70: {  	[tilespmem:s28], [sflag:$0x1] =	stream.indirect_vreg.gather [hbm4b:s3+s2], $0x80, v3, vm0, $0xb8;
	[tilespmem:$0x9100] =	vst v63  }
0x71: {  	v3 =	vld.msk [tilespmem:$0xC0], $0xff;
	_ =	sdelay $0x4  }
0x72: {  	v63 =	vshll.u32 v3, $0x1  }
0x73: {  	v3 =	vand.u32 $0x7, v3;
	v4 =	vand.u32 $0xFFFFFFF0, v63  }
0x74: {  	v3 =	vor.u32 v3, v4  }
0x75: {  	v3 =	vperm.xlane v3, v0;
	_ =	sdelay $0x1  }
0x76: {  	v3 =	vadd.s32 v1, v3;
	_ =	sdelay $0x4  }
0x77: {  	[tilespmem:s29], [sflag:$0x1] =	stream.indirect_vreg.gather [hbm4b:s3+s2], $0x80, v3, vm0, $0xb8;
	[tilespmem:$0x9100] =	vst v63  }
0x78: {  	_ =	swait.ge [sflag:s30], $0x4800  }
0x79: {  	[sflag:s30] =	ssyncset.done $0x0  }
0x7a: {  	[sflag:s30] =	ssyncadd.s32 $0xFFFFB800  }
0x7b: {  	_ =	swait.ge [sflag:s30], $0x4800  }
0x7c: {  	[sflag:s30] =	ssyncset.done $0x0  }
0x7d: {  	[sflag:s30] =	ssyncadd.s32 $0xFFFFB800  }
0x7e: {  	[hbm4b:s6+s2] =	stream.linear.scatter [tilespmem:s11], [sflag:$0x2], $0x4800, $0x38;
	[tilespmem:$0x9100] =	vst v63  }
0x7f: {  	_ =	swait.ge [sflag:s9], $0x4800  }
0x80: {  	p0 =	sne.s32 s8, $0x1;
	[sflag:s9] =	ssyncset.done $0x0  }
.Ltmp0:
0x81: {  	[sflag:s9] =	ssyncadd.s32 $0xFFFFB800;
	(pc) =	sbr.rel @p0 .LBB2_1-.Ltmp0, $4  }
0x82: {  	[hbm4b:s7+s2] =	stream.linear.scatter [tilespmem:s20], [sflag:$0x2], $0x4800, $0x38;
	[tilespmem:$0x9100] =	vst v63  }
0x83: {  	_ =	swait.ge [sflag:s9], $0x4800  }
0x84: {  	[sflag:s9] =	ssyncset.done $0x0  }
0x85: {  	s8 =	sadd.s32 $0xFFFFFFFF, s8;
	[sflag:s9] =	ssyncadd.s32 $0xFFFFB800  }
0x86: {  	_ =	sfence.sel $0x180000  }
0x87: {  	[bflag:$0x0] =	sbarrier.arrive $0xFFFF  }
0x88: {  	p0 =	sne.s32 s0, $0x0;
	_ =	strace $0x9000004A  }
0x89: {  	s0 =	sadd.s32 @!p0 $0x100000, s1;
	[bflag:$0x2] =	sbarrier.arrive $0xFFFF  }
0x8a: {  	[sflag:s0] =	ssyncadd.tile.s32 @!p0 $0x1;
	_ =	shalt  }
.Lfunc_end2:
_tile_overlayer_lowered:
.L_overlay_start_2:
0x8b: {  	(tag) =	ssettag $0x2  }
0x8c: {  	s0 =	rddreg [dreg:$0x0];
	s2 =	stileid.u32  }
0x8d: {  	s1 =	rddreg [dreg:$0x1];
	p0 =	sne.s32 s2, $0x0  }
0x8e: {  	s3 =	rddreg [dreg:$0x2];
	[bflag:$0x3] =	sbarrier.arrive $0xFFFF;
	s2 =	simm.s32 @!p0 $0x1C02  }
0x8f: {  	[timem:s3], [sflag:s2] =	dma.local @!p0 [hbm:s0], s1  }
0x90: {  	s0 =	simm.s32 @!p0 $0x2  }
0x91: {  	_ =	swait.ge @!p0 [sflag:s0], s1  }
0x92: {  	s1 =	ssub.s32 @!p0 $0x0, s1;
	[sflag:s0] =	ssyncset.done @!p0 $0x0  }
0x93: {  	[sflag:s0] =	ssyncadd.s32 @!p0 s1  }
0x94: {  	[bflag:$0x3] =	sbarrier.arrive $0xFFFF  }
0x95: {  	_ =	shalt  }

// kernel: kernel.24.cloned.1.call-start
scs
__scs_entry_jumppad:
0x0: {  	(pc) =	sbr.rel $0x88, $3  }
0x1: {  	(tag) =	ssettag $0x0;
	lr =	simm.s32 $0x1  }
0x2: {  	[smem:$0x3F9F] =	sst lr;
	_ =	strace $0xD0000000  }
0x3: {  	_ = 	snop  }
0x4: {  	_ = 	snop  }
0x5: {  	_ = 	snop  }
0x6: {  	_ = 	snop  }
0x7: {  	_ = 	snop  }
__scs_overlays_trampoline_lowered:
0x8: {  	[smem:$0x3FAE] =	sst s0  }
0x9: {  	[smem:$0x3FAF] =	sst s1  }
0xa: {  	[smem:$0x3FB0] =	sst s2  }
0xb: {  	[smem:$0x3FB1] =	sst s3  }
0xc: {  	[smem:$0x3FB2] =	sst s4  }
0xd: {  	[smem:$0x3FB3] =	sst s5  }
0xe: {  	[smem:$0x3FB4] =	sst s6  }
0xf: {  	[smem:$0x3FB5] =	sst s7  }
0x10: {  	[smem:$0x3FB6] =	sst s8  }
0x11: {  	[smem:$0x3FB7] =	sst s9;
	s0 =	simm.s32 @!p0 $0x0  }
0x12: {  	s1 =	sld [smem:$0x3F9D];
	s0 =	simm.s32 @p0 $0x1  }
0x13: {  	[smem:$0x3FB8] =	sst s0;
	s0 =	simm.s32 @!p1 $0x0  }
0x14: {  	s2 =	sld [smem:$0x3F9C];
	s0 =	simm.s32 @p1 $0x1  }
0x15: {  	[smem:$0x3FB9] =	sst s0;
	s0 =	simm.s32 @!p2 $0x0  }
0x16: {  	s3 =	sld [smem:$0x3FDB];
	s0 =	simm.s32 @p2 $0x1  }
0x17: {  	s4 =	simm.s32 $0x1BF5;
	[smem:$0x3FBB] =	sst s0  }
0x18: {  	s0 =	sld [smem:$0x3F9E];
	_ =	swait.ge [sflag:s4], $0x0  }
0x19: {  	s7 =	sld [smem:$0x3F9F]  }
0x1a: {  	s8 =	sadd.s32 $0xFFFFE003, lr  }
0x1b: {  	s9 =	sadd.s32 $0xFFFFFEF7, lr;
	s5 =	simm.s32 $0xFFFFFFFF;
	p2 =	slt.u32 s8, $0xFFFFF086  }
0x1c: {  	p1 =	slt.u32 s9, $0xF7A;
	s5 =	simm.s32 @!p2 $0x0  }
0x1d: {  	s5 =	simm.s32 @p1 $0x1;
	p0 =	seq.s32 s7, s2  }
0x1e: {  	s7 =	smul.u32 @!p0 $0xF7A, s2;
	p2 =	seq.s32 @!p0 s5, $0x0  }
0x1f: {  	s9 =	smul.u32 $0xF7A, s1;
	s8 =	simm.s32 @!p0 $0x1BF5;
	p2 =	por !p2, p0  }
0x20: {  	[sflag:s8] =	ssyncset.s32 @!p0 $0xFFFFF086;
	s6 =	sadd.s32 @!p0 s3, s7;
	s7 =	simm.s32 @!p0 $0x108  }
0x21: {  	s3 =	sadd.s32 s3, s9;
	s6 =	sadd.s32 @!p0 $0x88, s6;
	s7 =	simm.s32 @p2 $0x1082  }
0x22: {  	[simem:s7], [sflag:s8] =	dma.local @!p0 [hbm:s6], $0xF7A  }
0x23: {  	s9 =	sor.u32 $0xD0000000, s2;
	s6 =	simm.s32 $0x108;
	_ =	swait.ge @!p0 [sflag:s8], $0x0  }
0x24: {  	s3 =	sadd.s32 $0x88, s3;
	s6 =	simm.s32 @!p1 $0x1082;
	[sflag:s4] =	ssyncset.s32 $0xFFFFF086  }
0x25: {  	[simem:s6], [sflag:s4] =	dma.local [hbm:s3], $0xF7A  }
0x26: {  	[smem:$0x3F9F] =	sst s1;
	(tag) =	ssettag s2;
	_ =	strace s9  }
0x27: {  	s1 =	sld [smem:$0x3FAF]  }
0x28: {  	s2 =	sld [smem:$0x3FB0]  }
0x29: {  	s4 =	sld [smem:$0x3FB2]  }
0x2a: {  	p0 =	seq.s32 s5, $0x0;
	s5 =	sld [smem:$0x3FB3]  }
0x2b: {  	s6 =	sld [smem:$0x3FB4]  }
0x2c: {  	s7 =	sld [smem:$0x3FB5]  }
0x2d: {  	s3 =	simm.s32 $0x108;
	s8 =	sld [smem:$0x3FB6]  }
0x2e: {  	s3 =	simm.s32 @!p0 $0x1082;
	s9 =	sld [smem:$0x3FB7]  }
0x2f: {  	lr =	sadd.s32 s0, s3;
	s0 =	sld [smem:$0x3FAE]  }
0x30: {  	s3 =	sld [smem:$0x3FB1]  }
0x31: {  	[smem:$0x3FBA] =	sst s10  }
0x32: {  	s10 =	sld [smem:$0x3FB8];
	_ =	sdelay $0x3  }
0x33: {  	p0 =	seq.s32 s10, $0x1;
	s10 =	sld [smem:$0x3FBA];
	_ =	sdelay $0x3  }
0x34: {  	[smem:$0x3FBA] =	sst s10  }
0x35: {  	s10 =	sld [smem:$0x3FB9];
	_ =	sdelay $0x3  }
0x36: {  	p1 =	seq.s32 s10, $0x1;
	s10 =	sld [smem:$0x3FBA];
	_ =	sdelay $0x3  }
0x37: {  	[smem:$0x3FBA] =	sst s10  }
0x38: {  	s10 =	sld [smem:$0x3FBB]  }
0x39: {  	_ = 	snop;
	(pc) =	sbr.ind lr, $3  }
0x3a: {  	_ = 	snop  }
0x3b: {  	_ = 	snop  }
0x3c: {  	p2 =	seq.s32 s10, $0x1;
	s10 =	sld [smem:$0x3FBA]  }
0x3d: {  	_ =	shalt  }
0x3e: {  	_ =	shalt  }
0x3f: {  	_ =	shalt  }
0x40: {  	_ =	shalt  }
0x41: {  	_ =	shalt  }
0x42: {  	_ =	shalt  }
0x43: {  	_ =	shalt  }
0x44: {  	_ =	shalt  }
0x45: {  	_ =	shalt  }
0x46: {  	_ =	shalt  }
0x47: {  	_ =	shalt  }
0x48: {  	_ =	shalt  }
0x49: {  	_ =	shalt  }
0x4a: {  	_ =	shalt  }
0x4b: {  	_ =	shalt  }
0x4c: {  	_ =	shalt  }
0x4d: {  	_ =	shalt  }
0x4e: {  	_ =	shalt  }
0x4f: {  	_ =	shalt  }
0x50: {  	_ =	shalt  }
0x51: {  	_ =	shalt  }
0x52: {  	_ =	shalt  }
0x53: {  	_ =	shalt  }
0x54: {  	_ =	shalt  }
0x55: {  	_ =	shalt  }
0x56: {  	_ =	shalt  }
0x57: {  	_ =	shalt  }
0x58: {  	_ =	shalt  }
0x59: {  	_ =	shalt  }
0x5a: {  	_ =	shalt  }
0x5b: {  	_ =	shalt  }
0x5c: {  	_ =	shalt  }
0x5d: {  	_ =	shalt  }
0x5e: {  	_ =	shalt  }
0x5f: {  	_ =	shalt  }
0x60: {  	_ =	shalt  }
0x61: {  	_ =	shalt  }
0x62: {  	_ =	shalt  }
0x63: {  	_ =	shalt  }
0x64: {  	_ =	shalt  }
0x65: {  	_ =	shalt  }
0x66: {  	_ =	shalt  }
0x67: {  	_ =	shalt  }
0x68: {  	_ =	shalt  }
0x69: {  	_ =	shalt  }
0x6a: {  	_ =	shalt  }
0x6b: {  	_ =	shalt  }
0x6c: {  	_ =	shalt  }
0x6d: {  	_ =	shalt  }
0x6e: {  	_ =	shalt  }
0x6f: {  	_ =	shalt  }
0x70: {  	_ =	shalt  }
0x71: {  	_ =	shalt  }
0x72: {  	_ =	shalt  }
0x73: {  	_ =	shalt  }
0x74: {  	_ =	shalt  }
0x75: {  	_ =	shalt  }
0x76: {  	_ =	shalt  }
0x77: {  	_ =	shalt  }
0x78: {  	_ =	shalt  }
0x79: {  	_ =	shalt  }
0x7a: {  	_ =	shalt  }
0x7b: {  	_ =	shalt  }
0x7c: {  	_ =	shalt  }
0x7d: {  	_ =	shalt  }
0x7e: {  	_ =	shalt  }
0x7f: {  	_ =	shalt  }
0x80: {  	_ =	shalt  }
0x81: {  	_ =	shalt  }
0x82: {  	_ =	shalt  }
0x83: {  	_ =	shalt  }
0x84: {  	_ =	shalt  }
0x85: {  	_ =	shalt  }
0x86: {  	_ =	shalt  }
0x87: {  	_ =	shalt  }
.Lfunc_end0:
.L_simem_size_0:
called_computation.2_lowered:
.L_overlay_start_0:
0x88: {  	s2 =	sld [smem:$0x3FD9]  }
0x89: {  	s3 =	sld [smem:$0x3FFE];
	_ =	sdelay $0x1  }
0x8a: {  	s1 =	srdreg.scid  }
0x8b: {  	s0 =	sand.u32 $0x1, s1  }
0x8c: {  	s14 =	sshll.u32 s0, $0xA;
	s2 =	sadd.s32 s3, s2  }
0x8d: {  	s2 =	sadd.s32 s2, s14  }
0x8e: {  	[smem:$0x3FC6] =	sst s2  }
0x8f: {  	_ = 	snop  }
0x90: {  	s2 =	sld [smem:$0x3FD0];
	_ =	sdelay $0x2  }
0x91: {  	s15 =	simm.s32 $0xA;
	s4 =	simm.s32 $0x10  }
0x92: {  	[smem:s4], [sflag:s15] =	dma.local [hbm:s2], $0x1  }
0x93: {  	_ =	swait.eq [sflag:s15], $0x1  }
0x94: {  	[sflag:s15] =	ssyncset.done $0x0  }
0x95: {  	[sflag:s15] =	ssyncadd.s32 $0xFFFFFFFF  }
0x96: {  	s16 =	sld [smem:$0x11];
	(tm) =	ssettm $0x1  }
0x97: {  	s17 =	sld [smem:$0x3FFB];
	_ =	sdelay $0x3  }
0x98: {  	_ =	strace s17  }
0x99: {  	s3 =	sld [smem:$0x3FFC];
	_ =	sdelay $0x3  }
0x9a: {  	_ =	strace s3  }
0x9b: {  	s3 =	sld [smem:$0x3FFD];
	_ =	sdelay $0x3  }
0x9c: {  	_ =	strace s3  }
0x9d: {  	_ =	strace $0x8FFFFFFF  }
0x9e: {  	s18 =	sld [smem:$0x3FDB];
	_ =	sdelay $0x1  }
0x9f: {  	s19 =	simm.s32 $_scs_section_size  }
0xa0: {  	s5 =	simm.s32 $_size__tile_overlayer_lowered;
	s6 =	simm.s32 $_tile_overlayer_lowered  }
0xa1: {  	s22 =	simm.s32 $0x1BFF;
	s21 =	sshll.u32 s6, $0x1;
	s3 =	sadd.s32 s19, s18  }
0xa2: {  	s7 =	simm.s32 $0x0;
	s20 =	sshll.u32 s5, $0x1;
	s5 =	sadd.s32 s21, s3  }
0xa3: {  	[timem:s7], [sflag:s22] =	dma.local [hbm:s5], s20  }
0xa4: {  	_ =	swait.ge [sflag:s22], s20  }
0xa5: {  	s4 =	ssub.s32 $0x0, s20;
	[sflag:s22] =	ssyncset.done $0x0  }
0xa6: {  	[sflag:s22] =	ssyncadd.s32 s4;
	_ =	sdelay $0x1  }
0xa7: {  	s23 =	simm.s32 $0x1B8B  }
0xa8: {  	_ =	swait.ge [sflag:s23], $0x1  }
0xa9: {  	[sflag:s23] =	ssyncset.done $0x0  }
0xaa: {  	s25 =	simm.s32 $0x1B8E;
	s24 =	sld [smem:$0x3FFE];
	[sflag:s23] =	ssyncadd.s32 $0xFFFFFFFF  }
0xab: {  	s26 =	simm.s32 $execute0_lowered;
	[smem:$0x3FD2] =	sst s25  }
0xac: {  	s5 =	sshll.u32 s26, $0x1;
	_ =	strace $0x8000004C;
	[dreg:$0x1] =	wrdreg $0xFFFFFFFF  }
0xad: {  	s28 =	simm.s32 $_size_execute0_lowered;
	s3 =	sadd.s32 s3, s5;
	[dreg:$0x0] =	wrdreg $0x0  }
0xae: {  	s5 =	sshll.u32 s28, $0x1;
	[dreg:$0x2] =	wrdreg s3  }
0xaf: {  	[dreg:$0x3] =	wrdreg s5  }
0xb0: {  	[dreg:$0x4] =	wrdreg $0xC0  }
0xb1: {  	_ =	task [dreg:s7], $0x5FFFF  }
0xb2: {  	[dreg:$0x1] =	wrdreg $0xFFFFFFFF  }
0xb3: {  	[dreg:$0x0] =	wrdreg $0x60  }
0xb4: {  	[dreg:$0x2] =	wrdreg s24  }
0xb5: {  	[dreg:$0x3] =	wrdreg s16  }
0xb6: {  	[dreg:$0x4] =	wrdreg $0x9  }
0xb7: {  	_ =	task.clear_ibuf [dreg:s7], $0x5FFFF;
	_ =	strace $0x9000004C  }
0xb8: {  	s29 =	simm.s32 $0x9;
	_ =	strace $0x8000004E  }
0xb9: {  	_ =	swait.ge [sflag:s29], $0x1  }
0xba: {  	[sflag:s29] =	ssyncadd.s32 $0xFFFFFFFF  }
0xbb: {  	_ =	strace $0x9000004E  }
0xbc: {  	_ =	sfence  }
0xbd: {  	s30 =	sld [smem:$0x0];
	_ =	sdelay $0x2  }
0xbe: {  	s31 =	sshll.u32 s1, $0xD;
	s1 =	sshrl.u32 s1, $0x2  }
0xbf: {  	s3 =	sand.u32 $0x4000, s31;
	s1 =	sadd.s32 s1, s30  }
0xc0: {  	s0 =	sor.u32 s3, s0;
	s1 =	sshll.u32 s1, $0x11  }
0xc1: {  	s0 =	sor.u32 s1, s0  }
0xc2: {  	s0 =	sadd.s32 $0x8F2B, s0  }
0xc3: {  	[sflag:s0] =	ssyncadd.remote.s32 $0x1  }
0xc4: {  	_ =	sfence.sel $0xFFFF  }
0xc5: {  	[dreg:$0x0] =	wrdreg $0xFFFFFFFF;
	(pc) =	sbr.abs _section_cstart, $3  }
0xc6: {  	[dreg:$0x1] =	wrdreg $0xFFFFFFFF  }
0xc7: {  	_ =	task.clear_ibuf [dreg:s7], $0x2FFFF;
	_ =	strace $0x9FFFFFFF  }
0xc8: {  	(tm) =	ssettm $0x7FFFFFFF  }
0xc9: {  	_ =	shalt  }
tec
execute0_lowered:
.L_overlay_start_1:
0x0: {  	(tag) =	ssettag $0x1  }
0x1: {  	s4 =	rddreg [dreg:$0x0]  }
0x2: {  	s1 =	srdreg.scid;
	s0 =	stileid.u32  }
0x3: {  	s5 =	rddreg [dreg:$0x1];
	s2 =	simm.s32 $0x0;
	s11 =	simm.s32 $0x100  }
0x4: {  	s12 =	simm.s32 $0x900;
	s13 =	simm.s32 $0x1100;
	s14 =	simm.s32 $0x1900  }
0x5: {  	s15 =	simm.s32 $0x2100;
	s16 =	simm.s32 $0x2900;
	s17 =	simm.s32 $0x3100  }
0x6: {  	s18 =	simm.s32 $0x3900;
	s19 =	simm.s32 $0x4100;
	s20 =	simm.s32 $0x4900  }
0x7: {  	s21 =	simm.s32 $0x5100;
	s22 =	simm.s32 $0x5900;
	s23 =	simm.s32 $0x6100  }
0x8: {  	s24 =	simm.s32 $0x6900;
	s28 =	simm.s32 $0x8100;
	s29 =	simm.s32 $0x8900  }
0x9: {  	s3 =	sand.u32 $0x1, s1;
	s6 =	sshll.u32 s0, $0x1;
	s1 =	rddreg [dreg:$0x2]  }
0xa: {  	s30 =	simm.s32 $0x1;
	[smem:$0x7FF] =	sst s2;
	s6 =	sor.u32 s3, s6  }
0xb: {  	s10 =	sadd.s32 $0x7200, s4;
	s7 =	ssub.s32 $0x2, s3;
	s8 =	smul.u32 $0x90, s6  }
0xc: {  	_ =	strace $0x8000004D;
	s9 =	sshrl.u32 s7, $0x1;
	s6 =	smul.u32 $0x1200, s6  }
0xd: {  	s3 =	sadd.s32 $0x47200, s4;
	s9 =	ssub.s32 s7, s9;
	s25 =	sadd.s32 $0x48, s8  }
0xe: {  	s26 =	sshrl.u32 s8, $0x3;
	s6 =	sadd.s32 s10, s6;
	s8 =	smax.u32 s9, $0x1  }
0xf: {  	v2 =	vlaneseq.u32;
	s9 =	simm.s32 $0x2;
	s31 =	sshrl.u32 s25, $0x3;
	s4 =	sadd.s32 s5, s26  }
0x10: {  	vm0 =	vmmov $0xffff;
	v1 =	vshrl.u32 v2, $0x3;
	s7 =	sshll.u32 s25, $0x5;
	s25 =	simm.s32 $0x7100;
	s26 =	simm.s32 $0x7900  }
0x11: {  	v0 =	vand.u32 $0x7, v2;
	v2 =	vor.u32 $0x8, v2;
	v1 =	vmul.u32 $0x8, v1;
	s5 =	sadd.s32 s5, s31;
	s7 =	sadd.s32 s10, s7;
	s10 =	simm.s32 $0x80  }
.LBB2_1:
0x12: {  	[tilespmem:s2], [sflag:$0x2] =	stream.linear.gather [hbm4b:s4+s2], $0x48, $0x38;
	[tilespmem:$0x9100] =	vst v63  }
0x13: {  	_ =	swait.ge [sflag:s9], $0x48  }
0x14: {  	[sflag:s9] =	ssyncset.done $0x0  }
0x15: {  	[sflag:s9] =	ssyncadd.s32 $0xFFFFFFB8  }
0x16: {  	[tilespmem:s10], [sflag:$0x2] =	stream.linear.gather [hbm4b:s5+s2], $0x48, $0x38;
	[tilespmem:$0x9100] =	vst v63  }
0x17: {  	_ =	swait.ge [sflag:s9], $0x48  }
0x18: {  	[sflag:s9] =	ssyncset.done $0x0  }
0x19: {  	[sflag:s9] =	ssyncadd.s32 $0xFFFFFFB8  }
0x1a: {  	v3 =	vld [tilespmem:$0x0];
	_ =	sdelay $0x4  }
0x1b: {  	v4 =	vshll.u32 v3, $0x1  }
0x1c: {  	v3 =	vand.u32 $0x7, v3;
	v4 =	vand.u32 $0xFFFFFFF0, v4  }
0x1d: {  	v3 =	vor.u32 v3, v4  }
0x1e: {  	v4 =	vperm.xlane v3, v0;
	_ =	sdelay $0x1  }
0x1f: {  	v3 =	vperm.xlane v3, v2;
	v4 =	vadd.s32 v1, v4;
	_ =	sdelay $0x1  }
0x20: {  	v3 =	vadd.s32 v1, v3;
	_ =	sdelay $0x2  }
0x21: {  	[tilespmem:s11], [sflag:$0x1] =	stream.indirect_vreg.gather [hbm4b:s3+s2], $0x80, v4, vm0, $0xb8;
	[tilespmem:$0x9100] =	vst v63  }
0x22: {  	_ = 	snop  }
0x23: {  	[tilespmem:s12], [sflag:$0x1] =	stream.indirect_vreg.gather [hbm4b:s3+s2], $0x80, v3, vm0, $0xb8;
	[tilespmem:$0x9100] =	vst v63  }
0x24: {  	v3 =	vld [tilespmem:$0x10];
	_ =	sdelay $0x4  }
0x25: {  	v55 =	vshll.u32 v3, $0x1  }
0x26: {  	v3 =	vand.u32 $0x7, v3;
	v4 =	vand.u32 $0xFFFFFFF0, v55  }
0x27: {  	v3 =	vor.u32 v3, v4  }
0x28: {  	v4 =	vperm.xlane v3, v0;
	_ =	sdelay $0x1  }
0x29: {  	v3 =	vperm.xlane v3, v2;
	v4 =	vadd.s32 v1, v4;
	_ =	sdelay $0x1  }
0x2a: {  	v3 =	vadd.s32 v1, v3;
	_ =	sdelay $0x2  }
0x2b: {  	[tilespmem:s13], [sflag:$0x1] =	stream.indirect_vreg.gather [hbm4b:s3+s2], $0x80, v4, vm0, $0xb8;
	[tilespmem:$0x9100] =	vst v63  }
0x2c: {  	_ = 	snop  }
0x2d: {  	[tilespmem:s14], [sflag:$0x1] =	stream.indirect_vreg.gather [hbm4b:s3+s2], $0x80, v3, vm0, $0xb8;
	[tilespmem:$0x9100] =	vst v63  }
0x2e: {  	v3 =	vld [tilespmem:$0x20];
	_ =	sdelay $0x4  }
0x2f: {  	v56 =	vshll.u32 v3, $0x1  }
0x30: {  	v3 =	vand.u32 $0x7, v3;
	v4 =	vand.u32 $0xFFFFFFF0, v56  }
0x31: {  	v3 =	vor.u32 v3, v4  }
0x32: {  	v4 =	vperm.xlane v3, v0;
	_ =	sdelay $0x1  }
0x33: {  	v3 =	vperm.xlane v3, v2;
	v4 =	vadd.s32 v1, v4;
	_ =	sdelay $0x1  }
0x34: {  	v3 =	vadd.s32 v1, v3;
	_ =	sdelay $0x2  }
0x35: {  	[tilespmem:s15], [sflag:$0x1] =	stream.indirect_vreg.gather [hbm4b:s3+s2], $0x80, v4, vm0, $0xb8;
	[tilespmem:$0x9100] =	vst v63  }
0x36: {  	_ = 	snop  }
0x37: {  	[tilespmem:s16], [sflag:$0x1] =	stream.indirect_vreg.gather [hbm4b:s3+s2], $0x80, v3, vm0, $0xb8;
	[tilespmem:$0x9100] =	vst v63  }
0x38: {  	v3 =	vld [tilespmem:$0x30];
	_ =	sdelay $0x4  }
0x39: {  	v57 =	vshll.u32 v3, $0x1  }
0x3a: {  	v3 =	vand.u32 $0x7, v3;
	v4 =	vand.u32 $0xFFFFFFF0, v57  }
0x3b: {  	v3 =	vor.u32 v3, v4  }
0x3c: {  	v4 =	vperm.xlane v3, v0;
	_ =	sdelay $0x1  }
0x3d: {  	v3 =	vperm.xlane v3, v2;
	v4 =	vadd.s32 v1, v4;
	_ =	sdelay $0x1  }
0x3e: {  	v3 =	vadd.s32 v1, v3;
	_ =	sdelay $0x2  }
0x3f: {  	[tilespmem:s17], [sflag:$0x1] =	stream.indirect_vreg.gather [hbm4b:s3+s2], $0x80, v4, vm0, $0xb8;
	[tilespmem:$0x9100] =	vst v63  }
0x40: {  	_ = 	snop  }
0x41: {  	[tilespmem:s18], [sflag:$0x1] =	stream.indirect_vreg.gather [hbm4b:s3+s2], $0x80, v3, vm0, $0xb8;
	[tilespmem:$0x9100] =	vst v63  }
0x42: {  	v3 =	vld.msk [tilespmem:$0x40], $0xff;
	_ =	sdelay $0x4  }
0x43: {  	v58 =	vshll.u32 v3, $0x1  }
0x44: {  	v3 =	vand.u32 $0x7, v3;
	v4 =	vand.u32 $0xFFFFFFF0, v58  }
0x45: {  	v3 =	vor.u32 v3, v4  }
0x46: {  	v3 =	vperm.xlane v3, v0;
	_ =	sdelay $0x1  }
0x47: {  	v3 =	vadd.s32 v1, v3;
	_ =	sdelay $0x4  }
0x48: {  	[tilespmem:s19], [sflag:$0x1] =	stream.indirect_vreg.gather [hbm4b:s3+s2], $0x80, v3, vm0, $0xb8;
	[tilespmem:$0x9100] =	vst v63  }
0x49: {  	v3 =	vld [tilespmem:$0x80];
	_ =	sdelay $0x4  }
0x4a: {  	v59 =	vshll.u32 v3, $0x1  }
0x4b: {  	v3 =	vand.u32 $0x7, v3;
	v4 =	vand.u32 $0xFFFFFFF0, v59  }
0x4c: {  	v3 =	vor.u32 v3, v4  }
0x4d: {  	v4 =	vperm.xlane v3, v0;
	_ =	sdelay $0x1  }
0x4e: {  	v3 =	vperm.xlane v3, v2;
	v4 =	vadd.s32 v1, v4;
	_ =	sdelay $0x1  }
0x4f: {  	v3 =	vadd.s32 v1, v3;
	_ =	sdelay $0x2  }
0x50: {  	[tilespmem:s20], [sflag:$0x1] =	stream.indirect_vreg.gather [hbm4b:s3+s2], $0x80, v4, vm0, $0xb8;
	[tilespmem:$0x9100] =	vst v63  }
0x51: {  	_ = 	snop  }
0x52: {  	[tilespmem:s21], [sflag:$0x1] =	stream.indirect_vreg.gather [hbm4b:s3+s2], $0x80, v3, vm0, $0xb8;
	[tilespmem:$0x9100] =	vst v63  }
0x53: {  	v3 =	vld [tilespmem:$0x90];
	_ =	sdelay $0x4  }
0x54: {  	v60 =	vshll.u32 v3, $0x1  }
0x55: {  	v3 =	vand.u32 $0x7, v3;
	v4 =	vand.u32 $0xFFFFFFF0, v60  }
0x56: {  	v3 =	vor.u32 v3, v4  }
0x57: {  	v4 =	vperm.xlane v3, v0;
	_ =	sdelay $0x1  }
0x58: {  	v3 =	vperm.xlane v3, v2;
	v4 =	vadd.s32 v1, v4;
	_ =	sdelay $0x1  }
0x59: {  	v3 =	vadd.s32 v1, v3;
	_ =	sdelay $0x2  }
0x5a: {  	[tilespmem:s22], [sflag:$0x1] =	stream.indirect_vreg.gather [hbm4b:s3+s2], $0x80, v4, vm0, $0xb8;
	[tilespmem:$0x9100] =	vst v63  }
0x5b: {  	_ = 	snop  }
0x5c: {  	[tilespmem:s23], [sflag:$0x1] =	stream.indirect_vreg.gather [hbm4b:s3+s2], $0x80, v3, vm0, $0xb8;
	[tilespmem:$0x9100] =	vst v63  }
0x5d: {  	v3 =	vld [tilespmem:$0xA0];
	_ =	sdelay $0x4  }
0x5e: {  	v61 =	vshll.u32 v3, $0x1  }
0x5f: {  	v3 =	vand.u32 $0x7, v3;
	v4 =	vand.u32 $0xFFFFFFF0, v61  }
0x60: {  	v3 =	vor.u32 v3, v4  }
0x61: {  	v4 =	vperm.xlane v3, v0;
	_ =	sdelay $0x1  }
0x62: {  	v3 =	vperm.xlane v3, v2;
	v4 =	vadd.s32 v1, v4;
	_ =	sdelay $0x1  }
0x63: {  	v3 =	vadd.s32 v1, v3;
	_ =	sdelay $0x2  }
0x64: {  	[tilespmem:s24], [sflag:$0x1] =	stream.indirect_vreg.gather [hbm4b:s3+s2], $0x80, v4, vm0, $0xb8;
	[tilespmem:$0x9100] =	vst v63  }
0x65: {  	_ = 	snop  }
0x66: {  	[tilespmem:s25], [sflag:$0x1] =	stream.indirect_vreg.gather [hbm4b:s3+s2], $0x80, v3, vm0, $0xb8;
	[tilespmem:$0x9100] =	vst v63  }
0x67: {  	v3 =	vld [tilespmem:$0xB0];
	_ =	sdelay $0x4  }
0x68: {  	v62 =	vshll.u32 v3, $0x1  }
0x69: {  	v3 =	vand.u32 $0x7, v3;
	v4 =	vand.u32 $0xFFFFFFF0, v62  }
0x6a: {  	v3 =	vor.u32 v3, v4  }
0x6b: {  	v4 =	vperm.xlane v3, v0;
	_ =	sdelay $0x1  }
0x6c: {  	v3 =	vperm.xlane v3, v2;
	v4 =	vadd.s32 v1, v4;
	_ =	sdelay $0x1  }
0x6d: {  	v3 =	vadd.s32 v1, v3;
	_ =	sdelay $0x2  }
0x6e: {  	[tilespmem:s26], [sflag:$0x1] =	stream.indirect_vreg.gather [hbm4b:s3+s2], $0x80, v4, vm0, $0xb8;
	[tilespmem:$0x9100] =	vst v63  }
0x6f: {  	_ = 	snop  }
0x70: {  	[tilespmem:s28], [sflag:$0x1] =	stream.indirect_vreg.gather [hbm4b:s3+s2], $0x80, v3, vm0, $0xb8;
	[tilespmem:$0x9100] =	vst v63  }
0x71: {  	v3 =	vld.msk [tilespmem:$0xC0], $0xff;
	_ =	sdelay $0x4  }
0x72: {  	v63 =	vshll.u32 v3, $0x1  }
0x73: {  	v3 =	vand.u32 $0x7, v3;
	v4 =	vand.u32 $0xFFFFFFF0, v63  }
0x74: {  	v3 =	vor.u32 v3, v4  }
0x75: {  	v3 =	vperm.xlane v3, v0;
	_ =	sdelay $0x1  }
0x76: {  	v3 =	vadd.s32 v1, v3;
	_ =	sdelay $0x4  }
0x77: {  	[tilespmem:s29], [sflag:$0x1] =	stream.indirect_vreg.gather [hbm4b:s3+s2], $0x80, v3, vm0, $0xb8;
	[tilespmem:$0x9100] =	vst v63  }
0x78: {  	_ =	swait.ge [sflag:s30], $0x4800  }
0x79: {  	[sflag:s30] =	ssyncset.done $0x0  }
0x7a: {  	[sflag:s30] =	ssyncadd.s32 $0xFFFFB800  }
0x7b: {  	_ =	swait.ge [sflag:s30], $0x4800  }
0x7c: {  	[sflag:s30] =	ssyncset.done $0x0  }
0x7d: {  	[sflag:s30] =	ssyncadd.s32 $0xFFFFB800  }
0x7e: {  	[hbm4b:s6+s2] =	stream.linear.scatter [tilespmem:s11], [sflag:$0x2], $0x4800, $0x38;
	[tilespmem:$0x9100] =	vst v63  }
0x7f: {  	_ =	swait.ge [sflag:s9], $0x4800  }
0x80: {  	p0 =	sne.s32 s8, $0x1;
	[sflag:s9] =	ssyncset.done $0x0  }
.Ltmp0:
0x81: {  	[sflag:s9] =	ssyncadd.s32 $0xFFFFB800;
	(pc) =	sbr.rel @p0 .LBB2_1-.Ltmp0, $4  }
0x82: {  	[hbm4b:s7+s2] =	stream.linear.scatter [tilespmem:s20], [sflag:$0x2], $0x4800, $0x38;
	[tilespmem:$0x9100] =	vst v63  }
0x83: {  	_ =	swait.ge [sflag:s9], $0x4800  }
0x84: {  	[sflag:s9] =	ssyncset.done $0x0  }
0x85: {  	s8 =	sadd.s32 $0xFFFFFFFF, s8;
	[sflag:s9] =	ssyncadd.s32 $0xFFFFB800  }
0x86: {  	_ =	sfence.sel $0x180000  }
0x87: {  	[bflag:$0x0] =	sbarrier.arrive $0xFFFF  }
0x88: {  	p0 =	sne.s32 s0, $0x0;
	_ =	strace $0x9000004D  }
0x89: {  	s0 =	sadd.s32 @!p0 $0x100000, s1;
	[bflag:$0x2] =	sbarrier.arrive $0xFFFF  }
0x8a: {  	[sflag:s0] =	ssyncadd.tile.s32 @!p0 $0x1;
	_ =	shalt  }
.Lfunc_end2:
_tile_overlayer_lowered:
.L_overlay_start_2:
0x8b: {  	(tag) =	ssettag $0x2  }
0x8c: {  	s0 =	rddreg [dreg:$0x0];
	s2 =	stileid.u32  }
0x8d: {  	s1 =	rddreg [dreg:$0x1];
	p0 =	sne.s32 s2, $0x0  }
0x8e: {  	s3 =	rddreg [dreg:$0x2];
	[bflag:$0x3] =	sbarrier.arrive $0xFFFF;
	s2 =	simm.s32 @!p0 $0x1C02  }
0x8f: {  	[timem:s3], [sflag:s2] =	dma.local @!p0 [hbm:s0], s1  }
0x90: {  	s0 =	simm.s32 @!p0 $0x2  }
0x91: {  	_ =	swait.ge @!p0 [sflag:s0], s1  }
0x92: {  	s1 =	ssub.s32 @!p0 $0x0, s1;
	[sflag:s0] =	ssyncset.done @!p0 $0x0  }
0x93: {  	[sflag:s0] =	ssyncadd.s32 @!p0 s1  }
0x94: {  	[bflag:$0x3] =	sbarrier.arrive $0xFFFF  }
0x95: {  	_ =	shalt  }

// kernel: kernel.27.cloned.1.call-start
scs
__scs_entry_jumppad:
0x0: {  	(pc) =	sbr.rel $0x88, $3  }
0x1: {  	(tag) =	ssettag $0x0;
	lr =	simm.s32 $0x1  }
0x2: {  	[smem:$0x3F9F] =	sst lr;
	_ =	strace $0xD0000000  }
0x3: {  	_ = 	snop  }
0x4: {  	_ = 	snop  }
0x5: {  	_ = 	snop  }
0x6: {  	_ = 	snop  }
0x7: {  	_ = 	snop  }
__scs_overlays_trampoline_lowered:
0x8: {  	[smem:$0x3FAE] =	sst s0  }
0x9: {  	[smem:$0x3FAF] =	sst s1  }
0xa: {  	[smem:$0x3FB0] =	sst s2  }
0xb: {  	[smem:$0x3FB1] =	sst s3  }
0xc: {  	[smem:$0x3FB2] =	sst s4  }
0xd: {  	[smem:$0x3FB3] =	sst s5  }
0xe: {  	[smem:$0x3FB4] =	sst s6  }
0xf: {  	[smem:$0x3FB5] =	sst s7  }
0x10: {  	[smem:$0x3FB6] =	sst s8  }
0x11: {  	[smem:$0x3FB7] =	sst s9;
	s0 =	simm.s32 @!p0 $0x0  }
0x12: {  	s1 =	sld [smem:$0x3F9D];
	s0 =	simm.s32 @p0 $0x1  }
0x13: {  	[smem:$0x3FB8] =	sst s0;
	s0 =	simm.s32 @!p1 $0x0  }
0x14: {  	s2 =	sld [smem:$0x3F9C];
	s0 =	simm.s32 @p1 $0x1  }
0x15: {  	[smem:$0x3FB9] =	sst s0;
	s0 =	simm.s32 @!p2 $0x0  }
0x16: {  	s3 =	sld [smem:$0x3FDB];
	s0 =	simm.s32 @p2 $0x1  }
0x17: {  	s4 =	simm.s32 $0x1BF5;
	[smem:$0x3FBB] =	sst s0  }
0x18: {  	s0 =	sld [smem:$0x3F9E];
	_ =	swait.ge [sflag:s4], $0x0  }
0x19: {  	s7 =	sld [smem:$0x3F9F]  }
0x1a: {  	s8 =	sadd.s32 $0xFFFFE003, lr  }
0x1b: {  	s9 =	sadd.s32 $0xFFFFFEF7, lr;
	s5 =	simm.s32 $0xFFFFFFFF;
	p2 =	slt.u32 s8, $0xFFFFF086  }
0x1c: {  	p1 =	slt.u32 s9, $0xF7A;
	s5 =	simm.s32 @!p2 $0x0  }
0x1d: {  	s5 =	simm.s32 @p1 $0x1;
	p0 =	seq.s32 s7, s2  }
0x1e: {  	s7 =	smul.u32 @!p0 $0xF7A, s2;
	p2 =	seq.s32 @!p0 s5, $0x0  }
0x1f: {  	s9 =	smul.u32 $0xF7A, s1;
	s8 =	simm.s32 @!p0 $0x1BF5;
	p2 =	por !p2, p0  }
0x20: {  	[sflag:s8] =	ssyncset.s32 @!p0 $0xFFFFF086;
	s6 =	sadd.s32 @!p0 s3, s7;
	s7 =	simm.s32 @!p0 $0x108  }
0x21: {  	s3 =	sadd.s32 s3, s9;
	s6 =	sadd.s32 @!p0 $0x88, s6;
	s7 =	simm.s32 @p2 $0x1082  }
0x22: {  	[simem:s7], [sflag:s8] =	dma.local @!p0 [hbm:s6], $0xF7A  }
0x23: {  	s9 =	sor.u32 $0xD0000000, s2;
	s6 =	simm.s32 $0x108;
	_ =	swait.ge @!p0 [sflag:s8], $0x0  }
0x24: {  	s3 =	sadd.s32 $0x88, s3;
	s6 =	simm.s32 @!p1 $0x1082;
	[sflag:s4] =	ssyncset.s32 $0xFFFFF086  }
0x25: {  	[simem:s6], [sflag:s4] =	dma.local [hbm:s3], $0xF7A  }
0x26: {  	[smem:$0x3F9F] =	sst s1;
	(tag) =	ssettag s2;
	_ =	strace s9  }
0x27: {  	s1 =	sld [smem:$0x3FAF]  }
0x28: {  	s2 =	sld [smem:$0x3FB0]  }
0x29: {  	s4 =	sld [smem:$0x3FB2]  }
0x2a: {  	p0 =	seq.s32 s5, $0x0;
	s5 =	sld [smem:$0x3FB3]  }
0x2b: {  	s6 =	sld [smem:$0x3FB4]  }
0x2c: {  	s7 =	sld [smem:$0x3FB5]  }
0x2d: {  	s3 =	simm.s32 $0x108;
	s8 =	sld [smem:$0x3FB6]  }
0x2e: {  	s3 =	simm.s32 @!p0 $0x1082;
	s9 =	sld [smem:$0x3FB7]  }
0x2f: {  	lr =	sadd.s32 s0, s3;
	s0 =	sld [smem:$0x3FAE]  }
0x30: {  	s3 =	sld [smem:$0x3FB1]  }
0x31: {  	[smem:$0x3FBA] =	sst s10  }
0x32: {  	s10 =	sld [smem:$0x3FB8];
	_ =	sdelay $0x3  }
0x33: {  	p0 =	seq.s32 s10, $0x1;
	s10 =	sld [smem:$0x3FBA];
	_ =	sdelay $0x3  }
0x34: {  	[smem:$0x3FBA] =	sst s10  }
0x35: {  	s10 =	sld [smem:$0x3FB9];
	_ =	sdelay $0x3  }
0x36: {  	p1 =	seq.s32 s10, $0x1;
	s10 =	sld [smem:$0x3FBA];
	_ =	sdelay $0x3  }
0x37: {  	[smem:$0x3FBA] =	sst s10  }
0x38: {  	s10 =	sld [smem:$0x3FBB]  }
0x39: {  	_ = 	snop;
	(pc) =	sbr.ind lr, $3  }
0x3a: {  	_ = 	snop  }
0x3b: {  	_ = 	snop  }
0x3c: {  	p2 =	seq.s32 s10, $0x1;
	s10 =	sld [smem:$0x3FBA]  }
0x3d: {  	_ =	shalt  }
0x3e: {  	_ =	shalt  }
0x3f: {  	_ =	shalt  }
0x40: {  	_ =	shalt  }
0x41: {  	_ =	shalt  }
0x42: {  	_ =	shalt  }
0x43: {  	_ =	shalt  }
0x44: {  	_ =	shalt  }
0x45: {  	_ =	shalt  }
0x46: {  	_ =	shalt  }
0x47: {  	_ =	shalt  }
0x48: {  	_ =	shalt  }
0x49: {  	_ =	shalt  }
0x4a: {  	_ =	shalt  }
0x4b: {  	_ =	shalt  }
0x4c: {  	_ =	shalt  }
0x4d: {  	_ =	shalt  }
0x4e: {  	_ =	shalt  }
0x4f: {  	_ =	shalt  }
0x50: {  	_ =	shalt  }
0x51: {  	_ =	shalt  }
0x52: {  	_ =	shalt  }
0x53: {  	_ =	shalt  }
0x54: {  	_ =	shalt  }
0x55: {  	_ =	shalt  }
0x56: {  	_ =	shalt  }
0x57: {  	_ =	shalt  }
0x58: {  	_ =	shalt  }
0x59: {  	_ =	shalt  }
0x5a: {  	_ =	shalt  }
0x5b: {  	_ =	shalt  }
0x5c: {  	_ =	shalt  }
0x5d: {  	_ =	shalt  }
0x5e: {  	_ =	shalt  }
0x5f: {  	_ =	shalt  }
0x60: {  	_ =	shalt  }
0x61: {  	_ =	shalt  }
0x62: {  	_ =	shalt  }
0x63: {  	_ =	shalt  }
0x64: {  	_ =	shalt  }
0x65: {  	_ =	shalt  }
0x66: {  	_ =	shalt  }
0x67: {  	_ =	shalt  }
0x68: {  	_ =	shalt  }
0x69: {  	_ =	shalt  }
0x6a: {  	_ =	shalt  }
0x6b: {  	_ =	shalt  }
0x6c: {  	_ =	shalt  }
0x6d: {  	_ =	shalt  }
0x6e: {  	_ =	shalt  }
0x6f: {  	_ =	shalt  }
0x70: {  	_ =	shalt  }
0x71: {  	_ =	shalt  }
0x72: {  	_ =	shalt  }
0x73: {  	_ =	shalt  }
0x74: {  	_ =	shalt  }
0x75: {  	_ =	shalt  }
0x76: {  	_ =	shalt  }
0x77: {  	_ =	shalt  }
0x78: {  	_ =	shalt  }
0x79: {  	_ =	shalt  }
0x7a: {  	_ =	shalt  }
0x7b: {  	_ =	shalt  }
0x7c: {  	_ =	shalt  }
0x7d: {  	_ =	shalt  }
0x7e: {  	_ =	shalt  }
0x7f: {  	_ =	shalt  }
0x80: {  	_ =	shalt  }
0x81: {  	_ =	shalt  }
0x82: {  	_ =	shalt  }
0x83: {  	_ =	shalt  }
0x84: {  	_ =	shalt  }
0x85: {  	_ =	shalt  }
0x86: {  	_ =	shalt  }
0x87: {  	_ =	shalt  }
.Lfunc_end0:
.L_simem_size_0:
called_computation.3_lowered:
.L_overlay_start_0:
0x88: {  	s2 =	sld [smem:$0x3FD9]  }
0x89: {  	s3 =	sld [smem:$0x3FFE];
	_ =	sdelay $0x1  }
0x8a: {  	s1 =	srdreg.scid  }
0x8b: {  	s0 =	sand.u32 $0x1, s1  }
0x8c: {  	s14 =	sshll.u32 s0, $0xA;
	s2 =	sadd.s32 s3, s2  }
0x8d: {  	s2 =	sadd.s32 s2, s14  }
0x8e: {  	[smem:$0x3FC6] =	sst s2  }
0x8f: {  	_ = 	snop  }
0x90: {  	s2 =	sld [smem:$0x3FD0];
	_ =	sdelay $0x2  }
0x91: {  	s15 =	simm.s32 $0xA;
	s4 =	simm.s32 $0x10  }
0x92: {  	[smem:s4], [sflag:s15] =	dma.local [hbm:s2], $0x1  }
0x93: {  	_ =	swait.eq [sflag:s15], $0x1  }
0x94: {  	[sflag:s15] =	ssyncset.done $0x0  }
0x95: {  	[sflag:s15] =	ssyncadd.s32 $0xFFFFFFFF  }
0x96: {  	s16 =	sld [smem:$0x11];
	(tm) =	ssettm $0x1  }
0x97: {  	s17 =	sld [smem:$0x3FFB];
	_ =	sdelay $0x3  }
0x98: {  	_ =	strace s17  }
0x99: {  	s3 =	sld [smem:$0x3FFC];
	_ =	sdelay $0x3  }
0x9a: {  	_ =	strace s3  }
0x9b: {  	s3 =	sld [smem:$0x3FFD];
	_ =	sdelay $0x3  }
0x9c: {  	_ =	strace s3  }
0x9d: {  	_ =	strace $0x8FFFFFFF  }
0x9e: {  	s18 =	sld [smem:$0x3FDB];
	_ =	sdelay $0x1  }
0x9f: {  	s19 =	simm.s32 $_scs_section_size  }
0xa0: {  	s5 =	simm.s32 $_size__tile_overlayer_lowered;
	s6 =	simm.s32 $_tile_overlayer_lowered  }
0xa1: {  	s22 =	simm.s32 $0x1BFF;
	s21 =	sshll.u32 s6, $0x1;
	s3 =	sadd.s32 s19, s18  }
0xa2: {  	s7 =	simm.s32 $0x0;
	s20 =	sshll.u32 s5, $0x1;
	s5 =	sadd.s32 s21, s3  }
0xa3: {  	[timem:s7], [sflag:s22] =	dma.local [hbm:s5], s20  }
0xa4: {  	_ =	swait.ge [sflag:s22], s20  }
0xa5: {  	s4 =	ssub.s32 $0x0, s20;
	[sflag:s22] =	ssyncset.done $0x0  }
0xa6: {  	[sflag:s22] =	ssyncadd.s32 s4;
	_ =	sdelay $0x1  }
0xa7: {  	s23 =	simm.s32 $0x1B8B  }
0xa8: {  	_ =	swait.ge [sflag:s23], $0x1  }
0xa9: {  	[sflag:s23] =	ssyncset.done $0x0  }
0xaa: {  	s25 =	simm.s32 $0x1B8E;
	s24 =	sld [smem:$0x3FFE];
	[sflag:s23] =	ssyncadd.s32 $0xFFFFFFFF  }
0xab: {  	s26 =	simm.s32 $execute0_lowered;
	[smem:$0x3FD2] =	sst s25  }
0xac: {  	s5 =	sshll.u32 s26, $0x1;
	_ =	strace $0x8000004F;
	[dreg:$0x1] =	wrdreg $0xFFFFFFFF  }
0xad: {  	s28 =	simm.s32 $_size_execute0_lowered;
	s3 =	sadd.s32 s3, s5;
	[dreg:$0x0] =	wrdreg $0x0  }
0xae: {  	s5 =	sshll.u32 s28, $0x1;
	[dreg:$0x2] =	wrdreg s3  }
0xaf: {  	[dreg:$0x3] =	wrdreg s5  }
0xb0: {  	[dreg:$0x4] =	wrdreg $0xC0  }
0xb1: {  	_ =	task [dreg:s7], $0x5FFFF  }
0xb2: {  	[dreg:$0x1] =	wrdreg $0xFFFFFFFF  }
0xb3: {  	[dreg:$0x0] =	wrdreg $0x60  }
0xb4: {  	[dreg:$0x2] =	wrdreg s24  }
0xb5: {  	[dreg:$0x3] =	wrdreg s16  }
0xb6: {  	[dreg:$0x4] =	wrdreg $0x9  }
0xb7: {  	_ =	task.clear_ibuf [dreg:s7], $0x5FFFF;
	_ =	strace $0x9000004F  }
0xb8: {  	s29 =	simm.s32 $0x9;
	_ =	strace $0x80000051  }
0xb9: {  	_ =	swait.ge [sflag:s29], $0x1  }
0xba: {  	[sflag:s29] =	ssyncadd.s32 $0xFFFFFFFF  }
0xbb: {  	_ =	strace $0x90000051  }
0xbc: {  	_ =	sfence  }
0xbd: {  	s30 =	sld [smem:$0x0];
	_ =	sdelay $0x2  }
0xbe: {  	s31 =	sshll.u32 s1, $0xD;
	s1 =	sshrl.u32 s1, $0x2  }
0xbf: {  	s3 =	sand.u32 $0x4000, s31;
	s1 =	sadd.s32 s1, s30  }
0xc0: {  	s0 =	sor.u32 s3, s0;
	s1 =	sshll.u32 s1, $0x11  }
0xc1: {  	s0 =	sor.u32 s1, s0  }
0xc2: {  	s0 =	sadd.s32 $0x8F2B, s0  }
0xc3: {  	[sflag:s0] =	ssyncadd.remote.s32 $0x1  }
0xc4: {  	_ =	sfence.sel $0xFFFF  }
0xc5: {  	[dreg:$0x0] =	wrdreg $0xFFFFFFFF;
	(pc) =	sbr.abs _section_cstart, $3  }
0xc6: {  	[dreg:$0x1] =	wrdreg $0xFFFFFFFF  }
0xc7: {  	_ =	task.clear_ibuf [dreg:s7], $0x2FFFF;
	_ =	strace $0x9FFFFFFF  }
0xc8: {  	(tm) =	ssettm $0x7FFFFFFF  }
0xc9: {  	_ =	shalt  }
tec
execute0_lowered:
.L_overlay_start_1:
0x0: {  	(tag) =	ssettag $0x1  }
0x1: {  	s4 =	rddreg [dreg:$0x0]  }
0x2: {  	s1 =	srdreg.scid;
	s0 =	stileid.u32  }
0x3: {  	s5 =	rddreg [dreg:$0x1];
	s2 =	simm.s32 $0x0;
	s11 =	simm.s32 $0x100  }
0x4: {  	s12 =	simm.s32 $0x900;
	s13 =	simm.s32 $0x1100;
	s14 =	simm.s32 $0x1900  }
0x5: {  	s15 =	simm.s32 $0x2100;
	s16 =	simm.s32 $0x2900;
	s17 =	simm.s32 $0x3100  }
0x6: {  	s18 =	simm.s32 $0x3900;
	s19 =	simm.s32 $0x4100;
	s20 =	simm.s32 $0x4900  }
0x7: {  	s21 =	simm.s32 $0x5100;
	s22 =	simm.s32 $0x5900;
	s23 =	simm.s32 $0x6100  }
0x8: {  	s24 =	simm.s32 $0x6900;
	s28 =	simm.s32 $0x8100;
	s29 =	simm.s32 $0x8900  }
0x9: {  	s3 =	sand.u32 $0x1, s1;
	s6 =	sshll.u32 s0, $0x1;
	s1 =	rddreg [dreg:$0x2]  }
0xa: {  	s30 =	simm.s32 $0x1;
	[smem:$0x7FF] =	sst s2;
	s6 =	sor.u32 s3, s6  }
0xb: {  	s10 =	sadd.s32 $0x187200, s4;
	s7 =	ssub.s32 $0x2, s3;
	s8 =	smul.u32 $0x90, s6  }
0xc: {  	_ =	strace $0x80000050;
	s9 =	sshrl.u32 s7, $0x1;
	s6 =	smul.u32 $0x1200, s6  }
0xd: {  	s3 =	sadd.s32 $0x87200, s4;
	s9 =	ssub.s32 s7, s9;
	s25 =	sadd.s32 $0x48, s8  }
0xe: {  	s26 =	sshrl.u32 s8, $0x3;
	s6 =	sadd.s32 s10, s6;
	s8 =	smax.u32 s9, $0x1  }
0xf: {  	v2 =	vlaneseq.u32;
	s9 =	simm.s32 $0x2;
	s31 =	sshrl.u32 s25, $0x3;
	s4 =	sadd.s32 s5, s26  }
0x10: {  	vm0 =	vmmov $0xffff;
	v1 =	vshrl.u32 v2, $0x3;
	s7 =	sshll.u32 s25, $0x5;
	s25 =	simm.s32 $0x7100;
	s26 =	simm.s32 $0x7900  }
0x11: {  	v0 =	vand.u32 $0x7, v2;
	v2 =	vor.u32 $0x8, v2;
	v1 =	vmul.u32 $0x8, v1;
	s5 =	sadd.s32 s5, s31;
	s7 =	sadd.s32 s10, s7;
	s10 =	simm.s32 $0x80  }
.LBB2_1:
0x12: {  	[tilespmem:s2], [sflag:$0x2] =	stream.linear.gather [hbm4b:s4+s2], $0x48, $0x38;
	[tilespmem:$0x9100] =	vst v63  }
0x13: {  	_ =	swait.ge [sflag:s9], $0x48  }
0x14: {  	[sflag:s9] =	ssyncset.done $0x0  }
0x15: {  	[sflag:s9] =	ssyncadd.s32 $0xFFFFFFB8  }
0x16: {  	[tilespmem:s10], [sflag:$0x2] =	stream.linear.gather [hbm4b:s5+s2], $0x48, $0x38;
	[tilespmem:$0x9100] =	vst v63  }
0x17: {  	_ =	swait.ge [sflag:s9], $0x48  }
0x18: {  	[sflag:s9] =	ssyncset.done $0x0  }
0x19: {  	[sflag:s9] =	ssyncadd.s32 $0xFFFFFFB8  }
0x1a: {  	v3 =	vld [tilespmem:$0x0];
	_ =	sdelay $0x4  }
0x1b: {  	v4 =	vshll.u32 v3, $0x1  }
0x1c: {  	v3 =	vand.u32 $0x7, v3;
	v4 =	vand.u32 $0xFFFFFFF0, v4  }
0x1d: {  	v3 =	vor.u32 v3, v4  }
0x1e: {  	v4 =	vperm.xlane v3, v0;
	_ =	sdelay $0x1  }
0x1f: {  	v3 =	vperm.xlane v3, v2;
	v4 =	vadd.s32 v1, v4;
	_ =	sdelay $0x1  }
0x20: {  	v3 =	vadd.s32 v1, v3;
	_ =	sdelay $0x2  }
0x21: {  	[tilespmem:s11], [sflag:$0x1] =	stream.indirect_vreg.gather [hbm4b:s3+s2], $0x80, v4, vm0, $0xb8;
	[tilespmem:$0x9100] =	vst v63  }
0x22: {  	_ = 	snop  }
0x23: {  	[tilespmem:s12], [sflag:$0x1] =	stream.indirect_vreg.gather [hbm4b:s3+s2], $0x80, v3, vm0, $0xb8;
	[tilespmem:$0x9100] =	vst v63  }
0x24: {  	v3 =	vld [tilespmem:$0x10];
	_ =	sdelay $0x4  }
0x25: {  	v55 =	vshll.u32 v3, $0x1  }
0x26: {  	v3 =	vand.u32 $0x7, v3;
	v4 =	vand.u32 $0xFFFFFFF0, v55  }
0x27: {  	v3 =	vor.u32 v3, v4  }
0x28: {  	v4 =	vperm.xlane v3, v0;
	_ =	sdelay $0x1  }
0x29: {  	v3 =	vperm.xlane v3, v2;
	v4 =	vadd.s32 v1, v4;
	_ =	sdelay $0x1  }
0x2a: {  	v3 =	vadd.s32 v1, v3;
	_ =	sdelay $0x2  }
0x2b: {  	[tilespmem:s13], [sflag:$0x1] =	stream.indirect_vreg.gather [hbm4b:s3+s2], $0x80, v4, vm0, $0xb8;
	[tilespmem:$0x9100] =	vst v63  }
0x2c: {  	_ = 	snop  }
0x2d: {  	[tilespmem:s14], [sflag:$0x1] =	stream.indirect_vreg.gather [hbm4b:s3+s2], $0x80, v3, vm0, $0xb8;
	[tilespmem:$0x9100] =	vst v63  }
0x2e: {  	v3 =	vld [tilespmem:$0x20];
	_ =	sdelay $0x4  }
0x2f: {  	v56 =	vshll.u32 v3, $0x1  }
0x30: {  	v3 =	vand.u32 $0x7, v3;
	v4 =	vand.u32 $0xFFFFFFF0, v56  }
0x31: {  	v3 =	vor.u32 v3, v4  }
0x32: {  	v4 =	vperm.xlane v3, v0;
	_ =	sdelay $0x1  }
0x33: {  	v3 =	vperm.xlane v3, v2;
	v4 =	vadd.s32 v1, v4;
	_ =	sdelay $0x1  }
0x34: {  	v3 =	vadd.s32 v1, v3;
	_ =	sdelay $0x2  }
0x35: {  	[tilespmem:s15], [sflag:$0x1] =	stream.indirect_vreg.gather [hbm4b:s3+s2], $0x80, v4, vm0, $0xb8;
	[tilespmem:$0x9100] =	vst v63  }
0x36: {  	_ = 	snop  }
0x37: {  	[tilespmem:s16], [sflag:$0x1] =	stream.indirect_vreg.gather [hbm4b:s3+s2], $0x80, v3, vm0, $0xb8;
	[tilespmem:$0x9100] =	vst v63  }
0x38: {  	v3 =	vld [tilespmem:$0x30];
	_ =	sdelay $0x4  }
0x39: {  	v57 =	vshll.u32 v3, $0x1  }
0x3a: {  	v3 =	vand.u32 $0x7, v3;
	v4 =	vand.u32 $0xFFFFFFF0, v57  }
0x3b: {  	v3 =	vor.u32 v3, v4  }
0x3c: {  	v4 =	vperm.xlane v3, v0;
	_ =	sdelay $0x1  }
0x3d: {  	v3 =	vperm.xlane v3, v2;
	v4 =	vadd.s32 v1, v4;
	_ =	sdelay $0x1  }
0x3e: {  	v3 =	vadd.s32 v1, v3;
	_ =	sdelay $0x2  }
0x3f: {  	[tilespmem:s17], [sflag:$0x1] =	stream.indirect_vreg.gather [hbm4b:s3+s2], $0x80, v4, vm0, $0xb8;
	[tilespmem:$0x9100] =	vst v63  }
0x40: {  	_ = 	snop  }
0x41: {  	[tilespmem:s18], [sflag:$0x1] =	stream.indirect_vreg.gather [hbm4b:s3+s2], $0x80, v3, vm0, $0xb8;
	[tilespmem:$0x9100] =	vst v63  }
0x42: {  	v3 =	vld.msk [tilespmem:$0x40], $0xff;
	_ =	sdelay $0x4  }
0x43: {  	v58 =	vshll.u32 v3, $0x1  }
0x44: {  	v3 =	vand.u32 $0x7, v3;
	v4 =	vand.u32 $0xFFFFFFF0, v58  }
0x45: {  	v3 =	vor.u32 v3, v4  }
0x46: {  	v3 =	vperm.xlane v3, v0;
	_ =	sdelay $0x1  }
0x47: {  	v3 =	vadd.s32 v1, v3;
	_ =	sdelay $0x4  }
0x48: {  	[tilespmem:s19], [sflag:$0x1] =	stream.indirect_vreg.gather [hbm4b:s3+s2], $0x80, v3, vm0, $0xb8;
	[tilespmem:$0x9100] =	vst v63  }
0x49: {  	v3 =	vld [tilespmem:$0x80];
	_ =	sdelay $0x4  }
0x4a: {  	v59 =	vshll.u32 v3, $0x1  }
0x4b: {  	v3 =	vand.u32 $0x7, v3;
	v4 =	vand.u32 $0xFFFFFFF0, v59  }
0x4c: {  	v3 =	vor.u32 v3, v4  }
0x4d: {  	v4 =	vperm.xlane v3, v0;
	_ =	sdelay $0x1  }
0x4e: {  	v3 =	vperm.xlane v3, v2;
	v4 =	vadd.s32 v1, v4;
	_ =	sdelay $0x1  }
0x4f: {  	v3 =	vadd.s32 v1, v3;
	_ =	sdelay $0x2  }
0x50: {  	[tilespmem:s20], [sflag:$0x1] =	stream.indirect_vreg.gather [hbm4b:s3+s2], $0x80, v4, vm0, $0xb8;
	[tilespmem:$0x9100] =	vst v63  }
0x51: {  	_ = 	snop  }
0x52: {  	[tilespmem:s21], [sflag:$0x1] =	stream.indirect_vreg.gather [hbm4b:s3+s2], $0x80, v3, vm0, $0xb8;
	[tilespmem:$0x9100] =	vst v63  }
0x53: {  	v3 =	vld [tilespmem:$0x90];
	_ =	sdelay $0x4  }
0x54: {  	v60 =	vshll.u32 v3, $0x1  }
0x55: {  	v3 =	vand.u32 $0x7, v3;
	v4 =	vand.u32 $0xFFFFFFF0, v60  }
0x56: {  	v3 =	vor.u32 v3, v4  }
0x57: {  	v4 =	vperm.xlane v3, v0;
	_ =	sdelay $0x1  }
0x58: {  	v3 =	vperm.xlane v3, v2;
	v4 =	vadd.s32 v1, v4;
	_ =	sdelay $0x1  }
0x59: {  	v3 =	vadd.s32 v1, v3;
	_ =	sdelay $0x2  }
0x5a: {  	[tilespmem:s22], [sflag:$0x1] =	stream.indirect_vreg.gather [hbm4b:s3+s2], $0x80, v4, vm0, $0xb8;
	[tilespmem:$0x9100] =	vst v63  }
0x5b: {  	_ = 	snop  }
0x5c: {  	[tilespmem:s23], [sflag:$0x1] =	stream.indirect_vreg.gather [hbm4b:s3+s2], $0x80, v3, vm0, $0xb8;
	[tilespmem:$0x9100] =	vst v63  }
0x5d: {  	v3 =	vld [tilespmem:$0xA0];
	_ =	sdelay $0x4  }
0x5e: {  	v61 =	vshll.u32 v3, $0x1  }
0x5f: {  	v3 =	vand.u32 $0x7, v3;
	v4 =	vand.u32 $0xFFFFFFF0, v61  }
0x60: {  	v3 =	vor.u32 v3, v4  }
0x61: {  	v4 =	vperm.xlane v3, v0;
	_ =	sdelay $0x1  }
0x62: {  	v3 =	vperm.xlane v3, v2;
	v4 =	vadd.s32 v1, v4;
	_ =	sdelay $0x1  }
0x63: {  	v3 =	vadd.s32 v1, v3;
	_ =	sdelay $0x2  }
0x64: {  	[tilespmem:s24], [sflag:$0x1] =	stream.indirect_vreg.gather [hbm4b:s3+s2], $0x80, v4, vm0, $0xb8;
	[tilespmem:$0x9100] =	vst v63  }
0x65: {  	_ = 	snop  }
0x66: {  	[tilespmem:s25], [sflag:$0x1] =	stream.indirect_vreg.gather [hbm4b:s3+s2], $0x80, v3, vm0, $0xb8;
	[tilespmem:$0x9100] =	vst v63  }
0x67: {  	v3 =	vld [tilespmem:$0xB0];
	_ =	sdelay $0x4  }
0x68: {  	v62 =	vshll.u32 v3, $0x1  }
0x69: {  	v3 =	vand.u32 $0x7, v3;
	v4 =	vand.u32 $0xFFFFFFF0, v62  }
0x6a: {  	v3 =	vor.u32 v3, v4  }
0x6b: {  	v4 =	vperm.xlane v3, v0;
	_ =	sdelay $0x1  }
0x6c: {  	v3 =	vperm.xlane v3, v2;
	v4 =	vadd.s32 v1, v4;
	_ =	sdelay $0x1  }
0x6d: {  	v3 =	vadd.s32 v1, v3;
	_ =	sdelay $0x2  }
0x6e: {  	[tilespmem:s26], [sflag:$0x1] =	stream.indirect_vreg.gather [hbm4b:s3+s2], $0x80, v4, vm0, $0xb8;
	[tilespmem:$0x9100] =	vst v63  }
0x6f: {  	_ = 	snop  }
0x70: {  	[tilespmem:s28], [sflag:$0x1] =	stream.indirect_vreg.gather [hbm4b:s3+s2], $0x80, v3, vm0, $0xb8;
	[tilespmem:$0x9100] =	vst v63  }
0x71: {  	v3 =	vld.msk [tilespmem:$0xC0], $0xff;
	_ =	sdelay $0x4  }
0x72: {  	v63 =	vshll.u32 v3, $0x1  }
0x73: {  	v3 =	vand.u32 $0x7, v3;
	v4 =	vand.u32 $0xFFFFFFF0, v63  }
0x74: {  	v3 =	vor.u32 v3, v4  }
0x75: {  	v3 =	vperm.xlane v3, v0;
	_ =	sdelay $0x1  }
0x76: {  	v3 =	vadd.s32 v1, v3;
	_ =	sdelay $0x4  }
0x77: {  	[tilespmem:s29], [sflag:$0x1] =	stream.indirect_vreg.gather [hbm4b:s3+s2], $0x80, v3, vm0, $0xb8;
	[tilespmem:$0x9100] =	vst v63  }
0x78: {  	_ =	swait.ge [sflag:s30], $0x4800  }
0x79: {  	[sflag:s30] =	ssyncset.done $0x0  }
0x7a: {  	[sflag:s30] =	ssyncadd.s32 $0xFFFFB800  }
0x7b: {  	_ =	swait.ge [sflag:s30], $0x4800  }
0x7c: {  	[sflag:s30] =	ssyncset.done $0x0  }
0x7d: {  	[sflag:s30] =	ssyncadd.s32 $0xFFFFB800  }
0x7e: {  	[hbm4b:s6+s2] =	stream.linear.scatter [tilespmem:s11], [sflag:$0x2], $0x4800, $0x38;
	[tilespmem:$0x9100] =	vst v63  }
0x7f: {  	_ =	swait.ge [sflag:s9], $0x4800  }
0x80: {  	p0 =	sne.s32 s8, $0x1;
	[sflag:s9] =	ssyncset.done $0x0  }
.Ltmp0:
0x81: {  	[sflag:s9] =	ssyncadd.s32 $0xFFFFB800;
	(pc) =	sbr.rel @p0 .LBB2_1-.Ltmp0, $4  }
0x82: {  	[hbm4b:s7+s2] =	stream.linear.scatter [tilespmem:s20], [sflag:$0x2], $0x4800, $0x38;
	[tilespmem:$0x9100] =	vst v63  }
0x83: {  	_ =	swait.ge [sflag:s9], $0x4800  }
0x84: {  	[sflag:s9] =	ssyncset.done $0x0  }
0x85: {  	s8 =	sadd.s32 $0xFFFFFFFF, s8;
	[sflag:s9] =	ssyncadd.s32 $0xFFFFB800  }
0x86: {  	_ =	sfence.sel $0x180000  }
0x87: {  	[bflag:$0x0] =	sbarrier.arrive $0xFFFF  }
0x88: {  	p0 =	sne.s32 s0, $0x0;
	_ =	strace $0x90000050  }
0x89: {  	s0 =	sadd.s32 @!p0 $0x100000, s1;
	[bflag:$0x2] =	sbarrier.arrive $0xFFFF  }
0x8a: {  	[sflag:s0] =	ssyncadd.tile.s32 @!p0 $0x1;
	_ =	shalt  }
.Lfunc_end2:
_tile_overlayer_lowered:
.L_overlay_start_2:
0x8b: {  	(tag) =	ssettag $0x2  }
0x8c: {  	s0 =	rddreg [dreg:$0x0];
	s2 =	stileid.u32  }
0x8d: {  	s1 =	rddreg [dreg:$0x1];
	p0 =	sne.s32 s2, $0x0  }
0x8e: {  	s3 =	rddreg [dreg:$0x2];
	[bflag:$0x3] =	sbarrier.arrive $0xFFFF;
	s2 =	simm.s32 @!p0 $0x1C02  }
0x8f: {  	[timem:s3], [sflag:s2] =	dma.local @!p0 [hbm:s0], s1  }
0x90: {  	s0 =	simm.s32 @!p0 $0x2  }
0x91: {  	_ =	swait.ge @!p0 [sflag:s0], s1  }
0x92: {  	s1 =	ssub.s32 @!p0 $0x0, s1;
	[sflag:s0] =	ssyncset.done @!p0 $0x0  }
0x93: {  	[sflag:s0] =	ssyncadd.s32 @!p0 s1  }
0x94: {  	[bflag:$0x3] =	sbarrier.arrive $0xFFFF  }
0x95: {  	_ =	shalt  }

// kernel: kernel.30.cloned.1.call-start
scs
__scs_entry_jumppad:
0x0: {  	(pc) =	sbr.rel $0x88, $3  }
0x1: {  	(tag) =	ssettag $0x0;
	lr =	simm.s32 $0x1  }
0x2: {  	[smem:$0x3F9F] =	sst lr;
	_ =	strace $0xD0000000  }
0x3: {  	_ = 	snop  }
0x4: {  	_ = 	snop  }
0x5: {  	_ = 	snop  }
0x6: {  	_ = 	snop  }
0x7: {  	_ = 	snop  }
__scs_overlays_trampoline_lowered:
0x8: {  	[smem:$0x3FAE] =	sst s0  }
0x9: {  	[smem:$0x3FAF] =	sst s1  }
0xa: {  	[smem:$0x3FB0] =	sst s2  }
0xb: {  	[smem:$0x3FB1] =	sst s3  }
0xc: {  	[smem:$0x3FB2] =	sst s4  }
0xd: {  	[smem:$0x3FB3] =	sst s5  }
0xe: {  	[smem:$0x3FB4] =	sst s6  }
0xf: {  	[smem:$0x3FB5] =	sst s7  }
0x10: {  	[smem:$0x3FB6] =	sst s8  }
0x11: {  	[smem:$0x3FB7] =	sst s9;
	s0 =	simm.s32 @!p0 $0x0  }
0x12: {  	s1 =	sld [smem:$0x3F9D];
	s0 =	simm.s32 @p0 $0x1  }
0x13: {  	[smem:$0x3FB8] =	sst s0;
	s0 =	simm.s32 @!p1 $0x0  }
0x14: {  	s2 =	sld [smem:$0x3F9C];
	s0 =	simm.s32 @p1 $0x1  }
0x15: {  	[smem:$0x3FB9] =	sst s0;
	s0 =	simm.s32 @!p2 $0x0  }
0x16: {  	s3 =	sld [smem:$0x3FDB];
	s0 =	simm.s32 @p2 $0x1  }
0x17: {  	s4 =	simm.s32 $0x1BF5;
	[smem:$0x3FBB] =	sst s0  }
0x18: {  	s0 =	sld [smem:$0x3F9E];
	_ =	swait.ge [sflag:s4], $0x0  }
0x19: {  	s7 =	sld [smem:$0x3F9F]  }
0x1a: {  	s8 =	sadd.s32 $0xFFFFE003, lr  }
0x1b: {  	s9 =	sadd.s32 $0xFFFFFEF7, lr;
	s5 =	simm.s32 $0xFFFFFFFF;
	p2 =	slt.u32 s8, $0xFFFFF086  }
0x1c: {  	p1 =	slt.u32 s9, $0xF7A;
	s5 =	simm.s32 @!p2 $0x0  }
0x1d: {  	s5 =	simm.s32 @p1 $0x1;
	p0 =	seq.s32 s7, s2  }
0x1e: {  	s7 =	smul.u32 @!p0 $0xF7A, s2;
	p2 =	seq.s32 @!p0 s5, $0x0  }
0x1f: {  	s9 =	smul.u32 $0xF7A, s1;
	s8 =	simm.s32 @!p0 $0x1BF5;
	p2 =	por !p2, p0  }
0x20: {  	[sflag:s8] =	ssyncset.s32 @!p0 $0xFFFFF086;
	s6 =	sadd.s32 @!p0 s3, s7;
	s7 =	simm.s32 @!p0 $0x108  }
0x21: {  	s3 =	sadd.s32 s3, s9;
	s6 =	sadd.s32 @!p0 $0x88, s6;
	s7 =	simm.s32 @p2 $0x1082  }
0x22: {  	[simem:s7], [sflag:s8] =	dma.local @!p0 [hbm:s6], $0xF7A  }
0x23: {  	s9 =	sor.u32 $0xD0000000, s2;
	s6 =	simm.s32 $0x108;
	_ =	swait.ge @!p0 [sflag:s8], $0x0  }
0x24: {  	s3 =	sadd.s32 $0x88, s3;
	s6 =	simm.s32 @!p1 $0x1082;
	[sflag:s4] =	ssyncset.s32 $0xFFFFF086  }
0x25: {  	[simem:s6], [sflag:s4] =	dma.local [hbm:s3], $0xF7A  }
0x26: {  	[smem:$0x3F9F] =	sst s1;
	(tag) =	ssettag s2;
	_ =	strace s9  }
0x27: {  	s1 =	sld [smem:$0x3FAF]  }
0x28: {  	s2 =	sld [smem:$0x3FB0]  }
0x29: {  	s4 =	sld [smem:$0x3FB2]  }
0x2a: {  	p0 =	seq.s32 s5, $0x0;
	s5 =	sld [smem:$0x3FB3]  }
0x2b: {  	s6 =	sld [smem:$0x3FB4]  }
0x2c: {  	s7 =	sld [smem:$0x3FB5]  }
0x2d: {  	s3 =	simm.s32 $0x108;
	s8 =	sld [smem:$0x3FB6]  }
0x2e: {  	s3 =	simm.s32 @!p0 $0x1082;
	s9 =	sld [smem:$0x3FB7]  }
0x2f: {  	lr =	sadd.s32 s0, s3;
	s0 =	sld [smem:$0x3FAE]  }
0x30: {  	s3 =	sld [smem:$0x3FB1]  }
0x31: {  	[smem:$0x3FBA] =	sst s10  }
0x32: {  	s10 =	sld [smem:$0x3FB8];
	_ =	sdelay $0x3  }
0x33: {  	p0 =	seq.s32 s10, $0x1;
	s10 =	sld [smem:$0x3FBA];
	_ =	sdelay $0x3  }
0x34: {  	[smem:$0x3FBA] =	sst s10  }
0x35: {  	s10 =	sld [smem:$0x3FB9];
	_ =	sdelay $0x3  }
0x36: {  	p1 =	seq.s32 s10, $0x1;
	s10 =	sld [smem:$0x3FBA];
	_ =	sdelay $0x3  }
0x37: {  	[smem:$0x3FBA] =	sst s10  }
0x38: {  	s10 =	sld [smem:$0x3FBB]  }
0x39: {  	_ = 	snop;
	(pc) =	sbr.ind lr, $3  }
0x3a: {  	_ = 	snop  }
0x3b: {  	_ = 	snop  }
0x3c: {  	p2 =	seq.s32 s10, $0x1;
	s10 =	sld [smem:$0x3FBA]  }
0x3d: {  	_ =	shalt  }
0x3e: {  	_ =	shalt  }
0x3f: {  	_ =	shalt  }
0x40: {  	_ =	shalt  }
0x41: {  	_ =	shalt  }
0x42: {  	_ =	shalt  }
0x43: {  	_ =	shalt  }
0x44: {  	_ =	shalt  }
0x45: {  	_ =	shalt  }
0x46: {  	_ =	shalt  }
0x47: {  	_ =	shalt  }
0x48: {  	_ =	shalt  }
0x49: {  	_ =	shalt  }
0x4a: {  	_ =	shalt  }
0x4b: {  	_ =	shalt  }
0x4c: {  	_ =	shalt  }
0x4d: {  	_ =	shalt  }
0x4e: {  	_ =	shalt  }
0x4f: {  	_ =	shalt  }
0x50: {  	_ =	shalt  }
0x51: {  	_ =	shalt  }
0x52: {  	_ =	shalt  }
0x53: {  	_ =	shalt  }
0x54: {  	_ =	shalt  }
0x55: {  	_ =	shalt  }
0x56: {  	_ =	shalt  }
0x57: {  	_ =	shalt  }
0x58: {  	_ =	shalt  }
0x59: {  	_ =	shalt  }
0x5a: {  	_ =	shalt  }
0x5b: {  	_ =	shalt  }
0x5c: {  	_ =	shalt  }
0x5d: {  	_ =	shalt  }
0x5e: {  	_ =	shalt  }
0x5f: {  	_ =	shalt  }
0x60: {  	_ =	shalt  }
0x61: {  	_ =	shalt  }
0x62: {  	_ =	shalt  }
0x63: {  	_ =	shalt  }
0x64: {  	_ =	shalt  }
0x65: {  	_ =	shalt  }
0x66: {  	_ =	shalt  }
0x67: {  	_ =	shalt  }
0x68: {  	_ =	shalt  }
0x69: {  	_ =	shalt  }
0x6a: {  	_ =	shalt  }
0x6b: {  	_ =	shalt  }
0x6c: {  	_ =	shalt  }
0x6d: {  	_ =	shalt  }
0x6e: {  	_ =	shalt  }
0x6f: {  	_ =	shalt  }
0x70: {  	_ =	shalt  }
0x71: {  	_ =	shalt  }
0x72: {  	_ =	shalt  }
0x73: {  	_ =	shalt  }
0x74: {  	_ =	shalt  }
0x75: {  	_ =	shalt  }
0x76: {  	_ =	shalt  }
0x77: {  	_ =	shalt  }
0x78: {  	_ =	shalt  }
0x79: {  	_ =	shalt  }
0x7a: {  	_ =	shalt  }
0x7b: {  	_ =	shalt  }
0x7c: {  	_ =	shalt  }
0x7d: {  	_ =	shalt  }
0x7e: {  	_ =	shalt  }
0x7f: {  	_ =	shalt  }
0x80: {  	_ =	shalt  }
0x81: {  	_ =	shalt  }
0x82: {  	_ =	shalt  }
0x83: {  	_ =	shalt  }
0x84: {  	_ =	shalt  }
0x85: {  	_ =	shalt  }
0x86: {  	_ =	shalt  }
0x87: {  	_ =	shalt  }
.Lfunc_end0:
.L_simem_size_0:
called_computation.4_lowered:
.L_overlay_start_0:
0x88: {  	s2 =	sld [smem:$0x3FD9]  }
0x89: {  	s3 =	sld [smem:$0x3FFE];
	_ =	sdelay $0x1  }
0x8a: {  	s1 =	srdreg.scid  }
0x8b: {  	s0 =	sand.u32 $0x1, s1  }
0x8c: {  	s14 =	sshll.u32 s0, $0xA;
	s2 =	sadd.s32 s3, s2  }
0x8d: {  	s2 =	sadd.s32 s2, s14  }
0x8e: {  	[smem:$0x3FC6] =	sst s2  }
0x8f: {  	_ = 	snop  }
0x90: {  	s2 =	sld [smem:$0x3FD0];
	_ =	sdelay $0x2  }
0x91: {  	s15 =	simm.s32 $0xA;
	s4 =	simm.s32 $0x10  }
0x92: {  	[smem:s4], [sflag:s15] =	dma.local [hbm:s2], $0x1  }
0x93: {  	_ =	swait.eq [sflag:s15], $0x1  }
0x94: {  	[sflag:s15] =	ssyncset.done $0x0  }
0x95: {  	[sflag:s15] =	ssyncadd.s32 $0xFFFFFFFF  }
0x96: {  	s16 =	sld [smem:$0x11];
	(tm) =	ssettm $0x1  }
0x97: {  	s17 =	sld [smem:$0x3FFB];
	_ =	sdelay $0x3  }
0x98: {  	_ =	strace s17  }
0x99: {  	s3 =	sld [smem:$0x3FFC];
	_ =	sdelay $0x3  }
0x9a: {  	_ =	strace s3  }
0x9b: {  	s3 =	sld [smem:$0x3FFD];
	_ =	sdelay $0x3  }
0x9c: {  	_ =	strace s3  }
0x9d: {  	_ =	strace $0x8FFFFFFF  }
0x9e: {  	s18 =	sld [smem:$0x3FDB];
	_ =	sdelay $0x1  }
0x9f: {  	s19 =	simm.s32 $_scs_section_size  }
0xa0: {  	s5 =	simm.s32 $_size__tile_overlayer_lowered;
	s6 =	simm.s32 $_tile_overlayer_lowered  }
0xa1: {  	s22 =	simm.s32 $0x1BFF;
	s21 =	sshll.u32 s6, $0x1;
	s3 =	sadd.s32 s19, s18  }
0xa2: {  	s7 =	simm.s32 $0x0;
	s20 =	sshll.u32 s5, $0x1;
	s5 =	sadd.s32 s21, s3  }
0xa3: {  	[timem:s7], [sflag:s22] =	dma.local [hbm:s5], s20  }
0xa4: {  	_ =	swait.ge [sflag:s22], s20  }
0xa5: {  	s4 =	ssub.s32 $0x0, s20;
	[sflag:s22] =	ssyncset.done $0x0  }
0xa6: {  	[sflag:s22] =	ssyncadd.s32 s4;
	_ =	sdelay $0x1  }
0xa7: {  	s23 =	simm.s32 $0x1B8B  }
0xa8: {  	_ =	swait.ge [sflag:s23], $0x1  }
0xa9: {  	[sflag:s23] =	ssyncset.done $0x0  }
0xaa: {  	s25 =	simm.s32 $0x1B8E;
	s24 =	sld [smem:$0x3FFE];
	[sflag:s23] =	ssyncadd.s32 $0xFFFFFFFF  }
0xab: {  	s26 =	simm.s32 $execute0_lowered;
	[smem:$0x3FD2] =	sst s25  }
0xac: {  	s5 =	sshll.u32 s26, $0x1;
	_ =	strace $0x80000052;
	[dreg:$0x1] =	wrdreg $0xFFFFFFFF  }
0xad: {  	s28 =	simm.s32 $_size_execute0_lowered;
	s3 =	sadd.s32 s3, s5;
	[dreg:$0x0] =	wrdreg $0x0  }
0xae: {  	s5 =	sshll.u32 s28, $0x1;
	[dreg:$0x2] =	wrdreg s3  }
0xaf: {  	[dreg:$0x3] =	wrdreg s5  }
0xb0: {  	[dreg:$0x4] =	wrdreg $0xC0  }
0xb1: {  	_ =	task [dreg:s7], $0x5FFFF  }
0xb2: {  	[dreg:$0x1] =	wrdreg $0xFFFFFFFF  }
0xb3: {  	[dreg:$0x0] =	wrdreg $0x60  }
0xb4: {  	[dreg:$0x2] =	wrdreg s24  }
0xb5: {  	[dreg:$0x3] =	wrdreg s16  }
0xb6: {  	[dreg:$0x4] =	wrdreg $0x9  }
0xb7: {  	_ =	task.clear_ibuf [dreg:s7], $0x5FFFF;
	_ =	strace $0x90000052  }
0xb8: {  	s29 =	simm.s32 $0x9;
	_ =	strace $0x80000054  }
0xb9: {  	_ =	swait.ge [sflag:s29], $0x1  }
0xba: {  	[sflag:s29] =	ssyncadd.s32 $0xFFFFFFFF  }
0xbb: {  	_ =	strace $0x90000054  }
0xbc: {  	_ =	sfence  }
0xbd: {  	s30 =	sld [smem:$0x0];
	_ =	sdelay $0x2  }
0xbe: {  	s31 =	sshll.u32 s1, $0xD;
	s1 =	sshrl.u32 s1, $0x2  }
0xbf: {  	s3 =	sand.u32 $0x4000, s31;
	s1 =	sadd.s32 s1, s30  }
0xc0: {  	s0 =	sor.u32 s3, s0;
	s1 =	sshll.u32 s1, $0x11  }
0xc1: {  	s0 =	sor.u32 s1, s0  }
0xc2: {  	s0 =	sadd.s32 $0x8F2B, s0  }
0xc3: {  	[sflag:s0] =	ssyncadd.remote.s32 $0x1  }
0xc4: {  	_ =	sfence.sel $0xFFFF  }
0xc5: {  	[dreg:$0x0] =	wrdreg $0xFFFFFFFF;
	(pc) =	sbr.abs _section_cstart, $3  }
0xc6: {  	[dreg:$0x1] =	wrdreg $0xFFFFFFFF  }
0xc7: {  	_ =	task.clear_ibuf [dreg:s7], $0x2FFFF;
	_ =	strace $0x9FFFFFFF  }
0xc8: {  	(tm) =	ssettm $0x7FFFFFFF  }
0xc9: {  	_ =	shalt  }
tec
execute0_lowered:
.L_overlay_start_1:
0x0: {  	(tag) =	ssettag $0x1  }
0x1: {  	s4 =	rddreg [dreg:$0x0]  }
0x2: {  	s1 =	srdreg.scid;
	s0 =	stileid.u32  }
0x3: {  	s5 =	rddreg [dreg:$0x1];
	s2 =	simm.s32 $0x0;
	s11 =	simm.s32 $0x100  }
0x4: {  	s12 =	simm.s32 $0x900;
	s13 =	simm.s32 $0x1100;
	s14 =	simm.s32 $0x1900  }
0x5: {  	s15 =	simm.s32 $0x2100;
	s16 =	simm.s32 $0x2900;
	s17 =	simm.s32 $0x3100  }
0x6: {  	s18 =	simm.s32 $0x3900;
	s19 =	simm.s32 $0x4100;
	s20 =	simm.s32 $0x4900  }
0x7: {  	s21 =	simm.s32 $0x5100;
	s22 =	simm.s32 $0x5900;
	s23 =	simm.s32 $0x6100  }
0x8: {  	s24 =	simm.s32 $0x6900;
	s28 =	simm.s32 $0x8100;
	s29 =	simm.s32 $0x8900  }
0x9: {  	s3 =	sand.u32 $0x1, s1;
	s6 =	sshll.u32 s0, $0x1;
	s1 =	rddreg [dreg:$0x2]  }
0xa: {  	s30 =	simm.s32 $0x1;
	[smem:$0x7FF] =	sst s2;
	s6 =	sor.u32 s3, s6  }
0xb: {  	s10 =	sadd.s32 $0x187200, s4;
	s7 =	ssub.s32 $0x2, s3;
	s8 =	smul.u32 $0x90, s6  }
0xc: {  	_ =	strace $0x80000053;
	s9 =	sshrl.u32 s7, $0x1;
	s6 =	smul.u32 $0x1200, s6  }
0xd: {  	s3 =	sadd.s32 $0xC7200, s4;
	s9 =	ssub.s32 s7, s9;
	s25 =	sadd.s32 $0x48, s8  }
0xe: {  	s26 =	sshrl.u32 s8, $0x3;
	s6 =	sadd.s32 s10, s6;
	s8 =	smax.u32 s9, $0x1  }
0xf: {  	v2 =	vlaneseq.u32;
	s9 =	simm.s32 $0x2;
	s31 =	sshrl.u32 s25, $0x3;
	s4 =	sadd.s32 s5, s26  }
0x10: {  	vm0 =	vmmov $0xffff;
	v1 =	vshrl.u32 v2, $0x3;
	s7 =	sshll.u32 s25, $0x5;
	s25 =	simm.s32 $0x7100;
	s26 =	simm.s32 $0x7900  }
0x11: {  	v0 =	vand.u32 $0x7, v2;
	v2 =	vor.u32 $0x8, v2;
	v1 =	vmul.u32 $0x8, v1;
	s5 =	sadd.s32 s5, s31;
	s7 =	sadd.s32 s10, s7;
	s10 =	simm.s32 $0x80  }
.LBB2_1:
0x12: {  	[tilespmem:s2], [sflag:$0x2] =	stream.linear.gather [hbm4b:s4+s2], $0x48, $0x38;
	[tilespmem:$0x9100] =	vst v63  }
0x13: {  	_ =	swait.ge [sflag:s9], $0x48  }
0x14: {  	[sflag:s9] =	ssyncset.done $0x0  }
0x15: {  	[sflag:s9] =	ssyncadd.s32 $0xFFFFFFB8  }
0x16: {  	[tilespmem:s10], [sflag:$0x2] =	stream.linear.gather [hbm4b:s5+s2], $0x48, $0x38;
	[tilespmem:$0x9100] =	vst v63  }
0x17: {  	_ =	swait.ge [sflag:s9], $0x48  }
0x18: {  	[sflag:s9] =	ssyncset.done $0x0  }
0x19: {  	[sflag:s9] =	ssyncadd.s32 $0xFFFFFFB8  }
0x1a: {  	v3 =	vld [tilespmem:$0x0];
	_ =	sdelay $0x4  }
0x1b: {  	v4 =	vshll.u32 v3, $0x1  }
0x1c: {  	v3 =	vand.u32 $0x7, v3;
	v4 =	vand.u32 $0xFFFFFFF0, v4  }
0x1d: {  	v3 =	vor.u32 v3, v4  }
0x1e: {  	v4 =	vperm.xlane v3, v0;
	_ =	sdelay $0x1  }
0x1f: {  	v3 =	vperm.xlane v3, v2;
	v4 =	vadd.s32 v1, v4;
	_ =	sdelay $0x1  }
0x20: {  	v3 =	vadd.s32 v1, v3;
	_ =	sdelay $0x2  }
0x21: {  	[tilespmem:s11], [sflag:$0x1] =	stream.indirect_vreg.gather [hbm4b:s3+s2], $0x80, v4, vm0, $0xb8;
	[tilespmem:$0x9100] =	vst v63  }
0x22: {  	_ = 	snop  }
0x23: {  	[tilespmem:s12], [sflag:$0x1] =	stream.indirect_vreg.gather [hbm4b:s3+s2], $0x80, v3, vm0, $0xb8;
	[tilespmem:$0x9100] =	vst v63  }
0x24: {  	v3 =	vld [tilespmem:$0x10];
	_ =	sdelay $0x4  }
0x25: {  	v55 =	vshll.u32 v3, $0x1  }
0x26: {  	v3 =	vand.u32 $0x7, v3;
	v4 =	vand.u32 $0xFFFFFFF0, v55  }
0x27: {  	v3 =	vor.u32 v3, v4  }
0x28: {  	v4 =	vperm.xlane v3, v0;
	_ =	sdelay $0x1  }
0x29: {  	v3 =	vperm.xlane v3, v2;
	v4 =	vadd.s32 v1, v4;
	_ =	sdelay $0x1  }
0x2a: {  	v3 =	vadd.s32 v1, v3;
	_ =	sdelay $0x2  }
0x2b: {  	[tilespmem:s13], [sflag:$0x1] =	stream.indirect_vreg.gather [hbm4b:s3+s2], $0x80, v4, vm0, $0xb8;
	[tilespmem:$0x9100] =	vst v63  }
0x2c: {  	_ = 	snop  }
0x2d: {  	[tilespmem:s14], [sflag:$0x1] =	stream.indirect_vreg.gather [hbm4b:s3+s2], $0x80, v3, vm0, $0xb8;
	[tilespmem:$0x9100] =	vst v63  }
0x2e: {  	v3 =	vld [tilespmem:$0x20];
	_ =	sdelay $0x4  }
0x2f: {  	v56 =	vshll.u32 v3, $0x1  }
0x30: {  	v3 =	vand.u32 $0x7, v3;
	v4 =	vand.u32 $0xFFFFFFF0, v56  }
0x31: {  	v3 =	vor.u32 v3, v4  }
0x32: {  	v4 =	vperm.xlane v3, v0;
	_ =	sdelay $0x1  }
0x33: {  	v3 =	vperm.xlane v3, v2;
	v4 =	vadd.s32 v1, v4;
	_ =	sdelay $0x1  }
0x34: {  	v3 =	vadd.s32 v1, v3;
	_ =	sdelay $0x2  }
0x35: {  	[tilespmem:s15], [sflag:$0x1] =	stream.indirect_vreg.gather [hbm4b:s3+s2], $0x80, v4, vm0, $0xb8;
	[tilespmem:$0x9100] =	vst v63  }
0x36: {  	_ = 	snop  }
0x37: {  	[tilespmem:s16], [sflag:$0x1] =	stream.indirect_vreg.gather [hbm4b:s3+s2], $0x80, v3, vm0, $0xb8;
	[tilespmem:$0x9100] =	vst v63  }
0x38: {  	v3 =	vld [tilespmem:$0x30];
	_ =	sdelay $0x4  }
0x39: {  	v57 =	vshll.u32 v3, $0x1  }
0x3a: {  	v3 =	vand.u32 $0x7, v3;
	v4 =	vand.u32 $0xFFFFFFF0, v57  }
0x3b: {  	v3 =	vor.u32 v3, v4  }
0x3c: {  	v4 =	vperm.xlane v3, v0;
	_ =	sdelay $0x1  }
0x3d: {  	v3 =	vperm.xlane v3, v2;
	v4 =	vadd.s32 v1, v4;
	_ =	sdelay $0x1  }
0x3e: {  	v3 =	vadd.s32 v1, v3;
	_ =	sdelay $0x2  }
0x3f: {  	[tilespmem:s17], [sflag:$0x1] =	stream.indirect_vreg.gather [hbm4b:s3+s2], $0x80, v4, vm0, $0xb8;
	[tilespmem:$0x9100] =	vst v63  }
0x40: {  	_ = 	snop  }
0x41: {  	[tilespmem:s18], [sflag:$0x1] =	stream.indirect_vreg.gather [hbm4b:s3+s2], $0x80, v3, vm0, $0xb8;
	[tilespmem:$0x9100] =	vst v63  }
0x42: {  	v3 =	vld.msk [tilespmem:$0x40], $0xff;
	_ =	sdelay $0x4  }
0x43: {  	v58 =	vshll.u32 v3, $0x1  }
0x44: {  	v3 =	vand.u32 $0x7, v3;
	v4 =	vand.u32 $0xFFFFFFF0, v58  }
0x45: {  	v3 =	vor.u32 v3, v4  }
0x46: {  	v3 =	vperm.xlane v3, v0;
	_ =	sdelay $0x1  }
0x47: {  	v3 =	vadd.s32 v1, v3;
	_ =	sdelay $0x4  }
0x48: {  	[tilespmem:s19], [sflag:$0x1] =	stream.indirect_vreg.gather [hbm4b:s3+s2], $0x80, v3, vm0, $0xb8;
	[tilespmem:$0x9100] =	vst v63  }
0x49: {  	v3 =	vld [tilespmem:$0x80];
	_ =	sdelay $0x4  }
0x4a: {  	v59 =	vshll.u32 v3, $0x1  }
0x4b: {  	v3 =	vand.u32 $0x7, v3;
	v4 =	vand.u32 $0xFFFFFFF0, v59  }
0x4c: {  	v3 =	vor.u32 v3, v4  }
0x4d: {  	v4 =	vperm.xlane v3, v0;
	_ =	sdelay $0x1  }
0x4e: {  	v3 =	vperm.xlane v3, v2;
	v4 =	vadd.s32 v1, v4;
	_ =	sdelay $0x1  }
0x4f: {  	v3 =	vadd.s32 v1, v3;
	_ =	sdelay $0x2  }
0x50: {  	[tilespmem:s20], [sflag:$0x1] =	stream.indirect_vreg.gather [hbm4b:s3+s2], $0x80, v4, vm0, $0xb8;
	[tilespmem:$0x9100] =	vst v63  }
0x51: {  	_ = 	snop  }
0x52: {  	[tilespmem:s21], [sflag:$0x1] =	stream.indirect_vreg.gather [hbm4b:s3+s2], $0x80, v3, vm0, $0xb8;
	[tilespmem:$0x9100] =	vst v63  }
0x53: {  	v3 =	vld [tilespmem:$0x90];
	_ =	sdelay $0x4  }
0x54: {  	v60 =	vshll.u32 v3, $0x1  }
0x55: {  	v3 =	vand.u32 $0x7, v3;
	v4 =	vand.u32 $0xFFFFFFF0, v60  }
0x56: {  	v3 =	vor.u32 v3, v4  }
0x57: {  	v4 =	vperm.xlane v3, v0;
	_ =	sdelay $0x1  }
0x58: {  	v3 =	vperm.xlane v3, v2;
	v4 =	vadd.s32 v1, v4;
	_ =	sdelay $0x1  }
0x59: {  	v3 =	vadd.s32 v1, v3;
	_ =	sdelay $0x2  }
0x5a: {  	[tilespmem:s22], [sflag:$0x1] =	stream.indirect_vreg.gather [hbm4b:s3+s2], $0x80, v4, vm0, $0xb8;
	[tilespmem:$0x9100] =	vst v63  }
0x5b: {  	_ = 	snop  }
0x5c: {  	[tilespmem:s23], [sflag:$0x1] =	stream.indirect_vreg.gather [hbm4b:s3+s2], $0x80, v3, vm0, $0xb8;
	[tilespmem:$0x9100] =	vst v63  }
0x5d: {  	v3 =	vld [tilespmem:$0xA0];
	_ =	sdelay $0x4  }
0x5e: {  	v61 =	vshll.u32 v3, $0x1  }
0x5f: {  	v3 =	vand.u32 $0x7, v3;
	v4 =	vand.u32 $0xFFFFFFF0, v61  }
0x60: {  	v3 =	vor.u32 v3, v4  }
0x61: {  	v4 =	vperm.xlane v3, v0;
	_ =	sdelay $0x1  }
0x62: {  	v3 =	vperm.xlane v3, v2;
	v4 =	vadd.s32 v1, v4;
	_ =	sdelay $0x1  }
0x63: {  	v3 =	vadd.s32 v1, v3;
	_ =	sdelay $0x2  }
0x64: {  	[tilespmem:s24], [sflag:$0x1] =	stream.indirect_vreg.gather [hbm4b:s3+s2], $0x80, v4, vm0, $0xb8;
	[tilespmem:$0x9100] =	vst v63  }
0x65: {  	_ = 	snop  }
0x66: {  	[tilespmem:s25], [sflag:$0x1] =	stream.indirect_vreg.gather [hbm4b:s3+s2], $0x80, v3, vm0, $0xb8;
	[tilespmem:$0x9100] =	vst v63  }
0x67: {  	v3 =	vld [tilespmem:$0xB0];
	_ =	sdelay $0x4  }
0x68: {  	v62 =	vshll.u32 v3, $0x1  }
0x69: {  	v3 =	vand.u32 $0x7, v3;
	v4 =	vand.u32 $0xFFFFFFF0, v62  }
0x6a: {  	v3 =	vor.u32 v3, v4  }
0x6b: {  	v4 =	vperm.xlane v3, v0;
	_ =	sdelay $0x1  }
0x6c: {  	v3 =	vperm.xlane v3, v2;
	v4 =	vadd.s32 v1, v4;
	_ =	sdelay $0x1  }
0x6d: {  	v3 =	vadd.s32 v1, v3;
	_ =	sdelay $0x2  }
0x6e: {  	[tilespmem:s26], [sflag:$0x1] =	stream.indirect_vreg.gather [hbm4b:s3+s2], $0x80, v4, vm0, $0xb8;
	[tilespmem:$0x9100] =	vst v63  }
0x6f: {  	_ = 	snop  }
0x70: {  	[tilespmem:s28], [sflag:$0x1] =	stream.indirect_vreg.gather [hbm4b:s3+s2], $0x80, v3, vm0, $0xb8;
	[tilespmem:$0x9100] =	vst v63  }
0x71: {  	v3 =	vld.msk [tilespmem:$0xC0], $0xff;
	_ =	sdelay $0x4  }
0x72: {  	v63 =	vshll.u32 v3, $0x1  }
0x73: {  	v3 =	vand.u32 $0x7, v3;
	v4 =	vand.u32 $0xFFFFFFF0, v63  }
0x74: {  	v3 =	vor.u32 v3, v4  }
0x75: {  	v3 =	vperm.xlane v3, v0;
	_ =	sdelay $0x1  }
0x76: {  	v3 =	vadd.s32 v1, v3;
	_ =	sdelay $0x4  }
0x77: {  	[tilespmem:s29], [sflag:$0x1] =	stream.indirect_vreg.gather [hbm4b:s3+s2], $0x80, v3, vm0, $0xb8;
	[tilespmem:$0x9100] =	vst v63  }
0x78: {  	_ =	swait.ge [sflag:s30], $0x4800  }
0x79: {  	[sflag:s30] =	ssyncset.done $0x0  }
0x7a: {  	[sflag:s30] =	ssyncadd.s32 $0xFFFFB800  }
0x7b: {  	_ =	swait.ge [sflag:s30], $0x4800  }
0x7c: {  	[sflag:s30] =	ssyncset.done $0x0  }
0x7d: {  	[sflag:s30] =	ssyncadd.s32 $0xFFFFB800  }
0x7e: {  	[hbm4b:s6+s2] =	stream.linear.scatter [tilespmem:s11], [sflag:$0x2], $0x4800, $0x38;
	[tilespmem:$0x9100] =	vst v63  }
0x7f: {  	_ =	swait.ge [sflag:s9], $0x4800  }
0x80: {  	p0 =	sne.s32 s8, $0x1;
	[sflag:s9] =	ssyncset.done $0x0  }
.Ltmp0:
0x81: {  	[sflag:s9] =	ssyncadd.s32 $0xFFFFB800;
	(pc) =	sbr.rel @p0 .LBB2_1-.Ltmp0, $4  }
0x82: {  	[hbm4b:s7+s2] =	stream.linear.scatter [tilespmem:s20], [sflag:$0x2], $0x4800, $0x38;
	[tilespmem:$0x9100] =	vst v63  }
0x83: {  	_ =	swait.ge [sflag:s9], $0x4800  }
0x84: {  	[sflag:s9] =	ssyncset.done $0x0  }
0x85: {  	s8 =	sadd.s32 $0xFFFFFFFF, s8;
	[sflag:s9] =	ssyncadd.s32 $0xFFFFB800  }
0x86: {  	_ =	sfence.sel $0x180000  }
0x87: {  	[bflag:$0x0] =	sbarrier.arrive $0xFFFF  }
0x88: {  	p0 =	sne.s32 s0, $0x0;
	_ =	strace $0x90000053  }
0x89: {  	s0 =	sadd.s32 @!p0 $0x100000, s1;
	[bflag:$0x2] =	sbarrier.arrive $0xFFFF  }
0x8a: {  	[sflag:s0] =	ssyncadd.tile.s32 @!p0 $0x1;
	_ =	shalt  }
.Lfunc_end2:
_tile_overlayer_lowered:
.L_overlay_start_2:
0x8b: {  	(tag) =	ssettag $0x2  }
0x8c: {  	s0 =	rddreg [dreg:$0x0];
	s2 =	stileid.u32  }
0x8d: {  	s1 =	rddreg [dreg:$0x1];
	p0 =	sne.s32 s2, $0x0  }
0x8e: {  	s3 =	rddreg [dreg:$0x2];
	[bflag:$0x3] =	sbarrier.arrive $0xFFFF;
	s2 =	simm.s32 @!p0 $0x1C02  }
0x8f: {  	[timem:s3], [sflag:s2] =	dma.local @!p0 [hbm:s0], s1  }
0x90: {  	s0 =	simm.s32 @!p0 $0x2  }
0x91: {  	_ =	swait.ge @!p0 [sflag:s0], s1  }
0x92: {  	s1 =	ssub.s32 @!p0 $0x0, s1;
	[sflag:s0] =	ssyncset.done @!p0 $0x0  }
0x93: {  	[sflag:s0] =	ssyncadd.s32 @!p0 s1  }
0x94: {  	[bflag:$0x3] =	sbarrier.arrive $0xFFFF  }
0x95: {  	_ =	shalt  }

// kernel: kernel.33.cloned.1.call-start
scs
__scs_entry_jumppad:
0x0: {  	(pc) =	sbr.rel $0x88, $3  }
0x1: {  	(tag) =	ssettag $0x0;
	lr =	simm.s32 $0x1  }
0x2: {  	[smem:$0x3F9F] =	sst lr;
	_ =	strace $0xD0000000  }
0x3: {  	_ = 	snop  }
0x4: {  	_ = 	snop  }
0x5: {  	_ = 	snop  }
0x6: {  	_ = 	snop  }
0x7: {  	_ = 	snop  }
__scs_overlays_trampoline_lowered:
0x8: {  	[smem:$0x3FAE] =	sst s0  }
0x9: {  	[smem:$0x3FAF] =	sst s1  }
0xa: {  	[smem:$0x3FB0] =	sst s2  }
0xb: {  	[smem:$0x3FB1] =	sst s3  }
0xc: {  	[smem:$0x3FB2] =	sst s4  }
0xd: {  	[smem:$0x3FB3] =	sst s5  }
0xe: {  	[smem:$0x3FB4] =	sst s6  }
0xf: {  	[smem:$0x3FB5] =	sst s7  }
0x10: {  	[smem:$0x3FB6] =	sst s8  }
0x11: {  	[smem:$0x3FB7] =	sst s9;
	s0 =	simm.s32 @!p0 $0x0  }
0x12: {  	s1 =	sld [smem:$0x3F9D];
	s0 =	simm.s32 @p0 $0x1  }
0x13: {  	[smem:$0x3FB8] =	sst s0;
	s0 =	simm.s32 @!p1 $0x0  }
0x14: {  	s2 =	sld [smem:$0x3F9C];
	s0 =	simm.s32 @p1 $0x1  }
0x15: {  	[smem:$0x3FB9] =	sst s0;
	s0 =	simm.s32 @!p2 $0x0  }
0x16: {  	s3 =	sld [smem:$0x3FDB];
	s0 =	simm.s32 @p2 $0x1  }
0x17: {  	s4 =	simm.s32 $0x1BF5;
	[smem:$0x3FBB] =	sst s0  }
0x18: {  	s0 =	sld [smem:$0x3F9E];
	_ =	swait.ge [sflag:s4], $0x0  }
0x19: {  	s7 =	sld [smem:$0x3F9F]  }
0x1a: {  	s8 =	sadd.s32 $0xFFFFE003, lr  }
0x1b: {  	s9 =	sadd.s32 $0xFFFFFEF7, lr;
	s5 =	simm.s32 $0xFFFFFFFF;
	p2 =	slt.u32 s8, $0xFFFFF086  }
0x1c: {  	p1 =	slt.u32 s9, $0xF7A;
	s5 =	simm.s32 @!p2 $0x0  }
0x1d: {  	s5 =	simm.s32 @p1 $0x1;
	p0 =	seq.s32 s7, s2  }
0x1e: {  	s7 =	smul.u32 @!p0 $0xF7A, s2;
	p2 =	seq.s32 @!p0 s5, $0x0  }
0x1f: {  	s9 =	smul.u32 $0xF7A, s1;
	s8 =	simm.s32 @!p0 $0x1BF5;
	p2 =	por !p2, p0  }
0x20: {  	[sflag:s8] =	ssyncset.s32 @!p0 $0xFFFFF086;
	s6 =	sadd.s32 @!p0 s3, s7;
	s7 =	simm.s32 @!p0 $0x108  }
0x21: {  	s3 =	sadd.s32 s3, s9;
	s6 =	sadd.s32 @!p0 $0x88, s6;
	s7 =	simm.s32 @p2 $0x1082  }
0x22: {  	[simem:s7], [sflag:s8] =	dma.local @!p0 [hbm:s6], $0xF7A  }
0x23: {  	s9 =	sor.u32 $0xD0000000, s2;
	s6 =	simm.s32 $0x108;
	_ =	swait.ge @!p0 [sflag:s8], $0x0  }
0x24: {  	s3 =	sadd.s32 $0x88, s3;
	s6 =	simm.s32 @!p1 $0x1082;
	[sflag:s4] =	ssyncset.s32 $0xFFFFF086  }
0x25: {  	[simem:s6], [sflag:s4] =	dma.local [hbm:s3], $0xF7A  }
0x26: {  	[smem:$0x3F9F] =	sst s1;
	(tag) =	ssettag s2;
	_ =	strace s9  }
0x27: {  	s1 =	sld [smem:$0x3FAF]  }
0x28: {  	s2 =	sld [smem:$0x3FB0]  }
0x29: {  	s4 =	sld [smem:$0x3FB2]  }
0x2a: {  	p0 =	seq.s32 s5, $0x0;
	s5 =	sld [smem:$0x3FB3]  }
0x2b: {  	s6 =	sld [smem:$0x3FB4]  }
0x2c: {  	s7 =	sld [smem:$0x3FB5]  }
0x2d: {  	s3 =	simm.s32 $0x108;
	s8 =	sld [smem:$0x3FB6]  }
0x2e: {  	s3 =	simm.s32 @!p0 $0x1082;
	s9 =	sld [smem:$0x3FB7]  }
0x2f: {  	lr =	sadd.s32 s0, s3;
	s0 =	sld [smem:$0x3FAE]  }
0x30: {  	s3 =	sld [smem:$0x3FB1]  }
0x31: {  	[smem:$0x3FBA] =	sst s10  }
0x32: {  	s10 =	sld [smem:$0x3FB8];
	_ =	sdelay $0x3  }
0x33: {  	p0 =	seq.s32 s10, $0x1;
	s10 =	sld [smem:$0x3FBA];
	_ =	sdelay $0x3  }
0x34: {  	[smem:$0x3FBA] =	sst s10  }
0x35: {  	s10 =	sld [smem:$0x3FB9];
	_ =	sdelay $0x3  }
0x36: {  	p1 =	seq.s32 s10, $0x1;
	s10 =	sld [smem:$0x3FBA];
	_ =	sdelay $0x3  }
0x37: {  	[smem:$0x3FBA] =	sst s10  }
0x38: {  	s10 =	sld [smem:$0x3FBB]  }
0x39: {  	_ = 	snop;
	(pc) =	sbr.ind lr, $3  }
0x3a: {  	_ = 	snop  }
0x3b: {  	_ = 	snop  }
0x3c: {  	p2 =	seq.s32 s10, $0x1;
	s10 =	sld [smem:$0x3FBA]  }
0x3d: {  	_ =	shalt  }
0x3e: {  	_ =	shalt  }
0x3f: {  	_ =	shalt  }
0x40: {  	_ =	shalt  }
0x41: {  	_ =	shalt  }
0x42: {  	_ =	shalt  }
0x43: {  	_ =	shalt  }
0x44: {  	_ =	shalt  }
0x45: {  	_ =	shalt  }
0x46: {  	_ =	shalt  }
0x47: {  	_ =	shalt  }
0x48: {  	_ =	shalt  }
0x49: {  	_ =	shalt  }
0x4a: {  	_ =	shalt  }
0x4b: {  	_ =	shalt  }
0x4c: {  	_ =	shalt  }
0x4d: {  	_ =	shalt  }
0x4e: {  	_ =	shalt  }
0x4f: {  	_ =	shalt  }
0x50: {  	_ =	shalt  }
0x51: {  	_ =	shalt  }
0x52: {  	_ =	shalt  }
0x53: {  	_ =	shalt  }
0x54: {  	_ =	shalt  }
0x55: {  	_ =	shalt  }
0x56: {  	_ =	shalt  }
0x57: {  	_ =	shalt  }
0x58: {  	_ =	shalt  }
0x59: {  	_ =	shalt  }
0x5a: {  	_ =	shalt  }
0x5b: {  	_ =	shalt  }
0x5c: {  	_ =	shalt  }
0x5d: {  	_ =	shalt  }
0x5e: {  	_ =	shalt  }
0x5f: {  	_ =	shalt  }
0x60: {  	_ =	shalt  }
0x61: {  	_ =	shalt  }
0x62: {  	_ =	shalt  }
0x63: {  	_ =	shalt  }
0x64: {  	_ =	shalt  }
0x65: {  	_ =	shalt  }
0x66: {  	_ =	shalt  }
0x67: {  	_ =	shalt  }
0x68: {  	_ =	shalt  }
0x69: {  	_ =	shalt  }
0x6a: {  	_ =	shalt  }
0x6b: {  	_ =	shalt  }
0x6c: {  	_ =	shalt  }
0x6d: {  	_ =	shalt  }
0x6e: {  	_ =	shalt  }
0x6f: {  	_ =	shalt  }
0x70: {  	_ =	shalt  }
0x71: {  	_ =	shalt  }
0x72: {  	_ =	shalt  }
0x73: {  	_ =	shalt  }
0x74: {  	_ =	shalt  }
0x75: {  	_ =	shalt  }
0x76: {  	_ =	shalt  }
0x77: {  	_ =	shalt  }
0x78: {  	_ =	shalt  }
0x79: {  	_ =	shalt  }
0x7a: {  	_ =	shalt  }
0x7b: {  	_ =	shalt  }
0x7c: {  	_ =	shalt  }
0x7d: {  	_ =	shalt  }
0x7e: {  	_ =	shalt  }
0x7f: {  	_ =	shalt  }
0x80: {  	_ =	shalt  }
0x81: {  	_ =	shalt  }
0x82: {  	_ =	shalt  }
0x83: {  	_ =	shalt  }
0x84: {  	_ =	shalt  }
0x85: {  	_ =	shalt  }
0x86: {  	_ =	shalt  }
0x87: {  	_ =	shalt  }
.Lfunc_end0:
.L_simem_size_0:
called_computation.5_lowered:
.L_overlay_start_0:
0x88: {  	s2 =	sld [smem:$0x3FD9]  }
0x89: {  	s3 =	sld [smem:$0x3FFE];
	_ =	sdelay $0x1  }
0x8a: {  	s1 =	srdreg.scid  }
0x8b: {  	s0 =	sand.u32 $0x1, s1  }
0x8c: {  	s14 =	sshll.u32 s0, $0xA;
	s2 =	sadd.s32 s3, s2  }
0x8d: {  	s2 =	sadd.s32 s2, s14  }
0x8e: {  	[smem:$0x3FC6] =	sst s2  }
0x8f: {  	_ = 	snop  }
0x90: {  	s2 =	sld [smem:$0x3FD0];
	_ =	sdelay $0x2  }
0x91: {  	s15 =	simm.s32 $0xA;
	s4 =	simm.s32 $0x10  }
0x92: {  	[smem:s4], [sflag:s15] =	dma.local [hbm:s2], $0x1  }
0x93: {  	_ =	swait.eq [sflag:s15], $0x1  }
0x94: {  	[sflag:s15] =	ssyncset.done $0x0  }
0x95: {  	[sflag:s15] =	ssyncadd.s32 $0xFFFFFFFF  }
0x96: {  	s16 =	sld [smem:$0x11];
	(tm) =	ssettm $0x1  }
0x97: {  	s17 =	sld [smem:$0x3FFB];
	_ =	sdelay $0x3  }
0x98: {  	_ =	strace s17  }
0x99: {  	s3 =	sld [smem:$0x3FFC];
	_ =	sdelay $0x3  }
0x9a: {  	_ =	strace s3  }
0x9b: {  	s3 =	sld [smem:$0x3FFD];
	_ =	sdelay $0x3  }
0x9c: {  	_ =	strace s3  }
0x9d: {  	_ =	strace $0x8FFFFFFF  }
0x9e: {  	s18 =	sld [smem:$0x3FDB];
	_ =	sdelay $0x1  }
0x9f: {  	s19 =	simm.s32 $_scs_section_size  }
0xa0: {  	s5 =	simm.s32 $_size__tile_overlayer_lowered;
	s6 =	simm.s32 $_tile_overlayer_lowered  }
0xa1: {  	s22 =	simm.s32 $0x1BFF;
	s21 =	sshll.u32 s6, $0x1;
	s3 =	sadd.s32 s19, s18  }
0xa2: {  	s7 =	simm.s32 $0x0;
	s20 =	sshll.u32 s5, $0x1;
	s5 =	sadd.s32 s21, s3  }
0xa3: {  	[timem:s7], [sflag:s22] =	dma.local [hbm:s5], s20  }
0xa4: {  	_ =	swait.ge [sflag:s22], s20  }
0xa5: {  	s4 =	ssub.s32 $0x0, s20;
	[sflag:s22] =	ssyncset.done $0x0  }
0xa6: {  	[sflag:s22] =	ssyncadd.s32 s4;
	_ =	sdelay $0x1  }
0xa7: {  	s23 =	simm.s32 $0x1B8B  }
0xa8: {  	_ =	swait.ge [sflag:s23], $0x1  }
0xa9: {  	[sflag:s23] =	ssyncset.done $0x0  }
0xaa: {  	s25 =	simm.s32 $0x1B8E;
	s24 =	sld [smem:$0x3FFE];
	[sflag:s23] =	ssyncadd.s32 $0xFFFFFFFF  }
0xab: {  	s26 =	simm.s32 $execute0_lowered;
	[smem:$0x3FD2] =	sst s25  }
0xac: {  	s5 =	sshll.u32 s26, $0x1;
	_ =	strace $0x80000055;
	[dreg:$0x1] =	wrdreg $0xFFFFFFFF  }
0xad: {  	s28 =	simm.s32 $_size_execute0_lowered;
	s3 =	sadd.s32 s3, s5;
	[dreg:$0x0] =	wrdreg $0x0  }
0xae: {  	s5 =	sshll.u32 s28, $0x1;
	[dreg:$0x2] =	wrdreg s3  }
0xaf: {  	[dreg:$0x3] =	wrdreg s5  }
0xb0: {  	[dreg:$0x4] =	wrdreg $0xC0  }
0xb1: {  	_ =	task [dreg:s7], $0x5FFFF  }
0xb2: {  	[dreg:$0x1] =	wrdreg $0xFFFFFFFF  }
0xb3: {  	[dreg:$0x0] =	wrdreg $0x60  }
0xb4: {  	[dreg:$0x2] =	wrdreg s24  }
0xb5: {  	[dreg:$0x3] =	wrdreg s16  }
0xb6: {  	[dreg:$0x4] =	wrdreg $0x9  }
0xb7: {  	_ =	task.clear_ibuf [dreg:s7], $0x5FFFF;
	_ =	strace $0x90000055  }
0xb8: {  	s29 =	simm.s32 $0x9;
	_ =	strace $0x80000057  }
0xb9: {  	_ =	swait.ge [sflag:s29], $0x1  }
0xba: {  	[sflag:s29] =	ssyncadd.s32 $0xFFFFFFFF  }
0xbb: {  	_ =	strace $0x90000057  }
0xbc: {  	_ =	sfence  }
0xbd: {  	s30 =	sld [smem:$0x0];
	_ =	sdelay $0x2  }
0xbe: {  	s31 =	sshll.u32 s1, $0xD;
	s1 =	sshrl.u32 s1, $0x2  }
0xbf: {  	s3 =	sand.u32 $0x4000, s31;
	s1 =	sadd.s32 s1, s30  }
0xc0: {  	s0 =	sor.u32 s3, s0;
	s1 =	sshll.u32 s1, $0x11  }
0xc1: {  	s0 =	sor.u32 s1, s0  }
0xc2: {  	s0 =	sadd.s32 $0x8F2B, s0  }
0xc3: {  	[sflag:s0] =	ssyncadd.remote.s32 $0x1  }
0xc4: {  	_ =	sfence.sel $0xFFFF  }
0xc5: {  	[dreg:$0x0] =	wrdreg $0xFFFFFFFF;
	(pc) =	sbr.abs _section_cstart, $3  }
0xc6: {  	[dreg:$0x1] =	wrdreg $0xFFFFFFFF  }
0xc7: {  	_ =	task.clear_ibuf [dreg:s7], $0x2FFFF;
	_ =	strace $0x9FFFFFFF  }
0xc8: {  	(tm) =	ssettm $0x7FFFFFFF  }
0xc9: {  	_ =	shalt  }
tec
execute0_lowered:
.L_overlay_start_1:
0x0: {  	(tag) =	ssettag $0x1  }
0x1: {  	s4 =	rddreg [dreg:$0x0]  }
0x2: {  	s1 =	srdreg.scid;
	s0 =	stileid.u32  }
0x3: {  	s5 =	rddreg [dreg:$0x1];
	s2 =	simm.s32 $0x0;
	s11 =	simm.s32 $0x100  }
0x4: {  	s12 =	simm.s32 $0x900;
	s13 =	simm.s32 $0x1100;
	s14 =	simm.s32 $0x1900  }
0x5: {  	s15 =	simm.s32 $0x2100;
	s16 =	simm.s32 $0x2900;
	s17 =	simm.s32 $0x3100  }
0x6: {  	s18 =	simm.s32 $0x3900;
	s19 =	simm.s32 $0x4100;
	s20 =	simm.s32 $0x4900  }
0x7: {  	s21 =	simm.s32 $0x5100;
	s22 =	simm.s32 $0x5900;
	s23 =	simm.s32 $0x6100  }
0x8: {  	s24 =	simm.s32 $0x6900;
	s28 =	simm.s32 $0x8100;
	s29 =	simm.s32 $0x8900  }
0x9: {  	s3 =	sand.u32 $0x1, s1;
	s6 =	sshll.u32 s0, $0x1;
	s1 =	rddreg [dreg:$0x2]  }
0xa: {  	s30 =	simm.s32 $0x1;
	[smem:$0x7FF] =	sst s2;
	s6 =	sor.u32 s3, s6  }
0xb: {  	s10 =	sadd.s32 $0x187200, s4;
	s7 =	ssub.s32 $0x2, s3;
	s8 =	smul.u32 $0x90, s6  }
0xc: {  	_ =	strace $0x80000056;
	s9 =	sshrl.u32 s7, $0x1;
	s6 =	smul.u32 $0x1200, s6  }
0xd: {  	s3 =	sadd.s32 $0x107200, s4;
	s9 =	ssub.s32 s7, s9;
	s25 =	sadd.s32 $0x48, s8  }
0xe: {  	s26 =	sshrl.u32 s8, $0x3;
	s6 =	sadd.s32 s10, s6;
	s8 =	smax.u32 s9, $0x1  }
0xf: {  	v2 =	vlaneseq.u32;
	s9 =	simm.s32 $0x2;
	s31 =	sshrl.u32 s25, $0x3;
	s4 =	sadd.s32 s5, s26  }
0x10: {  	vm0 =	vmmov $0xffff;
	v1 =	vshrl.u32 v2, $0x3;
	s7 =	sshll.u32 s25, $0x5;
	s25 =	simm.s32 $0x7100;
	s26 =	simm.s32 $0x7900  }
0x11: {  	v0 =	vand.u32 $0x7, v2;
	v2 =	vor.u32 $0x8, v2;
	v1 =	vmul.u32 $0x8, v1;
	s5 =	sadd.s32 s5, s31;
	s7 =	sadd.s32 s10, s7;
	s10 =	simm.s32 $0x80  }
.LBB2_1:
0x12: {  	[tilespmem:s2], [sflag:$0x2] =	stream.linear.gather [hbm4b:s4+s2], $0x48, $0x38;
	[tilespmem:$0x9100] =	vst v63  }
0x13: {  	_ =	swait.ge [sflag:s9], $0x48  }
0x14: {  	[sflag:s9] =	ssyncset.done $0x0  }
0x15: {  	[sflag:s9] =	ssyncadd.s32 $0xFFFFFFB8  }
0x16: {  	[tilespmem:s10], [sflag:$0x2] =	stream.linear.gather [hbm4b:s5+s2], $0x48, $0x38;
	[tilespmem:$0x9100] =	vst v63  }
0x17: {  	_ =	swait.ge [sflag:s9], $0x48  }
0x18: {  	[sflag:s9] =	ssyncset.done $0x0  }
0x19: {  	[sflag:s9] =	ssyncadd.s32 $0xFFFFFFB8  }
0x1a: {  	v3 =	vld [tilespmem:$0x0];
	_ =	sdelay $0x4  }
0x1b: {  	v4 =	vshll.u32 v3, $0x1  }
0x1c: {  	v3 =	vand.u32 $0x7, v3;
	v4 =	vand.u32 $0xFFFFFFF0, v4  }
0x1d: {  	v3 =	vor.u32 v3, v4  }
0x1e: {  	v4 =	vperm.xlane v3, v0;
	_ =	sdelay $0x1  }
0x1f: {  	v3 =	vperm.xlane v3, v2;
	v4 =	vadd.s32 v1, v4;
	_ =	sdelay $0x1  }
0x20: {  	v3 =	vadd.s32 v1, v3;
	_ =	sdelay $0x2  }
0x21: {  	[tilespmem:s11], [sflag:$0x1] =	stream.indirect_vreg.gather [hbm4b:s3+s2], $0x80, v4, vm0, $0xb8;
	[tilespmem:$0x9100] =	vst v63  }
0x22: {  	_ = 	snop  }
0x23: {  	[tilespmem:s12], [sflag:$0x1] =	stream.indirect_vreg.gather [hbm4b:s3+s2], $0x80, v3, vm0, $0xb8;
	[tilespmem:$0x9100] =	vst v63  }
0x24: {  	v3 =	vld [tilespmem:$0x10];
	_ =	sdelay $0x4  }
0x25: {  	v55 =	vshll.u32 v3, $0x1  }
0x26: {  	v3 =	vand.u32 $0x7, v3;
	v4 =	vand.u32 $0xFFFFFFF0, v55  }
0x27: {  	v3 =	vor.u32 v3, v4  }
0x28: {  	v4 =	vperm.xlane v3, v0;
	_ =	sdelay $0x1  }
0x29: {  	v3 =	vperm.xlane v3, v2;
	v4 =	vadd.s32 v1, v4;
	_ =	sdelay $0x1  }
0x2a: {  	v3 =	vadd.s32 v1, v3;
	_ =	sdelay $0x2  }
0x2b: {  	[tilespmem:s13], [sflag:$0x1] =	stream.indirect_vreg.gather [hbm4b:s3+s2], $0x80, v4, vm0, $0xb8;
	[tilespmem:$0x9100] =	vst v63  }
0x2c: {  	_ = 	snop  }
0x2d: {  	[tilespmem:s14], [sflag:$0x1] =	stream.indirect_vreg.gather [hbm4b:s3+s2], $0x80, v3, vm0, $0xb8;
	[tilespmem:$0x9100] =	vst v63  }
0x2e: {  	v3 =	vld [tilespmem:$0x20];
	_ =	sdelay $0x4  }
0x2f: {  	v56 =	vshll.u32 v3, $0x1  }
0x30: {  	v3 =	vand.u32 $0x7, v3;
	v4 =	vand.u32 $0xFFFFFFF0, v56  }
0x31: {  	v3 =	vor.u32 v3, v4  }
0x32: {  	v4 =	vperm.xlane v3, v0;
	_ =	sdelay $0x1  }
0x33: {  	v3 =	vperm.xlane v3, v2;
	v4 =	vadd.s32 v1, v4;
	_ =	sdelay $0x1  }
0x34: {  	v3 =	vadd.s32 v1, v3;
	_ =	sdelay $0x2  }
0x35: {  	[tilespmem:s15], [sflag:$0x1] =	stream.indirect_vreg.gather [hbm4b:s3+s2], $0x80, v4, vm0, $0xb8;
	[tilespmem:$0x9100] =	vst v63  }
0x36: {  	_ = 	snop  }
0x37: {  	[tilespmem:s16], [sflag:$0x1] =	stream.indirect_vreg.gather [hbm4b:s3+s2], $0x80, v3, vm0, $0xb8;
	[tilespmem:$0x9100] =	vst v63  }
0x38: {  	v3 =	vld [tilespmem:$0x30];
	_ =	sdelay $0x4  }
0x39: {  	v57 =	vshll.u32 v3, $0x1  }
0x3a: {  	v3 =	vand.u32 $0x7, v3;
	v4 =	vand.u32 $0xFFFFFFF0, v57  }
0x3b: {  	v3 =	vor.u32 v3, v4  }
0x3c: {  	v4 =	vperm.xlane v3, v0;
	_ =	sdelay $0x1  }
0x3d: {  	v3 =	vperm.xlane v3, v2;
	v4 =	vadd.s32 v1, v4;
	_ =	sdelay $0x1  }
0x3e: {  	v3 =	vadd.s32 v1, v3;
	_ =	sdelay $0x2  }
0x3f: {  	[tilespmem:s17], [sflag:$0x1] =	stream.indirect_vreg.gather [hbm4b:s3+s2], $0x80, v4, vm0, $0xb8;
	[tilespmem:$0x9100] =	vst v63  }
0x40: {  	_ = 	snop  }
0x41: {  	[tilespmem:s18], [sflag:$0x1] =	stream.indirect_vreg.gather [hbm4b:s3+s2], $0x80, v3, vm0, $0xb8;
	[tilespmem:$0x9100] =	vst v63  }
0x42: {  	v3 =	vld.msk [tilespmem:$0x40], $0xff;
	_ =	sdelay $0x4  }
0x43: {  	v58 =	vshll.u32 v3, $0x1  }
0x44: {  	v3 =	vand.u32 $0x7, v3;
	v4 =	vand.u32 $0xFFFFFFF0, v58  }
0x45: {  	v3 =	vor.u32 v3, v4  }
0x46: {  	v3 =	vperm.xlane v3, v0;
	_ =	sdelay $0x1  }
0x47: {  	v3 =	vadd.s32 v1, v3;
	_ =	sdelay $0x4  }
0x48: {  	[tilespmem:s19], [sflag:$0x1] =	stream.indirect_vreg.gather [hbm4b:s3+s2], $0x80, v3, vm0, $0xb8;
	[tilespmem:$0x9100] =	vst v63  }
0x49: {  	v3 =	vld [tilespmem:$0x80];
	_ =	sdelay $0x4  }
0x4a: {  	v59 =	vshll.u32 v3, $0x1  }
0x4b: {  	v3 =	vand.u32 $0x7, v3;
	v4 =	vand.u32 $0xFFFFFFF0, v59  }
0x4c: {  	v3 =	vor.u32 v3, v4  }
0x4d: {  	v4 =	vperm.xlane v3, v0;
	_ =	sdelay $0x1  }
0x4e: {  	v3 =	vperm.xlane v3, v2;
	v4 =	vadd.s32 v1, v4;
	_ =	sdelay $0x1  }
0x4f: {  	v3 =	vadd.s32 v1, v3;
	_ =	sdelay $0x2  }
0x50: {  	[tilespmem:s20], [sflag:$0x1] =	stream.indirect_vreg.gather [hbm4b:s3+s2], $0x80, v4, vm0, $0xb8;
	[tilespmem:$0x9100] =	vst v63  }
0x51: {  	_ = 	snop  }
0x52: {  	[tilespmem:s21], [sflag:$0x1] =	stream.indirect_vreg.gather [hbm4b:s3+s2], $0x80, v3, vm0, $0xb8;
	[tilespmem:$0x9100] =	vst v63  }
0x53: {  	v3 =	vld [tilespmem:$0x90];
	_ =	sdelay $0x4  }
0x54: {  	v60 =	vshll.u32 v3, $0x1  }
0x55: {  	v3 =	vand.u32 $0x7, v3;
	v4 =	vand.u32 $0xFFFFFFF0, v60  }
0x56: {  	v3 =	vor.u32 v3, v4  }
0x57: {  	v4 =	vperm.xlane v3, v0;
	_ =	sdelay $0x1  }
0x58: {  	v3 =	vperm.xlane v3, v2;
	v4 =	vadd.s32 v1, v4;
	_ =	sdelay $0x1  }
0x59: {  	v3 =	vadd.s32 v1, v3;
	_ =	sdelay $0x2  }
0x5a: {  	[tilespmem:s22], [sflag:$0x1] =	stream.indirect_vreg.gather [hbm4b:s3+s2], $0x80, v4, vm0, $0xb8;
	[tilespmem:$0x9100] =	vst v63  }
0x5b: {  	_ = 	snop  }
0x5c: {  	[tilespmem:s23], [sflag:$0x1] =	stream.indirect_vreg.gather [hbm4b:s3+s2], $0x80, v3, vm0, $0xb8;
	[tilespmem:$0x9100] =	vst v63  }
0x5d: {  	v3 =	vld [tilespmem:$0xA0];
	_ =	sdelay $0x4  }
0x5e: {  	v61 =	vshll.u32 v3, $0x1  }
0x5f: {  	v3 =	vand.u32 $0x7, v3;
	v4 =	vand.u32 $0xFFFFFFF0, v61  }
0x60: {  	v3 =	vor.u32 v3, v4  }
0x61: {  	v4 =	vperm.xlane v3, v0;
	_ =	sdelay $0x1  }
0x62: {  	v3 =	vperm.xlane v3, v2;
	v4 =	vadd.s32 v1, v4;
	_ =	sdelay $0x1  }
0x63: {  	v3 =	vadd.s32 v1, v3;
	_ =	sdelay $0x2  }
0x64: {  	[tilespmem:s24], [sflag:$0x1] =	stream.indirect_vreg.gather [hbm4b:s3+s2], $0x80, v4, vm0, $0xb8;
	[tilespmem:$0x9100] =	vst v63  }
0x65: {  	_ = 	snop  }
0x66: {  	[tilespmem:s25], [sflag:$0x1] =	stream.indirect_vreg.gather [hbm4b:s3+s2], $0x80, v3, vm0, $0xb8;
	[tilespmem:$0x9100] =	vst v63  }
0x67: {  	v3 =	vld [tilespmem:$0xB0];
	_ =	sdelay $0x4  }
0x68: {  	v62 =	vshll.u32 v3, $0x1  }
0x69: {  	v3 =	vand.u32 $0x7, v3;
	v4 =	vand.u32 $0xFFFFFFF0, v62  }
0x6a: {  	v3 =	vor.u32 v3, v4  }
0x6b: {  	v4 =	vperm.xlane v3, v0;
	_ =	sdelay $0x1  }
0x6c: {  	v3 =	vperm.xlane v3, v2;
	v4 =	vadd.s32 v1, v4;
	_ =	sdelay $0x1  }
0x6d: {  	v3 =	vadd.s32 v1, v3;
	_ =	sdelay $0x2  }
0x6e: {  	[tilespmem:s26], [sflag:$0x1] =	stream.indirect_vreg.gather [hbm4b:s3+s2], $0x80, v4, vm0, $0xb8;
	[tilespmem:$0x9100] =	vst v63  }
0x6f: {  	_ = 	snop  }
0x70: {  	[tilespmem:s28], [sflag:$0x1] =	stream.indirect_vreg.gather [hbm4b:s3+s2], $0x80, v3, vm0, $0xb8;
	[tilespmem:$0x9100] =	vst v63  }
0x71: {  	v3 =	vld.msk [tilespmem:$0xC0], $0xff;
	_ =	sdelay $0x4  }
0x72: {  	v63 =	vshll.u32 v3, $0x1  }
0x73: {  	v3 =	vand.u32 $0x7, v3;
	v4 =	vand.u32 $0xFFFFFFF0, v63  }
0x74: {  	v3 =	vor.u32 v3, v4  }
0x75: {  	v3 =	vperm.xlane v3, v0;
	_ =	sdelay $0x1  }
0x76: {  	v3 =	vadd.s32 v1, v3;
	_ =	sdelay $0x4  }
0x77: {  	[tilespmem:s29], [sflag:$0x1] =	stream.indirect_vreg.gather [hbm4b:s3+s2], $0x80, v3, vm0, $0xb8;
	[tilespmem:$0x9100] =	vst v63  }
0x78: {  	_ =	swait.ge [sflag:s30], $0x4800  }
0x79: {  	[sflag:s30] =	ssyncset.done $0x0  }
0x7a: {  	[sflag:s30] =	ssyncadd.s32 $0xFFFFB800  }
0x7b: {  	_ =	swait.ge [sflag:s30], $0x4800  }
0x7c: {  	[sflag:s30] =	ssyncset.done $0x0  }
0x7d: {  	[sflag:s30] =	ssyncadd.s32 $0xFFFFB800  }
0x7e: {  	[hbm4b:s6+s2] =	stream.linear.scatter [tilespmem:s11], [sflag:$0x2], $0x4800, $0x38;
	[tilespmem:$0x9100] =	vst v63  }
0x7f: {  	_ =	swait.ge [sflag:s9], $0x4800  }
0x80: {  	p0 =	sne.s32 s8, $0x1;
	[sflag:s9] =	ssyncset.done $0x0  }
.Ltmp0:
0x81: {  	[sflag:s9] =	ssyncadd.s32 $0xFFFFB800;
	(pc) =	sbr.rel @p0 .LBB2_1-.Ltmp0, $4  }
0x82: {  	[hbm4b:s7+s2] =	stream.linear.scatter [tilespmem:s20], [sflag:$0x2], $0x4800, $0x38;
	[tilespmem:$0x9100] =	vst v63  }
0x83: {  	_ =	swait.ge [sflag:s9], $0x4800  }
0x84: {  	[sflag:s9] =	ssyncset.done $0x0  }
0x85: {  	s8 =	sadd.s32 $0xFFFFFFFF, s8;
	[sflag:s9] =	ssyncadd.s32 $0xFFFFB800  }
0x86: {  	_ =	sfence.sel $0x180000  }
0x87: {  	[bflag:$0x0] =	sbarrier.arrive $0xFFFF  }
0x88: {  	p0 =	sne.s32 s0, $0x0;
	_ =	strace $0x90000056  }
0x89: {  	s0 =	sadd.s32 @!p0 $0x100000, s1;
	[bflag:$0x2] =	sbarrier.arrive $0xFFFF  }
0x8a: {  	[sflag:s0] =	ssyncadd.tile.s32 @!p0 $0x1;
	_ =	shalt  }
.Lfunc_end2:
_tile_overlayer_lowered:
.L_overlay_start_2:
0x8b: {  	(tag) =	ssettag $0x2  }
0x8c: {  	s0 =	rddreg [dreg:$0x0];
	s2 =	stileid.u32  }
0x8d: {  	s1 =	rddreg [dreg:$0x1];
	p0 =	sne.s32 s2, $0x0  }
0x8e: {  	s3 =	rddreg [dreg:$0x2];
	[bflag:$0x3] =	sbarrier.arrive $0xFFFF;
	s2 =	simm.s32 @!p0 $0x1C02  }
0x8f: {  	[timem:s3], [sflag:s2] =	dma.local @!p0 [hbm:s0], s1  }
0x90: {  	s0 =	simm.s32 @!p0 $0x2  }
0x91: {  	_ =	swait.ge @!p0 [sflag:s0], s1  }
0x92: {  	s1 =	ssub.s32 @!p0 $0x0, s1;
	[sflag:s0] =	ssyncset.done @!p0 $0x0  }
0x93: {  	[sflag:s0] =	ssyncadd.s32 @!p0 s1  }
0x94: {  	[bflag:$0x3] =	sbarrier.arrive $0xFFFF  }
0x95: {  	_ =	shalt  }

// kernel: kernel.36.cloned.1.call-start
scs
__scs_entry_jumppad:
0x0: {  	(pc) =	sbr.rel $0x88, $3  }
0x1: {  	(tag) =	ssettag $0x0;
	lr =	simm.s32 $0x1  }
0x2: {  	[smem:$0x3F9F] =	sst lr;
	_ =	strace $0xD0000000  }
0x3: {  	_ = 	snop  }
0x4: {  	_ = 	snop  }
0x5: {  	_ = 	snop  }
0x6: {  	_ = 	snop  }
0x7: {  	_ = 	snop  }
__scs_overlays_trampoline_lowered:
0x8: {  	[smem:$0x3FAE] =	sst s0  }
0x9: {  	[smem:$0x3FAF] =	sst s1  }
0xa: {  	[smem:$0x3FB0] =	sst s2  }
0xb: {  	[smem:$0x3FB1] =	sst s3  }
0xc: {  	[smem:$0x3FB2] =	sst s4  }
0xd: {  	[smem:$0x3FB3] =	sst s5  }
0xe: {  	[smem:$0x3FB4] =	sst s6  }
0xf: {  	[smem:$0x3FB5] =	sst s7  }
0x10: {  	[smem:$0x3FB6] =	sst s8  }
0x11: {  	[smem:$0x3FB7] =	sst s9;
	s0 =	simm.s32 @!p0 $0x0  }
0x12: {  	s1 =	sld [smem:$0x3F9D];
	s0 =	simm.s32 @p0 $0x1  }
0x13: {  	[smem:$0x3FB8] =	sst s0;
	s0 =	simm.s32 @!p1 $0x0  }
0x14: {  	s2 =	sld [smem:$0x3F9C];
	s0 =	simm.s32 @p1 $0x1  }
0x15: {  	[smem:$0x3FB9] =	sst s0;
	s0 =	simm.s32 @!p2 $0x0  }
0x16: {  	s3 =	sld [smem:$0x3FDB];
	s0 =	simm.s32 @p2 $0x1  }
0x17: {  	s4 =	simm.s32 $0x1BF5;
	[smem:$0x3FBB] =	sst s0  }
0x18: {  	s0 =	sld [smem:$0x3F9E];
	_ =	swait.ge [sflag:s4], $0x0  }
0x19: {  	s7 =	sld [smem:$0x3F9F]  }
0x1a: {  	s8 =	sadd.s32 $0xFFFFE003, lr  }
0x1b: {  	s9 =	sadd.s32 $0xFFFFFEF7, lr;
	s5 =	simm.s32 $0xFFFFFFFF;
	p2 =	slt.u32 s8, $0xFFFFF086  }
0x1c: {  	p1 =	slt.u32 s9, $0xF7A;
	s5 =	simm.s32 @!p2 $0x0  }
0x1d: {  	s5 =	simm.s32 @p1 $0x1;
	p0 =	seq.s32 s7, s2  }
0x1e: {  	s7 =	smul.u32 @!p0 $0xF7A, s2;
	p2 =	seq.s32 @!p0 s5, $0x0  }
0x1f: {  	s9 =	smul.u32 $0xF7A, s1;
	s8 =	simm.s32 @!p0 $0x1BF5;
	p2 =	por !p2, p0  }
0x20: {  	[sflag:s8] =	ssyncset.s32 @!p0 $0xFFFFF086;
	s6 =	sadd.s32 @!p0 s3, s7;
	s7 =	simm.s32 @!p0 $0x108  }
0x21: {  	s3 =	sadd.s32 s3, s9;
	s6 =	sadd.s32 @!p0 $0x88, s6;
	s7 =	simm.s32 @p2 $0x1082  }
0x22: {  	[simem:s7], [sflag:s8] =	dma.local @!p0 [hbm:s6], $0xF7A  }
0x23: {  	s9 =	sor.u32 $0xD0000000, s2;
	s6 =	simm.s32 $0x108;
	_ =	swait.ge @!p0 [sflag:s8], $0x0  }
0x24: {  	s3 =	sadd.s32 $0x88, s3;
	s6 =	simm.s32 @!p1 $0x1082;
	[sflag:s4] =	ssyncset.s32 $0xFFFFF086  }
0x25: {  	[simem:s6], [sflag:s4] =	dma.local [hbm:s3], $0xF7A  }
0x26: {  	[smem:$0x3F9F] =	sst s1;
	(tag) =	ssettag s2;
	_ =	strace s9  }
0x27: {  	s1 =	sld [smem:$0x3FAF]  }
0x28: {  	s2 =	sld [smem:$0x3FB0]  }
0x29: {  	s4 =	sld [smem:$0x3FB2]  }
0x2a: {  	p0 =	seq.s32 s5, $0x0;
	s5 =	sld [smem:$0x3FB3]  }
0x2b: {  	s6 =	sld [smem:$0x3FB4]  }
0x2c: {  	s7 =	sld [smem:$0x3FB5]  }
0x2d: {  	s3 =	simm.s32 $0x108;
	s8 =	sld [smem:$0x3FB6]  }
0x2e: {  	s3 =	simm.s32 @!p0 $0x1082;
	s9 =	sld [smem:$0x3FB7]  }
0x2f: {  	lr =	sadd.s32 s0, s3;
	s0 =	sld [smem:$0x3FAE]  }
0x30: {  	s3 =	sld [smem:$0x3FB1]  }
0x31: {  	[smem:$0x3FBA] =	sst s10  }
0x32: {  	s10 =	sld [smem:$0x3FB8];
	_ =	sdelay $0x3  }
0x33: {  	p0 =	seq.s32 s10, $0x1;
	s10 =	sld [smem:$0x3FBA];
	_ =	sdelay $0x3  }
0x34: {  	[smem:$0x3FBA] =	sst s10  }
0x35: {  	s10 =	sld [smem:$0x3FB9];
	_ =	sdelay $0x3  }
0x36: {  	p1 =	seq.s32 s10, $0x1;
	s10 =	sld [smem:$0x3FBA];
	_ =	sdelay $0x3  }
0x37: {  	[smem:$0x3FBA] =	sst s10  }
0x38: {  	s10 =	sld [smem:$0x3FBB]  }
0x39: {  	_ = 	snop;
	(pc) =	sbr.ind lr, $3  }
0x3a: {  	_ = 	snop  }
0x3b: {  	_ = 	snop  }
0x3c: {  	p2 =	seq.s32 s10, $0x1;
	s10 =	sld [smem:$0x3FBA]  }
0x3d: {  	_ =	shalt  }
0x3e: {  	_ =	shalt  }
0x3f: {  	_ =	shalt  }
0x40: {  	_ =	shalt  }
0x41: {  	_ =	shalt  }
0x42: {  	_ =	shalt  }
0x43: {  	_ =	shalt  }
0x44: {  	_ =	shalt  }
0x45: {  	_ =	shalt  }
0x46: {  	_ =	shalt  }
0x47: {  	_ =	shalt  }
0x48: {  	_ =	shalt  }
0x49: {  	_ =	shalt  }
0x4a: {  	_ =	shalt  }
0x4b: {  	_ =	shalt  }
0x4c: {  	_ =	shalt  }
0x4d: {  	_ =	shalt  }
0x4e: {  	_ =	shalt  }
0x4f: {  	_ =	shalt  }
0x50: {  	_ =	shalt  }
0x51: {  	_ =	shalt  }
0x52: {  	_ =	shalt  }
0x53: {  	_ =	shalt  }
0x54: {  	_ =	shalt  }
0x55: {  	_ =	shalt  }
0x56: {  	_ =	shalt  }
0x57: {  	_ =	shalt  }
0x58: {  	_ =	shalt  }
0x59: {  	_ =	shalt  }
0x5a: {  	_ =	shalt  }
0x5b: {  	_ =	shalt  }
0x5c: {  	_ =	shalt  }
0x5d: {  	_ =	shalt  }
0x5e: {  	_ =	shalt  }
0x5f: {  	_ =	shalt  }
0x60: {  	_ =	shalt  }
0x61: {  	_ =	shalt  }
0x62: {  	_ =	shalt  }
0x63: {  	_ =	shalt  }
0x64: {  	_ =	shalt  }
0x65: {  	_ =	shalt  }
0x66: {  	_ =	shalt  }
0x67: {  	_ =	shalt  }
0x68: {  	_ =	shalt  }
0x69: {  	_ =	shalt  }
0x6a: {  	_ =	shalt  }
0x6b: {  	_ =	shalt  }
0x6c: {  	_ =	shalt  }
0x6d: {  	_ =	shalt  }
0x6e: {  	_ =	shalt  }
0x6f: {  	_ =	shalt  }
0x70: {  	_ =	shalt  }
0x71: {  	_ =	shalt  }
0x72: {  	_ =	shalt  }
0x73: {  	_ =	shalt  }
0x74: {  	_ =	shalt  }
0x75: {  	_ =	shalt  }
0x76: {  	_ =	shalt  }
0x77: {  	_ =	shalt  }
0x78: {  	_ =	shalt  }
0x79: {  	_ =	shalt  }
0x7a: {  	_ =	shalt  }
0x7b: {  	_ =	shalt  }
0x7c: {  	_ =	shalt  }
0x7d: {  	_ =	shalt  }
0x7e: {  	_ =	shalt  }
0x7f: {  	_ =	shalt  }
0x80: {  	_ =	shalt  }
0x81: {  	_ =	shalt  }
0x82: {  	_ =	shalt  }
0x83: {  	_ =	shalt  }
0x84: {  	_ =	shalt  }
0x85: {  	_ =	shalt  }
0x86: {  	_ =	shalt  }
0x87: {  	_ =	shalt  }
.Lfunc_end0:
.L_simem_size_0:
called_computation.6_lowered:
.L_overlay_start_0:
0x88: {  	s2 =	sld [smem:$0x3FD9]  }
0x89: {  	s3 =	sld [smem:$0x3FFE];
	_ =	sdelay $0x1  }
0x8a: {  	s1 =	srdreg.scid  }
0x8b: {  	s0 =	sand.u32 $0x1, s1  }
0x8c: {  	s14 =	sshll.u32 s0, $0xA;
	s2 =	sadd.s32 s3, s2  }
0x8d: {  	s2 =	sadd.s32 s2, s14  }
0x8e: {  	[smem:$0x3FC6] =	sst s2  }
0x8f: {  	_ = 	snop  }
0x90: {  	s2 =	sld [smem:$0x3FD0];
	_ =	sdelay $0x2  }
0x91: {  	s15 =	simm.s32 $0xA;
	s4 =	simm.s32 $0x10  }
0x92: {  	[smem:s4], [sflag:s15] =	dma.local [hbm:s2], $0x1  }
0x93: {  	_ =	swait.eq [sflag:s15], $0x1  }
0x94: {  	[sflag:s15] =	ssyncset.done $0x0  }
0x95: {  	[sflag:s15] =	ssyncadd.s32 $0xFFFFFFFF  }
0x96: {  	s16 =	sld [smem:$0x11];
	(tm) =	ssettm $0x1  }
0x97: {  	s17 =	sld [smem:$0x3FFB];
	_ =	sdelay $0x3  }
0x98: {  	_ =	strace s17  }
0x99: {  	s3 =	sld [smem:$0x3FFC];
	_ =	sdelay $0x3  }
0x9a: {  	_ =	strace s3  }
0x9b: {  	s3 =	sld [smem:$0x3FFD];
	_ =	sdelay $0x3  }
0x9c: {  	_ =	strace s3  }
0x9d: {  	_ =	strace $0x8FFFFFFF  }
0x9e: {  	s18 =	sld [smem:$0x3FDB];
	_ =	sdelay $0x1  }
0x9f: {  	s19 =	simm.s32 $_scs_section_size  }
0xa0: {  	s5 =	simm.s32 $_size__tile_overlayer_lowered;
	s6 =	simm.s32 $_tile_overlayer_lowered  }
0xa1: {  	s22 =	simm.s32 $0x1BFF;
	s21 =	sshll.u32 s6, $0x1;
	s3 =	sadd.s32 s19, s18  }
0xa2: {  	s7 =	simm.s32 $0x0;
	s20 =	sshll.u32 s5, $0x1;
	s5 =	sadd.s32 s21, s3  }
0xa3: {  	[timem:s7], [sflag:s22] =	dma.local [hbm:s5], s20  }
0xa4: {  	_ =	swait.ge [sflag:s22], s20  }
0xa5: {  	s4 =	ssub.s32 $0x0, s20;
	[sflag:s22] =	ssyncset.done $0x0  }
0xa6: {  	[sflag:s22] =	ssyncadd.s32 s4;
	_ =	sdelay $0x1  }
0xa7: {  	s23 =	simm.s32 $0x1B8B  }
0xa8: {  	_ =	swait.ge [sflag:s23], $0x1  }
0xa9: {  	[sflag:s23] =	ssyncset.done $0x0  }
0xaa: {  	s25 =	simm.s32 $0x1B8E;
	s24 =	sld [smem:$0x3FFE];
	[sflag:s23] =	ssyncadd.s32 $0xFFFFFFFF  }
0xab: {  	s26 =	simm.s32 $execute0_lowered;
	[smem:$0x3FD2] =	sst s25  }
0xac: {  	s5 =	sshll.u32 s26, $0x1;
	_ =	strace $0x80000058;
	[dreg:$0x1] =	wrdreg $0xFFFFFFFF  }
0xad: {  	s28 =	simm.s32 $_size_execute0_lowered;
	s3 =	sadd.s32 s3, s5;
	[dreg:$0x0] =	wrdreg $0x0  }
0xae: {  	s5 =	sshll.u32 s28, $0x1;
	[dreg:$0x2] =	wrdreg s3  }
0xaf: {  	[dreg:$0x3] =	wrdreg s5  }
0xb0: {  	[dreg:$0x4] =	wrdreg $0xC0  }
0xb1: {  	_ =	task [dreg:s7], $0x5FFFF  }
0xb2: {  	[dreg:$0x1] =	wrdreg $0xFFFFFFFF  }
0xb3: {  	[dreg:$0x0] =	wrdreg $0x60  }
0xb4: {  	[dreg:$0x2] =	wrdreg s24  }
0xb5: {  	[dreg:$0x3] =	wrdreg s16  }
0xb6: {  	[dreg:$0x4] =	wrdreg $0x9  }
0xb7: {  	_ =	task.clear_ibuf [dreg:s7], $0x5FFFF;
	_ =	strace $0x90000058  }
0xb8: {  	s29 =	simm.s32 $0x9;
	_ =	strace $0x8000005A  }
0xb9: {  	_ =	swait.ge [sflag:s29], $0x1  }
0xba: {  	[sflag:s29] =	ssyncadd.s32 $0xFFFFFFFF  }
0xbb: {  	_ =	strace $0x9000005A  }
0xbc: {  	_ =	sfence  }
0xbd: {  	s30 =	sld [smem:$0x0];
	_ =	sdelay $0x2  }
0xbe: {  	s31 =	sshll.u32 s1, $0xD;
	s1 =	sshrl.u32 s1, $0x2  }
0xbf: {  	s3 =	sand.u32 $0x4000, s31;
	s1 =	sadd.s32 s1, s30  }
0xc0: {  	s0 =	sor.u32 s3, s0;
	s1 =	sshll.u32 s1, $0x11  }
0xc1: {  	s0 =	sor.u32 s1, s0  }
0xc2: {  	s0 =	sadd.s32 $0x8F2B, s0  }
0xc3: {  	[sflag:s0] =	ssyncadd.remote.s32 $0x1  }
0xc4: {  	_ =	sfence.sel $0xFFFF  }
0xc5: {  	[dreg:$0x0] =	wrdreg $0xFFFFFFFF;
	(pc) =	sbr.abs _section_cstart, $3  }
0xc6: {  	[dreg:$0x1] =	wrdreg $0xFFFFFFFF  }
0xc7: {  	_ =	task.clear_ibuf [dreg:s7], $0x2FFFF;
	_ =	strace $0x9FFFFFFF  }
0xc8: {  	(tm) =	ssettm $0x7FFFFFFF  }
0xc9: {  	_ =	shalt  }
tec
execute0_lowered:
.L_overlay_start_1:
0x0: {  	(tag) =	ssettag $0x1  }
0x1: {  	s4 =	rddreg [dreg:$0x0]  }
0x2: {  	s1 =	srdreg.scid;
	s0 =	stileid.u32  }
0x3: {  	s5 =	rddreg [dreg:$0x1];
	s2 =	simm.s32 $0x0;
	s11 =	simm.s32 $0x100  }
0x4: {  	s12 =	simm.s32 $0x900;
	s13 =	simm.s32 $0x1100;
	s14 =	simm.s32 $0x1900  }
0x5: {  	s15 =	simm.s32 $0x2100;
	s16 =	simm.s32 $0x2900;
	s17 =	simm.s32 $0x3100  }
0x6: {  	s18 =	simm.s32 $0x3900;
	s19 =	simm.s32 $0x4100;
	s20 =	simm.s32 $0x4900  }
0x7: {  	s21 =	simm.s32 $0x5100;
	s22 =	simm.s32 $0x5900;
	s23 =	simm.s32 $0x6100  }
0x8: {  	s24 =	simm.s32 $0x6900;
	s28 =	simm.s32 $0x8100;
	s29 =	simm.s32 $0x8900  }
0x9: {  	s3 =	sand.u32 $0x1, s1;
	s6 =	sshll.u32 s0, $0x1;
	s1 =	rddreg [dreg:$0x2]  }
0xa: {  	s30 =	simm.s32 $0x1;
	[smem:$0x7FF] =	sst s2;
	s6 =	sor.u32 s3, s6  }
0xb: {  	s10 =	sadd.s32 $0x187200, s4;
	s7 =	ssub.s32 $0x2, s3;
	s8 =	smul.u32 $0x90, s6  }
0xc: {  	_ =	strace $0x80000059;
	s9 =	sshrl.u32 s7, $0x1;
	s6 =	smul.u32 $0x1200, s6  }
0xd: {  	s3 =	sadd.s32 $0x147200, s4;
	s9 =	ssub.s32 s7, s9;
	s25 =	sadd.s32 $0x48, s8  }
0xe: {  	s26 =	sshrl.u32 s8, $0x3;
	s6 =	sadd.s32 s10, s6;
	s8 =	smax.u32 s9, $0x1  }
0xf: {  	v2 =	vlaneseq.u32;
	s9 =	simm.s32 $0x2;
	s31 =	sshrl.u32 s25, $0x3;
	s4 =	sadd.s32 s5, s26  }
0x10: {  	vm0 =	vmmov $0xffff;
	v1 =	vshrl.u32 v2, $0x3;
	s7 =	sshll.u32 s25, $0x5;
	s25 =	simm.s32 $0x7100;
	s26 =	simm.s32 $0x7900  }
0x11: {  	v0 =	vand.u32 $0x7, v2;
	v2 =	vor.u32 $0x8, v2;
	v1 =	vmul.u32 $0x8, v1;
	s5 =	sadd.s32 s5, s31;
	s7 =	sadd.s32 s10, s7;
	s10 =	simm.s32 $0x80  }
.LBB2_1:
0x12: {  	[tilespmem:s2], [sflag:$0x2] =	stream.linear.gather [hbm4b:s4+s2], $0x48, $0x38;
	[tilespmem:$0x9100] =	vst v63  }
0x13: {  	_ =	swait.ge [sflag:s9], $0x48  }
0x14: {  	[sflag:s9] =	ssyncset.done $0x0  }
0x15: {  	[sflag:s9] =	ssyncadd.s32 $0xFFFFFFB8  }
0x16: {  	[tilespmem:s10], [sflag:$0x2] =	stream.linear.gather [hbm4b:s5+s2], $0x48, $0x38;
	[tilespmem:$0x9100] =	vst v63  }
0x17: {  	_ =	swait.ge [sflag:s9], $0x48  }
0x18: {  	[sflag:s9] =	ssyncset.done $0x0  }
0x19: {  	[sflag:s9] =	ssyncadd.s32 $0xFFFFFFB8  }
0x1a: {  	v3 =	vld [tilespmem:$0x0];
	_ =	sdelay $0x4  }
0x1b: {  	v4 =	vshll.u32 v3, $0x1  }
0x1c: {  	v3 =	vand.u32 $0x7, v3;
	v4 =	vand.u32 $0xFFFFFFF0, v4  }
0x1d: {  	v3 =	vor.u32 v3, v4  }
0x1e: {  	v4 =	vperm.xlane v3, v0;
	_ =	sdelay $0x1  }
0x1f: {  	v3 =	vperm.xlane v3, v2;
	v4 =	vadd.s32 v1, v4;
	_ =	sdelay $0x1  }
0x20: {  	v3 =	vadd.s32 v1, v3;
	_ =	sdelay $0x2  }
0x21: {  	[tilespmem:s11], [sflag:$0x1] =	stream.indirect_vreg.gather [hbm4b:s3+s2], $0x80, v4, vm0, $0xb8;
	[tilespmem:$0x9100] =	vst v63  }
0x22: {  	_ = 	snop  }
0x23: {  	[tilespmem:s12], [sflag:$0x1] =	stream.indirect_vreg.gather [hbm4b:s3+s2], $0x80, v3, vm0, $0xb8;
	[tilespmem:$0x9100] =	vst v63  }
0x24: {  	v3 =	vld [tilespmem:$0x10];
	_ =	sdelay $0x4  }
0x25: {  	v55 =	vshll.u32 v3, $0x1  }
0x26: {  	v3 =	vand.u32 $0x7, v3;
	v4 =	vand.u32 $0xFFFFFFF0, v55  }
0x27: {  	v3 =	vor.u32 v3, v4  }
0x28: {  	v4 =	vperm.xlane v3, v0;
	_ =	sdelay $0x1  }
0x29: {  	v3 =	vperm.xlane v3, v2;
	v4 =	vadd.s32 v1, v4;
	_ =	sdelay $0x1  }
0x2a: {  	v3 =	vadd.s32 v1, v3;
	_ =	sdelay $0x2  }
0x2b: {  	[tilespmem:s13], [sflag:$0x1] =	stream.indirect_vreg.gather [hbm4b:s3+s2], $0x80, v4, vm0, $0xb8;
	[tilespmem:$0x9100] =	vst v63  }
0x2c: {  	_ = 	snop  }
0x2d: {  	[tilespmem:s14], [sflag:$0x1] =	stream.indirect_vreg.gather [hbm4b:s3+s2], $0x80, v3, vm0, $0xb8;
	[tilespmem:$0x9100] =	vst v63  }
0x2e: {  	v3 =	vld [tilespmem:$0x20];
	_ =	sdelay $0x4  }
0x2f: {  	v56 =	vshll.u32 v3, $0x1  }
0x30: {  	v3 =	vand.u32 $0x7, v3;
	v4 =	vand.u32 $0xFFFFFFF0, v56  }
0x31: {  	v3 =	vor.u32 v3, v4  }
0x32: {  	v4 =	vperm.xlane v3, v0;
	_ =	sdelay $0x1  }
0x33: {  	v3 =	vperm.xlane v3, v2;
	v4 =	vadd.s32 v1, v4;
	_ =	sdelay $0x1  }
0x34: {  	v3 =	vadd.s32 v1, v3;
	_ =	sdelay $0x2  }
0x35: {  	[tilespmem:s15], [sflag:$0x1] =	stream.indirect_vreg.gather [hbm4b:s3+s2], $0x80, v4, vm0, $0xb8;
	[tilespmem:$0x9100] =	vst v63  }
0x36: {  	_ = 	snop  }
0x37: {  	[tilespmem:s16], [sflag:$0x1] =	stream.indirect_vreg.gather [hbm4b:s3+s2], $0x80, v3, vm0, $0xb8;
	[tilespmem:$0x9100] =	vst v63  }
0x38: {  	v3 =	vld [tilespmem:$0x30];
	_ =	sdelay $0x4  }
0x39: {  	v57 =	vshll.u32 v3, $0x1  }
0x3a: {  	v3 =	vand.u32 $0x7, v3;
	v4 =	vand.u32 $0xFFFFFFF0, v57  }
0x3b: {  	v3 =	vor.u32 v3, v4  }
0x3c: {  	v4 =	vperm.xlane v3, v0;
	_ =	sdelay $0x1  }
0x3d: {  	v3 =	vperm.xlane v3, v2;
	v4 =	vadd.s32 v1, v4;
	_ =	sdelay $0x1  }
0x3e: {  	v3 =	vadd.s32 v1, v3;
	_ =	sdelay $0x2  }
0x3f: {  	[tilespmem:s17], [sflag:$0x1] =	stream.indirect_vreg.gather [hbm4b:s3+s2], $0x80, v4, vm0, $0xb8;
	[tilespmem:$0x9100] =	vst v63  }
0x40: {  	_ = 	snop  }
0x41: {  	[tilespmem:s18], [sflag:$0x1] =	stream.indirect_vreg.gather [hbm4b:s3+s2], $0x80, v3, vm0, $0xb8;
	[tilespmem:$0x9100] =	vst v63  }
0x42: {  	v3 =	vld.msk [tilespmem:$0x40], $0xff;
	_ =	sdelay $0x4  }
0x43: {  	v58 =	vshll.u32 v3, $0x1  }
0x44: {  	v3 =	vand.u32 $0x7, v3;
	v4 =	vand.u32 $0xFFFFFFF0, v58  }
0x45: {  	v3 =	vor.u32 v3, v4  }
0x46: {  	v3 =	vperm.xlane v3, v0;
	_ =	sdelay $0x1  }
0x47: {  	v3 =	vadd.s32 v1, v3;
	_ =	sdelay $0x4  }
0x48: {  	[tilespmem:s19], [sflag:$0x1] =	stream.indirect_vreg.gather [hbm4b:s3+s2], $0x80, v3, vm0, $0xb8;
	[tilespmem:$0x9100] =	vst v63  }
0x49: {  	v3 =	vld [tilespmem:$0x80];
	_ =	sdelay $0x4  }
0x4a: {  	v59 =	vshll.u32 v3, $0x1  }
0x4b: {  	v3 =	vand.u32 $0x7, v3;
	v4 =	vand.u32 $0xFFFFFFF0, v59  }
0x4c: {  	v3 =	vor.u32 v3, v4  }
0x4d: {  	v4 =	vperm.xlane v3, v0;
	_ =	sdelay $0x1  }
0x4e: {  	v3 =	vperm.xlane v3, v2;
	v4 =	vadd.s32 v1, v4;
	_ =	sdelay $0x1  }
0x4f: {  	v3 =	vadd.s32 v1, v3;
	_ =	sdelay $0x2  }
0x50: {  	[tilespmem:s20], [sflag:$0x1] =	stream.indirect_vreg.gather [hbm4b:s3+s2], $0x80, v4, vm0, $0xb8;
	[tilespmem:$0x9100] =	vst v63  }
0x51: {  	_ = 	snop  }
0x52: {  	[tilespmem:s21], [sflag:$0x1] =	stream.indirect_vreg.gather [hbm4b:s3+s2], $0x80, v3, vm0, $0xb8;
	[tilespmem:$0x9100] =	vst v63  }
0x53: {  	v3 =	vld [tilespmem:$0x90];
	_ =	sdelay $0x4  }
0x54: {  	v60 =	vshll.u32 v3, $0x1  }
0x55: {  	v3 =	vand.u32 $0x7, v3;
	v4 =	vand.u32 $0xFFFFFFF0, v60  }
0x56: {  	v3 =	vor.u32 v3, v4  }
0x57: {  	v4 =	vperm.xlane v3, v0;
	_ =	sdelay $0x1  }
0x58: {  	v3 =	vperm.xlane v3, v2;
	v4 =	vadd.s32 v1, v4;
	_ =	sdelay $0x1  }
0x59: {  	v3 =	vadd.s32 v1, v3;
	_ =	sdelay $0x2  }
0x5a: {  	[tilespmem:s22], [sflag:$0x1] =	stream.indirect_vreg.gather [hbm4b:s3+s2], $0x80, v4, vm0, $0xb8;
	[tilespmem:$0x9100] =	vst v63  }
0x5b: {  	_ = 	snop  }
0x5c: {  	[tilespmem:s23], [sflag:$0x1] =	stream.indirect_vreg.gather [hbm4b:s3+s2], $0x80, v3, vm0, $0xb8;
	[tilespmem:$0x9100] =	vst v63  }
0x5d: {  	v3 =	vld [tilespmem:$0xA0];
	_ =	sdelay $0x4  }
0x5e: {  	v61 =	vshll.u32 v3, $0x1  }
0x5f: {  	v3 =	vand.u32 $0x7, v3;
	v4 =	vand.u32 $0xFFFFFFF0, v61  }
0x60: {  	v3 =	vor.u32 v3, v4  }
0x61: {  	v4 =	vperm.xlane v3, v0;
	_ =	sdelay $0x1  }
0x62: {  	v3 =	vperm.xlane v3, v2;
	v4 =	vadd.s32 v1, v4;
	_ =	sdelay $0x1  }
0x63: {  	v3 =	vadd.s32 v1, v3;
	_ =	sdelay $0x2  }
0x64: {  	[tilespmem:s24], [sflag:$0x1] =	stream.indirect_vreg.gather [hbm4b:s3+s2], $0x80, v4, vm0, $0xb8;
	[tilespmem:$0x9100] =	vst v63  }
0x65: {  	_ = 	snop  }
0x66: {  	[tilespmem:s25], [sflag:$0x1] =	stream.indirect_vreg.gather [hbm4b:s3+s2], $0x80, v3, vm0, $0xb8;
	[tilespmem:$0x9100] =	vst v63  }
0x67: {  	v3 =	vld [tilespmem:$0xB0];
	_ =	sdelay $0x4  }
0x68: {  	v62 =	vshll.u32 v3, $0x1  }
0x69: {  	v3 =	vand.u32 $0x7, v3;
	v4 =	vand.u32 $0xFFFFFFF0, v62  }
0x6a: {  	v3 =	vor.u32 v3, v4  }
0x6b: {  	v4 =	vperm.xlane v3, v0;
	_ =	sdelay $0x1  }
0x6c: {  	v3 =	vperm.xlane v3, v2;
	v4 =	vadd.s32 v1, v4;
	_ =	sdelay $0x1  }
0x6d: {  	v3 =	vadd.s32 v1, v3;
	_ =	sdelay $0x2  }
0x6e: {  	[tilespmem:s26], [sflag:$0x1] =	stream.indirect_vreg.gather [hbm4b:s3+s2], $0x80, v4, vm0, $0xb8;
	[tilespmem:$0x9100] =	vst v63  }
0x6f: {  	_ = 	snop  }
0x70: {  	[tilespmem:s28], [sflag:$0x1] =	stream.indirect_vreg.gather [hbm4b:s3+s2], $0x80, v3, vm0, $0xb8;
	[tilespmem:$0x9100] =	vst v63  }
0x71: {  	v3 =	vld.msk [tilespmem:$0xC0], $0xff;
	_ =	sdelay $0x4  }
0x72: {  	v63 =	vshll.u32 v3, $0x1  }
0x73: {  	v3 =	vand.u32 $0x7, v3;
	v4 =	vand.u32 $0xFFFFFFF0, v63  }
0x74: {  	v3 =	vor.u32 v3, v4  }
0x75: {  	v3 =	vperm.xlane v3, v0;
	_ =	sdelay $0x1  }
0x76: {  	v3 =	vadd.s32 v1, v3;
	_ =	sdelay $0x4  }
0x77: {  	[tilespmem:s29], [sflag:$0x1] =	stream.indirect_vreg.gather [hbm4b:s3+s2], $0x80, v3, vm0, $0xb8;
	[tilespmem:$0x9100] =	vst v63  }
0x78: {  	_ =	swait.ge [sflag:s30], $0x4800  }
0x79: {  	[sflag:s30] =	ssyncset.done $0x0  }
0x7a: {  	[sflag:s30] =	ssyncadd.s32 $0xFFFFB800  }
0x7b: {  	_ =	swait.ge [sflag:s30], $0x4800  }
0x7c: {  	[sflag:s30] =	ssyncset.done $0x0  }
0x7d: {  	[sflag:s30] =	ssyncadd.s32 $0xFFFFB800  }
0x7e: {  	[hbm4b:s6+s2] =	stream.linear.scatter [tilespmem:s11], [sflag:$0x2], $0x4800, $0x38;
	[tilespmem:$0x9100] =	vst v63  }
0x7f: {  	_ =	swait.ge [sflag:s9], $0x4800  }
0x80: {  	p0 =	sne.s32 s8, $0x1;
	[sflag:s9] =	ssyncset.done $0x0  }
.Ltmp0:
0x81: {  	[sflag:s9] =	ssyncadd.s32 $0xFFFFB800;
	(pc) =	sbr.rel @p0 .LBB2_1-.Ltmp0, $4  }
0x82: {  	[hbm4b:s7+s2] =	stream.linear.scatter [tilespmem:s20], [sflag:$0x2], $0x4800, $0x38;
	[tilespmem:$0x9100] =	vst v63  }
0x83: {  	_ =	swait.ge [sflag:s9], $0x4800  }
0x84: {  	[sflag:s9] =	ssyncset.done $0x0  }
0x85: {  	s8 =	sadd.s32 $0xFFFFFFFF, s8;
	[sflag:s9] =	ssyncadd.s32 $0xFFFFB800  }
0x86: {  	_ =	sfence.sel $0x180000  }
0x87: {  	[bflag:$0x0] =	sbarrier.arrive $0xFFFF  }
0x88: {  	p0 =	sne.s32 s0, $0x0;
	_ =	strace $0x90000059  }
0x89: {  	s0 =	sadd.s32 @!p0 $0x100000, s1;
	[bflag:$0x2] =	sbarrier.arrive $0xFFFF  }
0x8a: {  	[sflag:s0] =	ssyncadd.tile.s32 @!p0 $0x1;
	_ =	shalt  }
.Lfunc_end2:
_tile_overlayer_lowered:
.L_overlay_start_2:
0x8b: {  	(tag) =	ssettag $0x2  }
0x8c: {  	s0 =	rddreg [dreg:$0x0];
	s2 =	stileid.u32  }
0x8d: {  	s1 =	rddreg [dreg:$0x1];
	p0 =	sne.s32 s2, $0x0  }
0x8e: {  	s3 =	rddreg [dreg:$0x2];
	[bflag:$0x3] =	sbarrier.arrive $0xFFFF;
	s2 =	simm.s32 @!p0 $0x1C02  }
0x8f: {  	[timem:s3], [sflag:s2] =	dma.local @!p0 [hbm:s0], s1  }
0x90: {  	s0 =	simm.s32 @!p0 $0x2  }
0x91: {  	_ =	swait.ge @!p0 [sflag:s0], s1  }
0x92: {  	s1 =	ssub.s32 @!p0 $0x0, s1;
	[sflag:s0] =	ssyncset.done @!p0 $0x0  }
0x93: {  	[sflag:s0] =	ssyncadd.s32 @!p0 s1  }
0x94: {  	[bflag:$0x3] =	sbarrier.arrive $0xFFFF  }
0x95: {  	_ =	shalt  }

// kernel: kernel.39.cloned.1.call-start
scs
__scs_entry_jumppad:
0x0: {  	(pc) =	sbr.rel $0x88, $3  }
0x1: {  	(tag) =	ssettag $0x0;
	lr =	simm.s32 $0x1  }
0x2: {  	[smem:$0x3F9F] =	sst lr;
	_ =	strace $0xD0000000  }
0x3: {  	_ = 	snop  }
0x4: {  	_ = 	snop  }
0x5: {  	_ = 	snop  }
0x6: {  	_ = 	snop  }
0x7: {  	_ = 	snop  }
__scs_overlays_trampoline_lowered:
0x8: {  	[smem:$0x3FAE] =	sst s0  }
0x9: {  	[smem:$0x3FAF] =	sst s1  }
0xa: {  	[smem:$0x3FB0] =	sst s2  }
0xb: {  	[smem:$0x3FB1] =	sst s3  }
0xc: {  	[smem:$0x3FB2] =	sst s4  }
0xd: {  	[smem:$0x3FB3] =	sst s5  }
0xe: {  	[smem:$0x3FB4] =	sst s6  }
0xf: {  	[smem:$0x3FB5] =	sst s7  }
0x10: {  	[smem:$0x3FB6] =	sst s8  }
0x11: {  	[smem:$0x3FB7] =	sst s9;
	s0 =	simm.s32 @!p0 $0x0  }
0x12: {  	s1 =	sld [smem:$0x3F9D];
	s0 =	simm.s32 @p0 $0x1  }
0x13: {  	[smem:$0x3FB8] =	sst s0;
	s0 =	simm.s32 @!p1 $0x0  }
0x14: {  	s2 =	sld [smem:$0x3F9C];
	s0 =	simm.s32 @p1 $0x1  }
0x15: {  	[smem:$0x3FB9] =	sst s0;
	s0 =	simm.s32 @!p2 $0x0  }
0x16: {  	s3 =	sld [smem:$0x3FDB];
	s0 =	simm.s32 @p2 $0x1  }
0x17: {  	s4 =	simm.s32 $0x1BF5;
	[smem:$0x3FBB] =	sst s0  }
0x18: {  	s0 =	sld [smem:$0x3F9E];
	_ =	swait.ge [sflag:s4], $0x0  }
0x19: {  	s7 =	sld [smem:$0x3F9F]  }
0x1a: {  	s8 =	sadd.s32 $0xFFFFE003, lr  }
0x1b: {  	s9 =	sadd.s32 $0xFFFFFEF7, lr;
	s5 =	simm.s32 $0xFFFFFFFF;
	p2 =	slt.u32 s8, $0xFFFFF086  }
0x1c: {  	p1 =	slt.u32 s9, $0xF7A;
	s5 =	simm.s32 @!p2 $0x0  }
0x1d: {  	s5 =	simm.s32 @p1 $0x1;
	p0 =	seq.s32 s7, s2  }
0x1e: {  	s7 =	smul.u32 @!p0 $0xF7A, s2;
	p2 =	seq.s32 @!p0 s5, $0x0  }
0x1f: {  	s9 =	smul.u32 $0xF7A, s1;
	s8 =	simm.s32 @!p0 $0x1BF5;
	p2 =	por !p2, p0  }
0x20: {  	[sflag:s8] =	ssyncset.s32 @!p0 $0xFFFFF086;
	s6 =	sadd.s32 @!p0 s3, s7;
	s7 =	simm.s32 @!p0 $0x108  }
0x21: {  	s3 =	sadd.s32 s3, s9;
	s6 =	sadd.s32 @!p0 $0x88, s6;
	s7 =	simm.s32 @p2 $0x1082  }
0x22: {  	[simem:s7], [sflag:s8] =	dma.local @!p0 [hbm:s6], $0xF7A  }
0x23: {  	s9 =	sor.u32 $0xD0000000, s2;
	s6 =	simm.s32 $0x108;
	_ =	swait.ge @!p0 [sflag:s8], $0x0  }
0x24: {  	s3 =	sadd.s32 $0x88, s3;
	s6 =	simm.s32 @!p1 $0x1082;
	[sflag:s4] =	ssyncset.s32 $0xFFFFF086  }
0x25: {  	[simem:s6], [sflag:s4] =	dma.local [hbm:s3], $0xF7A  }
0x26: {  	[smem:$0x3F9F] =	sst s1;
	(tag) =	ssettag s2;
	_ =	strace s9  }
0x27: {  	s1 =	sld [smem:$0x3FAF]  }
0x28: {  	s2 =	sld [smem:$0x3FB0]  }
0x29: {  	s4 =	sld [smem:$0x3FB2]  }
0x2a: {  	p0 =	seq.s32 s5, $0x0;
	s5 =	sld [smem:$0x3FB3]  }
0x2b: {  	s6 =	sld [smem:$0x3FB4]  }
0x2c: {  	s7 =	sld [smem:$0x3FB5]  }
0x2d: {  	s3 =	simm.s32 $0x108;
	s8 =	sld [smem:$0x3FB6]  }
0x2e: {  	s3 =	simm.s32 @!p0 $0x1082;
	s9 =	sld [smem:$0x3FB7]  }
0x2f: {  	lr =	sadd.s32 s0, s3;
	s0 =	sld [smem:$0x3FAE]  }
0x30: {  	s3 =	sld [smem:$0x3FB1]  }
0x31: {  	[smem:$0x3FBA] =	sst s10  }
0x32: {  	s10 =	sld [smem:$0x3FB8];
	_ =	sdelay $0x3  }
0x33: {  	p0 =	seq.s32 s10, $0x1;
	s10 =	sld [smem:$0x3FBA];
	_ =	sdelay $0x3  }
0x34: {  	[smem:$0x3FBA] =	sst s10  }
0x35: {  	s10 =	sld [smem:$0x3FB9];
	_ =	sdelay $0x3  }
0x36: {  	p1 =	seq.s32 s10, $0x1;
	s10 =	sld [smem:$0x3FBA];
	_ =	sdelay $0x3  }
0x37: {  	[smem:$0x3FBA] =	sst s10  }
0x38: {  	s10 =	sld [smem:$0x3FBB]  }
0x39: {  	_ = 	snop;
	(pc) =	sbr.ind lr, $3  }
0x3a: {  	_ = 	snop  }
0x3b: {  	_ = 	snop  }
0x3c: {  	p2 =	seq.s32 s10, $0x1;
	s10 =	sld [smem:$0x3FBA]  }
0x3d: {  	_ =	shalt  }
0x3e: {  	_ =	shalt  }
0x3f: {  	_ =	shalt  }
0x40: {  	_ =	shalt  }
0x41: {  	_ =	shalt  }
0x42: {  	_ =	shalt  }
0x43: {  	_ =	shalt  }
0x44: {  	_ =	shalt  }
0x45: {  	_ =	shalt  }
0x46: {  	_ =	shalt  }
0x47: {  	_ =	shalt  }
0x48: {  	_ =	shalt  }
0x49: {  	_ =	shalt  }
0x4a: {  	_ =	shalt  }
0x4b: {  	_ =	shalt  }
0x4c: {  	_ =	shalt  }
0x4d: {  	_ =	shalt  }
0x4e: {  	_ =	shalt  }
0x4f: {  	_ =	shalt  }
0x50: {  	_ =	shalt  }
0x51: {  	_ =	shalt  }
0x52: {  	_ =	shalt  }
0x53: {  	_ =	shalt  }
0x54: {  	_ =	shalt  }
0x55: {  	_ =	shalt  }
0x56: {  	_ =	shalt  }
0x57: {  	_ =	shalt  }
0x58: {  	_ =	shalt  }
0x59: {  	_ =	shalt  }
0x5a: {  	_ =	shalt  }
0x5b: {  	_ =	shalt  }
0x5c: {  	_ =	shalt  }
0x5d: {  	_ =	shalt  }
0x5e: {  	_ =	shalt  }
0x5f: {  	_ =	shalt  }
0x60: {  	_ =	shalt  }
0x61: {  	_ =	shalt  }
0x62: {  	_ =	shalt  }
0x63: {  	_ =	shalt  }
0x64: {  	_ =	shalt  }
0x65: {  	_ =	shalt  }
0x66: {  	_ =	shalt  }
0x67: {  	_ =	shalt  }
0x68: {  	_ =	shalt  }
0x69: {  	_ =	shalt  }
0x6a: {  	_ =	shalt  }
0x6b: {  	_ =	shalt  }
0x6c: {  	_ =	shalt  }
0x6d: {  	_ =	shalt  }
0x6e: {  	_ =	shalt  }
0x6f: {  	_ =	shalt  }
0x70: {  	_ =	shalt  }
0x71: {  	_ =	shalt  }
0x72: {  	_ =	shalt  }
0x73: {  	_ =	shalt  }
0x74: {  	_ =	shalt  }
0x75: {  	_ =	shalt  }
0x76: {  	_ =	shalt  }
0x77: {  	_ =	shalt  }
0x78: {  	_ =	shalt  }
0x79: {  	_ =	shalt  }
0x7a: {  	_ =	shalt  }
0x7b: {  	_ =	shalt  }
0x7c: {  	_ =	shalt  }
0x7d: {  	_ =	shalt  }
0x7e: {  	_ =	shalt  }
0x7f: {  	_ =	shalt  }
0x80: {  	_ =	shalt  }
0x81: {  	_ =	shalt  }
0x82: {  	_ =	shalt  }
0x83: {  	_ =	shalt  }
0x84: {  	_ =	shalt  }
0x85: {  	_ =	shalt  }
0x86: {  	_ =	shalt  }
0x87: {  	_ =	shalt  }
.Lfunc_end0:
.L_simem_size_0:
called_computation.7_lowered:
.L_overlay_start_0:
0x88: {  	s2 =	sld [smem:$0x3FD9]  }
0x89: {  	s3 =	sld [smem:$0x3FFE];
	_ =	sdelay $0x1  }
0x8a: {  	s1 =	srdreg.scid  }
0x8b: {  	s0 =	sand.u32 $0x1, s1  }
0x8c: {  	s14 =	sshll.u32 s0, $0xA;
	s2 =	sadd.s32 s3, s2  }
0x8d: {  	s2 =	sadd.s32 s2, s14  }
0x8e: {  	[smem:$0x3FC6] =	sst s2  }
0x8f: {  	_ = 	snop  }
0x90: {  	s2 =	sld [smem:$0x3FD0];
	_ =	sdelay $0x2  }
0x91: {  	s15 =	simm.s32 $0xA;
	s4 =	simm.s32 $0x10  }
0x92: {  	[smem:s4], [sflag:s15] =	dma.local [hbm:s2], $0x1  }
0x93: {  	_ =	swait.eq [sflag:s15], $0x1  }
0x94: {  	[sflag:s15] =	ssyncset.done $0x0  }
0x95: {  	[sflag:s15] =	ssyncadd.s32 $0xFFFFFFFF  }
0x96: {  	s16 =	sld [smem:$0x10];
	(tm) =	ssettm $0x1  }
0x97: {  	s17 =	sld [smem:$0x3FFB];
	_ =	sdelay $0x3  }
0x98: {  	_ =	strace s17  }
0x99: {  	s3 =	sld [smem:$0x3FFC];
	_ =	sdelay $0x3  }
0x9a: {  	_ =	strace s3  }
0x9b: {  	s3 =	sld [smem:$0x3FFD];
	_ =	sdelay $0x3  }
0x9c: {  	_ =	strace s3  }
0x9d: {  	_ =	strace $0x8FFFFFFF  }
0x9e: {  	s18 =	sld [smem:$0x3FDB];
	_ =	sdelay $0x1  }
0x9f: {  	s19 =	simm.s32 $_scs_section_size  }
0xa0: {  	s5 =	simm.s32 $_size__tile_overlayer_lowered;
	s6 =	simm.s32 $_tile_overlayer_lowered  }
0xa1: {  	s22 =	simm.s32 $0x1BFF;
	s21 =	sshll.u32 s6, $0x1;
	s3 =	sadd.s32 s19, s18  }
0xa2: {  	s7 =	simm.s32 $0x0;
	s20 =	sshll.u32 s5, $0x1;
	s5 =	sadd.s32 s21, s3  }
0xa3: {  	[timem:s7], [sflag:s22] =	dma.local [hbm:s5], s20  }
0xa4: {  	_ =	swait.ge [sflag:s22], s20  }
0xa5: {  	s4 =	ssub.s32 $0x0, s20;
	[sflag:s22] =	ssyncset.done $0x0  }
0xa6: {  	[sflag:s22] =	ssyncadd.s32 s4;
	_ =	sdelay $0x1  }
0xa7: {  	s23 =	simm.s32 $0x1B8B  }
0xa8: {  	_ =	swait.ge [sflag:s23], $0x1  }
0xa9: {  	[sflag:s23] =	ssyncset.done $0x0  }
0xaa: {  	s25 =	simm.s32 $0x1B8E;
	s24 =	sld [smem:$0x3FFE];
	[sflag:s23] =	ssyncadd.s32 $0xFFFFFFFF  }
0xab: {  	s26 =	simm.s32 $execute0_lowered;
	[smem:$0x3FD2] =	sst s25  }
0xac: {  	s5 =	sshll.u32 s26, $0x1;
	_ =	strace $0x8000005B;
	[dreg:$0x1] =	wrdreg $0xFFFFFFFF  }
0xad: {  	s28 =	simm.s32 $_size_execute0_lowered;
	s3 =	sadd.s32 s3, s5;
	[dreg:$0x0] =	wrdreg $0x0  }
0xae: {  	s5 =	sshll.u32 s28, $0x1;
	[dreg:$0x2] =	wrdreg s3  }
0xaf: {  	[dreg:$0x3] =	wrdreg s5  }
0xb0: {  	[dreg:$0x4] =	wrdreg $0xC0  }
0xb1: {  	_ =	task [dreg:s7], $0x5FFFF  }
0xb2: {  	[dreg:$0x1] =	wrdreg $0xFFFFFFFF  }
0xb3: {  	[dreg:$0x0] =	wrdreg $0x60  }
0xb4: {  	[dreg:$0x2] =	wrdreg s24  }
0xb5: {  	[dreg:$0x3] =	wrdreg s16  }
0xb6: {  	[dreg:$0x4] =	wrdreg $0x9  }
0xb7: {  	_ =	task.clear_ibuf [dreg:s7], $0x5FFFF;
	_ =	strace $0x9000005B  }
0xb8: {  	s29 =	simm.s32 $0x9;
	_ =	strace $0x8000005D  }
0xb9: {  	_ =	swait.ge [sflag:s29], $0x1  }
0xba: {  	[sflag:s29] =	ssyncadd.s32 $0xFFFFFFFF  }
0xbb: {  	_ =	strace $0x9000005D  }
0xbc: {  	_ =	sfence  }
0xbd: {  	s30 =	sld [smem:$0x0];
	_ =	sdelay $0x2  }
0xbe: {  	s31 =	sshll.u32 s1, $0xD;
	s1 =	sshrl.u32 s1, $0x2  }
0xbf: {  	s3 =	sand.u32 $0x4000, s31;
	s1 =	sadd.s32 s1, s30  }
0xc0: {  	s0 =	sor.u32 s3, s0;
	s1 =	sshll.u32 s1, $0x11  }
0xc1: {  	s0 =	sor.u32 s1, s0  }
0xc2: {  	s0 =	sadd.s32 $0x8F2B, s0  }
0xc3: {  	[sflag:s0] =	ssyncadd.remote.s32 $0x1  }
0xc4: {  	_ =	sfence.sel $0xFFFF  }
0xc5: {  	[dreg:$0x0] =	wrdreg $0xFFFFFFFF;
	(pc) =	sbr.abs _section_cstart, $3  }
0xc6: {  	[dreg:$0x1] =	wrdreg $0xFFFFFFFF  }
0xc7: {  	_ =	task.clear_ibuf [dreg:s7], $0x2FFFF;
	_ =	strace $0x9FFFFFFF  }
0xc8: {  	(tm) =	ssettm $0x7FFFFFFF  }
0xc9: {  	_ =	shalt  }
tec
execute0_lowered:
.L_overlay_start_1:
0x0: {  	(tag) =	ssettag $0x1  }
0x1: {  	s4 =	rddreg [dreg:$0x0]  }
0x2: {  	s1 =	srdreg.scid;
	s0 =	stileid.u32  }
0x3: {  	s7 =	rddreg [dreg:$0x1];
	s2 =	simm.s32 $0x0;
	s12 =	simm.s32 $0x900  }
0x4: {  	s13 =	simm.s32 $0x1100;
	s14 =	simm.s32 $0x1900;
	s15 =	simm.s32 $0x2100  }
0x5: {  	s16 =	simm.s32 $0x2900;
	s17 =	simm.s32 $0x3100;
	s18 =	simm.s32 $0x3900  }
0x6: {  	s19 =	simm.s32 $0x4100;
	s20 =	simm.s32 $0x4900;
	s21 =	simm.s32 $0x5100  }
0x7: {  	s22 =	simm.s32 $0x5900;
	s23 =	simm.s32 $0x6100;
	s28 =	simm.s32 $0x8100  }
0x8: {  	s29 =	simm.s32 $0x8900;
	s3 =	sand.u32 $0x1, s1;
	s5 =	sshll.u32 s0, $0x1  }
0x9: {  	s30 =	simm.s32 $0x1;
	s1 =	rddreg [dreg:$0x2];
	s5 =	sor.u32 s3, s5  }
0xa: {  	[smem:$0x7FF] =	sst s2;
	s6 =	ssub.s32 $0x2, s3;
	s8 =	smul.u32 $0x90, s5  }
0xb: {  	s10 =	sadd.s32 $0x7200, s4;
	s9 =	sshrl.u32 s6, $0x1;
	s11 =	smul.u32 $0x1200, s5  }
0xc: {  	_ =	strace $0x8000005C;
	s3 =	sadd.s32 $0x1C7200, s4;
	s9 =	ssub.s32 s6, s9  }
0xd: {  	s24 =	sadd.s32 $0x48, s8;
	s25 =	sshrl.u32 s8, $0x3;
	s6 =	sadd.s32 s7, s11  }
0xe: {  	s8 =	smax.u32 s9, $0x1;
	s9 =	simm.s32 $0x2;
	s11 =	simm.s32 $0x100  }
0xf: {  	v2 =	vlaneseq.u32;
	s26 =	sshrl.u32 s24, $0x3;
	s4 =	sadd.s32 s10, s25;
	s31 =	sshll.u32 s24, $0x5  }
0x10: {  	vm0 =	vmmov $0xffff;
	v1 =	vshrl.u32 v2, $0x3;
	s24 =	simm.s32 $0x6900;
	s25 =	simm.s32 $0x7100;
	s5 =	sadd.s32 s10, s26  }
0x11: {  	v0 =	vand.u32 $0x7, v2;
	v2 =	vor.u32 $0x8, v2;
	v1 =	vmul.u32 $0x8, v1;
	s7 =	sadd.s32 s7, s31;
	s10 =	simm.s32 $0x80;
	s26 =	simm.s32 $0x7900  }
.LBB2_1:
0x12: {  	[tilespmem:s2], [sflag:$0x2] =	stream.linear.gather [hbm4b:s4+s2], $0x48, $0x38;
	[tilespmem:$0x9100] =	vst v63  }
0x13: {  	_ =	swait.ge [sflag:s9], $0x48  }
0x14: {  	[sflag:s9] =	ssyncset.done $0x0  }
0x15: {  	[sflag:s9] =	ssyncadd.s32 $0xFFFFFFB8  }
0x16: {  	[tilespmem:s10], [sflag:$0x2] =	stream.linear.gather [hbm4b:s5+s2], $0x48, $0x38;
	[tilespmem:$0x9100] =	vst v63  }
0x17: {  	_ =	swait.ge [sflag:s9], $0x48  }
0x18: {  	[sflag:s9] =	ssyncset.done $0x0  }
0x19: {  	[sflag:s9] =	ssyncadd.s32 $0xFFFFFFB8  }
0x1a: {  	v3 =	vld [tilespmem:$0x0];
	_ =	sdelay $0x4  }
0x1b: {  	v4 =	vshll.u32 v3, $0x1  }
0x1c: {  	v3 =	vand.u32 $0x7, v3;
	v4 =	vand.u32 $0xFFFFFFF0, v4  }
0x1d: {  	v3 =	vor.u32 v3, v4  }
0x1e: {  	v4 =	vperm.xlane v3, v0;
	_ =	sdelay $0x1  }
0x1f: {  	v3 =	vperm.xlane v3, v2;
	v4 =	vadd.s32 v1, v4;
	_ =	sdelay $0x1  }
0x20: {  	v3 =	vadd.s32 v1, v3;
	_ =	sdelay $0x2  }
0x21: {  	[tilespmem:s11], [sflag:$0x1] =	stream.indirect_vreg.gather [hbm4b:s3+s2], $0x80, v4, vm0, $0xb8;
	[tilespmem:$0x9100] =	vst v63  }
0x22: {  	_ = 	snop  }
0x23: {  	[tilespmem:s12], [sflag:$0x1] =	stream.indirect_vreg.gather [hbm4b:s3+s2], $0x80, v3, vm0, $0xb8;
	[tilespmem:$0x9100] =	vst v63  }
0x24: {  	v3 =	vld [tilespmem:$0x10];
	_ =	sdelay $0x4  }
0x25: {  	v55 =	vshll.u32 v3, $0x1  }
0x26: {  	v3 =	vand.u32 $0x7, v3;
	v4 =	vand.u32 $0xFFFFFFF0, v55  }
0x27: {  	v3 =	vor.u32 v3, v4  }
0x28: {  	v4 =	vperm.xlane v3, v0;
	_ =	sdelay $0x1  }
0x29: {  	v3 =	vperm.xlane v3, v2;
	v4 =	vadd.s32 v1, v4;
	_ =	sdelay $0x1  }
0x2a: {  	v3 =	vadd.s32 v1, v3;
	_ =	sdelay $0x2  }
0x2b: {  	[tilespmem:s13], [sflag:$0x1] =	stream.indirect_vreg.gather [hbm4b:s3+s2], $0x80, v4, vm0, $0xb8;
	[tilespmem:$0x9100] =	vst v63  }
0x2c: {  	_ = 	snop  }
0x2d: {  	[tilespmem:s14], [sflag:$0x1] =	stream.indirect_vreg.gather [hbm4b:s3+s2], $0x80, v3, vm0, $0xb8;
	[tilespmem:$0x9100] =	vst v63  }
0x2e: {  	v3 =	vld [tilespmem:$0x20];
	_ =	sdelay $0x4  }
0x2f: {  	v56 =	vshll.u32 v3, $0x1  }
0x30: {  	v3 =	vand.u32 $0x7, v3;
	v4 =	vand.u32 $0xFFFFFFF0, v56  }
0x31: {  	v3 =	vor.u32 v3, v4  }
0x32: {  	v4 =	vperm.xlane v3, v0;
	_ =	sdelay $0x1  }
0x33: {  	v3 =	vperm.xlane v3, v2;
	v4 =	vadd.s32 v1, v4;
	_ =	sdelay $0x1  }
0x34: {  	v3 =	vadd.s32 v1, v3;
	_ =	sdelay $0x2  }
0x35: {  	[tilespmem:s15], [sflag:$0x1] =	stream.indirect_vreg.gather [hbm4b:s3+s2], $0x80, v4, vm0, $0xb8;
	[tilespmem:$0x9100] =	vst v63  }
0x36: {  	_ = 	snop  }
0x37: {  	[tilespmem:s16], [sflag:$0x1] =	stream.indirect_vreg.gather [hbm4b:s3+s2], $0x80, v3, vm0, $0xb8;
	[tilespmem:$0x9100] =	vst v63  }
0x38: {  	v3 =	vld [tilespmem:$0x30];
	_ =	sdelay $0x4  }
0x39: {  	v57 =	vshll.u32 v3, $0x1  }
0x3a: {  	v3 =	vand.u32 $0x7, v3;
	v4 =	vand.u32 $0xFFFFFFF0, v57  }
0x3b: {  	v3 =	vor.u32 v3, v4  }
0x3c: {  	v4 =	vperm.xlane v3, v0;
	_ =	sdelay $0x1  }
0x3d: {  	v3 =	vperm.xlane v3, v2;
	v4 =	vadd.s32 v1, v4;
	_ =	sdelay $0x1  }
0x3e: {  	v3 =	vadd.s32 v1, v3;
	_ =	sdelay $0x2  }
0x3f: {  	[tilespmem:s17], [sflag:$0x1] =	stream.indirect_vreg.gather [hbm4b:s3+s2], $0x80, v4, vm0, $0xb8;
	[tilespmem:$0x9100] =	vst v63  }
0x40: {  	_ = 	snop  }
0x41: {  	[tilespmem:s18], [sflag:$0x1] =	stream.indirect_vreg.gather [hbm4b:s3+s2], $0x80, v3, vm0, $0xb8;
	[tilespmem:$0x9100] =	vst v63  }
0x42: {  	v3 =	vld.msk [tilespmem:$0x40], $0xff;
	_ =	sdelay $0x4  }
0x43: {  	v58 =	vshll.u32 v3, $0x1  }
0x44: {  	v3 =	vand.u32 $0x7, v3;
	v4 =	vand.u32 $0xFFFFFFF0, v58  }
0x45: {  	v3 =	vor.u32 v3, v4  }
0x46: {  	v3 =	vperm.xlane v3, v0;
	_ =	sdelay $0x1  }
0x47: {  	v3 =	vadd.s32 v1, v3;
	_ =	sdelay $0x4  }
0x48: {  	[tilespmem:s19], [sflag:$0x1] =	stream.indirect_vreg.gather [hbm4b:s3+s2], $0x80, v3, vm0, $0xb8;
	[tilespmem:$0x9100] =	vst v63  }
0x49: {  	v3 =	vld [tilespmem:$0x80];
	_ =	sdelay $0x4  }
0x4a: {  	v59 =	vshll.u32 v3, $0x1  }
0x4b: {  	v3 =	vand.u32 $0x7, v3;
	v4 =	vand.u32 $0xFFFFFFF0, v59  }
0x4c: {  	v3 =	vor.u32 v3, v4  }
0x4d: {  	v4 =	vperm.xlane v3, v0;
	_ =	sdelay $0x1  }
0x4e: {  	v3 =	vperm.xlane v3, v2;
	v4 =	vadd.s32 v1, v4;
	_ =	sdelay $0x1  }
0x4f: {  	v3 =	vadd.s32 v1, v3;
	_ =	sdelay $0x2  }
0x50: {  	[tilespmem:s20], [sflag:$0x1] =	stream.indirect_vreg.gather [hbm4b:s3+s2], $0x80, v4, vm0, $0xb8;
	[tilespmem:$0x9100] =	vst v63  }
0x51: {  	_ = 	snop  }
0x52: {  	[tilespmem:s21], [sflag:$0x1] =	stream.indirect_vreg.gather [hbm4b:s3+s2], $0x80, v3, vm0, $0xb8;
	[tilespmem:$0x9100] =	vst v63  }
0x53: {  	v3 =	vld [tilespmem:$0x90];
	_ =	sdelay $0x4  }
0x54: {  	v60 =	vshll.u32 v3, $0x1  }
0x55: {  	v3 =	vand.u32 $0x7, v3;
	v4 =	vand.u32 $0xFFFFFFF0, v60  }
0x56: {  	v3 =	vor.u32 v3, v4  }
0x57: {  	v4 =	vperm.xlane v3, v0;
	_ =	sdelay $0x1  }
0x58: {  	v3 =	vperm.xlane v3, v2;
	v4 =	vadd.s32 v1, v4;
	_ =	sdelay $0x1  }
0x59: {  	v3 =	vadd.s32 v1, v3;
	_ =	sdelay $0x2  }
0x5a: {  	[tilespmem:s22], [sflag:$0x1] =	stream.indirect_vreg.gather [hbm4b:s3+s2], $0x80, v4, vm0, $0xb8;
	[tilespmem:$0x9100] =	vst v63  }
0x5b: {  	_ = 	snop  }
0x5c: {  	[tilespmem:s23], [sflag:$0x1] =	stream.indirect_vreg.gather [hbm4b:s3+s2], $0x80, v3, vm0, $0xb8;
	[tilespmem:$0x9100] =	vst v63  }
0x5d: {  	v3 =	vld [tilespmem:$0xA0];
	_ =	sdelay $0x4  }
0x5e: {  	v61 =	vshll.u32 v3, $0x1  }
0x5f: {  	v3 =	vand.u32 $0x7, v3;
	v4 =	vand.u32 $0xFFFFFFF0, v61  }
0x60: {  	v3 =	vor.u32 v3, v4  }
0x61: {  	v4 =	vperm.xlane v3, v0;
	_ =	sdelay $0x1  }
0x62: {  	v3 =	vperm.xlane v3, v2;
	v4 =	vadd.s32 v1, v4;
	_ =	sdelay $0x1  }
0x63: {  	v3 =	vadd.s32 v1, v3;
	_ =	sdelay $0x2  }
0x64: {  	[tilespmem:s24], [sflag:$0x1] =	stream.indirect_vreg.gather [hbm4b:s3+s2], $0x80, v4, vm0, $0xb8;
	[tilespmem:$0x9100] =	vst v63  }
0x65: {  	_ = 	snop  }
0x66: {  	[tilespmem:s25], [sflag:$0x1] =	stream.indirect_vreg.gather [hbm4b:s3+s2], $0x80, v3, vm0, $0xb8;
	[tilespmem:$0x9100] =	vst v63  }
0x67: {  	v3 =	vld [tilespmem:$0xB0];
	_ =	sdelay $0x4  }
0x68: {  	v62 =	vshll.u32 v3, $0x1  }
0x69: {  	v3 =	vand.u32 $0x7, v3;
	v4 =	vand.u32 $0xFFFFFFF0, v62  }
0x6a: {  	v3 =	vor.u32 v3, v4  }
0x6b: {  	v4 =	vperm.xlane v3, v0;
	_ =	sdelay $0x1  }
0x6c: {  	v3 =	vperm.xlane v3, v2;
	v4 =	vadd.s32 v1, v4;
	_ =	sdelay $0x1  }
0x6d: {  	v3 =	vadd.s32 v1, v3;
	_ =	sdelay $0x2  }
0x6e: {  	[tilespmem:s26], [sflag:$0x1] =	stream.indirect_vreg.gather [hbm4b:s3+s2], $0x80, v4, vm0, $0xb8;
	[tilespmem:$0x9100] =	vst v63  }
0x6f: {  	_ = 	snop  }
0x70: {  	[tilespmem:s28], [sflag:$0x1] =	stream.indirect_vreg.gather [hbm4b:s3+s2], $0x80, v3, vm0, $0xb8;
	[tilespmem:$0x9100] =	vst v63  }
0x71: {  	v3 =	vld.msk [tilespmem:$0xC0], $0xff;
	_ =	sdelay $0x4  }
0x72: {  	v63 =	vshll.u32 v3, $0x1  }
0x73: {  	v3 =	vand.u32 $0x7, v3;
	v4 =	vand.u32 $0xFFFFFFF0, v63  }
0x74: {  	v3 =	vor.u32 v3, v4  }
0x75: {  	v3 =	vperm.xlane v3, v0;
	_ =	sdelay $0x1  }
0x76: {  	v3 =	vadd.s32 v1, v3;
	_ =	sdelay $0x4  }
0x77: {  	[tilespmem:s29], [sflag:$0x1] =	stream.indirect_vreg.gather [hbm4b:s3+s2], $0x80, v3, vm0, $0xb8;
	[tilespmem:$0x9100] =	vst v63  }
0x78: {  	_ =	swait.ge [sflag:s30], $0x4800  }
0x79: {  	[sflag:s30] =	ssyncset.done $0x0  }
0x7a: {  	[sflag:s30] =	ssyncadd.s32 $0xFFFFB800  }
0x7b: {  	_ =	swait.ge [sflag:s30], $0x4800  }
0x7c: {  	[sflag:s30] =	ssyncset.done $0x0  }
0x7d: {  	[sflag:s30] =	ssyncadd.s32 $0xFFFFB800  }
0x7e: {  	[hbm4b:s6+s2] =	stream.linear.scatter [tilespmem:s11], [sflag:$0x2], $0x4800, $0x38;
	[tilespmem:$0x9100] =	vst v63  }
0x7f: {  	_ =	swait.ge [sflag:s9], $0x4800  }
0x80: {  	p0 =	sne.s32 s8, $0x1;
	[sflag:s9] =	ssyncset.done $0x0  }
.Ltmp0:
0x81: {  	[sflag:s9] =	ssyncadd.s32 $0xFFFFB800;
	(pc) =	sbr.rel @p0 .LBB2_1-.Ltmp0, $4  }
0x82: {  	[hbm4b:s7+s2] =	stream.linear.scatter [tilespmem:s20], [sflag:$0x2], $0x4800, $0x38;
	[tilespmem:$0x9100] =	vst v63  }
0x83: {  	_ =	swait.ge [sflag:s9], $0x4800  }
0x84: {  	[sflag:s9] =	ssyncset.done $0x0  }
0x85: {  	s8 =	sadd.s32 $0xFFFFFFFF, s8;
	[sflag:s9] =	ssyncadd.s32 $0xFFFFB800  }
0x86: {  	_ =	sfence.sel $0x180000  }
0x87: {  	[bflag:$0x0] =	sbarrier.arrive $0xFFFF  }
0x88: {  	p0 =	sne.s32 s0, $0x0;
	_ =	strace $0x9000005C  }
0x89: {  	s0 =	sadd.s32 @!p0 $0x100000, s1;
	[bflag:$0x2] =	sbarrier.arrive $0xFFFF  }
0x8a: {  	[sflag:s0] =	ssyncadd.tile.s32 @!p0 $0x1;
	_ =	shalt  }
.Lfunc_end2:
_tile_overlayer_lowered:
.L_overlay_start_2:
0x8b: {  	(tag) =	ssettag $0x2  }
0x8c: {  	s0 =	rddreg [dreg:$0x0];
	s2 =	stileid.u32  }
0x8d: {  	s1 =	rddreg [dreg:$0x1];
	p0 =	sne.s32 s2, $0x0  }
0x8e: {  	s3 =	rddreg [dreg:$0x2];
	[bflag:$0x3] =	sbarrier.arrive $0xFFFF;
	s2 =	simm.s32 @!p0 $0x1C02  }
0x8f: {  	[timem:s3], [sflag:s2] =	dma.local @!p0 [hbm:s0], s1  }
0x90: {  	s0 =	simm.s32 @!p0 $0x2  }
0x91: {  	_ =	swait.ge @!p0 [sflag:s0], s1  }
0x92: {  	s1 =	ssub.s32 @!p0 $0x0, s1;
	[sflag:s0] =	ssyncset.done @!p0 $0x0  }
0x93: {  	[sflag:s0] =	ssyncadd.s32 @!p0 s1  }
0x94: {  	[bflag:$0x3] =	sbarrier.arrive $0xFFFF  }
0x95: {  	_ =	shalt  }

</sc_bundles>
